<compile_context>
chip_gen: v7x
topology: tpu7x:2x2x1
jax: 0.10.2.dev20260603
libtpu: 0.0.44.dev20260713+nightly
codegen_flags: <defaults>
</compile_context>

<pallas_src>
import functools

import jax
import jax.numpy as jnp
from jax import lax
from jax.experimental import pallas as pl
from jax.experimental.pallas import tpu as pltpu
from jax.experimental.pallas import tpu_sc as plsc

ORG_DIM = 80; C1 = 128; C2 = 64; K0 = 5; K1 = 3; K2 = 3
VQ_DIM = 64; VQ_NUM = 8192; CARD = 8; NG = 8
B = 16; T = 512
EPS = 1e-5

_HI = lax.Precision.HIGHEST

_SC_NC = 2
_SC_NS = 16
_SC_NW = _SC_NC * _SC_NS


def _conv_nch(x, w, groups=1):
    pad = w.shape[-1] // 2
    return lax.conv_general_dilated(x, w, (1,), [(pad, pad)],
                                    dimension_numbers=('NCH', 'OIH', 'NCH'),
                                    feature_group_count=groups)


def _gn_nch(x, g, b):
    n, c, l = x.shape
    xg = x.reshape(n, NG, c // NG, l)
    m = xg.mean(axis=(2, 3), keepdims=True)
    v = xg.var(axis=(2, 3), keepdims=True)
    xn = ((xg - m) / jnp.sqrt(v + EPS)).reshape(n, c, l)
    return xn * g[None, :, None] + b[None, :, None]


def _encode(x, p):
    relu = jax.nn.relu
    pool = lambda t: lax.reduce_window(t, -jnp.inf, lax.max,
                                       (1, 1, 2), (1, 1, 2), 'VALID')

    def resx(t):
        h = relu(_gn_nch(_conv_nch(t, p['rx_w1']), p['rx_g1'], p['rx_b1']))
        h = relu(_gn_nch(_conv_nch(h, p['rx_w2'], groups=CARD),
                         p['rx_g2'], p['rx_b2']))
        h = _gn_nch(_conv_nch(h, p['rx_w3']), p['rx_g3'], p['rx_b3'])
        return relu(t + h)

    out = relu(_gn_nch(_conv_nch(x, p['res0_w']), p['res0_g'], p['res0_b']))
    out = pool(resx(out))
    out = pool(resx(out))
    out = _conv_nch(out, p['res2_w'])
    out = ((out - p['res2_rm'][None, :, None])
           / jnp.sqrt(p['res2_rv'][None, :, None] + EPS)
           * p['res2_g'][None, :, None] + p['res2_b'][None, :, None])
    return out


def _mm(a, b):
    return lax.dot_general(a, b, (((1,), (0,)), ((), ())),
                           precision=_HI, preferred_element_type=jnp.float32)


def _mmc(a, b):
    return lax.dot_general(a.astype(jnp.bfloat16), b.astype(jnp.bfloat16),
                           (((1,), (0,)), ((), ())),
                           preferred_element_type=jnp.float32)


def _vq_body(h_ref, emb_ref, j_ref, loss_ref):
    b = pl.program_id(0)
    emb = emb_ref[...]
    w2s = jnp.sum(emb * emb, axis=1, keepdims=True)
    se = 0.0
    for i in range(2):
        h = h_ref[i]
        z2s = jnp.sum(h * h, axis=0, keepdims=True)
        dist = z2s + w2s - 2.0 * _mmc(emb, h)
        dmin = jnp.min(dist, axis=0, keepdims=True)
        ii = lax.broadcasted_iota(jnp.int32, dist.shape, 0)
        j_ref[i] = jnp.min(jnp.where(dist <= dmin, ii, VQ_NUM),
                           axis=0, keepdims=True)
        se = se + jnp.sum(dmin)

    @pl.when(b == 0)
    def _init():
        loss_ref[...] = jnp.zeros((1, 1), jnp.float32)
    acc = loss_ref[...] + se
    loss_ref[...] = jnp.where(b == B // 2 - 1, acc / (B * T // 4), acc)


def _make_gather():
    mesh = plsc.VectorSubcoreMesh(core_axis_name="c", subcore_axis_name="s",
                                  num_cores=_SC_NC, num_subcores=_SC_NS)
    n_per = (B * T // 4) // _SC_NW
    width = 2 * VQ_DIM

    @functools.partial(
        pl.kernel, mesh=mesh,
        out_type=jax.ShapeDtypeStruct((B * T // 4, width), jnp.float32),
        scratch_types=[
            pltpu.VMEM((n_per,), jnp.int32),
            pltpu.VMEM((n_per, width), jnp.float32),
            pltpu.SemaphoreType.DMA,
        ],
    )
    def gather_k(table_hbm, idx_hbm, out_hbm, idx_v, rows_v, sem):
        wid = lax.axis_index("s") * _SC_NC + lax.axis_index("c")
        base = wid * n_per
        pltpu.sync_copy(idx_hbm.at[pl.ds(base, n_per)], idx_v)
        pltpu.async_copy(table_hbm.at[idx_v], rows_v, sem).wait()
        pltpu.sync_copy(rows_v, out_hbm.at[pl.ds(base, n_per)])

    return gather_k


def _conv_taps(x, wtaps, k):
    c, t = x.shape
    pad = k // 2
    z = jnp.zeros((c, pad), jnp.float32)
    xp = jnp.concatenate([z, x, z], axis=1)
    acc = _mmc(wtaps[0], xp[:, 0:t])
    for i in range(1, k):
        acc = acc + _mmc(wtaps[i], xp[:, i:i + t])
    return acc


def _gn(x, a_grp, g, b):
    t = x.shape[1]
    s = jnp.concatenate([jnp.sum(x, axis=1, keepdims=True),
                         jnp.sum(x * x, axis=1, keepdims=True)], axis=1) / t
    ms = _mm(a_grp, s)
    mu = ms[:, 0:1]
    var = ms[:, 1:2] - mu * mu
    inv = 1.0 / jnp.sqrt(var + EPS)
    return (x - mu) * inv * g + b


def _bres(x, w1taps, g1, b1, w2taps, g2, b2, a128):
    h = jnp.maximum(_gn(_conv_taps(x, w1taps, K1), a128, g1, b1), 0.0)
    h = _gn(_conv_taps(h, w2taps, K1), a128, g2, b2)
    return jnp.maximum(x + h, 0.0)


def _dec_body(hq_ref, d2_ref, gd2_ref, bd2_ref,
              d11_ref, g11_ref, b11_ref, d12_ref, g12_ref, b12_ref,
              d0_ref, d0b_ref, a128_ref, r1_ref, r2_ref,
              out_ref):
    a128 = a128_ref[...]
    for i in range(8):
        hq = hq_ref[i]
        u = jnp.maximum(_gn(_conv_taps(hq, d2_ref[...], K2), a128,
                            gd2_ref[...], bd2_ref[...]), 0.0)
        u = _mm(u, r1_ref[...])
        br = lambda v: _bres(v, d11_ref[...], g11_ref[...], b11_ref[...],
                             d12_ref[...], g12_ref[...], b12_ref[...], a128)
        u = br(u)
        u = _mm(u, r2_ref[...])
        u = br(u)
        out_ref[i] = _conv_taps(u, d0_ref[...], K0) + d0b_ref[...]


def _prep_weights(p):
    f32 = jnp.float32
    col = lambda v: v.astype(f32).reshape(-1, 1)

    flipt = lambda w: jnp.transpose(jnp.flip(jnp.transpose(w, (1, 0, 2)),
                                             axis=-1), (2, 0, 1)).astype(jnp.bfloat16)
    d2 = flipt(p['d2_w'])
    d11 = flipt(p['d1_w1'])
    d12 = flipt(p['d1_w2'])
    d0 = flipt(p['d0_w'])

    def grp_avg(c):
        g = c // NG
        i = jnp.arange(c)
        return ((i[:, None] // g) == (i[None, :] // g)).astype(f32) / g
    a128 = grp_avg(C1)

    def rep2(t):
        r = jnp.zeros((t, 2 * t), f32)
        i = jnp.arange(t)
        r = r.at[i, 2 * i].set(1.0)
        return r.at[i, 2 * i + 1].set(1.0)
    r1 = rep2(T // 4)
    r2 = rep2(T // 2)

    return dict(
        a128=a128, r1=r1, r2=r2,
        d2=d2, gd2=col(p['d2_g']), bd2=col(p['d2_b']),
        d11=d11, g11=col(p['d1_g1']), b11=col(p['d1_b1']),
        d12=d12, g12=col(p['d1_g2']), b12=col(p['d1_b2']),
        d0=d0, d0b=col(p['d0_b']),
    )


def _full_spec(arr):
    nd = arr.ndim
    return pl.BlockSpec(arr.shape, lambda b: (0,) * nd)


def kernel(x, params):
    w = _prep_weights(params)
    emb = params['embed'].astype(jnp.float32)
    tq = T // 4

    h = _encode(x, params)

    j, loss = pl.pallas_call(
        _vq_body,
        grid=(B // 2,),
        in_specs=[pl.BlockSpec((2, C2, tq), lambda b: (b, 0, 0)),
                  _full_spec(emb)],
        out_specs=[pl.BlockSpec((2, 1, tq), lambda b: (b, 0, 0)),
                   pl.BlockSpec((1, 1), lambda b: (0, 0))],
        out_shape=[jax.ShapeDtypeStruct((B, 1, tq), jnp.int32),
                   jax.ShapeDtypeStruct((1, 1), jnp.float32)],
    )(h, emb)

    emb_pad = jnp.concatenate(
        [emb, jnp.zeros((VQ_NUM, VQ_DIM), jnp.float32)], axis=1)
    wj = _make_gather()(emb_pad, j.reshape(-1))[:, :VQ_DIM]
    hq = jnp.transpose(wj.reshape(B, tq, VQ_DIM), (0, 2, 1))

    dec_ins = [w['d2'], w['gd2'], w['bd2'], w['d11'], w['g11'], w['b11'],
               w['d12'], w['g12'], w['b12'], w['d0'], w['d0b'],
               w['a128'], w['r1'], w['r2']]
    out = pl.pallas_call(
        _dec_body,
        grid=(B // 8,),
        in_specs=[pl.BlockSpec((8, C2, tq), lambda b: (b, 0, 0))]
                 + [_full_spec(a) for a in dec_ins],
        out_specs=pl.BlockSpec((8, ORG_DIM, T), lambda b: (b, 0, 0)),
        out_shape=jax.ShapeDtypeStruct((B, ORG_DIM, T), jnp.float32),
    )(hq, *dec_ins)

    loss = loss[0, 0]
    return out, loss, loss

# --- scband reference (transcript-rebuilt; emitter-appended) ---
"""Pipeline reference for scband-spk-vq-vae-resnet-45561013076383 (READ-ONLY COPY).

The authoritative reference and input builder live on the scoring server;
editing this copy changes nothing except your own understanding.
"""

import jax, jax.numpy as jnp
import numpy as np

ORG_DIM = 80; C1 = 128; C2 = 64; K0 = 5; K1 = 3; K2 = 3
VQ_DIM = 64; VQ_NUM = 8192; CARD = 8; NG = 8
B = 16; T = 512


def conv1d(x, w, groups=1):
    pad = w.shape[-1] // 2
    return jax.lax.conv_general_dilated(x, w, (1,), [(pad, pad)],
                                        dimension_numbers=('NCH', 'OIH', 'NCH'),
                                        feature_group_count=groups)


def conv_transpose1d(x, w):
    # stride-1 ConvTranspose1d(padding=k//2, odd k) == conv with swapped + flipped kernel, same padding
    w_eff = jnp.flip(jnp.transpose(w, (1, 0, 2)), axis=-1)  # (out, in, k)
    return conv1d(x, w_eff)


def group_norm(x, g, b, groups=NG, eps=1e-5):
    N, C, L = x.shape
    xg = x.reshape(N, groups, C // groups, L)
    m = xg.mean(axis=(2, 3), keepdims=True)
    v = xg.var(axis=(2, 3), keepdims=True)
    xn = ((xg - m) / jnp.sqrt(v + eps)).reshape(N, C, L)
    return xn * g[None, :, None] + b[None, :, None]


def batch_norm(x, g, b, rm, rv, eps=1e-5):
    # eval-mode BatchNorm1d with running stats
    return (x - rm[None, :, None]) / jnp.sqrt(rv[None, :, None] + eps) * g[None, :, None] + b[None, :, None]


def maxpool2(x):
    return jax.lax.reduce_window(x, -jnp.inf, jax.lax.max, (1, 1, 2), (1, 1, 2), 'VALID')


def resx(x, p):
    h = jax.nn.relu(group_norm(conv1d(x, p['rx_w1']), p['rx_g1'], p['rx_b1']))
    h = jax.nn.relu(group_norm(conv1d(h, p['rx_w2'], groups=CARD), p['rx_g2'], p['rx_b2']))
    h = group_norm(conv1d(h, p['rx_w3']), p['rx_g3'], p['rx_b3'])
    return jax.nn.relu(x + h)


def basic_res(x, p):
    h = jax.nn.relu(group_norm(conv_transpose1d(x, p['d1_w1']), p['d1_g1'], p['d1_b1']))
    h = group_norm(conv_transpose1d(h, p['d1_w2']), p['d1_g2'], p['d1_b2'])
    return jax.nn.relu(x + h)


def encoder(x, p):
    out = jax.nn.relu(group_norm(conv1d(x, p['res0_w']), p['res0_g'], p['res0_b']))
    out = resx(out, p)
    out = maxpool2(out)
    out = resx(out, p)  # shared weights, applied twice as in torch
    out = maxpool2(out)
    out = batch_norm(conv1d(out, p['res2_w']), p['res2_g'], p['res2_b'], p['res2_rm'], p['res2_rv'])
    return out


def decoder(h, p):
    out = jax.nn.relu(group_norm(conv_transpose1d(h, p['d2_w']), p['d2_g'], p['d2_b']))
    out = jnp.repeat(out, 2, axis=2)
    out = basic_res(out, p)
    out = jnp.repeat(out, 2, axis=2)
    out = basic_res(out, p)  # shared weights, applied twice as in torch
    return conv_transpose1d(out, p['d0_w']) + p['d0_b'][None, :, None]


def setup_inputs(seed: int = 0) -> dict:
    key = jax.random.key(seed)
    ks = [jax.random.fold_in(key, i) for i in range(16)]
    def w(k, shape):
        return jax.random.normal(k, shape, jnp.float32) * 0.05
    x = jax.random.normal(ks[0], (B, ORG_DIM, T), jnp.float32)
    d = C1 // 2
    p = {
        'res0_w': w(ks[1], (C1, ORG_DIM, K0)), 'res0_g': jnp.ones(C1), 'res0_b': jnp.zeros(C1),
        'rx_w1': w(ks[2], (d, C1, 1)), 'rx_g1': jnp.ones(d), 'rx_b1': jnp.zeros(d),
        'rx_w2': w(ks[3], (d, d // CARD, K1)), 'rx_g2': jnp.ones(d), 'rx_b2': jnp.zeros(d),
        'rx_w3': w(ks[4], (C1, d, 1)), 'rx_g3': jnp.ones(C1), 'rx_b3': jnp.zeros(C1),
        'res2_w': w(ks[5], (C2, C1, K2)), 'res2_g': jnp.ones(C2), 'res2_b': jnp.zeros(C2),
        'res2_rm': jnp.zeros(C2), 'res2_rv': jnp.ones(C2),
        'd2_w': w(ks[6], (C2, C1, K2)), 'd2_g': jnp.ones(C1), 'd2_b': jnp.zeros(C1),
        'd1_w1': w(ks[7], (C1, C1, K1)), 'd1_g1': jnp.ones(C1), 'd1_b1': jnp.zeros(C1),
        'd1_w2': w(ks[8], (C1, C1, K1)), 'd1_g2': jnp.ones(C1), 'd1_b2': jnp.zeros(C1),
        'd0_w': w(ks[9], (C1, ORG_DIM, K0)), 'd0_b': jnp.zeros(ORG_DIM),
        'embed': jax.random.uniform(ks[10], (VQ_NUM, VQ_DIM), jnp.float32, -1.0 / VQ_DIM, 1.0 / VQ_DIM),
    }
    return {'x': x, 'params': p}


def reference(x, params):
    h = encoder(x, params)
    B_, C_, T_ = h.shape
    # vqc=True branch: permute to (B, T, C) then flatten to codes of size vq_dim
    Z = jnp.transpose(h, (0, 2, 1)).reshape(-1, VQ_DIM)
    W = params['embed']
    # L2_dist(Z[:,None], W[None,:]).sum(2) via expansion (same math)
    dist = jnp.sum(Z * Z, axis=1)[:, None] + jnp.sum(W * W, axis=1)[None, :] - 2.0 * (Z @ W.T)
    j = jnp.argmin(dist, axis=1)
    W_j = jnp.take(W, j, axis=0)
    hq = jnp.transpose(W_j.reshape(B_, T_, C_), (0, 2, 1))
    commit_loss = jnp.mean(jnp.sum((Z - jax.lax.stop_gradient(W_j)) ** 2, axis=1))
    vq_loss = jnp.mean(jnp.sum((jax.lax.stop_gradient(Z) - W_j) ** 2, axis=1))
    return decoder(hq, params), commit_loss, vq_loss

if __name__ == "__main__":
    import jax
    _d = setup_inputs()
    print(jax.jit(kernel)(*tuple(_d.values())))

</pallas_src>

<mosaic_0001>
#map = affine_map<(d0, d1) -> (0, 0)>
#map1 = affine_map<(d0, d1) -> (0)>
module attributes {stable_mosaic.version = 14 : i64} {
  func.func @gather_k(%arg0: i32, %arg1: i32, %arg2: memref<8192x128xf32, #tpu.memory_space<hbm>>, %arg3: memref<2048xi32, #tpu.memory_space<hbm>>, %arg4: memref<2048x128xf32, #tpu.memory_space<hbm>>, %arg5: memref<64xi32, #tpu.memory_space<vmem>>, %arg6: memref<64x128xf32, #tpu.memory_space<vmem>>, %arg7: memref<!tpu.dma_semaphore, #tpu.memory_space<semaphore_mem>>) attributes {dimension_semantics = [#tpu.dimension_semantics<core_parallel>, #tpu.dimension_semantics<subcore_parallel>], iteration_bounds = array<i64: 2, 16>, scalar_prefetch = 0 : i64, scratch_operands = 3 : i64, tpu.core_type = #tpu.core_type<sc_vector_subcore>, window_params = [{transform_indices = #map}, {transform_indices = #map1}, {transform_indices = #map}]} {
    %mul3A = arith.constant 2 : i32
    %mul3A_0 = arith.muli %arg1, %mul3A : i32
    %add3A = arith.addi %mul3A_0, %arg0 : i32
    %mul3A_1 = arith.constant 64 : i32
    %mul3A_2 = arith.muli %add3A, %mul3A_1 : i32
    "tpu.region"() ({
      %run_scoped3A = tpu.sem_alloc : memref<!tpu.dma_semaphore, #tpu.memory_space<semaphore_mem>>
      %dma_start3A_7 = tpu.memref_slice %arg3[%mul3A_2] : memref<2048xi32, #tpu.memory_space<hbm>> -> memref<64xi32, #tpu.memory_space<hbm>>
      %dma_start3A_8 = tpu.memref_slice %arg3[%mul3A_2] : memref<2048xi32, #tpu.memory_space<hbm>> -> memref<64xi32, #tpu.memory_space<hbm>>
      tpu.enqueue_dma source(%dma_start3A_8 : memref<64xi32, #tpu.memory_space<hbm>>) target(%arg5 : memref<64xi32, #tpu.memory_space<vmem>>) target_semaphore(%run_scoped3A : memref<!tpu.dma_semaphore, #tpu.memory_space<semaphore_mem>>)
      %dma_wait3A_9 = tpu.memref_slice %arg3[%mul3A_2] : memref<2048xi32, #tpu.memory_space<hbm>> -> memref<64xi32, #tpu.memory_space<hbm>>
      %dma_wait3A_10 = tpu.memref_slice %arg3[%mul3A_2] : memref<2048xi32, #tpu.memory_space<hbm>> -> memref<64xi32, #tpu.memory_space<hbm>>
      tpu.wait_dma2 semaphore(%run_scoped3A : memref<!tpu.dma_semaphore, #tpu.memory_space<semaphore_mem>>) src(%dma_wait3A_10 : memref<64xi32, #tpu.memory_space<hbm>>) dst(%arg5 : memref<64xi32, #tpu.memory_space<vmem>>)
      tpu.yield
    }) : () -> ()
    %dma_start3A = arith.constant 0 : i32
    %dma_start3A_3 = arith.constant 0 : i32
    %dma_start3A_4 = tpu.memref_slice %arg2[%dma_start3A, %dma_start3A_3] : memref<8192x128xf32, #tpu.memory_space<hbm>> -> memref<8192x128xf32, #tpu.memory_space<hbm>>
    tpu.enqueue_indirect_dma source(%dma_start3A_4 : memref<8192x128xf32, #tpu.memory_space<hbm>>) target(%arg6 : memref<64x128xf32, #tpu.memory_space<vmem>>) offsets(%arg5 : memref<64xi32, #tpu.memory_space<vmem>>) semaphore(%arg7 : memref<!tpu.dma_semaphore, #tpu.memory_space<semaphore_mem>>)
    %dma_wait3A = arith.constant 0 : i32
    %dma_wait3A_5 = arith.constant 0 : i32
    %dma_wait3A_6 = tpu.memref_slice %arg2[%dma_wait3A, %dma_wait3A_5] : memref<8192x128xf32, #tpu.memory_space<hbm>> -> memref<8192x128xf32, #tpu.memory_space<hbm>>
    tpu.wait_indirect_dma semaphore(%arg7 : memref<!tpu.dma_semaphore, #tpu.memory_space<semaphore_mem>>) src(%dma_wait3A_6 : memref<8192x128xf32, #tpu.memory_space<hbm>>) dst(%arg6 : memref<64x128xf32, #tpu.memory_space<vmem>>)
    "tpu.region"() ({
      %run_scoped3A = tpu.sem_alloc : memref<!tpu.dma_semaphore, #tpu.memory_space<semaphore_mem>>
      %dma_start3A_7 = arith.constant 0 : i32
      %dma_start3A_8 = tpu.memref_slice %arg4[%mul3A_2, %dma_start3A_7] : memref<2048x128xf32, #tpu.memory_space<hbm>> -> memref<64x128xf32, #tpu.memory_space<hbm>>
      %dma_start3A_9 = arith.constant 0 : i32
      %dma_start3A_10 = tpu.memref_slice %arg4[%mul3A_2, %dma_start3A_9] : memref<2048x128xf32, #tpu.memory_space<hbm>> -> memref<64x128xf32, #tpu.memory_space<hbm>>
      tpu.enqueue_dma source(%arg6 : memref<64x128xf32, #tpu.memory_space<vmem>>) target(%dma_start3A_10 : memref<64x128xf32, #tpu.memory_space<hbm>>) target_semaphore(%run_scoped3A : memref<!tpu.dma_semaphore, #tpu.memory_space<semaphore_mem>>)
      %dma_wait3A_11 = arith.constant 0 : i32
      %dma_wait3A_12 = tpu.memref_slice %arg4[%mul3A_2, %dma_wait3A_11] : memref<2048x128xf32, #tpu.memory_space<hbm>> -> memref<64x128xf32, #tpu.memory_space<hbm>>
      %dma_wait3A_13 = arith.constant 0 : i32
      %dma_wait3A_14 = tpu.memref_slice %arg4[%mul3A_2, %dma_wait3A_13] : memref<2048x128xf32, #tpu.memory_space<hbm>> -> memref<64x128xf32, #tpu.memory_space<hbm>>
      tpu.wait_dma2 semaphore(%run_scoped3A : memref<!tpu.dma_semaphore, #tpu.memory_space<semaphore_mem>>) src(%arg6 : memref<64x128xf32, #tpu.memory_space<vmem>>) dst(%dma_wait3A_14 : memref<64x128xf32, #tpu.memory_space<hbm>>)
      tpu.yield
    }) : () -> ()
    return
  }
}

module attributes {stable_mosaic.version = 14 : i64} {
  func.func @_vq_body(%arg0: i32, %arg1: memref<2x64x128xf32, #tpu.memory_space<vmem>>, %arg2: memref<8192x64xf32, #tpu.memory_space<vmem>>, %arg3: memref<2x1x128xi32, #tpu.memory_space<vmem>>, %arg4: memref<1x1xf32, #tpu.memory_space<vmem>>) attributes {dimension_semantics = [#tpu.dimension_semantics<arbitrary>], iteration_bounds = array<i64: 8>, scalar_prefetch = 0 : i64, scratch_operands = 0 : i64, tpu.core_type = #tpu.core_type<tc>, window_params = [{transform_indices = @transform_0, window_bounds = array<i64: 2, 64, 128>}, {pipeline_mode = #tpu.pipeline_mode<synchronous>, transform_indices = @transform_1, window_bounds = array<i64: 8192, 64>}, {transform_indices = @transform_2, window_bounds = array<i64: 2, 1, 128>}, {pipeline_mode = #tpu.pipeline_mode<synchronous>, transform_indices = @transform_3, window_bounds = array<i64: 1, 1>}]} {
    %get3A = arith.constant 0 : index
    %get3A_0 = arith.constant 0 : index
    %get3A_1 = vector.load %arg2[%get3A, %get3A_0] : memref<8192x64xf32, #tpu.memory_space<vmem>>, vector<8192x64xf32>
    %mul3A = arith.mulf %get3A_1, %get3A_1 : vector<8192x64xf32>
    %reduce_sum3A = arith.constant dense<0.000000e+00> : vector<8192xf32>
    %reduce_sum3A_2 = vector.multi_reduction <add>, %mul3A, %reduce_sum3A [1] : vector<8192x64xf32> to vector<8192xf32>
    %broadcast_in_dim3A = vector.shape_cast %reduce_sum3A_2 : vector<8192xf32> to vector<8192x1xf32>
    %get3A_3 = arith.constant 0 : index
    %get3A_4 = arith.constant 0 : index
    %get3A_5 = arith.constant 0 : index
    %get3A_6 = vector.load %arg1[%get3A_3, %get3A_4, %get3A_5] : memref<2x64x128xf32, #tpu.memory_space<vmem>>, vector<1x64x128xf32>
    %get3A_7 = vector.shape_cast %get3A_6 : vector<1x64x128xf32> to vector<64x128xf32>
    %mul3A_8 = arith.mulf %get3A_7, %get3A_7 : vector<64x128xf32>
    %reduce_sum3A_9 = arith.constant dense<0.000000e+00> : vector<128xf32>
    %reduce_sum3A_10 = vector.multi_reduction <add>, %mul3A_8, %reduce_sum3A_9 [0] : vector<64x128xf32> to vector<128xf32>
    %broadcast_in_dim3A_11 = vector.shape_cast %reduce_sum3A_10 : vector<128xf32> to vector<1x128xf32>
    %add3A = vector.broadcast %broadcast_in_dim3A_11 : vector<1x128xf32> to vector<8192x128xf32>
    %add3A_12 = vector.broadcast %broadcast_in_dim3A : vector<8192x1xf32> to vector<8192x128xf32>
    %add3A_13 = arith.addf %add3A, %add3A_12 : vector<8192x128xf32>
    %convert_element_type3A = arith.truncf %get3A_1 : vector<8192x64xf32> to vector<8192x64xbf16>
    %convert_element_type3A_14 = arith.truncf %get3A_7 : vector<64x128xf32> to vector<64x128xbf16>
    %dot_general3A = arith.constant dense<0.000000e+00> : vector<8192x128xf32>
    %dot_general3A_15 = tpu.matmul %convert_element_type3A, %convert_element_type3A_14, %dot_general3A {dimension_numbers = #tpu.dot_dimension_numbers<[1], [0], [0], [1], [0, 0, 1, 1], [], []>, transpose_lhs_hint = false} : vector<8192x64xbf16>, vector<64x128xbf16>, vector<8192x128xf32> -> vector<8192x128xf32>
    %mul3A_16 = arith.constant 2.000000e+00 : f32
    %mul3A_17 = vector.broadcast %mul3A_16 : f32 to vector<8192x128xf32>
    %mul3A_18 = arith.mulf %mul3A_17, %dot_general3A_15 : vector<8192x128xf32>
    %sub3A = arith.subf %add3A_13, %mul3A_18 : vector<8192x128xf32>
    %reduce_min3A = arith.constant dense<0x7F800000> : vector<128xf32>
    %reduce_min3A_19 = vector.multi_reduction <minimumf>, %sub3A, %reduce_min3A [0] : vector<8192x128xf32> to vector<128xf32>
    %broadcast_in_dim3A_20 = vector.shape_cast %reduce_min3A_19 : vector<128xf32> to vector<1x128xf32>
    %iota3A = tpu.iota {dimensions = array<i32: 0>} : vector<8192x128xi32>
    %le3A = vector.broadcast %broadcast_in_dim3A_20 : vector<1x128xf32> to vector<8192x128xf32>
    %le3A_21 = arith.cmpf ole, %sub3A, %le3A : vector<8192x128xf32>
    %jit3A = arith.constant 8192 : i32
    %broadcast_in_dim3A_22 = vector.broadcast %jit3A : i32 to vector<8192x128xi32>
    %select_n3A = arith.select %le3A_21, %iota3A, %broadcast_in_dim3A_22 : vector<8192x128xi1>, vector<8192x128xi32>
    %reduce_min3A_23 = arith.constant dense<2147483647> : vector<128xi32>
    %reduce_min3A_24 = vector.multi_reduction <minsi>, %select_n3A, %reduce_min3A_23 [0] : vector<8192x128xi32> to vector<128xi32>
    %broadcast_in_dim3A_25 = vector.shape_cast %reduce_min3A_24 : vector<128xi32> to vector<1x128xi32>
    %swap3A = arith.constant 0 : index
    %swap3A_26 = arith.constant 0 : index
    %swap3A_27 = arith.constant 0 : index
    %swap3A_28 = vector.load %arg3[%swap3A, %swap3A_26, %swap3A_27] : memref<2x1x128xi32, #tpu.memory_space<vmem>>, vector<1x1x128xi32>
    %swap3A_29 = vector.shape_cast %swap3A_28 : vector<1x1x128xi32> to vector<1x128xi32>
    %swap3A_30 = vector.shape_cast %broadcast_in_dim3A_25 : vector<1x128xi32> to vector<1x1x128xi32>
    tpu.vector_store %arg3[%swap3A, %swap3A_26, %swap3A_27], %swap3A_30 {strides = array<i32>} : memref<2x1x128xi32, #tpu.memory_space<vmem>>, vector<1x1x128xi32>,
    %reduce_sum3A_31 = vector.shape_cast %broadcast_in_dim3A_20 : vector<1x128xf32> to vector<1x1x128xf32>
    %reduce_sum3A_32 = arith.constant dense<0.000000e+00> : vector<1xf32>
    %reduce_sum3A_33 = vector.multi_reduction <add>, %reduce_sum3A_31, %reduce_sum3A_32 [1, 2] : vector<1x1x128xf32> to vector<1xf32>
    %reduce_sum3A_34 = vector.shape_cast %reduce_sum3A_33 : vector<1xf32> to vector<1x1x1xf32>
    %reduce_sum3A_35 = vector.extract %reduce_sum3A_34[0, 0, 0] : f32 from vector<1x1x1xf32>
    %add3A_36 = arith.constant 0.000000e+00 : f32
    %add3A_37 = arith.addf %add3A_36, %reduce_sum3A_35 : f32
    %get3A_38 = arith.constant 1 : index
    %get3A_39 = arith.constant 0 : index
    %get3A_40 = arith.constant 0 : index
    %get3A_41 = vector.load %arg1[%get3A_38, %get3A_39, %get3A_40] : memref<2x64x128xf32, #tpu.memory_space<vmem>>, vector<1x64x128xf32>
    %get3A_42 = vector.shape_cast %get3A_41 : vector<1x64x128xf32> to vector<64x128xf32>
    %mul3A_43 = arith.mulf %get3A_42, %get3A_42 : vector<64x128xf32>
    %reduce_sum3A_44 = arith.constant dense<0.000000e+00> : vector<128xf32>
    %reduce_sum3A_45 = vector.multi_reduction <add>, %mul3A_43, %reduce_sum3A_44 [0] : vector<64x128xf32> to vector<128xf32>
    %broadcast_in_dim3A_46 = vector.shape_cast %reduce_sum3A_45 : vector<128xf32> to vector<1x128xf32>
    %add3A_47 = vector.broadcast %broadcast_in_dim3A_46 : vector<1x128xf32> to vector<8192x128xf32>
    %add3A_48 = vector.broadcast %broadcast_in_dim3A : vector<8192x1xf32> to vector<8192x128xf32>
    %add3A_49 = arith.addf %add3A_47, %add3A_48 : vector<8192x128xf32>
    %convert_element_type3A_50 = arith.truncf %get3A_1 : vector<8192x64xf32> to vector<8192x64xbf16>
    %convert_element_type3A_51 = arith.truncf %get3A_42 : vector<64x128xf32> to vector<64x128xbf16>
    %dot_general3A_52 = arith.constant dense<0.000000e+00> : vector<8192x128xf32>
    %dot_general3A_53 = tpu.matmul %convert_element_type3A_50, %convert_element_type3A_51, %dot_general3A_52 {dimension_numbers = #tpu.dot_dimension_numbers<[1], [0], [0], [1], [0, 0, 1, 1], [], []>, transpose_lhs_hint = false} : vector<8192x64xbf16>, vector<64x128xbf16>, vector<8192x128xf32> -> vector<8192x128xf32>
    %mul3A_54 = arith.constant 2.000000e+00 : f32
    %mul3A_55 = vector.broadcast %mul3A_54 : f32 to vector<8192x128xf32>
    %mul3A_56 = arith.mulf %mul3A_55, %dot_general3A_53 : vector<8192x128xf32>
    %sub3A_57 = arith.subf %add3A_49, %mul3A_56 : vector<8192x128xf32>
    %reduce_min3A_58 = arith.constant dense<0x7F800000> : vector<128xf32>
    %reduce_min3A_59 = vector.multi_reduction <minimumf>, %sub3A_57, %reduce_min3A_58 [0] : vector<8192x128xf32> to vector<128xf32>
    %broadcast_in_dim3A_60 = vector.shape_cast %reduce_min3A_59 : vector<128xf32> to vector<1x128xf32>
    %iota3A_61 = tpu.iota {dimensions = array<i32: 0>} : vector<8192x128xi32>
    %le3A_62 = vector.broadcast %broadcast_in_dim3A_60 : vector<1x128xf32> to vector<8192x128xf32>
    %le3A_63 = arith.cmpf ole, %sub3A_57, %le3A_62 : vector<8192x128xf32>
    %jit3A_64 = arith.constant 8192 : i32
    %broadcast_in_dim3A_65 = vector.broadcast %jit3A_64 : i32 to vector<8192x128xi32>
    %select_n3A_66 = arith.select %le3A_63, %iota3A_61, %broadcast_in_dim3A_65 : vector<8192x128xi1>, vector<8192x128xi32>
    %reduce_min3A_67 = arith.constant dense<2147483647> : vector<128xi32>
    %reduce_min3A_68 = vector.multi_reduction <minsi>, %select_n3A_66, %reduce_min3A_67 [0] : vector<8192x128xi32> to vector<128xi32>
    %broadcast_in_dim3A_69 = vector.shape_cast %reduce_min3A_68 : vector<128xi32> to vector<1x128xi32>
    %swap3A_70 = arith.constant 1 : index
    %swap3A_71 = arith.constant 0 : index
    %swap3A_72 = arith.constant 0 : index
    %swap3A_73 = vector.load %arg3[%swap3A_70, %swap3A_71, %swap3A_72] : memref<2x1x128xi32, #tpu.memory_space<vmem>>, vector<1x1x128xi32>
    %swap3A_74 = vector.shape_cast %swap3A_73 : vector<1x1x128xi32> to vector<1x128xi32>
    %swap3A_75 = vector.shape_cast %broadcast_in_dim3A_69 : vector<1x128xi32> to vector<1x1x128xi32>
    tpu.vector_store %arg3[%swap3A_70, %swap3A_71, %swap3A_72], %swap3A_75 {strides = array<i32>} : memref<2x1x128xi32, #tpu.memory_space<vmem>>, vector<1x1x128xi32>,
    %reduce_sum3A_76 = vector.shape_cast %broadcast_in_dim3A_60 : vector<1x128xf32> to vector<1x1x128xf32>
    %reduce_sum3A_77 = arith.constant dense<0.000000e+00> : vector<1xf32>
    %reduce_sum3A_78 = vector.multi_reduction <add>, %reduce_sum3A_76, %reduce_sum3A_77 [1, 2] : vector<1x1x128xf32> to vector<1xf32>
    %reduce_sum3A_79 = vector.shape_cast %reduce_sum3A_78 : vector<1xf32> to vector<1x1x1xf32>
    %reduce_sum3A_80 = vector.extract %reduce_sum3A_79[0, 0, 0] : f32 from vector<1x1x1xf32>
    %add3A_81 = arith.addf %add3A_37, %reduce_sum3A_80 : f32
    %eq3A = arith.constant 0 : i32
    %eq3A_82 = arith.cmpi eq, %arg0, %eq3A : i32
    %convert_element_type3A_83 = arith.extui %eq3A_82 : i1 to i32
    %cond3A = arith.constant 0 : i32
    %cond3A_84 = arith.cmpi ne, %convert_element_type3A_83, %cond3A : i32
    scf.if %cond3A_84 {
      %broadcast_in_dim3A_98 = arith.constant 0.000000e+00 : f32
      %broadcast_in_dim3A_99 = vector.broadcast %broadcast_in_dim3A_98 : f32 to vector<1x1xf32>
      %swap3A_100 = arith.constant 0 : index
      %swap3A_101 = arith.constant 0 : index
      %swap3A_102 = vector.load %arg4[%swap3A_100, %swap3A_101] : memref<1x1xf32, #tpu.memory_space<vmem>>, vector<1x1xf32>
      tpu.vector_store %arg4[%swap3A_100, %swap3A_101], %broadcast_in_dim3A_99 {strides = array<i32>} : memref<1x1xf32, #tpu.memory_space<vmem>>, vector<1x1xf32>,
    } else {
    }
    %get3A_85 = arith.constant 0 : index
    %get3A_86 = arith.constant 0 : index
    %get3A_87 = vector.load %arg4[%get3A_85, %get3A_86] : memref<1x1xf32, #tpu.memory_space<vmem>>, vector<1x1xf32>
    %add3A_88 = vector.broadcast %add3A_81 : f32 to vector<1x1xf32>
    %add3A_89 = arith.addf %get3A_87, %add3A_88 : vector<1x1xf32>
    %eq3A_90 = arith.constant 7 : i32
    %eq3A_91 = arith.cmpi eq, %arg0, %eq3A_90 : i32
    %div3A = arith.constant 2.048000e+03 : f32
    %div3A_92 = vector.broadcast %div3A : f32 to vector<1x1xf32>
    %div3A_93 = arith.divf %add3A_89, %div3A_92 : vector<1x1xf32>
    %select_n3A_94 = arith.select %eq3A_91, %div3A_93, %add3A_89 : vector<1x1xf32>
    %swap3A_95 = arith.constant 0 : index
    %swap3A_96 = arith.constant 0 : index
    %swap3A_97 = vector.load %arg4[%swap3A_95, %swap3A_96] : memref<1x1xf32, #tpu.memory_space<vmem>>, vector<1x1xf32>
    tpu.vector_store %arg4[%swap3A_95, %swap3A_96], %select_n3A_94 {strides = array<i32>} : memref<1x1xf32, #tpu.memory_space<vmem>>, vector<1x1xf32>,
    return
  }
  func.func @transform_0(%arg0: i32) -> (i32, i32, i32) {
    %c0_i32 = arith.constant 0 : i32
    %c0_i32_0 = arith.constant 0 : i32
    %c0_i32_1 = arith.constant 0 : i32
    return %arg0, %c0_i32, %c0_i32_0 : i32, i32, i32
  }
  func.func @transform_1(%arg0: i32) -> (i32, i32) {
    %c0_i32 = arith.constant 0 : i32
    %c0_i32_0 = arith.constant 0 : i32
    %c0_i32_1 = arith.constant 0 : i32
    return %c0_i32, %c0_i32_0 : i32, i32
  }
  func.func @transform_2(%arg0: i32) -> (i32, i32, i32) {
    %c0_i32 = arith.constant 0 : i32
    %c0_i32_0 = arith.constant 0 : i32
    %c0_i32_1 = arith.constant 0 : i32
    return %arg0, %c0_i32, %c0_i32_0 : i32, i32, i32
  }
  func.func @transform_3(%arg0: i32) -> (i32, i32) {
    %c0_i32 = arith.constant 0 : i32
    %c0_i32_0 = arith.constant 0 : i32
    %c0_i32_1 = arith.constant 0 : i32
    return %c0_i32, %c0_i32_0 : i32, i32
  }
}

module attributes {stable_mosaic.version = 14 : i64} {
  func.func @_dec_body(%arg0: i32, %arg1: memref<8x64x128xf32, #tpu.memory_space<vmem>>, %arg2: memref<3x128x64xbf16, #tpu.memory_space<vmem>>, %arg3: memref<128x1xf32, #tpu.memory_space<vmem>>, %arg4: memref<128x1xf32, #tpu.memory_space<vmem>>, %arg5: memref<3x128x128xbf16, #tpu.memory_space<vmem>>, %arg6: memref<128x1xf32, #tpu.memory_space<vmem>>, %arg7: memref<128x1xf32, #tpu.memory_space<vmem>>, %arg8: memref<3x128x128xbf16, #tpu.memory_space<vmem>>, %arg9: memref<128x1xf32, #tpu.memory_space<vmem>>, %arg10: memref<128x1xf32, #tpu.memory_space<vmem>>, %arg11: memref<5x80x128xbf16, #tpu.memory_space<vmem>>, %arg12: memref<80x1xf32, #tpu.memory_space<vmem>>, %arg13: memref<128x128xf32, #tpu.memory_space<vmem>>, %arg14: memref<128x256xf32, #tpu.memory_space<vmem>>, %arg15: memref<256x512xf32, #tpu.memory_space<vmem>>, %arg16: memref<8x80x512xf32, #tpu.memory_space<vmem>>) attributes {dimension_semantics = [#tpu.dimension_semantics<arbitrary>], iteration_bounds = array<i64: 2>, scalar_prefetch = 0 : i64, scratch_operands = 0 : i64, tpu.core_type = #tpu.core_type<tc>, window_params = [{transform_indices = @transform_0, window_bounds = array<i64: 8, 64, 128>}, {pipeline_mode = #tpu.pipeline_mode<synchronous>, transform_indices = @transform_1, window_bounds = array<i64: 3, 128, 64>}, {pipeline_mode = #tpu.pipeline_mode<synchronous>, transform_indices = @transform_2, window_bounds = array<i64: 128, 1>}, {pipeline_mode = #tpu.pipeline_mode<synchronous>, transform_indices = @transform_3, window_bounds = array<i64: 128, 1>}, {pipeline_mode = #tpu.pipeline_mode<synchronous>, transform_indices = @transform_4, window_bounds = array<i64: 3, 128, 128>}, {pipeline_mode = #tpu.pipeline_mode<synchronous>, transform_indices = @transform_5, window_bounds = array<i64: 128, 1>}, {pipeline_mode = #tpu.pipeline_mode<synchronous>, transform_indices = @transform_6, window_bounds = array<i64: 128, 1>}, {pipeline_mode = #tpu.pipeline_mode<synchronous>, transform_indices = @transform_7, window_bounds = array<i64: 3, 128, 128>}, {pipeline_mode = #tpu.pipeline_mode<synchronous>, transform_indices = @transform_8, window_bounds = array<i64: 128, 1>}, {pipeline_mode = #tpu.pipeline_mode<synchronous>, transform_indices = @transform_9, window_bounds = array<i64: 128, 1>}, {pipeline_mode = #tpu.pipeline_mode<synchronous>, transform_indices = @transform_10, window_bounds = array<i64: 5, 80, 128>}, {pipeline_mode = #tpu.pipeline_mode<synchronous>, transform_indices = @transform_11, window_bounds = array<i64: 80, 1>}, {pipeline_mode = #tpu.pipeline_mode<synchronous>, transform_indices = @transform_12, window_bounds = array<i64: 128, 128>}, {pipeline_mode = #tpu.pipeline_mode<synchronous>, transform_indices = @transform_13, window_bounds = array<i64: 128, 256>}, {pipeline_mode = #tpu.pipeline_mode<synchronous>, transform_indices = @transform_14, window_bounds = array<i64: 256, 512>}, {transform_indices = @transform_15, window_bounds = array<i64: 8, 80, 512>}]} {
    %get3A = arith.constant 0 : index
    %get3A_0 = arith.constant 0 : index
    %get3A_1 = vector.load %arg13[%get3A, %get3A_0] : memref<128x128xf32, #tpu.memory_space<vmem>>, vector<128x128xf32>
    %get3A_2 = arith.constant 0 : index
    %get3A_3 = arith.constant 0 : index
    %get3A_4 = arith.constant 0 : index
    %get3A_5 = vector.load %arg1[%get3A_2, %get3A_3, %get3A_4] : memref<8x64x128xf32, #tpu.memory_space<vmem>>, vector<1x64x128xf32>
    %get3A_6 = vector.shape_cast %get3A_5 : vector<1x64x128xf32> to vector<64x128xf32>
    %get3A_7 = arith.constant 0 : index
    %get3A_8 = arith.constant 0 : index
    %get3A_9 = arith.constant 0 : index
    %get3A_10 = vector.load %arg2[%get3A_7, %get3A_8, %get3A_9] : memref<3x128x64xbf16, #tpu.memory_space<vmem>>, vector<3x128x64xbf16>
    %broadcast_in_dim3A = arith.constant 0.000000e+00 : f32
    %broadcast_in_dim3A_11 = vector.broadcast %broadcast_in_dim3A : f32 to vector<64x1xf32>
    %concatenate3A = tpu.concatenate %broadcast_in_dim3A_11, %get3A_6, %broadcast_in_dim3A_11 in 1 : vector<64x1xf32>, vector<64x128xf32>, vector<64x1xf32> -> vector<64x130xf32>
    %slice3A = vector.extract_strided_slice %get3A_10 {offsets = [0, 0, 0], sizes = [1, 128, 64], strides = [1, 1, 1]} : vector<3x128x64xbf16> to vector<1x128x64xbf16>
    %squeeze3A = vector.shape_cast %slice3A : vector<1x128x64xbf16> to vector<128x64xbf16>
    %slice3A_12 = vector.extract_strided_slice %concatenate3A {offsets = [0, 0], sizes = [64, 128], strides = [1, 1]} : vector<64x130xf32> to vector<64x128xf32>
    %convert_element_type3A = arith.truncf %slice3A_12 : vector<64x128xf32> to vector<64x128xbf16>
    %dot_general3A = arith.constant dense<0.000000e+00> : vector<128x128xf32>
    %dot_general3A_13 = tpu.matmul %squeeze3A, %convert_element_type3A, %dot_general3A {dimension_numbers = #tpu.dot_dimension_numbers<[1], [0], [0], [1], [0, 0, 1, 1], [], []>, transpose_lhs_hint = false} : vector<128x64xbf16>, vector<64x128xbf16>, vector<128x128xf32> -> vector<128x128xf32>
    %slice3A_14 = vector.extract_strided_slice %get3A_10 {offsets = [1, 0, 0], sizes = [1, 128, 64], strides = [1, 1, 1]} : vector<3x128x64xbf16> to vector<1x128x64xbf16>
    %squeeze3A_15 = vector.shape_cast %slice3A_14 : vector<1x128x64xbf16> to vector<128x64xbf16>
    %slice3A_16 = vector.extract_strided_slice %concatenate3A {offsets = [0, 1], sizes = [64, 128], strides = [1, 1]} : vector<64x130xf32> to vector<64x128xf32>
    %convert_element_type3A_17 = arith.truncf %slice3A_16 : vector<64x128xf32> to vector<64x128xbf16>
    %dot_general3A_18 = arith.constant dense<0.000000e+00> : vector<128x128xf32>
    %dot_general3A_19 = tpu.matmul %squeeze3A_15, %convert_element_type3A_17, %dot_general3A_18 {dimension_numbers = #tpu.dot_dimension_numbers<[1], [0], [0], [1], [0, 0, 1, 1], [], []>, transpose_lhs_hint = false} : vector<128x64xbf16>, vector<64x128xbf16>, vector<128x128xf32> -> vector<128x128xf32>
    %add3A = arith.addf %dot_general3A_13, %dot_general3A_19 : vector<128x128xf32>
    %slice3A_20 = vector.extract_strided_slice %get3A_10 {offsets = [2, 0, 0], sizes = [1, 128, 64], strides = [1, 1, 1]} : vector<3x128x64xbf16> to vector<1x128x64xbf16>
    %squeeze3A_21 = vector.shape_cast %slice3A_20 : vector<1x128x64xbf16> to vector<128x64xbf16>
    %slice3A_22 = vector.extract_strided_slice %concatenate3A {offsets = [0, 2], sizes = [64, 128], strides = [1, 1]} : vector<64x130xf32> to vector<64x128xf32>
    %convert_element_type3A_23 = arith.truncf %slice3A_22 : vector<64x128xf32> to vector<64x128xbf16>
    %dot_general3A_24 = arith.constant dense<0.000000e+00> : vector<128x128xf32>
    %dot_general3A_25 = tpu.matmul %squeeze3A_21, %convert_element_type3A_23, %dot_general3A_24 {dimension_numbers = #tpu.dot_dimension_numbers<[1], [0], [0], [1], [0, 0, 1, 1], [], []>, transpose_lhs_hint = false} : vector<128x64xbf16>, vector<64x128xbf16>, vector<128x128xf32> -> vector<128x128xf32>
    %add3A_26 = arith.addf %add3A, %dot_general3A_25 : vector<128x128xf32>
    %get3A_27 = arith.constant 0 : index
    %get3A_28 = arith.constant 0 : index
    %get3A_29 = vector.load %arg3[%get3A_27, %get3A_28] : memref<128x1xf32, #tpu.memory_space<vmem>>, vector<128x1xf32>
    %get3A_30 = arith.constant 0 : index
    %get3A_31 = arith.constant 0 : index
    %get3A_32 = vector.load %arg4[%get3A_30, %get3A_31] : memref<128x1xf32, #tpu.memory_space<vmem>>, vector<128x1xf32>
    %reduce_sum3A = arith.constant dense<0.000000e+00> : vector<128xf32>
    %reduce_sum3A_33 = vector.multi_reduction <add>, %add3A_26, %reduce_sum3A [1] : vector<128x128xf32> to vector<128xf32>
    %broadcast_in_dim3A_34 = vector.shape_cast %reduce_sum3A_33 : vector<128xf32> to vector<128x1xf32>
    %mul3A = arith.mulf %add3A_26, %add3A_26 : vector<128x128xf32>
    %reduce_sum3A_35 = arith.constant dense<0.000000e+00> : vector<128xf32>
    %reduce_sum3A_36 = vector.multi_reduction <add>, %mul3A, %reduce_sum3A_35 [1] : vector<128x128xf32> to vector<128xf32>
    %broadcast_in_dim3A_37 = vector.shape_cast %reduce_sum3A_36 : vector<128xf32> to vector<128x1xf32>
    %concatenate3A_38 = tpu.concatenate %broadcast_in_dim3A_34, %broadcast_in_dim3A_37 in 1 : vector<128x1xf32>, vector<128x1xf32> -> vector<128x2xf32>
    %div3A = arith.constant 1.280000e+02 : f32
    %div3A_39 = vector.broadcast %div3A : f32 to vector<128x2xf32>
    %div3A_40 = arith.divf %concatenate3A_38, %div3A_39 : vector<128x2xf32>
    %dot_general3A_41 = arith.constant dense<0.000000e+00> : vector<128x2xf32>
    %dot_general3A_42 = tpu.matmul %get3A_1, %div3A_40, %dot_general3A_41 {dimension_numbers = #tpu.dot_dimension_numbers<[1], [0], [0], [1], [0, 0, 1, 1], [], []>, precision = #tpu.contract_precision<fp32>, transpose_lhs_hint = false} : vector<128x128xf32>, vector<128x2xf32>, vector<128x2xf32> -> vector<128x2xf32>
    %slice3A_43 = vector.extract_strided_slice %dot_general3A_42 {offsets = [0, 0], sizes = [128, 1], strides = [1, 1]} : vector<128x2xf32> to vector<128x1xf32>
    %slice3A_44 = vector.extract_strided_slice %dot_general3A_42 {offsets = [0, 1], sizes = [128, 1], strides = [1, 1]} : vector<128x2xf32> to vector<128x1xf32>
    %mul3A_45 = arith.mulf %slice3A_43, %slice3A_43 : vector<128x1xf32>
    %sub3A = arith.subf %slice3A_44, %mul3A_45 : vector<128x1xf32>
    %add3A_46 = arith.constant 9.99999974E-6 : f32
    %add3A_47 = vector.broadcast %add3A_46 : f32 to vector<128x1xf32>
    %add3A_48 = arith.addf %sub3A, %add3A_47 : vector<128x1xf32>
    %sqrt3A = math.sqrt %add3A_48 : vector<128x1xf32>
    %div3A_49 = arith.constant 1.000000e+00 : f32
    %div3A_50 = vector.broadcast %div3A_49 : f32 to vector<128x1xf32>
    %div3A_51 = arith.divf %div3A_50, %sqrt3A : vector<128x1xf32>
    %sub3A_52 = vector.broadcast %slice3A_43 : vector<128x1xf32> to vector<128x128xf32>
    %sub3A_53 = arith.subf %add3A_26, %sub3A_52 : vector<128x128xf32>
    %mul3A_54 = vector.broadcast %div3A_51 : vector<128x1xf32> to vector<128x128xf32>
    %mul3A_55 = arith.mulf %sub3A_53, %mul3A_54 : vector<128x128xf32>
    %mul3A_56 = vector.broadcast %get3A_29 : vector<128x1xf32> to vector<128x128xf32>
    %mul3A_57 = arith.mulf %mul3A_55, %mul3A_56 : vector<128x128xf32>
    %add3A_58 = vector.broadcast %get3A_32 : vector<128x1xf32> to vector<128x128xf32>
    %add3A_59 = arith.addf %mul3A_57, %add3A_58 : vector<128x128xf32>
    %max3A = arith.constant 0.000000e+00 : f32
    %max3A_60 = vector.broadcast %max3A : f32 to vector<128x128xf32>
    %max3A_61 = arith.maximumf %add3A_59, %max3A_60 : vector<128x128xf32>
    %get3A_62 = arith.constant 0 : index
    %get3A_63 = arith.constant 0 : index
    %get3A_64 = vector.load %arg14[%get3A_62, %get3A_63] : memref<128x256xf32, #tpu.memory_space<vmem>>, vector<128x256xf32>
    %dot_general3A_65 = arith.constant dense<0.000000e+00> : vector<128x256xf32>
    %dot_general3A_66 = tpu.matmul %max3A_61, %get3A_64, %dot_general3A_65 {dimension_numbers = #tpu.dot_dimension_numbers<[1], [0], [0], [1], [0, 0, 1, 1], [], []>, precision = #tpu.contract_precision<fp32>, transpose_lhs_hint = false} : vector<128x128xf32>, vector<128x256xf32>, vector<128x256xf32> -> vector<128x256xf32>
    %get3A_67 = arith.constant 0 : index
    %get3A_68 = arith.constant 0 : index
    %get3A_69 = arith.constant 0 : index
    %get3A_70 = vector.load %arg5[%get3A_67, %get3A_68, %get3A_69] : memref<3x128x128xbf16, #tpu.memory_space<vmem>>, vector<3x128x128xbf16>
    %get3A_71 = arith.constant 0 : index
    %get3A_72 = arith.constant 0 : index
    %get3A_73 = vector.load %arg6[%get3A_71, %get3A_72] : memref<128x1xf32, #tpu.memory_space<vmem>>, vector<128x1xf32>
    %get3A_74 = arith.constant 0 : index
    %get3A_75 = arith.constant 0 : index
    %get3A_76 = vector.load %arg7[%get3A_74, %get3A_75] : memref<128x1xf32, #tpu.memory_space<vmem>>, vector<128x1xf32>
    %get3A_77 = arith.constant 0 : index
    %get3A_78 = arith.constant 0 : index
    %get3A_79 = arith.constant 0 : index
    %get3A_80 = vector.load %arg8[%get3A_77, %get3A_78, %get3A_79] : memref<3x128x128xbf16, #tpu.memory_space<vmem>>, vector<3x128x128xbf16>
    %get3A_81 = arith.constant 0 : index
    %get3A_82 = arith.constant 0 : index
    %get3A_83 = vector.load %arg9[%get3A_81, %get3A_82] : memref<128x1xf32, #tpu.memory_space<vmem>>, vector<128x1xf32>
    %get3A_84 = arith.constant 0 : index
    %get3A_85 = arith.constant 0 : index
    %get3A_86 = vector.load %arg10[%get3A_84, %get3A_85] : memref<128x1xf32, #tpu.memory_space<vmem>>, vector<128x1xf32>
    %broadcast_in_dim3A_87 = arith.constant 0.000000e+00 : f32
    %broadcast_in_dim3A_88 = vector.broadcast %broadcast_in_dim3A_87 : f32 to vector<128x1xf32>
    %concatenate3A_89 = tpu.concatenate %broadcast_in_dim3A_88, %dot_general3A_66, %broadcast_in_dim3A_88 in 1 : vector<128x1xf32>, vector<128x256xf32>, vector<128x1xf32> -> vector<128x258xf32>
    %slice3A_90 = vector.extract_strided_slice %get3A_70 {offsets = [0, 0, 0], sizes = [1, 128, 128], strides = [1, 1, 1]} : vector<3x128x128xbf16> to vector<1x128x128xbf16>
    %squeeze3A_91 = vector.shape_cast %slice3A_90 : vector<1x128x128xbf16> to vector<128x128xbf16>
    %slice3A_92 = vector.extract_strided_slice %concatenate3A_89 {offsets = [0, 0], sizes = [128, 256], strides = [1, 1]} : vector<128x258xf32> to vector<128x256xf32>
    %convert_element_type3A_93 = arith.truncf %slice3A_92 : vector<128x256xf32> to vector<128x256xbf16>
    %dot_general3A_94 = arith.constant dense<0.000000e+00> : vector<128x256xf32>
    %dot_general3A_95 = tpu.matmul %squeeze3A_91, %convert_element_type3A_93, %dot_general3A_94 {dimension_numbers = #tpu.dot_dimension_numbers<[1], [0], [0], [1], [0, 0, 1, 1], [], []>, transpose_lhs_hint = false} : vector<128x128xbf16>, vector<128x256xbf16>, vector<128x256xf32> -> vector<128x256xf32>
    %slice3A_96 = vector.extract_strided_slice %get3A_70 {offsets = [1, 0, 0], sizes = [1, 128, 128], strides = [1, 1, 1]} : vector<3x128x128xbf16> to vector<1x128x128xbf16>
    %squeeze3A_97 = vector.shape_cast %slice3A_96 : vector<1x128x128xbf16> to vector<128x128xbf16>
    %slice3A_98 = vector.extract_strided_slice %concatenate3A_89 {offsets = [0, 1], sizes = [128, 256], strides = [1, 1]} : vector<128x258xf32> to vector<128x256xf32>
    %convert_element_type3A_99 = arith.truncf %slice3A_98 : vector<128x256xf32> to vector<128x256xbf16>
    %dot_general3A_100 = arith.constant dense<0.000000e+00> : vector<128x256xf32>
    %dot_general3A_101 = tpu.matmul %squeeze3A_97, %convert_element_type3A_99, %dot_general3A_100 {dimension_numbers = #tpu.dot_dimension_numbers<[1], [0], [0], [1], [0, 0, 1, 1], [], []>, transpose_lhs_hint = false} : vector<128x128xbf16>, vector<128x256xbf16>, vector<128x256xf32> -> vector<128x256xf32>
    %add3A_102 = arith.addf %dot_general3A_95, %dot_general3A_101 : vector<128x256xf32>
    %slice3A_103 = vector.extract_strided_slice %get3A_70 {offsets = [2, 0, 0], sizes = [1, 128, 128], strides = [1, 1, 1]} : vector<3x128x128xbf16> to vector<1x128x128xbf16>
    %squeeze3A_104 = vector.shape_cast %slice3A_103 : vector<1x128x128xbf16> to vector<128x128xbf16>
    %slice3A_105 = vector.extract_strided_slice %concatenate3A_89 {offsets = [0, 2], sizes = [128, 256], strides = [1, 1]} : vector<128x258xf32> to vector<128x256xf32>
    %convert_element_type3A_106 = arith.truncf %slice3A_105 : vector<128x256xf32> to vector<128x256xbf16>
    %dot_general3A_107 = arith.constant dense<0.000000e+00> : vector<128x256xf32>
    %dot_general3A_108 = tpu.matmul %squeeze3A_104, %convert_element_type3A_106, %dot_general3A_107 {dimension_numbers = #tpu.dot_dimension_numbers<[1], [0], [0], [1], [0, 0, 1, 1], [], []>, transpose_lhs_hint = false} : vector<128x128xbf16>, vector<128x256xbf16>, vector<128x256xf32> -> vector<128x256xf32>
    %add3A_109 = arith.addf %add3A_102, %dot_general3A_108 : vector<128x256xf32>
    %reduce_sum3A_110 = arith.constant dense<0.000000e+00> : vector<128xf32>
    %reduce_sum3A_111 = vector.multi_reduction <add>, %add3A_109, %reduce_sum3A_110 [1] : vector<128x256xf32> to vector<128xf32>
    %broadcast_in_dim3A_112 = vector.shape_cast %reduce_sum3A_111 : vector<128xf32> to vector<128x1xf32>
    %mul3A_113 = arith.mulf %add3A_109, %add3A_109 : vector<128x256xf32>
    %reduce_sum3A_114 = arith.constant dense<0.000000e+00> : vector<128xf32>
    %reduce_sum3A_115 = vector.multi_reduction <add>, %mul3A_113, %reduce_sum3A_114 [1] : vector<128x256xf32> to vector<128xf32>
    %broadcast_in_dim3A_116 = vector.shape_cast %reduce_sum3A_115 : vector<128xf32> to vector<128x1xf32>
    %concatenate3A_117 = tpu.concatenate %broadcast_in_dim3A_112, %broadcast_in_dim3A_116 in 1 : vector<128x1xf32>, vector<128x1xf32> -> vector<128x2xf32>
    %div3A_118 = arith.constant 2.560000e+02 : f32
    %div3A_119 = vector.broadcast %div3A_118 : f32 to vector<128x2xf32>
    %div3A_120 = arith.divf %concatenate3A_117, %div3A_119 : vector<128x2xf32>
    %dot_general3A_121 = arith.constant dense<0.000000e+00> : vector<128x2xf32>
    %dot_general3A_122 = tpu.matmul %get3A_1, %div3A_120, %dot_general3A_121 {dimension_numbers = #tpu.dot_dimension_numbers<[1], [0], [0], [1], [0, 0, 1, 1], [], []>, precision = #tpu.contract_precision<fp32>, transpose_lhs_hint = false} : vector<128x128xf32>, vector<128x2xf32>, vector<128x2xf32> -> vector<128x2xf32>
    %slice3A_123 = vector.extract_strided_slice %dot_general3A_122 {offsets = [0, 0], sizes = [128, 1], strides = [1, 1]} : vector<128x2xf32> to vector<128x1xf32>
    %slice3A_124 = vector.extract_strided_slice %dot_general3A_122 {offsets = [0, 1], sizes = [128, 1], strides = [1, 1]} : vector<128x2xf32> to vector<128x1xf32>
    %mul3A_125 = arith.mulf %slice3A_123, %slice3A_123 : vector<128x1xf32>
    %sub3A_126 = arith.subf %slice3A_124, %mul3A_125 : vector<128x1xf32>
    %add3A_127 = arith.constant 9.99999974E-6 : f32
    %add3A_128 = vector.broadcast %add3A_127 : f32 to vector<128x1xf32>
    %add3A_129 = arith.addf %sub3A_126, %add3A_128 : vector<128x1xf32>
    %sqrt3A_130 = math.sqrt %add3A_129 : vector<128x1xf32>
    %div3A_131 = arith.constant 1.000000e+00 : f32
    %div3A_132 = vector.broadcast %div3A_131 : f32 to vector<128x1xf32>
    %div3A_133 = arith.divf %div3A_132, %sqrt3A_130 : vector<128x1xf32>
    %sub3A_134 = vector.broadcast %slice3A_123 : vector<128x1xf32> to vector<128x256xf32>
    %sub3A_135 = arith.subf %add3A_109, %sub3A_134 : vector<128x256xf32>
    %mul3A_136 = vector.broadcast %div3A_133 : vector<128x1xf32> to vector<128x256xf32>
    %mul3A_137 = arith.mulf %sub3A_135, %mul3A_136 : vector<128x256xf32>
    %mul3A_138 = vector.broadcast %get3A_73 : vector<128x1xf32> to vector<128x256xf32>
    %mul3A_139 = arith.mulf %mul3A_137, %mul3A_138 : vector<128x256xf32>
    %add3A_140 = vector.broadcast %get3A_76 : vector<128x1xf32> to vector<128x256xf32>
    %add3A_141 = arith.addf %mul3A_139, %add3A_140 : vector<128x256xf32>
    %max3A_142 = arith.constant 0.000000e+00 : f32
    %max3A_143 = vector.broadcast %max3A_142 : f32 to vector<128x256xf32>
    %max3A_144 = arith.maximumf %add3A_141, %max3A_143 : vector<128x256xf32>
    %broadcast_in_dim3A_145 = arith.constant 0.000000e+00 : f32
    %broadcast_in_dim3A_146 = vector.broadcast %broadcast_in_dim3A_145 : f32 to vector<128x1xf32>
    %concatenate3A_147 = tpu.concatenate %broadcast_in_dim3A_146, %max3A_144, %broadcast_in_dim3A_146 in 1 : vector<128x1xf32>, vector<128x256xf32>, vector<128x1xf32> -> vector<128x258xf32>
    %slice3A_148 = vector.extract_strided_slice %get3A_80 {offsets = [0, 0, 0], sizes = [1, 128, 128], strides = [1, 1, 1]} : vector<3x128x128xbf16> to vector<1x128x128xbf16>
    %squeeze3A_149 = vector.shape_cast %slice3A_148 : vector<1x128x128xbf16> to vector<128x128xbf16>
    %slice3A_150 = vector.extract_strided_slice %concatenate3A_147 {offsets = [0, 0], sizes = [128, 256], strides = [1, 1]} : vector<128x258xf32> to vector<128x256xf32>
    %convert_element_type3A_151 = arith.truncf %slice3A_150 : vector<128x256xf32> to vector<128x256xbf16>
    %dot_general3A_152 = arith.constant dense<0.000000e+00> : vector<128x256xf32>
    %dot_general3A_153 = tpu.matmul %squeeze3A_149, %convert_element_type3A_151, %dot_general3A_152 {dimension_numbers = #tpu.dot_dimension_numbers<[1], [0], [0], [1], [0, 0, 1, 1], [], []>, transpose_lhs_hint = false} : vector<128x128xbf16>, vector<128x256xbf16>, vector<128x256xf32> -> vector<128x256xf32>
    %slice3A_154 = vector.extract_strided_slice %get3A_80 {offsets = [1, 0, 0], sizes = [1, 128, 128], strides = [1, 1, 1]} : vector<3x128x128xbf16> to vector<1x128x128xbf16>
    %squeeze3A_155 = vector.shape_cast %slice3A_154 : vector<1x128x128xbf16> to vector<128x128xbf16>
    %slice3A_156 = vector.extract_strided_slice %concatenate3A_147 {offsets = [0, 1], sizes = [128, 256], strides = [1, 1]} : vector<128x258xf32> to vector<128x256xf32>
    %convert_element_type3A_157 = arith.truncf %slice3A_156 : vector<128x256xf32> to vector<128x256xbf16>
    %dot_general3A_158 = arith.constant dense<0.000000e+00> : vector<128x256xf32>
    %dot_general3A_159 = tpu.matmul %squeeze3A_155, %convert_element_type3A_157, %dot_general3A_158 {dimension_numbers = #tpu.dot_dimension_numbers<[1], [0], [0], [1], [0, 0, 1, 1], [], []>, transpose_lhs_hint = false} : vector<128x128xbf16>, vector<128x256xbf16>, vector<128x256xf32> -> vector<128x256xf32>
    %add3A_160 = arith.addf %dot_general3A_153, %dot_general3A_159 : vector<128x256xf32>
    %slice3A_161 = vector.extract_strided_slice %get3A_80 {offsets = [2, 0, 0], sizes = [1, 128, 128], strides = [1, 1, 1]} : vector<3x128x128xbf16> to vector<1x128x128xbf16>
    %squeeze3A_162 = vector.shape_cast %slice3A_161 : vector<1x128x128xbf16> to vector<128x128xbf16>
    %slice3A_163 = vector.extract_strided_slice %concatenate3A_147 {offsets = [0, 2], sizes = [128, 256], strides = [1, 1]} : vector<128x258xf32> to vector<128x256xf32>
    %convert_element_type3A_164 = arith.truncf %slice3A_163 : vector<128x256xf32> to vector<128x256xbf16>
    %dot_general3A_165 = arith.constant dense<0.000000e+00> : vector<128x256xf32>
    %dot_general3A_166 = tpu.matmul %squeeze3A_162, %convert_element_type3A_164, %dot_general3A_165 {dimension_numbers = #tpu.dot_dimension_numbers<[1], [0], [0], [1], [0, 0, 1, 1], [], []>, transpose_lhs_hint = false} : vector<128x128xbf16>, vector<128x256xbf16>, vector<128x256xf32> -> vector<128x256xf32>
    %add3A_167 = arith.addf %add3A_160, %dot_general3A_166 : vector<128x256xf32>
    %reduce_sum3A_168 = arith.constant dense<0.000000e+00> : vector<128xf32>
    %reduce_sum3A_169 = vector.multi_reduction <add>, %add3A_167, %reduce_sum3A_168 [1] : vector<128x256xf32> to vector<128xf32>
    %broadcast_in_dim3A_170 = vector.shape_cast %reduce_sum3A_169 : vector<128xf32> to vector<128x1xf32>
    %mul3A_171 = arith.mulf %add3A_167, %add3A_167 : vector<128x256xf32>
    %reduce_sum3A_172 = arith.constant dense<0.000000e+00> : vector<128xf32>
    %reduce_sum3A_173 = vector.multi_reduction <add>, %mul3A_171, %reduce_sum3A_172 [1] : vector<128x256xf32> to vector<128xf32>
    %broadcast_in_dim3A_174 = vector.shape_cast %reduce_sum3A_173 : vector<128xf32> to vector<128x1xf32>
    %concatenate3A_175 = tpu.concatenate %broadcast_in_dim3A_170, %broadcast_in_dim3A_174 in 1 : vector<128x1xf32>, vector<128x1xf32> -> vector<128x2xf32>
    %div3A_176 = arith.constant 2.560000e+02 : f32
    %div3A_177 = vector.broadcast %div3A_176 : f32 to vector<128x2xf32>
    %div3A_178 = arith.divf %concatenate3A_175, %div3A_177 : vector<128x2xf32>
    %dot_general3A_179 = arith.constant dense<0.000000e+00> : vector<128x2xf32>
    %dot_general3A_180 = tpu.matmul %get3A_1, %div3A_178, %dot_general3A_179 {dimension_numbers = #tpu.dot_dimension_numbers<[1], [0], [0], [1], [0, 0, 1, 1], [], []>, precision = #tpu.contract_precision<fp32>, transpose_lhs_hint = false} : vector<128x128xf32>, vector<128x2xf32>, vector<128x2xf32> -> vector<128x2xf32>
    %slice3A_181 = vector.extract_strided_slice %dot_general3A_180 {offsets = [0, 0], sizes = [128, 1], strides = [1, 1]} : vector<128x2xf32> to vector<128x1xf32>
    %slice3A_182 = vector.extract_strided_slice %dot_general3A_180 {offsets = [0, 1], sizes = [128, 1], strides = [1, 1]} : vector<128x2xf32> to vector<128x1xf32>
    %mul3A_183 = arith.mulf %slice3A_181, %slice3A_181 : vector<128x1xf32>
    %sub3A_184 = arith.subf %slice3A_182, %mul3A_183 : vector<128x1xf32>
    %add3A_185 = arith.constant 9.99999974E-6 : f32
    %add3A_186 = vector.broadcast %add3A_185 : f32 to vector<128x1xf32>
    %add3A_187 = arith.addf %sub3A_184, %add3A_186 : vector<128x1xf32>
    %sqrt3A_188 = math.sqrt %add3A_187 : vector<128x1xf32>
    %div3A_189 = arith.constant 1.000000e+00 : f32
    %div3A_190 = vector.broadcast %div3A_189 : f32 to vector<128x1xf32>
    %div3A_191 = arith.divf %div3A_190, %sqrt3A_188 : vector<128x1xf32>
    %sub3A_192 = vector.broadcast %slice3A_181 : vector<128x1xf32> to vector<128x256xf32>
    %sub3A_193 = arith.subf %add3A_167, %sub3A_192 : vector<128x256xf32>
    %mul3A_194 = vector.broadcast %div3A_191 : vector<128x1xf32> to vector<128x256xf32>
    %mul3A_195 = arith.mulf %sub3A_193, %mul3A_194 : vector<128x256xf32>
    %mul3A_196 = vector.broadcast %get3A_83 : vector<128x1xf32> to vector<128x256xf32>
    %mul3A_197 = arith.mulf %mul3A_195, %mul3A_196 : vector<128x256xf32>
    %add3A_198 = vector.broadcast %get3A_86 : vector<128x1xf32> to vector<128x256xf32>
    %add3A_199 = arith.addf %mul3A_197, %add3A_198 : vector<128x256xf32>
    %add3A_200 = arith.addf %dot_general3A_66, %add3A_199 : vector<128x256xf32>
    %max3A_201 = arith.constant 0.000000e+00 : f32
    %max3A_202 = vector.broadcast %max3A_201 : f32 to vector<128x256xf32>
    %max3A_203 = arith.maximumf %add3A_200, %max3A_202 : vector<128x256xf32>
    %get3A_204 = arith.constant 0 : index
    %get3A_205 = arith.constant 0 : index
    %get3A_206 = vector.load %arg15[%get3A_204, %get3A_205] : memref<256x512xf32, #tpu.memory_space<vmem>>, vector<256x512xf32>
    %dot_general3A_207 = arith.constant dense<0.000000e+00> : vector<128x512xf32>
    %dot_general3A_208 = tpu.matmul %max3A_203, %get3A_206, %dot_general3A_207 {dimension_numbers = #tpu.dot_dimension_numbers<[1], [0], [0], [1], [0, 0, 1, 1], [], []>, precision = #tpu.contract_precision<fp32>, transpose_lhs_hint = false} : vector<128x256xf32>, vector<256x512xf32>, vector<128x512xf32> -> vector<128x512xf32>
    %get3A_209 = arith.constant 0 : index
    %get3A_210 = arith.constant 0 : index
    %get3A_211 = arith.constant 0 : index
    %get3A_212 = vector.load %arg5[%get3A_209, %get3A_210, %get3A_211] : memref<3x128x128xbf16, #tpu.memory_space<vmem>>, vector<3x128x128xbf16>
    %get3A_213 = arith.constant 0 : index
    %get3A_214 = arith.constant 0 : index
    %get3A_215 = vector.load %arg6[%get3A_213, %get3A_214] : memref<128x1xf32, #tpu.memory_space<vmem>>, vector<128x1xf32>
    %get3A_216 = arith.constant 0 : index
    %get3A_217 = arith.constant 0 : index
    %get3A_218 = vector.load %arg7[%get3A_216, %get3A_217] : memref<128x1xf32, #tpu.memory_space<vmem>>, vector<128x1xf32>
    %get3A_219 = arith.constant 0 : index
    %get3A_220 = arith.constant 0 : index
    %get3A_221 = arith.constant 0 : index
    %get3A_222 = vector.load %arg8[%get3A_219, %get3A_220, %get3A_221] : memref<3x128x128xbf16, #tpu.memory_space<vmem>>, vector<3x128x128xbf16>
    %get3A_223 = arith.constant 0 : index
    %get3A_224 = arith.constant 0 : index
    %get3A_225 = vector.load %arg9[%get3A_223, %get3A_224] : memref<128x1xf32, #tpu.memory_space<vmem>>, vector<128x1xf32>
    %get3A_226 = arith.constant 0 : index
    %get3A_227 = arith.constant 0 : index
    %get3A_228 = vector.load %arg10[%get3A_226, %get3A_227] : memref<128x1xf32, #tpu.memory_space<vmem>>, vector<128x1xf32>
    %broadcast_in_dim3A_229 = arith.constant 0.000000e+00 : f32
    %broadcast_in_dim3A_230 = vector.broadcast %broadcast_in_dim3A_229 : f32 to vector<128x1xf32>
    %concatenate3A_231 = tpu.concatenate %broadcast_in_dim3A_230, %dot_general3A_208, %broadcast_in_dim3A_230 in 1 : vector<128x1xf32>, vector<128x512xf32>, vector<128x1xf32> -> vector<128x514xf32>
    %slice3A_232 = vector.extract_strided_slice %get3A_212 {offsets = [0, 0, 0], sizes = [1, 128, 128], strides = [1, 1, 1]} : vector<3x128x128xbf16> to vector<1x128x128xbf16>
    %squeeze3A_233 = vector.shape_cast %slice3A_232 : vector<1x128x128xbf16> to vector<128x128xbf16>
    %slice3A_234 = vector.extract_strided_slice %concatenate3A_231 {offsets = [0, 0], sizes = [128, 512], strides = [1, 1]} : vector<128x514xf32> to vector<128x512xf32>
    %convert_element_type3A_235 = arith.truncf %slice3A_234 : vector<128x512xf32> to vector<128x512xbf16>
    %dot_general3A_236 = arith.constant dense<0.000000e+00> : vector<128x512xf32>
    %dot_general3A_237 = tpu.matmul %squeeze3A_233, %convert_element_type3A_235, %dot_general3A_236 {dimension_numbers = #tpu.dot_dimension_numbers<[1], [0], [0], [1], [0, 0, 1, 1], [], []>, transpose_lhs_hint = false} : vector<128x128xbf16>, vector<128x512xbf16>, vector<128x512xf32> -> vector<128x512xf32>
    %slice3A_238 = vector.extract_strided_slice %get3A_212 {offsets = [1, 0, 0], sizes = [1, 128, 128], strides = [1, 1, 1]} : vector<3x128x128xbf16> to vector<1x128x128xbf16>
    %squeeze3A_239 = vector.shape_cast %slice3A_238 : vector<1x128x128xbf16> to vector<128x128xbf16>
    %slice3A_240 = vector.extract_strided_slice %concatenate3A_231 {offsets = [0, 1], sizes = [128, 512], strides = [1, 1]} : vector<128x514xf32> to vector<128x512xf32>
    %convert_element_type3A_241 = arith.truncf %slice3A_240 : vector<128x512xf32> to vector<128x512xbf16>
    %dot_general3A_242 = arith.constant dense<0.000000e+00> : vector<128x512xf32>
    %dot_general3A_243 = tpu.matmul %squeeze3A_239, %convert_element_type3A_241, %dot_general3A_242 {dimension_numbers = #tpu.dot_dimension_numbers<[1], [0], [0], [1], [0, 0, 1, 1], [], []>, transpose_lhs_hint = false} : vector<128x128xbf16>, vector<128x512xbf16>, vector<128x512xf32> -> vector<128x512xf32>
    %add3A_244 = arith.addf %dot_general3A_237, %dot_general3A_243 : vector<128x512xf32>
    %slice3A_245 = vector.extract_strided_slice %get3A_212 {offsets = [2, 0, 0], sizes = [1, 128, 128], strides = [1, 1, 1]} : vector<3x128x128xbf16> to vector<1x128x128xbf16>
    %squeeze3A_246 = vector.shape_cast %slice3A_245 : vector<1x128x128xbf16> to vector<128x128xbf16>
    %slice3A_247 = vector.extract_strided_slice %concatenate3A_231 {offsets = [0, 2], sizes = [128, 512], strides = [1, 1]} : vector<128x514xf32> to vector<128x512xf32>
    %convert_element_type3A_248 = arith.truncf %slice3A_247 : vector<128x512xf32> to vector<128x512xbf16>
    %dot_general3A_249 = arith.constant dense<0.000000e+00> : vector<128x512xf32>
    %dot_general3A_250 = tpu.matmul %squeeze3A_246, %convert_element_type3A_248, %dot_general3A_249 {dimension_numbers = #tpu.dot_dimension_numbers<[1], [0], [0], [1], [0, 0, 1, 1], [], []>, transpose_lhs_hint = false} : vector<128x128xbf16>, vector<128x512xbf16>, vector<128x512xf32> -> vector<128x512xf32>
    %add3A_251 = arith.addf %add3A_244, %dot_general3A_250 : vector<128x512xf32>
    %reduce_sum3A_252 = arith.constant dense<0.000000e+00> : vector<128xf32>
    %reduce_sum3A_253 = vector.multi_reduction <add>, %add3A_251, %reduce_sum3A_252 [1] : vector<128x512xf32> to vector<128xf32>
    %broadcast_in_dim3A_254 = vector.shape_cast %reduce_sum3A_253 : vector<128xf32> to vector<128x1xf32>
    %mul3A_255 = arith.mulf %add3A_251, %add3A_251 : vector<128x512xf32>
    %reduce_sum3A_256 = arith.constant dense<0.000000e+00> : vector<128xf32>
    %reduce_sum3A_257 = vector.multi_reduction <add>, %mul3A_255, %reduce_sum3A_256 [1] : vector<128x512xf32> to vector<128xf32>
    %broadcast_in_dim3A_258 = vector.shape_cast %reduce_sum3A_257 : vector<128xf32> to vector<128x1xf32>
    %concatenate3A_259 = tpu.concatenate %broadcast_in_dim3A_254, %broadcast_in_dim3A_258 in 1 : vector<128x1xf32>, vector<128x1xf32> -> vector<128x2xf32>
    %div3A_260 = arith.constant 5.120000e+02 : f32
    %div3A_261 = vector.broadcast %div3A_260 : f32 to vector<128x2xf32>
    %div3A_262 = arith.divf %concatenate3A_259, %div3A_261 : vector<128x2xf32>
    %dot_general3A_263 = arith.constant dense<0.000000e+00> : vector<128x2xf32>
    %dot_general3A_264 = tpu.matmul %get3A_1, %div3A_262, %dot_general3A_263 {dimension_numbers = #tpu.dot_dimension_numbers<[1], [0], [0], [1], [0, 0, 1, 1], [], []>, precision = #tpu.contract_precision<fp32>, transpose_lhs_hint = false} : vector<128x128xf32>, vector<128x2xf32>, vector<128x2xf32> -> vector<128x2xf32>
    %slice3A_265 = vector.extract_strided_slice %dot_general3A_264 {offsets = [0, 0], sizes = [128, 1], strides = [1, 1]} : vector<128x2xf32> to vector<128x1xf32>
    %slice3A_266 = vector.extract_strided_slice %dot_general3A_264 {offsets = [0, 1], sizes = [128, 1], strides = [1, 1]} : vector<128x2xf32> to vector<128x1xf32>
    %mul3A_267 = arith.mulf %slice3A_265, %slice3A_265 : vector<128x1xf32>
    %sub3A_268 = arith.subf %slice3A_266, %mul3A_267 : vector<128x1xf32>
    %add3A_269 = arith.constant 9.99999974E-6 : f32
    %add3A_270 = vector.broadcast %add3A_269 : f32 to vector<128x1xf32>
    %add3A_271 = arith.addf %sub3A_268, %add3A_270 : vector<128x1xf32>
    %sqrt3A_272 = math.sqrt %add3A_271 : vector<128x1xf32>
    %div3A_273 = arith.constant 1.000000e+00 : f32
    %div3A_274 = vector.broadcast %div3A_273 : f32 to vector<128x1xf32>
    %div3A_275 = arith.divf %div3A_274, %sqrt3A_272 : vector<128x1xf32>
    %sub3A_276 = vector.broadcast %slice3A_265 : vector<128x1xf32> to vector<128x512xf32>
    %sub3A_277 = arith.subf %add3A_251, %sub3A_276 : vector<128x512xf32>
    %mul3A_278 = vector.broadcast %div3A_275 : vector<128x1xf32> to vector<128x512xf32>
    %mul3A_279 = arith.mulf %sub3A_277, %mul3A_278 : vector<128x512xf32>
    %mul3A_280 = vector.broadcast %get3A_215 : vector<128x1xf32> to vector<128x512xf32>
    %mul3A_281 = arith.mulf %mul3A_279, %mul3A_280 : vector<128x512xf32>
    %add3A_282 = vector.broadcast %get3A_218 : vector<128x1xf32> to vector<128x512xf32>
    %add3A_283 = arith.addf %mul3A_281, %add3A_282 : vector<128x512xf32>
    %max3A_284 = arith.constant 0.000000e+00 : f32
    %max3A_285 = vector.broadcast %max3A_284 : f32 to vector<128x512xf32>
    %max3A_286 = arith.maximumf %add3A_283, %max3A_285 : vector<128x512xf32>
    %broadcast_in_dim3A_287 = arith.constant 0.000000e+00 : f32
    %broadcast_in_dim3A_288 = vector.broadcast %broadcast_in_dim3A_287 : f32 to vector<128x1xf32>
    %concatenate3A_289 = tpu.concatenate %broadcast_in_dim3A_288, %max3A_286, %broadcast_in_dim3A_288 in 1 : vector<128x1xf32>, vector<128x512xf32>, vector<128x1xf32> -> vector<128x514xf32>
    %slice3A_290 = vector.extract_strided_slice %get3A_222 {offsets = [0, 0, 0], sizes = [1, 128, 128], strides = [1, 1, 1]} : vector<3x128x128xbf16> to vector<1x128x128xbf16>
    %squeeze3A_291 = vector.shape_cast %slice3A_290 : vector<1x128x128xbf16> to vector<128x128xbf16>
    %slice3A_292 = vector.extract_strided_slice %concatenate3A_289 {offsets = [0, 0], sizes = [128, 512], strides = [1, 1]} : vector<128x514xf32> to vector<128x512xf32>
    %convert_element_type3A_293 = arith.truncf %slice3A_292 : vector<128x512xf32> to vector<128x512xbf16>
    %dot_general3A_294 = arith.constant dense<0.000000e+00> : vector<128x512xf32>
    %dot_general3A_295 = tpu.matmul %squeeze3A_291, %convert_element_type3A_293, %dot_general3A_294 {dimension_numbers = #tpu.dot_dimension_numbers<[1], [0], [0], [1], [0, 0, 1, 1], [], []>, transpose_lhs_hint = false} : vector<128x128xbf16>, vector<128x512xbf16>, vector<128x512xf32> -> vector<128x512xf32>
    %slice3A_296 = vector.extract_strided_slice %get3A_222 {offsets = [1, 0, 0], sizes = [1, 128, 128], strides = [1, 1, 1]} : vector<3x128x128xbf16> to vector<1x128x128xbf16>
    %squeeze3A_297 = vector.shape_cast %slice3A_296 : vector<1x128x128xbf16> to vector<128x128xbf16>
    %slice3A_298 = vector.extract_strided_slice %concatenate3A_289 {offsets = [0, 1], sizes = [128, 512], strides = [1, 1]} : vector<128x514xf32> to vector<128x512xf32>
    %convert_element_type3A_299 = arith.truncf %slice3A_298 : vector<128x512xf32> to vector<128x512xbf16>
    %dot_general3A_300 = arith.constant dense<0.000000e+00> : vector<128x512xf32>
    %dot_general3A_301 = tpu.matmul %squeeze3A_297, %convert_element_type3A_299, %dot_general3A_300 {dimension_numbers = #tpu.dot_dimension_numbers<[1], [0], [0], [1], [0, 0, 1, 1], [], []>, transpose_lhs_hint = false} : vector<128x128xbf16>, vector<128x512xbf16>, vector<128x512xf32> -> vector<128x512xf32>
    %add3A_302 = arith.addf %dot_general3A_295, %dot_general3A_301 : vector<128x512xf32>
    %slice3A_303 = vector.extract_strided_slice %get3A_222 {offsets = [2, 0, 0], sizes = [1, 128, 128], strides = [1, 1, 1]} : vector<3x128x128xbf16> to vector<1x128x128xbf16>
    %squeeze3A_304 = vector.shape_cast %slice3A_303 : vector<1x128x128xbf16> to vector<128x128xbf16>
    %slice3A_305 = vector.extract_strided_slice %concatenate3A_289 {offsets = [0, 2], sizes = [128, 512], strides = [1, 1]} : vector<128x514xf32> to vector<128x512xf32>
    %convert_element_type3A_306 = arith.truncf %slice3A_305 : vector<128x512xf32> to vector<128x512xbf16>
    %dot_general3A_307 = arith.constant dense<0.000000e+00> : vector<128x512xf32>
    %dot_general3A_308 = tpu.matmul %squeeze3A_304, %convert_element_type3A_306, %dot_general3A_307 {dimension_numbers = #tpu.dot_dimension_numbers<[1], [0], [0], [1], [0, 0, 1, 1], [], []>, transpose_lhs_hint = false} : vector<128x128xbf16>, vector<128x512xbf16>, vector<128x512xf32> -> vector<128x512xf32>
    %add3A_309 = arith.addf %add3A_302, %dot_general3A_308 : vector<128x512xf32>
    %reduce_sum3A_310 = arith.constant dense<0.000000e+00> : vector<128xf32>
    %reduce_sum3A_311 = vector.multi_reduction <add>, %add3A_309, %reduce_sum3A_310 [1] : vector<128x512xf32> to vector<128xf32>
    %broadcast_in_dim3A_312 = vector.shape_cast %reduce_sum3A_311 : vector<128xf32> to vector<128x1xf32>
    %mul3A_313 = arith.mulf %add3A_309, %add3A_309 : vector<128x512xf32>
    %reduce_sum3A_314 = arith.constant dense<0.000000e+00> : vector<128xf32>
    %reduce_sum3A_315 = vector.multi_reduction <add>, %mul3A_313, %reduce_sum3A_314 [1] : vector<128x512xf32> to vector<128xf32>
    %broadcast_in_dim3A_316 = vector.shape_cast %reduce_sum3A_315 : vector<128xf32> to vector<128x1xf32>
    %concatenate3A_317 = tpu.concatenate %broadcast_in_dim3A_312, %broadcast_in_dim3A_316 in 1 : vector<128x1xf32>, vector<128x1xf32> -> vector<128x2xf32>
    %div3A_318 = arith.constant 5.120000e+02 : f32
    %div3A_319 = vector.broadcast %div3A_318 : f32 to vector<128x2xf32>
    %div3A_320 = arith.divf %concatenate3A_317, %div3A_319 : vector<128x2xf32>
    %dot_general3A_321 = arith.constant dense<0.000000e+00> : vector<128x2xf32>
    %dot_general3A_322 = tpu.matmul %get3A_1, %div3A_320, %dot_general3A_321 {dimension_numbers = #tpu.dot_dimension_numbers<[1], [0], [0], [1], [0, 0, 1, 1], [], []>, precision = #tpu.contract_precision<fp32>, transpose_lhs_hint = false} : vector<128x128xf32>, vector<128x2xf32>, vector<128x2xf32> -> vector<128x2xf32>
    %slice3A_323 = vector.extract_strided_slice %dot_general3A_322 {offsets = [0, 0], sizes = [128, 1], strides = [1, 1]} : vector<128x2xf32> to vector<128x1xf32>
    %slice3A_324 = vector.extract_strided_slice %dot_general3A_322 {offsets = [0, 1], sizes = [128, 1], strides = [1, 1]} : vector<128x2xf32> to vector<128x1xf32>
    %mul3A_325 = arith.mulf %slice3A_323, %slice3A_323 : vector<128x1xf32>
    %sub3A_326 = arith.subf %slice3A_324, %mul3A_325 : vector<128x1xf32>
    %add3A_327 = arith.constant 9.99999974E-6 : f32
    %add3A_328 = vector.broadcast %add3A_327 : f32 to vector<128x1xf32>
    %add3A_329 = arith.addf %sub3A_326, %add3A_328 : vector<128x1xf32>
    %sqrt3A_330 = math.sqrt %add3A_329 : vector<128x1xf32>
    %div3A_331 = arith.constant 1.000000e+00 : f32
    %div3A_332 = vector.broadcast %div3A_331 : f32 to vector<128x1xf32>
    %div3A_333 = arith.divf %div3A_332, %sqrt3A_330 : vector<128x1xf32>
    %sub3A_334 = vector.broadcast %slice3A_323 : vector<128x1xf32> to vector<128x512xf32>
    %sub3A_335 = arith.subf %add3A_309, %sub3A_334 : vector<128x512xf32>
    %mul3A_336 = vector.broadcast %div3A_333 : vector<128x1xf32> to vector<128x512xf32>
    %mul3A_337 = arith.mulf %sub3A_335, %mul3A_336 : vector<128x512xf32>
    %mul3A_338 = vector.broadcast %get3A_225 : vector<128x1xf32> to vector<128x512xf32>
    %mul3A_339 = arith.mulf %mul3A_337, %mul3A_338 : vector<128x512xf32>
    %add3A_340 = vector.broadcast %get3A_228 : vector<128x1xf32> to vector<128x512xf32>
    %add3A_341 = arith.addf %mul3A_339, %add3A_340 : vector<128x512xf32>
    %add3A_342 = arith.addf %dot_general3A_208, %add3A_341 : vector<128x512xf32>
    %max3A_343 = arith.constant 0.000000e+00 : f32
    %max3A_344 = vector.broadcast %max3A_343 : f32 to vector<128x512xf32>
    %max3A_345 = arith.maximumf %add3A_342, %max3A_344 : vector<128x512xf32>
    %get3A_346 = arith.constant 0 : index
    %get3A_347 = arith.constant 0 : index
    %get3A_348 = arith.constant 0 : index
    %get3A_349 = vector.load %arg11[%get3A_346, %get3A_347, %get3A_348] : memref<5x80x128xbf16, #tpu.memory_space<vmem>>, vector<5x80x128xbf16>
    %broadcast_in_dim3A_350 = arith.constant 0.000000e+00 : f32
    %broadcast_in_dim3A_351 = vector.broadcast %broadcast_in_dim3A_350 : f32 to vector<128x2xf32>
    %concatenate3A_352 = tpu.concatenate %broadcast_in_dim3A_351, %max3A_345, %broadcast_in_dim3A_351 in 1 : vector<128x2xf32>, vector<128x512xf32>, vector<128x2xf32> -> vector<128x516xf32>
    %slice3A_353 = vector.extract_strided_slice %get3A_349 {offsets = [0, 0, 0], sizes = [1, 80, 128], strides = [1, 1, 1]} : vector<5x80x128xbf16> to vector<1x80x128xbf16>
    %squeeze3A_354 = vector.shape_cast %slice3A_353 : vector<1x80x128xbf16> to vector<80x128xbf16>
    %slice3A_355 = vector.extract_strided_slice %concatenate3A_352 {offsets = [0, 0], sizes = [128, 512], strides = [1, 1]} : vector<128x516xf32> to vector<128x512xf32>
    %convert_element_type3A_356 = arith.truncf %slice3A_355 : vector<128x512xf32> to vector<128x512xbf16>
    %dot_general3A_357 = arith.constant dense<0.000000e+00> : vector<80x512xf32>
    %dot_general3A_358 = tpu.matmul %squeeze3A_354, %convert_element_type3A_356, %dot_general3A_357 {dimension_numbers = #tpu.dot_dimension_numbers<[1], [0], [0], [1], [0, 0, 1, 1], [], []>, transpose_lhs_hint = false} : vector<80x128xbf16>, vector<128x512xbf16>, vector<80x512xf32> -> vector<80x512xf32>
    %slice3A_359 = vector.extract_strided_slice %get3A_349 {offsets = [1, 0, 0], sizes = [1, 80, 128], strides = [1, 1, 1]} : vector<5x80x128xbf16> to vector<1x80x128xbf16>
    %squeeze3A_360 = vector.shape_cast %slice3A_359 : vector<1x80x128xbf16> to vector<80x128xbf16>
    %slice3A_361 = vector.extract_strided_slice %concatenate3A_352 {offsets = [0, 1], sizes = [128, 512], strides = [1, 1]} : vector<128x516xf32> to vector<128x512xf32>
    %convert_element_type3A_362 = arith.truncf %slice3A_361 : vector<128x512xf32> to vector<128x512xbf16>
    %dot_general3A_363 = arith.constant dense<0.000000e+00> : vector<80x512xf32>
    %dot_general3A_364 = tpu.matmul %squeeze3A_360, %convert_element_type3A_362, %dot_general3A_363 {dimension_numbers = #tpu.dot_dimension_numbers<[1], [0], [0], [1], [0, 0, 1, 1], [], []>, transpose_lhs_hint = false} : vector<80x128xbf16>, vector<128x512xbf16>, vector<80x512xf32> -> vector<80x512xf32>
    %add3A_365 = arith.addf %dot_general3A_358, %dot_general3A_364 : vector<80x512xf32>
    %slice3A_366 = vector.extract_strided_slice %get3A_349 {offsets = [2, 0, 0], sizes = [1, 80, 128], strides = [1, 1, 1]} : vector<5x80x128xbf16> to vector<1x80x128xbf16>
    %squeeze3A_367 = vector.shape_cast %slice3A_366 : vector<1x80x128xbf16> to vector<80x128xbf16>
    %slice3A_368 = vector.extract_strided_slice %concatenate3A_352 {offsets = [0, 2], sizes = [128, 512], strides = [1, 1]} : vector<128x516xf32> to vector<128x512xf32>
    %convert_element_type3A_369 = arith.truncf %slice3A_368 : vector<128x512xf32> to vector<128x512xbf16>
    %dot_general3A_370 = arith.constant dense<0.000000e+00> : vector<80x512xf32>
    %dot_general3A_371 = tpu.matmul %squeeze3A_367, %convert_element_type3A_369, %dot_general3A_370 {dimension_numbers = #tpu.dot_dimension_numbers<[1], [0], [0], [1], [0, 0, 1, 1], [], []>, transpose_lhs_hint = false} : vector<80x128xbf16>, vector<128x512xbf16>, vector<80x512xf32> -> vector<80x512xf32>
    %add3A_372 = arith.addf %add3A_365, %dot_general3A_371 : vector<80x512xf32>
    %slice3A_373 = vector.extract_strided_slice %get3A_349 {offsets = [3, 0, 0], sizes = [1, 80, 128], strides = [1, 1, 1]} : vector<5x80x128xbf16> to vector<1x80x128xbf16>
    %squeeze3A_374 = vector.shape_cast %slice3A_373 : vector<1x80x128xbf16> to vector<80x128xbf16>
    %slice3A_375 = vector.extract_strided_slice %concatenate3A_352 {offsets = [0, 3], sizes = [128, 512], strides = [1, 1]} : vector<128x516xf32> to vector<128x512xf32>
    %convert_element_type3A_376 = arith.truncf %slice3A_375 : vector<128x512xf32> to vector<128x512xbf16>
    %dot_general3A_377 = arith.constant dense<0.000000e+00> : vector<80x512xf32>
    %dot_general3A_378 = tpu.matmul %squeeze3A_374, %convert_element_type3A_376, %dot_general3A_377 {dimension_numbers = #tpu.dot_dimension_numbers<[1], [0], [0], [1], [0, 0, 1, 1], [], []>, transpose_lhs_hint = false} : vector<80x128xbf16>, vector<128x512xbf16>, vector<80x512xf32> -> vector<80x512xf32>
    %add3A_379 = arith.addf %add3A_372, %dot_general3A_378 : vector<80x512xf32>
    %slice3A_380 = vector.extract_strided_slice %get3A_349 {offsets = [4, 0, 0], sizes = [1, 80, 128], strides = [1, 1, 1]} : vector<5x80x128xbf16> to vector<1x80x128xbf16>
    %squeeze3A_381 = vector.shape_cast %slice3A_380 : vector<1x80x128xbf16> to vector<80x128xbf16>
    %slice3A_382 = vector.extract_strided_slice %concatenate3A_352 {offsets = [0, 4], sizes = [128, 512], strides = [1, 1]} : vector<128x516xf32> to vector<128x512xf32>
    %convert_element_type3A_383 = arith.truncf %slice3A_382 : vector<128x512xf32> to vector<128x512xbf16>
    %dot_general3A_384 = arith.constant dense<0.000000e+00> : vector<80x512xf32>
    %dot_general3A_385 = tpu.matmul %squeeze3A_381, %convert_element_type3A_383, %dot_general3A_384 {dimension_numbers = #tpu.dot_dimension_numbers<[1], [0], [0], [1], [0, 0, 1, 1], [], []>, transpose_lhs_hint = false} : vector<80x128xbf16>, vector<128x512xbf16>, vector<80x512xf32> -> vector<80x512xf32>
    %add3A_386 = arith.addf %add3A_379, %dot_general3A_385 : vector<80x512xf32>
    %get3A_387 = arith.constant 0 : index
    %get3A_388 = arith.constant 0 : index
    %get3A_389 = vector.load %arg12[%get3A_387, %get3A_388] : memref<80x1xf32, #tpu.memory_space<vmem>>, vector<80x1xf32>
    %add3A_390 = vector.broadcast %get3A_389 : vector<80x1xf32> to vector<80x512xf32>
    %add3A_391 = arith.addf %add3A_386, %add3A_390 : vector<80x512xf32>
    %swap3A = arith.constant 0 : index
    %swap3A_392 = arith.constant 0 : index
    %swap3A_393 = arith.constant 0 : index
    %swap3A_394 = vector.load %arg16[%swap3A, %swap3A_392, %swap3A_393] : memref<8x80x512xf32, #tpu.memory_space<vmem>>, vector<1x80x512xf32>
    %swap3A_395 = vector.shape_cast %swap3A_394 : vector<1x80x512xf32> to vector<80x512xf32>
    %swap3A_396 = vector.shape_cast %add3A_391 : vector<80x512xf32> to vector<1x80x512xf32>
    tpu.vector_store %arg16[%swap3A, %swap3A_392, %swap3A_393], %swap3A_396 {strides = array<i32>} : memref<8x80x512xf32, #tpu.memory_space<vmem>>, vector<1x80x512xf32>,
    %get3A_397 = arith.constant 1 : index
    %get3A_398 = arith.constant 0 : index
    %get3A_399 = arith.constant 0 : index
    %get3A_400 = vector.load %arg1[%get3A_397, %get3A_398, %get3A_399] : memref<8x64x128xf32, #tpu.memory_space<vmem>>, vector<1x64x128xf32>
    %get3A_401 = vector.shape_cast %get3A_400 : vector<1x64x128xf32> to vector<64x128xf32>
    %get3A_402 = arith.constant 0 : index
    %get3A_403 = arith.constant 0 : index
    %get3A_404 = arith.constant 0 : index
    %get3A_405 = vector.load %arg2[%get3A_402, %get3A_403, %get3A_404] : memref<3x128x64xbf16, #tpu.memory_space<vmem>>, vector<3x128x64xbf16>
    %broadcast_in_dim3A_406 = arith.constant 0.000000e+00 : f32
    %broadcast_in_dim3A_407 = vector.broadcast %broadcast_in_dim3A_406 : f32 to vector<64x1xf32>
    %concatenate3A_408 = tpu.concatenate %broadcast_in_dim3A_407, %get3A_401, %broadcast_in_dim3A_407 in 1 : vector<64x1xf32>, vector<64x128xf32>, vector<64x1xf32> -> vector<64x130xf32>
    %slice3A_409 = vector.extract_strided_slice %get3A_405 {offsets = [0, 0, 0], sizes = [1, 128, 64], strides = [1, 1, 1]} : vector<3x128x64xbf16> to vector<1x128x64xbf16>
    %squeeze3A_410 = vector.shape_cast %slice3A_409 : vector<1x128x64xbf16> to vector<128x64xbf16>
    %slice3A_411 = vector.extract_strided_slice %concatenate3A_408 {offsets = [0, 0], sizes = [64, 128], strides = [1, 1]} : vector<64x130xf32> to vector<64x128xf32>
    %convert_element_type3A_412 = arith.truncf %slice3A_411 : vector<64x128xf32> to vector<64x128xbf16>
    %dot_general3A_413 = arith.constant dense<0.000000e+00> : vector<128x128xf32>
    %dot_general3A_414 = tpu.matmul %squeeze3A_410, %convert_element_type3A_412, %dot_general3A_413 {dimension_numbers = #tpu.dot_dimension_numbers<[1], [0], [0], [1], [0, 0, 1, 1], [], []>, transpose_lhs_hint = false} : vector<128x64xbf16>, vector<64x128xbf16>, vector<128x128xf32> -> vector<128x128xf32>
    %slice3A_415 = vector.extract_strided_slice %get3A_405 {offsets = [1, 0, 0], sizes = [1, 128, 64], strides = [1, 1, 1]} : vector<3x128x64xbf16> to vector<1x128x64xbf16>
    %squeeze3A_416 = vector.shape_cast %slice3A_415 : vector<1x128x64xbf16> to vector<128x64xbf16>
    %slice3A_417 = vector.extract_strided_slice %concatenate3A_408 {offsets = [0, 1], sizes = [64, 128], strides = [1, 1]} : vector<64x130xf32> to vector<64x128xf32>
    %convert_element_type3A_418 = arith.truncf %slice3A_417 : vector<64x128xf32> to vector<64x128xbf16>
    %dot_general3A_419 = arith.constant dense<0.000000e+00> : vector<128x128xf32>
    %dot_general3A_420 = tpu.matmul %squeeze3A_416, %convert_element_type3A_418, %dot_general3A_419 {dimension_numbers = #tpu.dot_dimension_numbers<[1], [0], [0], [1], [0, 0, 1, 1], [], []>, transpose_lhs_hint = false} : vector<128x64xbf16>, vector<64x128xbf16>, vector<128x128xf32> -> vector<128x128xf32>
    %add3A_421 = arith.addf %dot_general3A_414, %dot_general3A_420 : vector<128x128xf32>
    %slice3A_422 = vector.extract_strided_slice %get3A_405 {offsets = [2, 0, 0], sizes = [1, 128, 64], strides = [1, 1, 1]} : vector<3x128x64xbf16> to vector<1x128x64xbf16>
    %squeeze3A_423 = vector.shape_cast %slice3A_422 : vector<1x128x64xbf16> to vector<128x64xbf16>
    %slice3A_424 = vector.extract_strided_slice %concatenate3A_408 {offsets = [0, 2], sizes = [64, 128], strides = [1, 1]} : vector<64x130xf32> to vector<64x128xf32>
    %convert_element_type3A_425 = arith.truncf %slice3A_424 : vector<64x128xf32> to vector<64x128xbf16>
    %dot_general3A_426 = arith.constant dense<0.000000e+00> : vector<128x128xf32>
    %dot_general3A_427 = tpu.matmul %squeeze3A_423, %convert_element_type3A_425, %dot_general3A_426 {dimension_numbers = #tpu.dot_dimension_numbers<[1], [0], [0], [1], [0, 0, 1, 1], [], []>, transpose_lhs_hint = false} : vector<128x64xbf16>, vector<64x128xbf16>, vector<128x128xf32> -> vector<128x128xf32>
    %add3A_428 = arith.addf %add3A_421, %dot_general3A_427 : vector<128x128xf32>
    %get3A_429 = arith.constant 0 : index
    %get3A_430 = arith.constant 0 : index
    %get3A_431 = vector.load %arg3[%get3A_429, %get3A_430] : memref<128x1xf32, #tpu.memory_space<vmem>>, vector<128x1xf32>
    %get3A_432 = arith.constant 0 : index
    %get3A_433 = arith.constant 0 : index
    %get3A_434 = vector.load %arg4[%get3A_432, %get3A_433] : memref<128x1xf32, #tpu.memory_space<vmem>>, vector<128x1xf32>
    %reduce_sum3A_435 = arith.constant dense<0.000000e+00> : vector<128xf32>
    %reduce_sum3A_436 = vector.multi_reduction <add>, %add3A_428, %reduce_sum3A_435 [1] : vector<128x128xf32> to vector<128xf32>
    %broadcast_in_dim3A_437 = vector.shape_cast %reduce_sum3A_436 : vector<128xf32> to vector<128x1xf32>
    %mul3A_438 = arith.mulf %add3A_428, %add3A_428 : vector<128x128xf32>
    %reduce_sum3A_439 = arith.constant dense<0.000000e+00> : vector<128xf32>
    %reduce_sum3A_440 = vector.multi_reduction <add>, %mul3A_438, %reduce_sum3A_439 [1] : vector<128x128xf32> to vector<128xf32>
    %broadcast_in_dim3A_441 = vector.shape_cast %reduce_sum3A_440 : vector<128xf32> to vector<128x1xf32>
    %concatenate3A_442 = tpu.concatenate %broadcast_in_dim3A_437, %broadcast_in_dim3A_441 in 1 : vector<128x1xf32>, vector<128x1xf32> -> vector<128x2xf32>
    %div3A_443 = arith.constant 1.280000e+02 : f32
    %div3A_444 = vector.broadcast %div3A_443 : f32 to vector<128x2xf32>
    %div3A_445 = arith.divf %concatenate3A_442, %div3A_444 : vector<128x2xf32>
    %dot_general3A_446 = arith.constant dense<0.000000e+00> : vector<128x2xf32>
    %dot_general3A_447 = tpu.matmul %get3A_1, %div3A_445, %dot_general3A_446 {dimension_numbers = #tpu.dot_dimension_numbers<[1], [0], [0], [1], [0, 0, 1, 1], [], []>, precision = #tpu.contract_precision<fp32>, transpose_lhs_hint = false} : vector<128x128xf32>, vector<128x2xf32>, vector<128x2xf32> -> vector<128x2xf32>
    %slice3A_448 = vector.extract_strided_slice %dot_general3A_447 {offsets = [0, 0], sizes = [128, 1], strides = [1, 1]} : vector<128x2xf32> to vector<128x1xf32>
    %slice3A_449 = vector.extract_strided_slice %dot_general3A_447 {offsets = [0, 1], sizes = [128, 1], strides = [1, 1]} : vector<128x2xf32> to vector<128x1xf32>
    %mul3A_450 = arith.mulf %slice3A_448, %slice3A_448 : vector<128x1xf32>
    %sub3A_451 = arith.subf %slice3A_449, %mul3A_450 : vector<128x1xf32>
    %add3A_452 = arith.constant 9.99999974E-6 : f32
    %add3A_453 = vector.broadcast %add3A_452 : f32 to vector<128x1xf32>
    %add3A_454 = arith.addf %sub3A_451, %add3A_453 : vector<128x1xf32>
    %sqrt3A_455 = math.sqrt %add3A_454 : vector<128x1xf32>
    %div3A_456 = arith.constant 1.000000e+00 : f32
    %div3A_457 = vector.broadcast %div3A_456 : f32 to vector<128x1xf32>
    %div3A_458 = arith.divf %div3A_457, %sqrt3A_455 : vector<128x1xf32>
    %sub3A_459 = vector.broadcast %slice3A_448 : vector<128x1xf32> to vector<128x128xf32>
    %sub3A_460 = arith.subf %add3A_428, %sub3A_459 : vector<128x128xf32>
    %mul3A_461 = vector.broadcast %div3A_458 : vector<128x1xf32> to vector<128x128xf32>
    %mul3A_462 = arith.mulf %sub3A_460, %mul3A_461 : vector<128x128xf32>
    %mul3A_463 = vector.broadcast %get3A_431 : vector<128x1xf32> to vector<128x128xf32>
    %mul3A_464 = arith.mulf %mul3A_462, %mul3A_463 : vector<128x128xf32>
    %add3A_465 = vector.broadcast %get3A_434 : vector<128x1xf32> to vector<128x128xf32>
    %add3A_466 = arith.addf %mul3A_464, %add3A_465 : vector<128x128xf32>
    %max3A_467 = arith.constant 0.000000e+00 : f32
    %max3A_468 = vector.broadcast %max3A_467 : f32 to vector<128x128xf32>
    %max3A_469 = arith.maximumf %add3A_466, %max3A_468 : vector<128x128xf32>
    %get3A_470 = arith.constant 0 : index
    %get3A_471 = arith.constant 0 : index
    %get3A_472 = vector.load %arg14[%get3A_470, %get3A_471] : memref<128x256xf32, #tpu.memory_space<vmem>>, vector<128x256xf32>
    %dot_general3A_473 = arith.constant dense<0.000000e+00> : vector<128x256xf32>
    %dot_general3A_474 = tpu.matmul %max3A_469, %get3A_472, %dot_general3A_473 {dimension_numbers = #tpu.dot_dimension_numbers<[1], [0], [0], [1], [0, 0, 1, 1], [], []>, precision = #tpu.contract_precision<fp32>, transpose_lhs_hint = false} : vector<128x128xf32>, vector<128x256xf32>, vector<128x256xf32> -> vector<128x256xf32>
    %get3A_475 = arith.constant 0 : index
    %get3A_476 = arith.constant 0 : index
    %get3A_477 = arith.constant 0 : index
    %get3A_478 = vector.load %arg5[%get3A_475, %get3A_476, %get3A_477] : memref<3x128x128xbf16, #tpu.memory_space<vmem>>, vector<3x128x128xbf16>
    %get3A_479 = arith.constant 0 : index
    %get3A_480 = arith.constant 0 : index
    %get3A_481 = vector.load %arg6[%get3A_479, %get3A_480] : memref<128x1xf32, #tpu.memory_space<vmem>>, vector<128x1xf32>
    %get3A_482 = arith.constant 0 : index
    %get3A_483 = arith.constant 0 : index
    %get3A_484 = vector.load %arg7[%get3A_482, %get3A_483] : memref<128x1xf32, #tpu.memory_space<vmem>>, vector<128x1xf32>
    %get3A_485 = arith.constant 0 : index
    %get3A_486 = arith.constant 0 : index
    %get3A_487 = arith.constant 0 : index
    %get3A_488 = vector.load %arg8[%get3A_485, %get3A_486, %get3A_487] : memref<3x128x128xbf16, #tpu.memory_space<vmem>>, vector<3x128x128xbf16>
    %get3A_489 = arith.constant 0 : index
    %get3A_490 = arith.constant 0 : index
    %get3A_491 = vector.load %arg9[%get3A_489, %get3A_490] : memref<128x1xf32, #tpu.memory_space<vmem>>, vector<128x1xf32>
    %get3A_492 = arith.constant 0 : index
    %get3A_493 = arith.constant 0 : index
    %get3A_494 = vector.load %arg10[%get3A_492, %get3A_493] : memref<128x1xf32, #tpu.memory_space<vmem>>, vector<128x1xf32>
    %broadcast_in_dim3A_495 = arith.constant 0.000000e+00 : f32
    %broadcast_in_dim3A_496 = vector.broadcast %broadcast_in_dim3A_495 : f32 to vector<128x1xf32>
    %concatenate3A_497 = tpu.concatenate %broadcast_in_dim3A_496, %dot_general3A_474, %broadcast_in_dim3A_496 in 1 : vector<128x1xf32>, vector<128x256xf32>, vector<128x1xf32> -> vector<128x258xf32>
    %slice3A_498 = vector.extract_strided_slice %get3A_478 {offsets = [0, 0, 0], sizes = [1, 128, 128], strides = [1, 1, 1]} : vector<3x128x128xbf16> to vector<1x128x128xbf16>
    %squeeze3A_499 = vector.shape_cast %slice3A_498 : vector<1x128x128xbf16> to vector<128x128xbf16>
    %slice3A_500 = vector.extract_strided_slice %concatenate3A_497 {offsets = [0, 0], sizes = [128, 256], strides = [1, 1]} : vector<128x258xf32> to vector<128x256xf32>
    %convert_element_type3A_501 = arith.truncf %slice3A_500 : vector<128x256xf32> to vector<128x256xbf16>
    %dot_general3A_502 = arith.constant dense<0.000000e+00> : vector<128x256xf32>
    %dot_general3A_503 = tpu.matmul %squeeze3A_499, %convert_element_type3A_501, %dot_general3A_502 {dimension_numbers = #tpu.dot_dimension_numbers<[1], [0], [0], [1], [0, 0, 1, 1], [], []>, transpose_lhs_hint = false} : vector<128x128xbf16>, vector<128x256xbf16>, vector<128x256xf32> -> vector<128x256xf32>
    %slice3A_504 = vector.extract_strided_slice %get3A_478 {offsets = [1, 0, 0], sizes = [1, 128, 128], strides = [1, 1, 1]} : vector<3x128x128xbf16> to vector<1x128x128xbf16>
    %squeeze3A_505 = vector.shape_cast %slice3A_504 : vector<1x128x128xbf16> to vector<128x128xbf16>
    %slice3A_506 = vector.extract_strided_slice %concatenate3A_497 {offsets = [0, 1], sizes = [128, 256], strides = [1, 1]} : vector<128x258xf32> to vector<128x256xf32>
    %convert_element_type3A_507 = arith.truncf %slice3A_506 : vector<128x256xf32> to vector<128x256xbf16>
    %dot_general3A_508 = arith.constant dense<0.000000e+00> : vector<128x256xf32>
    %dot_general3A_509 = tpu.matmul %squeeze3A_505, %convert_element_type3A_507, %dot_general3A_508 {dimension_numbers = #tpu.dot_dimension_numbers<[1], [0], [0], [1], [0, 0, 1, 1], [], []>, transpose_lhs_hint = false} : vector<128x128xbf16>, vector<128x256xbf16>, vector<128x256xf32> -> vector<128x256xf32>
    %add3A_510 = arith.addf %dot_general3A_503, %dot_general3A_509 : vector<128x256xf32>
    %slice3A_511 = vector.extract_strided_slice %get3A_478 {offsets = [2, 0, 0], sizes = [1, 128, 128], strides = [1, 1, 1]} : vector<3x128x128xbf16> to vector<1x128x128xbf16>
    %squeeze3A_512 = vector.shape_cast %slice3A_511 : vector<1x128x128xbf16> to vector<128x128xbf16>
    %slice3A_513 = vector.extract_strided_slice %concatenate3A_497 {offsets = [0, 2], sizes = [128, 256], strides = [1, 1]} : vector<128x258xf32> to vector<128x256xf32>
    %convert_element_type3A_514 = arith.truncf %slice3A_513 : vector<128x256xf32> to vector<128x256xbf16>
    %dot_general3A_515 = arith.constant dense<0.000000e+00> : vector<128x256xf32>
    %dot_general3A_516 = tpu.matmul %squeeze3A_512, %convert_element_type3A_514, %dot_general3A_515 {dimension_numbers = #tpu.dot_dimension_numbers<[1], [0], [0], [1], [0, 0, 1, 1], [], []>, transpose_lhs_hint = false} : vector<128x128xbf16>, vector<128x256xbf16>, vector<128x256xf32> -> vector<128x256xf32>
    %add3A_517 = arith.addf %add3A_510, %dot_general3A_516 : vector<128x256xf32>
    %reduce_sum3A_518 = arith.constant dense<0.000000e+00> : vector<128xf32>
    %reduce_sum3A_519 = vector.multi_reduction <add>, %add3A_517, %reduce_sum3A_518 [1] : vector<128x256xf32> to vector<128xf32>
    %broadcast_in_dim3A_520 = vector.shape_cast %reduce_sum3A_519 : vector<128xf32> to vector<128x1xf32>
    %mul3A_521 = arith.mulf %add3A_517, %add3A_517 : vector<128x256xf32>
    %reduce_sum3A_522 = arith.constant dense<0.000000e+00> : vector<128xf32>
    %reduce_sum3A_523 = vector.multi_reduction <add>, %mul3A_521, %reduce_sum3A_522 [1] : vector<128x256xf32> to vector<128xf32>
    %broadcast_in_dim3A_524 = vector.shape_cast %reduce_sum3A_523 : vector<128xf32> to vector<128x1xf32>
    %concatenate3A_525 = tpu.concatenate %broadcast_in_dim3A_520, %broadcast_in_dim3A_524 in 1 : vector<128x1xf32>, vector<128x1xf32> -> vector<128x2xf32>
    %div3A_526 = arith.constant 2.560000e+02 : f32
    %div3A_527 = vector.broadcast %div3A_526 : f32 to vector<128x2xf32>
    %div3A_528 = arith.divf %concatenate3A_525, %div3A_527 : vector<128x2xf32>
    %dot_general3A_529 = arith.constant dense<0.000000e+00> : vector<128x2xf32>
    %dot_general3A_530 = tpu.matmul %get3A_1, %div3A_528, %dot_general3A_529 {dimension_numbers = #tpu.dot_dimension_numbers<[1], [0], [0], [1], [0, 0, 1, 1], [], []>, precision = #tpu.contract_precision<fp32>, transpose_lhs_hint = false} : vector<128x128xf32>, vector<128x2xf32>, vector<128x2xf32> -> vector<128x2xf32>
    %slice3A_531 = vector.extract_strided_slice %dot_general3A_530 {offsets = [0, 0], sizes = [128, 1], strides = [1, 1]} : vector<128x2xf32> to vector<128x1xf32>
    %slice3A_532 = vector.extract_strided_slice %dot_general3A_530 {offsets = [0, 1], sizes = [128, 1], strides = [1, 1]} : vector<128x2xf32> to vector<128x1xf32>
    %mul3A_533 = arith.mulf %slice3A_531, %slice3A_531 : vector<128x1xf32>
    %sub3A_534 = arith.subf %slice3A_532, %mul3A_533 : vector<128x1xf32>
    %add3A_535 = arith.constant 9.99999974E-6 : f32
    %add3A_536 = vector.broadcast %add3A_535 : f32 to vector<128x1xf32>
    %add3A_537 = arith.addf %sub3A_534, %add3A_536 : vector<128x1xf32>
    %sqrt3A_538 = math.sqrt %add3A_537 : vector<128x1xf32>
    %div3A_539 = arith.constant 1.000000e+00 : f32
    %div3A_540 = vector.broadcast %div3A_539 : f32 to vector<128x1xf32>
    %div3A_541 = arith.divf %div3A_540, %sqrt3A_538 : vector<128x1xf32>
    %sub3A_542 = vector.broadcast %slice3A_531 : vector<128x1xf32> to vector<128x256xf32>
    %sub3A_543 = arith.subf %add3A_517, %sub3A_542 : vector<128x256xf32>
    %mul3A_544 = vector.broadcast %div3A_541 : vector<128x1xf32> to vector<128x256xf32>
    %mul3A_545 = arith.mulf %sub3A_543, %mul3A_544 : vector<128x256xf32>
    %mul3A_546 = vector.broadcast %get3A_481 : vector<128x1xf32> to vector<128x256xf32>
    %mul3A_547 = arith.mulf %mul3A_545, %mul3A_546 : vector<128x256xf32>
    %add3A_548 = vector.broadcast %get3A_484 : vector<128x1xf32> to vector<128x256xf32>
    %add3A_549 = arith.addf %mul3A_547, %add3A_548 : vector<128x256xf32>
    %max3A_550 = arith.constant 0.000000e+00 : f32
    %max3A_551 = vector.broadcast %max3A_550 : f32 to vector<128x256xf32>
    %max3A_552 = arith.maximumf %add3A_549, %max3A_551 : vector<128x256xf32>
    %broadcast_in_dim3A_553 = arith.constant 0.000000e+00 : f32
    %broadcast_in_dim3A_554 = vector.broadcast %broadcast_in_dim3A_553 : f32 to vector<128x1xf32>
    %concatenate3A_555 = tpu.concatenate %broadcast_in_dim3A_554, %max3A_552, %broadcast_in_dim3A_554 in 1 : vector<128x1xf32>, vector<128x256xf32>, vector<128x1xf32> -> vector<128x258xf32>
    %slice3A_556 = vector.extract_strided_slice %get3A_488 {offsets = [0, 0, 0], sizes = [1, 128, 128], strides = [1, 1, 1]} : vector<3x128x128xbf16> to vector<1x128x128xbf16>
    %squeeze3A_557 = vector.shape_cast %slice3A_556 : vector<1x128x128xbf16> to vector<128x128xbf16>
    %slice3A_558 = vector.extract_strided_slice %concatenate3A_555 {offsets = [0, 0], sizes = [128, 256], strides = [1, 1]} : vector<128x258xf32> to vector<128x256xf32>
    %convert_element_type3A_559 = arith.truncf %slice3A_558 : vector<128x256xf32> to vector<128x256xbf16>
    %dot_general3A_560 = arith.constant dense<0.000000e+00> : vector<128x256xf32>
    %dot_general3A_561 = tpu.matmul %squeeze3A_557, %convert_element_type3A_559, %dot_general3A_560 {dimension_numbers = #tpu.dot_dimension_numbers<[1], [0], [0], [1], [0, 0, 1, 1], [], []>, transpose_lhs_hint = false} : vector<128x128xbf16>, vector<128x256xbf16>, vector<128x256xf32> -> vector<128x256xf32>
    %slice3A_562 = vector.extract_strided_slice %get3A_488 {offsets = [1, 0, 0], sizes = [1, 128, 128], strides = [1, 1, 1]} : vector<3x128x128xbf16> to vector<1x128x128xbf16>
    %squeeze3A_563 = vector.shape_cast %slice3A_562 : vector<1x128x128xbf16> to vector<128x128xbf16>
    %slice3A_564 = vector.extract_strided_slice %concatenate3A_555 {offsets = [0, 1], sizes = [128, 256], strides = [1, 1]} : vector<128x258xf32> to vector<128x256xf32>
    %convert_element_type3A_565 = arith.truncf %slice3A_564 : vector<128x256xf32> to vector<128x256xbf16>
    %dot_general3A_566 = arith.constant dense<0.000000e+00> : vector<128x256xf32>
    %dot_general3A_567 = tpu.matmul %squeeze3A_563, %convert_element_type3A_565, %dot_general3A_566 {dimension_numbers = #tpu.dot_dimension_numbers<[1], [0], [0], [1], [0, 0, 1, 1], [], []>, transpose_lhs_hint = false} : vector<128x128xbf16>, vector<128x256xbf16>, vector<128x256xf32> -> vector<128x256xf32>
    %add3A_568 = arith.addf %dot_general3A_561, %dot_general3A_567 : vector<128x256xf32>
    %slice3A_569 = vector.extract_strided_slice %get3A_488 {offsets = [2, 0, 0], sizes = [1, 128, 128], strides = [1, 1, 1]} : vector<3x128x128xbf16> to vector<1x128x128xbf16>
    %squeeze3A_570 = vector.shape_cast %slice3A_569 : vector<1x128x128xbf16> to vector<128x128xbf16>
    %slice3A_571 = vector.extract_strided_slice %concatenate3A_555 {offsets = [0, 2], sizes = [128, 256], strides = [1, 1]} : vector<128x258xf32> to vector<128x256xf32>
    %convert_element_type3A_572 = arith.truncf %slice3A_571 : vector<128x256xf32> to vector<128x256xbf16>
    %dot_general3A_573 = arith.constant dense<0.000000e+00> : vector<128x256xf32>
    %dot_general3A_574 = tpu.matmul %squeeze3A_570, %convert_element_type3A_572, %dot_general3A_573 {dimension_numbers = #tpu.dot_dimension_numbers<[1], [0], [0], [1], [0, 0, 1, 1], [], []>, transpose_lhs_hint = false} : vector<128x128xbf16>, vector<128x256xbf16>, vector<128x256xf32> -> vector<128x256xf32>
    %add3A_575 = arith.addf %add3A_568, %dot_general3A_574 : vector<128x256xf32>
    %reduce_sum3A_576 = arith.constant dense<0.000000e+00> : vector<128xf32>
    %reduce_sum3A_577 = vector.multi_reduction <add>, %add3A_575, %reduce_sum3A_576 [1] : vector<128x256xf32> to vector<128xf32>
    %broadcast_in_dim3A_578 = vector.shape_cast %reduce_sum3A_577 : vector<128xf32> to vector<128x1xf32>
    %mul3A_579 = arith.mulf %add3A_575, %add3A_575 : vector<128x256xf32>
    %reduce_sum3A_580 = arith.constant dense<0.000000e+00> : vector<128xf32>
    %reduce_sum3A_581 = vector.multi_reduction <add>, %mul3A_579, %reduce_sum3A_580 [1] : vector<128x256xf32> to vector<128xf32>
    %broadcast_in_dim3A_582 = vector.shape_cast %reduce_sum3A_581 : vector<128xf32> to vector<128x1xf32>
    %concatenate3A_583 = tpu.concatenate %broadcast_in_dim3A_578, %broadcast_in_dim3A_582 in 1 : vector<128x1xf32>, vector<128x1xf32> -> vector<128x2xf32>
    %div3A_584 = arith.constant 2.560000e+02 : f32
    %div3A_585 = vector.broadcast %div3A_584 : f32 to vector<128x2xf32>
    %div3A_586 = arith.divf %concatenate3A_583, %div3A_585 : vector<128x2xf32>
    %dot_general3A_587 = arith.constant dense<0.000000e+00> : vector<128x2xf32>
    %dot_general3A_588 = tpu.matmul %get3A_1, %div3A_586, %dot_general3A_587 {dimension_numbers = #tpu.dot_dimension_numbers<[1], [0], [0], [1], [0, 0, 1, 1], [], []>, precision = #tpu.contract_precision<fp32>, transpose_lhs_hint = false} : vector<128x128xf32>, vector<128x2xf32>, vector<128x2xf32> -> vector<128x2xf32>
    %slice3A_589 = vector.extract_strided_slice %dot_general3A_588 {offsets = [0, 0], sizes = [128, 1], strides = [1, 1]} : vector<128x2xf32> to vector<128x1xf32>
    %slice3A_590 = vector.extract_strided_slice %dot_general3A_588 {offsets = [0, 1], sizes = [128, 1], strides = [1, 1]} : vector<128x2xf32> to vector<128x1xf32>
    %mul3A_591 = arith.mulf %slice3A_589, %slice3A_589 : vector<128x1xf32>
    %sub3A_592 = arith.subf %slice3A_590, %mul3A_591 : vector<128x1xf32>
    %add3A_593 = arith.constant 9.99999974E-6 : f32
    %add3A_594 = vector.broadcast %add3A_593 : f32 to vector<128x1xf32>
    %add3A_595 = arith.addf %sub3A_592, %add3A_594 : vector<128x1xf32>
    %sqrt3A_596 = math.sqrt %add3A_595 : vector<128x1xf32>
    %div3A_597 = arith.constant 1.000000e+00 : f32
    %div3A_598 = vector.broadcast %div3A_597 : f32 to vector<128x1xf32>
    %div3A_599 = arith.divf %div3A_598, %sqrt3A_596 : vector<128x1xf32>
    %sub3A_600 = vector.broadcast %slice3A_589 : vector<128x1xf32> to vector<128x256xf32>
    %sub3A_601 = arith.subf %add3A_575, %sub3A_600 : vector<128x256xf32>
    %mul3A_602 = vector.broadcast %div3A_599 : vector<128x1xf32> to vector<128x256xf32>
    %mul3A_603 = arith.mulf %sub3A_601, %mul3A_602 : vector<128x256xf32>
    %mul3A_604 = vector.broadcast %get3A_491 : vector<128x1xf32> to vector<128x256xf32>
    %mul3A_605 = arith.mulf %mul3A_603, %mul3A_604 : vector<128x256xf32>
    %add3A_606 = vector.broadcast %get3A_494 : vector<128x1xf32> to vector<128x256xf32>
    %add3A_607 = arith.addf %mul3A_605, %add3A_606 : vector<128x256xf32>
    %add3A_608 = arith.addf %dot_general3A_474, %add3A_607 : vector<128x256xf32>
    %max3A_609 = arith.constant 0.000000e+00 : f32
    %max3A_610 = vector.broadcast %max3A_609 : f32 to vector<128x256xf32>
    %max3A_611 = arith.maximumf %add3A_608, %max3A_610 : vector<128x256xf32>
    %get3A_612 = arith.constant 0 : index
    %get3A_613 = arith.constant 0 : index
    %get3A_614 = vector.load %arg15[%get3A_612, %get3A_613] : memref<256x512xf32, #tpu.memory_space<vmem>>, vector<256x512xf32>
    %dot_general3A_615 = arith.constant dense<0.000000e+00> : vector<128x512xf32>
    %dot_general3A_616 = tpu.matmul %max3A_611, %get3A_614, %dot_general3A_615 {dimension_numbers = #tpu.dot_dimension_numbers<[1], [0], [0], [1], [0, 0, 1, 1], [], []>, precision = #tpu.contract_precision<fp32>, transpose_lhs_hint = false} : vector<128x256xf32>, vector<256x512xf32>, vector<128x512xf32> -> vector<128x512xf32>
    %get3A_617 = arith.constant 0 : index
    %get3A_618 = arith.constant 0 : index
    %get3A_619 = arith.constant 0 : index
    %get3A_620 = vector.load %arg5[%get3A_617, %get3A_618, %get3A_619] : memref<3x128x128xbf16, #tpu.memory_space<vmem>>, vector<3x128x128xbf16>
    %get3A_621 = arith.constant 0 : index
    %get3A_622 = arith.constant 0 : index
    %get3A_623 = vector.load %arg6[%get3A_621, %get3A_622] : memref<128x1xf32, #tpu.memory_space<vmem>>, vector<128x1xf32>
    %get3A_624 = arith.constant 0 : index
    %get3A_625 = arith.constant 0 : index
    %get3A_626 = vector.load %arg7[%get3A_624, %get3A_625] : memref<128x1xf32, #tpu.memory_space<vmem>>, vector<128x1xf32>
    %get3A_627 = arith.constant 0 : index
    %get3A_628 = arith.constant 0 : index
    %get3A_629 = arith.constant 0 : index
    %get3A_630 = vector.load %arg8[%get3A_627, %get3A_628, %get3A_629] : memref<3x128x128xbf16, #tpu.memory_space<vmem>>, vector<3x128x128xbf16>
    %get3A_631 = arith.constant 0 : index
    %get3A_632 = arith.constant 0 : index
    %get3A_633 = vector.load %arg9[%get3A_631, %get3A_632] : memref<128x1xf32, #tpu.memory_space<vmem>>, vector<128x1xf32>
    %get3A_634 = arith.constant 0 : index
    %get3A_635 = arith.constant 0 : index
    %get3A_636 = vector.load %arg10[%get3A_634, %get3A_635] : memref<128x1xf32, #tpu.memory_space<vmem>>, vector<128x1xf32>
    %broadcast_in_dim3A_637 = arith.constant 0.000000e+00 : f32
    %broadcast_in_dim3A_638 = vector.broadcast %broadcast_in_dim3A_637 : f32 to vector<128x1xf32>
    %concatenate3A_639 = tpu.concatenate %broadcast_in_dim3A_638, %dot_general3A_616, %broadcast_in_dim3A_638 in 1 : vector<128x1xf32>, vector<128x512xf32>, vector<128x1xf32> -> vector<128x514xf32>
    %slice3A_640 = vector.extract_strided_slice %get3A_620 {offsets = [0, 0, 0], sizes = [1, 128, 128], strides = [1, 1, 1]} : vector<3x128x128xbf16> to vector<1x128x128xbf16>
    %squeeze3A_641 = vector.shape_cast %slice3A_640 : vector<1x128x128xbf16> to vector<128x128xbf16>
    %slice3A_642 = vector.extract_strided_slice %concatenate3A_639 {offsets = [0, 0], sizes = [128, 512], strides = [1, 1]} : vector<128x514xf32> to vector<128x512xf32>
    %convert_element_type3A_643 = arith.truncf %slice3A_642 : vector<128x512xf32> to vector<128x512xbf16>
    %dot_general3A_644 = arith.constant dense<0.000000e+00> : vector<128x512xf32>
    %dot_general3A_645 = tpu.matmul %squeeze3A_641, %convert_element_type3A_643, %dot_general3A_644 {dimension_numbers = #tpu.dot_dimension_numbers<[1], [0], [0], [1], [0, 0, 1, 1], [], []>, transpose_lhs_hint = false} : vector<128x128xbf16>, vector<128x512xbf16>, vector<128x512xf32> -> vector<128x512xf32>
    %slice3A_646 = vector.extract_strided_slice %get3A_620 {offsets = [1, 0, 0], sizes = [1, 128, 128], strides = [1, 1, 1]} : vector<3x128x128xbf16> to vector<1x128x128xbf16>
    %squeeze3A_647 = vector.shape_cast %slice3A_646 : vector<1x128x128xbf16> to vector<128x128xbf16>
    %slice3A_648 = vector.extract_strided_slice %concatenate3A_639 {offsets = [0, 1], sizes = [128, 512], strides = [1, 1]} : vector<128x514xf32> to vector<128x512xf32>
    %convert_element_type3A_649 = arith.truncf %slice3A_648 : vector<128x512xf32> to vector<128x512xbf16>
    %dot_general3A_650 = arith.constant dense<0.000000e+00> : vector<128x512xf32>
    %dot_general3A_651 = tpu.matmul %squeeze3A_647, %convert_element_type3A_649, %dot_general3A_650 {dimension_numbers = #tpu.dot_dimension_numbers<[1], [0], [0], [1], [0, 0, 1, 1], [], []>, transpose_lhs_hint = false} : vector<128x128xbf16>, vector<128x512xbf16>, vector<128x512xf32> -> vector<128x512xf32>
    %add3A_652 = arith.addf %dot_general3A_645, %dot_general3A_651 : vector<128x512xf32>
    %slice3A_653 = vector.extract_strided_slice %get3A_620 {offsets = [2, 0, 0], sizes = [1, 128, 128], strides = [1, 1, 1]} : vector<3x128x128xbf16> to vector<1x128x128xbf16>
    %squeeze3A_654 = vector.shape_cast %slice3A_653 : vector<1x128x128xbf16> to vector<128x128xbf16>
    %slice3A_655 = vector.extract_strided_slice %concatenate3A_639 {offsets = [0, 2], sizes = [128, 512], strides = [1, 1]} : vector<128x514xf32> to vector<128x512xf32>
    %convert_element_type3A_656 = arith.truncf %slice3A_655 : vector<128x512xf32> to vector<128x512xbf16>
    %dot_general3A_657 = arith.constant dense<0.000000e+00> : vector<128x512xf32>
    %dot_general3A_658 = tpu.matmul %squeeze3A_654, %convert_element_type3A_656, %dot_general3A_657 {dimension_numbers = #tpu.dot_dimension_numbers<[1], [0], [0], [1], [0, 0, 1, 1], [], []>, transpose_lhs_hint = false} : vector<128x128xbf16>, vector<128x512xbf16>, vector<128x512xf32> -> vector<128x512xf32>
    %add3A_659 = arith.addf %add3A_652, %dot_general3A_658 : vector<128x512xf32>
    %reduce_sum3A_660 = arith.constant dense<0.000000e+00> : vector<128xf32>
    %reduce_sum3A_661 = vector.multi_reduction <add>, %add3A_659, %reduce_sum3A_660 [1] : vector<128x512xf32> to vector<128xf32>
    %broadcast_in_dim3A_662 = vector.shape_cast %reduce_sum3A_661 : vector<128xf32> to vector<128x1xf32>
    %mul3A_663 = arith.mulf %add3A_659, %add3A_659 : vector<128x512xf32>
    %reduce_sum3A_664 = arith.constant dense<0.000000e+00> : vector<128xf32>
    %reduce_sum3A_665 = vector.multi_reduction <add>, %mul3A_663, %reduce_sum3A_664 [1] : vector<128x512xf32> to vector<128xf32>
    %broadcast_in_dim3A_666 = vector.shape_cast %reduce_sum3A_665 : vector<128xf32> to vector<128x1xf32>
    %concatenate3A_667 = tpu.concatenate %broadcast_in_dim3A_662, %broadcast_in_dim3A_666 in 1 : vector<128x1xf32>, vector<128x1xf32> -> vector<128x2xf32>
    %div3A_668 = arith.constant 5.120000e+02 : f32
    %div3A_669 = vector.broadcast %div3A_668 : f32 to vector<128x2xf32>
    %div3A_670 = arith.divf %concatenate3A_667, %div3A_669 : vector<128x2xf32>
    %dot_general3A_671 = arith.constant dense<0.000000e+00> : vector<128x2xf32>
    %dot_general3A_672 = tpu.matmul %get3A_1, %div3A_670, %dot_general3A_671 {dimension_numbers = #tpu.dot_dimension_numbers<[1], [0], [0], [1], [0, 0, 1, 1], [], []>, precision = #tpu.contract_precision<fp32>, transpose_lhs_hint = false} : vector<128x128xf32>, vector<128x2xf32>, vector<128x2xf32> -> vector<128x2xf32>
    %slice3A_673 = vector.extract_strided_slice %dot_general3A_672 {offsets = [0, 0], sizes = [128, 1], strides = [1, 1]} : vector<128x2xf32> to vector<128x1xf32>
    %slice3A_674 = vector.extract_strided_slice %dot_general3A_672 {offsets = [0, 1], sizes = [128, 1], strides = [1, 1]} : vector<128x2xf32> to vector<128x1xf32>
    %mul3A_675 = arith.mulf %slice3A_673, %slice3A_673 : vector<128x1xf32>
    %sub3A_676 = arith.subf %slice3A_674, %mul3A_675 : vector<128x1xf32>
    %add3A_677 = arith.constant 9.99999974E-6 : f32
    %add3A_678 = vector.broadcast %add3A_677 : f32 to vector<128x1xf32>
    %add3A_679 = arith.addf %sub3A_676, %add3A_678 : vector<128x1xf32>
    %sqrt3A_680 = math.sqrt %add3A_679 : vector<128x1xf32>
    %div3A_681 = arith.constant 1.000000e+00 : f32
    %div3A_682 = vector.broadcast %div3A_681 : f32 to vector<128x1xf32>
    %div3A_683 = arith.divf %div3A_682, %sqrt3A_680 : vector<128x1xf32>
    %sub3A_684 = vector.broadcast %slice3A_673 : vector<128x1xf32> to vector<128x512xf32>
    %sub3A_685 = arith.subf %add3A_659, %sub3A_684 : vector<128x512xf32>
    %mul3A_686 = vector.broadcast %div3A_683 : vector<128x1xf32> to vector<128x512xf32>
    %mul3A_687 = arith.mulf %sub3A_685, %mul3A_686 : vector<128x512xf32>
    %mul3A_688 = vector.broadcast %get3A_623 : vector<128x1xf32> to vector<128x512xf32>
    %mul3A_689 = arith.mulf %mul3A_687, %mul3A_688 : vector<128x512xf32>
    %add3A_690 = vector.broadcast %get3A_626 : vector<128x1xf32> to vector<128x512xf32>
    %add3A_691 = arith.addf %mul3A_689, %add3A_690 : vector<128x512xf32>
    %max3A_692 = arith.constant 0.000000e+00 : f32
    %max3A_693 = vector.broadcast %max3A_692 : f32 to vector<128x512xf32>
    %max3A_694 = arith.maximumf %add3A_691, %max3A_693 : vector<128x512xf32>
    %broadcast_in_dim3A_695 = arith.constant 0.000000e+00 : f32
    %broadcast_in_dim3A_696 = vector.broadcast %broadcast_in_dim3A_695 : f32 to vector<128x1xf32>
    %concatenate3A_697 = tpu.concatenate %broadcast_in_dim3A_696, %max3A_694, %broadcast_in_dim3A_696 in 1 : vector<128x1xf32>, vector<128x512xf32>, vector<128x1xf32> -> vector<128x514xf32>
    %slice3A_698 = vector.extract_strided_slice %get3A_630 {offsets = [0, 0, 0], sizes = [1, 128, 128], strides = [1, 1, 1]} : vector<3x128x128xbf16> to vector<1x128x128xbf16>
    %squeeze3A_699 = vector.shape_cast %slice3A_698 : vector<1x128x128xbf16> to vector<128x128xbf16>
    %slice3A_700 = vector.extract_strided_slice %concatenate3A_697 {offsets = [0, 0], sizes = [128, 512], strides = [1, 1]} : vector<128x514xf32> to vector<128x512xf32>
    %convert_element_type3A_701 = arith.truncf %slice3A_700 : vector<128x512xf32> to vector<128x512xbf16>
    %dot_general3A_702 = arith.constant dense<0.000000e+00> : vector<128x512xf32>
    %dot_general3A_703 = tpu.matmul %squeeze3A_699, %convert_element_type3A_701, %dot_general3A_702 {dimension_numbers = #tpu.dot_dimension_numbers<[1], [0], [0], [1], [0, 0, 1, 1], [], []>, transpose_lhs_hint = false} : vector<128x128xbf16>, vector<128x512xbf16>, vector<128x512xf32> -> vector<128x512xf32>
    %slice3A_704 = vector.extract_strided_slice %get3A_630 {offsets = [1, 0, 0], sizes = [1, 128, 128], strides = [1, 1, 1]} : vector<3x128x128xbf16> to vector<1x128x128xbf16>
    %squeeze3A_705 = vector.shape_cast %slice3A_704 : vector<1x128x128xbf16> to vector<128x128xbf16>
    %slice3A_706 = vector.extract_strided_slice %concatenate3A_697 {offsets = [0, 1], sizes = [128, 512], strides = [1, 1]} : vector<128x514xf32> to vector<128x512xf32>
    %convert_element_type3A_707 = arith.truncf %slice3A_706 : vector<128x512xf32> to vector<128x512xbf16>
    %dot_general3A_708 = arith.constant dense<0.000000e+00> : vector<128x512xf32>
    %dot_general3A_709 = tpu.matmul %squeeze3A_705, %convert_element_type3A_707, %dot_general3A_708 {dimension_numbers = #tpu.dot_dimension_numbers<[1], [0], [0], [1], [0, 0, 1, 1], [], []>, transpose_lhs_hint = false} : vector<128x128xbf16>, vector<128x512xbf16>, vector<128x512xf32> -> vector<128x512xf32>
    %add3A_710 = arith.addf %dot_general3A_703, %dot_general3A_709 : vector<128x512xf32>
    %slice3A_711 = vector.extract_strided_slice %get3A_630 {offsets = [2, 0, 0], sizes = [1, 128, 128], strides = [1, 1, 1]} : vector<3x128x128xbf16> to vector<1x128x128xbf16>
    %squeeze3A_712 = vector.shape_cast %slice3A_711 : vector<1x128x128xbf16> to vector<128x128xbf16>
    %slice3A_713 = vector.extract_strided_slice %concatenate3A_697 {offsets = [0, 2], sizes = [128, 512], strides = [1, 1]} : vector<128x514xf32> to vector<128x512xf32>
    %convert_element_type3A_714 = arith.truncf %slice3A_713 : vector<128x512xf32> to vector<128x512xbf16>
    %dot_general3A_715 = arith.constant dense<0.000000e+00> : vector<128x512xf32>
    %dot_general3A_716 = tpu.matmul %squeeze3A_712, %convert_element_type3A_714, %dot_general3A_715 {dimension_numbers = #tpu.dot_dimension_numbers<[1], [0], [0], [1], [0, 0, 1, 1], [], []>, transpose_lhs_hint = false} : vector<128x128xbf16>, vector<128x512xbf16>, vector<128x512xf32> -> vector<128x512xf32>
    %add3A_717 = arith.addf %add3A_710, %dot_general3A_716 : vector<128x512xf32>
    %reduce_sum3A_718 = arith.constant dense<0.000000e+00> : vector<128xf32>
    %reduce_sum3A_719 = vector.multi_reduction <add>, %add3A_717, %reduce_sum3A_718 [1] : vector<128x512xf32> to vector<128xf32>
    %broadcast_in_dim3A_720 = vector.shape_cast %reduce_sum3A_719 : vector<128xf32> to vector<128x1xf32>
    %mul3A_721 = arith.mulf %add3A_717, %add3A_717 : vector<128x512xf32>
    %reduce_sum3A_722 = arith.constant dense<0.000000e+00> : vector<128xf32>
    %reduce_sum3A_723 = vector.multi_reduction <add>, %mul3A_721, %reduce_sum3A_722 [1] : vector<128x512xf32> to vector<128xf32>
    %broadcast_in_dim3A_724 = vector.shape_cast %reduce_sum3A_723 : vector<128xf32> to vector<128x1xf32>
    %concatenate3A_725 = tpu.concatenate %broadcast_in_dim3A_720, %broadcast_in_dim3A_724 in 1 : vector<128x1xf32>, vector<128x1xf32> -> vector<128x2xf32>
    %div3A_726 = arith.constant 5.120000e+02 : f32
    %div3A_727 = vector.broadcast %div3A_726 : f32 to vector<128x2xf32>
    %div3A_728 = arith.divf %concatenate3A_725, %div3A_727 : vector<128x2xf32>
    %dot_general3A_729 = arith.constant dense<0.000000e+00> : vector<128x2xf32>
    %dot_general3A_730 = tpu.matmul %get3A_1, %div3A_728, %dot_general3A_729 {dimension_numbers = #tpu.dot_dimension_numbers<[1], [0], [0], [1], [0, 0, 1, 1], [], []>, precision = #tpu.contract_precision<fp32>, transpose_lhs_hint = false} : vector<128x128xf32>, vector<128x2xf32>, vector<128x2xf32> -> vector<128x2xf32>
    %slice3A_731 = vector.extract_strided_slice %dot_general3A_730 {offsets = [0, 0], sizes = [128, 1], strides = [1, 1]} : vector<128x2xf32> to vector<128x1xf32>
    %slice3A_732 = vector.extract_strided_slice %dot_general3A_730 {offsets = [0, 1], sizes = [128, 1], strides = [1, 1]} : vector<128x2xf32> to vector<128x1xf32>
    %mul3A_733 = arith.mulf %slice3A_731, %slice3A_731 : vector<128x1xf32>
    %sub3A_734 = arith.subf %slice3A_732, %mul3A_733 : vector<128x1xf32>
    %add3A_735 = arith.constant 9.99999974E-6 : f32
    %add3A_736 = vector.broadcast %add3A_735 : f32 to vector<128x1xf32>
    %add3A_737 = arith.addf %sub3A_734, %add3A_736 : vector<128x1xf32>
    %sqrt3A_738 = math.sqrt %add3A_737 : vector<128x1xf32>
    %div3A_739 = arith.constant 1.000000e+00 : f32
    %div3A_740 = vector.broadcast %div3A_739 : f32 to vector<128x1xf32>
    %div3A_741 = arith.divf %div3A_740, %sqrt3A_738 : vector<128x1xf32>
    %sub3A_742 = vector.broadcast %slice3A_731 : vector<128x1xf32> to vector<128x512xf32>
    %sub3A_743 = arith.subf %add3A_717, %sub3A_742 : vector<128x512xf32>
    %mul3A_744 = vector.broadcast %div3A_741 : vector<128x1xf32> to vector<128x512xf32>
    %mul3A_745 = arith.mulf %sub3A_743, %mul3A_744 : vector<128x512xf32>
    %mul3A_746 = vector.broadcast %get3A_633 : vector<128x1xf32> to vector<128x512xf32>
    %mul3A_747 = arith.mulf %mul3A_745, %mul3A_746 : vector<128x512xf32>
    %add3A_748 = vector.broadcast %get3A_636 : vector<128x1xf32> to vector<128x512xf32>
    %add3A_749 = arith.addf %mul3A_747, %add3A_748 : vector<128x512xf32>
    %add3A_750 = arith.addf %dot_general3A_616, %add3A_749 : vector<128x512xf32>
    %max3A_751 = arith.constant 0.000000e+00 : f32
    %max3A_752 = vector.broadcast %max3A_751 : f32 to vector<128x512xf32>
    %max3A_753 = arith.maximumf %add3A_750, %max3A_752 : vector<128x512xf32>
    %get3A_754 = arith.constant 0 : index
    %get3A_755 = arith.constant 0 : index
    %get3A_756 = arith.constant 0 : index
    %get3A_757 = vector.load %arg11[%get3A_754, %get3A_755, %get3A_756] : memref<5x80x128xbf16, #tpu.memory_space<vmem>>, vector<5x80x128xbf16>
    %broadcast_in_dim3A_758 = arith.constant 0.000000e+00 : f32
    %broadcast_in_dim3A_759 = vector.broadcast %broadcast_in_dim3A_758 : f32 to vector<128x2xf32>
    %concatenate3A_760 = tpu.concatenate %broadcast_in_dim3A_759, %max3A_753, %broadcast_in_dim3A_759 in 1 : vector<128x2xf32>, vector<128x512xf32>, vector<128x2xf32> -> vector<128x516xf32>
    %slice3A_761 = vector.extract_strided_slice %get3A_757 {offsets = [0, 0, 0], sizes = [1, 80, 128], strides = [1, 1, 1]} : vector<5x80x128xbf16> to vector<1x80x128xbf16>
    %squeeze3A_762 = vector.shape_cast %slice3A_761 : vector<1x80x128xbf16> to vector<80x128xbf16>
    %slice3A_763 = vector.extract_strided_slice %concatenate3A_760 {offsets = [0, 0], sizes = [128, 512], strides = [1, 1]} : vector<128x516xf32> to vector<128x512xf32>
    %convert_element_type3A_764 = arith.truncf %slice3A_763 : vector<128x512xf32> to vector<128x512xbf16>
    %dot_general3A_765 = arith.constant dense<0.000000e+00> : vector<80x512xf32>
    %dot_general3A_766 = tpu.matmul %squeeze3A_762, %convert_element_type3A_764, %dot_general3A_765 {dimension_numbers = #tpu.dot_dimension_numbers<[1], [0], [0], [1], [0, 0, 1, 1], [], []>, transpose_lhs_hint = false} : vector<80x128xbf16>, vector<128x512xbf16>, vector<80x512xf32> -> vector<80x512xf32>
    %slice3A_767 = vector.extract_strided_slice %get3A_757 {offsets = [1, 0, 0], sizes = [1, 80, 128], strides = [1, 1, 1]} : vector<5x80x128xbf16> to vector<1x80x128xbf16>
    %squeeze3A_768 = vector.shape_cast %slice3A_767 : vector<1x80x128xbf16> to vector<80x128xbf16>
    %slice3A_769 = vector.extract_strided_slice %concatenate3A_760 {offsets = [0, 1], sizes = [128, 512], strides = [1, 1]} : vector<128x516xf32> to vector<128x512xf32>
    %convert_element_type3A_770 = arith.truncf %slice3A_769 : vector<128x512xf32> to vector<128x512xbf16>
    %dot_general3A_771 = arith.constant dense<0.000000e+00> : vector<80x512xf32>
    %dot_general3A_772 = tpu.matmul %squeeze3A_768, %convert_element_type3A_770, %dot_general3A_771 {dimension_numbers = #tpu.dot_dimension_numbers<[1], [0], [0], [1], [0, 0, 1, 1], [], []>, transpose_lhs_hint = false} : vector<80x128xbf16>, vector<128x512xbf16>, vector<80x512xf32> -> vector<80x512xf32>
    %add3A_773 = arith.addf %dot_general3A_766, %dot_general3A_772 : vector<80x512xf32>
    %slice3A_774 = vector.extract_strided_slice %get3A_757 {offsets = [2, 0, 0], sizes = [1, 80, 128], strides = [1, 1, 1]} : vector<5x80x128xbf16> to vector<1x80x128xbf16>
    %squeeze3A_775 = vector.shape_cast %slice3A_774 : vector<1x80x128xbf16> to vector<80x128xbf16>
    %slice3A_776 = vector.extract_strided_slice %concatenate3A_760 {offsets = [0, 2], sizes = [128, 512], strides = [1, 1]} : vector<128x516xf32> to vector<128x512xf32>
    %convert_element_type3A_777 = arith.truncf %slice3A_776 : vector<128x512xf32> to vector<128x512xbf16>
    %dot_general3A_778 = arith.constant dense<0.000000e+00> : vector<80x512xf32>
    %dot_general3A_779 = tpu.matmul %squeeze3A_775, %convert_element_type3A_777, %dot_general3A_778 {dimension_numbers = #tpu.dot_dimension_numbers<[1], [0], [0], [1], [0, 0, 1, 1], [], []>, transpose_lhs_hint = false} : vector<80x128xbf16>, vector<128x512xbf16>, vector<80x512xf32> -> vector<80x512xf32>
    %add3A_780 = arith.addf %add3A_773, %dot_general3A_779 : vector<80x512xf32>
    %slice3A_781 = vector.extract_strided_slice %get3A_757 {offsets = [3, 0, 0], sizes = [1, 80, 128], strides = [1, 1, 1]} : vector<5x80x128xbf16> to vector<1x80x128xbf16>
    %squeeze3A_782 = vector.shape_cast %slice3A_781 : vector<1x80x128xbf16> to vector<80x128xbf16>
    %slice3A_783 = vector.extract_strided_slice %concatenate3A_760 {offsets = [0, 3], sizes = [128, 512], strides = [1, 1]} : vector<128x516xf32> to vector<128x512xf32>
    %convert_element_type3A_784 = arith.truncf %slice3A_783 : vector<128x512xf32> to vector<128x512xbf16>
    %dot_general3A_785 = arith.constant dense<0.000000e+00> : vector<80x512xf32>
    %dot_general3A_786 = tpu.matmul %squeeze3A_782, %convert_element_type3A_784, %dot_general3A_785 {dimension_numbers = #tpu.dot_dimension_numbers<[1], [0], [0], [1], [0, 0, 1, 1], [], []>, transpose_lhs_hint = false} : vector<80x128xbf16>, vector<128x512xbf16>, vector<80x512xf32> -> vector<80x512xf32>
    %add3A_787 = arith.addf %add3A_780, %dot_general3A_786 : vector<80x512xf32>
    %slice3A_788 = vector.extract_strided_slice %get3A_757 {offsets = [4, 0, 0], sizes = [1, 80, 128], strides = [1, 1, 1]} : vector<5x80x128xbf16> to vector<1x80x128xbf16>
    %squeeze3A_789 = vector.shape_cast %slice3A_788 : vector<1x80x128xbf16> to vector<80x128xbf16>
    %slice3A_790 = vector.extract_strided_slice %concatenate3A_760 {offsets = [0, 4], sizes = [128, 512], strides = [1, 1]} : vector<128x516xf32> to vector<128x512xf32>
    %convert_element_type3A_791 = arith.truncf %slice3A_790 : vector<128x512xf32> to vector<128x512xbf16>
    %dot_general3A_792 = arith.constant dense<0.000000e+00> : vector<80x512xf32>
    %dot_general3A_793 = tpu.matmul %squeeze3A_789, %convert_element_type3A_791, %dot_general3A_792 {dimension_numbers = #tpu.dot_dimension_numbers<[1], [0], [0], [1], [0, 0, 1, 1], [], []>, transpose_lhs_hint = false} : vector<80x128xbf16>, vector<128x512xbf16>, vector<80x512xf32> -> vector<80x512xf32>
    %add3A_794 = arith.addf %add3A_787, %dot_general3A_793 : vector<80x512xf32>
    %get3A_795 = arith.constant 0 : index
    %get3A_796 = arith.constant 0 : index
    %get3A_797 = vector.load %arg12[%get3A_795, %get3A_796] : memref<80x1xf32, #tpu.memory_space<vmem>>, vector<80x1xf32>
    %add3A_798 = vector.broadcast %get3A_797 : vector<80x1xf32> to vector<80x512xf32>
    %add3A_799 = arith.addf %add3A_794, %add3A_798 : vector<80x512xf32>
    %swap3A_800 = arith.constant 1 : index
    %swap3A_801 = arith.constant 0 : index
    %swap3A_802 = arith.constant 0 : index
    %swap3A_803 = vector.load %arg16[%swap3A_800, %swap3A_801, %swap3A_802] : memref<8x80x512xf32, #tpu.memory_space<vmem>>, vector<1x80x512xf32>
    %swap3A_804 = vector.shape_cast %swap3A_803 : vector<1x80x512xf32> to vector<80x512xf32>
    %swap3A_805 = vector.shape_cast %add3A_799 : vector<80x512xf32> to vector<1x80x512xf32>
    tpu.vector_store %arg16[%swap3A_800, %swap3A_801, %swap3A_802], %swap3A_805 {strides = array<i32>} : memref<8x80x512xf32, #tpu.memory_space<vmem>>, vector<1x80x512xf32>,
    %get3A_806 = arith.constant 2 : index
    %get3A_807 = arith.constant 0 : index
    %get3A_808 = arith.constant 0 : index
    %get3A_809 = vector.load %arg1[%get3A_806, %get3A_807, %get3A_808] : memref<8x64x128xf32, #tpu.memory_space<vmem>>, vector<1x64x128xf32>
    %get3A_810 = vector.shape_cast %get3A_809 : vector<1x64x128xf32> to vector<64x128xf32>
    %get3A_811 = arith.constant 0 : index
    %get3A_812 = arith.constant 0 : index
    %get3A_813 = arith.constant 0 : index
    %get3A_814 = vector.load %arg2[%get3A_811, %get3A_812, %get3A_813] : memref<3x128x64xbf16, #tpu.memory_space<vmem>>, vector<3x128x64xbf16>
    %broadcast_in_dim3A_815 = arith.constant 0.000000e+00 : f32
    %broadcast_in_dim3A_816 = vector.broadcast %broadcast_in_dim3A_815 : f32 to vector<64x1xf32>
    %concatenate3A_817 = tpu.concatenate %broadcast_in_dim3A_816, %get3A_810, %broadcast_in_dim3A_816 in 1 : vector<64x1xf32>, vector<64x128xf32>, vector<64x1xf32> -> vector<64x130xf32>
    %slice3A_818 = vector.extract_strided_slice %get3A_814 {offsets = [0, 0, 0], sizes = [1, 128, 64], strides = [1, 1, 1]} : vector<3x128x64xbf16> to vector<1x128x64xbf16>
    %squeeze3A_819 = vector.shape_cast %slice3A_818 : vector<1x128x64xbf16> to vector<128x64xbf16>
    %slice3A_820 = vector.extract_strided_slice %concatenate3A_817 {offsets = [0, 0], sizes = [64, 128], strides = [1, 1]} : vector<64x130xf32> to vector<64x128xf32>
    %convert_element_type3A_821 = arith.truncf %slice3A_820 : vector<64x128xf32> to vector<64x128xbf16>
    %dot_general3A_822 = arith.constant dense<0.000000e+00> : vector<128x128xf32>
    %dot_general3A_823 = tpu.matmul %squeeze3A_819, %convert_element_type3A_821, %dot_general3A_822 {dimension_numbers = #tpu.dot_dimension_numbers<[1], [0], [0], [1], [0, 0, 1, 1], [], []>, transpose_lhs_hint = false} : vector<128x64xbf16>, vector<64x128xbf16>, vector<128x128xf32> -> vector<128x128xf32>
    %slice3A_824 = vector.extract_strided_slice %get3A_814 {offsets = [1, 0, 0], sizes = [1, 128, 64], strides = [1, 1, 1]} : vector<3x128x64xbf16> to vector<1x128x64xbf16>
    %squeeze3A_825 = vector.shape_cast %slice3A_824 : vector<1x128x64xbf16> to vector<128x64xbf16>
    %slice3A_826 = vector.extract_strided_slice %concatenate3A_817 {offsets = [0, 1], sizes = [64, 128], strides = [1, 1]} : vector<64x130xf32> to vector<64x128xf32>
    %convert_element_type3A_827 = arith.truncf %slice3A_826 : vector<64x128xf32> to vector<64x128xbf16>
    %dot_general3A_828 = arith.constant dense<0.000000e+00> : vector<128x128xf32>
    %dot_general3A_829 = tpu.matmul %squeeze3A_825, %convert_element_type3A_827, %dot_general3A_828 {dimension_numbers = #tpu.dot_dimension_numbers<[1], [0], [0], [1], [0, 0, 1, 1], [], []>, transpose_lhs_hint = false} : vector<128x64xbf16>, vector<64x128xbf16>, vector<128x128xf32> -> vector<128x128xf32>
    %add3A_830 = arith.addf %dot_general3A_823, %dot_general3A_829 : vector<128x128xf32>
    %slice3A_831 = vector.extract_strided_slice %get3A_814 {offsets = [2, 0, 0], sizes = [1, 128, 64], strides = [1, 1, 1]} : vector<3x128x64xbf16> to vector<1x128x64xbf16>
    %squeeze3A_832 = vector.shape_cast %slice3A_831 : vector<1x128x64xbf16> to vector<128x64xbf16>
    %slice3A_833 = vector.extract_strided_slice %concatenate3A_817 {offsets = [0, 2], sizes = [64, 128], strides = [1, 1]} : vector<64x130xf32> to vector<64x128xf32>
    %convert_element_type3A_834 = arith.truncf %slice3A_833 : vector<64x128xf32> to vector<64x128xbf16>
    %dot_general3A_835 = arith.constant dense<0.000000e+00> : vector<128x128xf32>
    %dot_general3A_836 = tpu.matmul %squeeze3A_832, %convert_element_type3A_834, %dot_general3A_835 {dimension_numbers = #tpu.dot_dimension_numbers<[1], [0], [0], [1], [0, 0, 1, 1], [], []>, transpose_lhs_hint = false} : vector<128x64xbf16>, vector<64x128xbf16>, vector<128x128xf32> -> vector<128x128xf32>
    %add3A_837 = arith.addf %add3A_830, %dot_general3A_836 : vector<128x128xf32>
    %get3A_838 = arith.constant 0 : index
    %get3A_839 = arith.constant 0 : index
    %get3A_840 = vector.load %arg3[%get3A_838, %get3A_839] : memref<128x1xf32, #tpu.memory_space<vmem>>, vector<128x1xf32>
    %get3A_841 = arith.constant 0 : index
    %get3A_842 = arith.constant 0 : index
    %get3A_843 = vector.load %arg4[%get3A_841, %get3A_842] : memref<128x1xf32, #tpu.memory_space<vmem>>, vector<128x1xf32>
    %reduce_sum3A_844 = arith.constant dense<0.000000e+00> : vector<128xf32>
    %reduce_sum3A_845 = vector.multi_reduction <add>, %add3A_837, %reduce_sum3A_844 [1] : vector<128x128xf32> to vector<128xf32>
    %broadcast_in_dim3A_846 = vector.shape_cast %reduce_sum3A_845 : vector<128xf32> to vector<128x1xf32>
    %mul3A_847 = arith.mulf %add3A_837, %add3A_837 : vector<128x128xf32>
    %reduce_sum3A_848 = arith.constant dense<0.000000e+00> : vector<128xf32>
    %reduce_sum3A_849 = vector.multi_reduction <add>, %mul3A_847, %reduce_sum3A_848 [1] : vector<128x128xf32> to vector<128xf32>
    %broadcast_in_dim3A_850 = vector.shape_cast %reduce_sum3A_849 : vector<128xf32> to vector<128x1xf32>
    %concatenate3A_851 = tpu.concatenate %broadcast_in_dim3A_846, %broadcast_in_dim3A_850 in 1 : vector<128x1xf32>, vector<128x1xf32> -> vector<128x2xf32>
    %div3A_852 = arith.constant 1.280000e+02 : f32
    %div3A_853 = vector.broadcast %div3A_852 : f32 to vector<128x2xf32>
    %div3A_854 = arith.divf %concatenate3A_851, %div3A_853 : vector<128x2xf32>
    %dot_general3A_855 = arith.constant dense<0.000000e+00> : vector<128x2xf32>
    %dot_general3A_856 = tpu.matmul %get3A_1, %div3A_854, %dot_general3A_855 {dimension_numbers = #tpu.dot_dimension_numbers<[1], [0], [0], [1], [0, 0, 1, 1], [], []>, precision = #tpu.contract_precision<fp32>, transpose_lhs_hint = false} : vector<128x128xf32>, vector<128x2xf32>, vector<128x2xf32> -> vector<128x2xf32>
    %slice3A_857 = vector.extract_strided_slice %dot_general3A_856 {offsets = [0, 0], sizes = [128, 1], strides = [1, 1]} : vector<128x2xf32> to vector<128x1xf32>
    %slice3A_858 = vector.extract_strided_slice %dot_general3A_856 {offsets = [0, 1], sizes = [128, 1], strides = [1, 1]} : vector<128x2xf32> to vector<128x1xf32>
    %mul3A_859 = arith.mulf %slice3A_857, %slice3A_857 : vector<128x1xf32>
    %sub3A_860 = arith.subf %slice3A_858, %mul3A_859 : vector<128x1xf32>
    %add3A_861 = arith.constant 9.99999974E-6 : f32
    %add3A_862 = vector.broadcast %add3A_861 : f32 to vector<128x1xf32>
    %add3A_863 = arith.addf %sub3A_860, %add3A_862 : vector<128x1xf32>
    %sqrt3A_864 = math.sqrt %add3A_863 : vector<128x1xf32>
    %div3A_865 = arith.constant 1.000000e+00 : f32
    %div3A_866 = vector.broadcast %div3A_865 : f32 to vector<128x1xf32>
    %div3A_867 = arith.divf %div3A_866, %sqrt3A_864 : vector<128x1xf32>
    %sub3A_868 = vector.broadcast %slice3A_857 : vector<128x1xf32> to vector<128x128xf32>
    %sub3A_869 = arith.subf %add3A_837, %sub3A_868 : vector<128x128xf32>
    %mul3A_870 = vector.broadcast %div3A_867 : vector<128x1xf32> to vector<128x128xf32>
    %mul3A_871 = arith.mulf %sub3A_869, %mul3A_870 : vector<128x128xf32>
    %mul3A_872 = vector.broadcast %get3A_840 : vector<128x1xf32> to vector<128x128xf32>
    %mul3A_873 = arith.mulf %mul3A_871, %mul3A_872 : vector<128x128xf32>
    %add3A_874 = vector.broadcast %get3A_843 : vector<128x1xf32> to vector<128x128xf32>
    %add3A_875 = arith.addf %mul3A_873, %add3A_874 : vector<128x128xf32>
    %max3A_876 = arith.constant 0.000000e+00 : f32
    %max3A_877 = vector.broadcast %max3A_876 : f32 to vector<128x128xf32>
    %max3A_878 = arith.maximumf %add3A_875, %max3A_877 : vector<128x128xf32>
    %get3A_879 = arith.constant 0 : index
    %get3A_880 = arith.constant 0 : index
    %get3A_881 = vector.load %arg14[%get3A_879, %get3A_880] : memref<128x256xf32, #tpu.memory_space<vmem>>, vector<128x256xf32>
    %dot_general3A_882 = arith.constant dense<0.000000e+00> : vector<128x256xf32>
    %dot_general3A_883 = tpu.matmul %max3A_878, %get3A_881, %dot_general3A_882 {dimension_numbers = #tpu.dot_dimension_numbers<[1], [0], [0], [1], [0, 0, 1, 1], [], []>, precision = #tpu.contract_precision<fp32>, transpose_lhs_hint = false} : vector<128x128xf32>, vector<128x256xf32>, vector<128x256xf32> -> vector<128x256xf32>
    %get3A_884 = arith.constant 0 : index
    %get3A_885 = arith.constant 0 : index
    %get3A_886 = arith.constant 0 : index
    %get3A_887 = vector.load %arg5[%get3A_884, %get3A_885, %get3A_886] : memref<3x128x128xbf16, #tpu.memory_space<vmem>>, vector<3x128x128xbf16>
    %get3A_888 = arith.constant 0 : index
    %get3A_889 = arith.constant 0 : index
    %get3A_890 = vector.load %arg6[%get3A_888, %get3A_889] : memref<128x1xf32, #tpu.memory_space<vmem>>, vector<128x1xf32>
    %get3A_891 = arith.constant 0 : index
    %get3A_892 = arith.constant 0 : index
    %get3A_893 = vector.load %arg7[%get3A_891, %get3A_892] : memref<128x1xf32, #tpu.memory_space<vmem>>, vector<128x1xf32>
    %get3A_894 = arith.constant 0 : index
    %get3A_895 = arith.constant 0 : index
    %get3A_896 = arith.constant 0 : index
    %get3A_897 = vector.load %arg8[%get3A_894, %get3A_895, %get3A_896] : memref<3x128x128xbf16, #tpu.memory_space<vmem>>, vector<3x128x128xbf16>
    %get3A_898 = arith.constant 0 : index
    %get3A_899 = arith.constant 0 : index
    %get3A_900 = vector.load %arg9[%get3A_898, %get3A_899] : memref<128x1xf32, #tpu.memory_space<vmem>>, vector<128x1xf32>
    %get3A_901 = arith.constant 0 : index
    %get3A_902 = arith.constant 0 : index
    %get3A_903 = vector.load %arg10[%get3A_901, %get3A_902] : memref<128x1xf32, #tpu.memory_space<vmem>>, vector<128x1xf32>
    %broadcast_in_dim3A_904 = arith.constant 0.000000e+00 : f32
    %broadcast_in_dim3A_905 = vector.broadcast %broadcast_in_dim3A_904 : f32 to vector<128x1xf32>
    %concatenate3A_906 = tpu.concatenate %broadcast_in_dim3A_905, %dot_general3A_883, %broadcast_in_dim3A_905 in 1 : vector<128x1xf32>, vector<128x256xf32>, vector<128x1xf32> -> vector<128x258xf32>
    %slice3A_907 = vector.extract_strided_slice %get3A_887 {offsets = [0, 0, 0], sizes = [1, 128, 128], strides = [1, 1, 1]} : vector<3x128x128xbf16> to vector<1x128x128xbf16>
    %squeeze3A_908 = vector.shape_cast %slice3A_907 : vector<1x128x128xbf16> to vector<128x128xbf16>
    %slice3A_909 = vector.extract_strided_slice %concatenate3A_906 {offsets = [0, 0], sizes = [128, 256], strides = [1, 1]} : vector<128x258xf32> to vector<128x256xf32>
    %convert_element_type3A_910 = arith.truncf %slice3A_909 : vector<128x256xf32> to vector<128x256xbf16>
    %dot_general3A_911 = arith.constant dense<0.000000e+00> : vector<128x256xf32>
    %dot_general3A_912 = tpu.matmul %squeeze3A_908, %convert_element_type3A_910, %dot_general3A_911 {dimension_numbers = #tpu.dot_dimension_numbers<[1], [0], [0], [1], [0, 0, 1, 1], [], []>, transpose_lhs_hint = false} : vector<128x128xbf16>, vector<128x256xbf16>, vector<128x256xf32> -> vector<128x256xf32>
    %slice3A_913 = vector.extract_strided_slice %get3A_887 {offsets = [1, 0, 0], sizes = [1, 128, 128], strides = [1, 1, 1]} : vector<3x128x128xbf16> to vector<1x128x128xbf16>
    %squeeze3A_914 = vector.shape_cast %slice3A_913 : vector<1x128x128xbf16> to vector<128x128xbf16>
    %slice3A_915 = vector.extract_strided_slice %concatenate3A_906 {offsets = [0, 1], sizes = [128, 256], strides = [1, 1]} : vector<128x258xf32> to vector<128x256xf32>
    %convert_element_type3A_916 = arith.truncf %slice3A_915 : vector<128x256xf32> to vector<128x256xbf16>
    %dot_general3A_917 = arith.constant dense<0.000000e+00> : vector<128x256xf32>
    %dot_general3A_918 = tpu.matmul %squeeze3A_914, %convert_element_type3A_916, %dot_general3A_917 {dimension_numbers = #tpu.dot_dimension_numbers<[1], [0], [0], [1], [0, 0, 1, 1], [], []>, transpose_lhs_hint = false} : vector<128x128xbf16>, vector<128x256xbf16>, vector<128x256xf32> -> vector<128x256xf32>
    %add3A_919 = arith.addf %dot_general3A_912, %dot_general3A_918 : vector<128x256xf32>
    %slice3A_920 = vector.extract_strided_slice %get3A_887 {offsets = [2, 0, 0], sizes = [1, 128, 128], strides = [1, 1, 1]} : vector<3x128x128xbf16> to vector<1x128x128xbf16>
    %squeeze3A_921 = vector.shape_cast %slice3A_920 : vector<1x128x128xbf16> to vector<128x128xbf16>
    %slice3A_922 = vector.extract_strided_slice %concatenate3A_906 {offsets = [0, 2], sizes = [128, 256], strides = [1, 1]} : vector<128x258xf32> to vector<128x256xf32>
    %convert_element_type3A_923 = arith.truncf %slice3A_922 : vector<128x256xf32> to vector<128x256xbf16>
    %dot_general3A_924 = arith.constant dense<0.000000e+00> : vector<128x256xf32>
    %dot_general3A_925 = tpu.matmul %squeeze3A_921, %convert_element_type3A_923, %dot_general3A_924 {dimension_numbers = #tpu.dot_dimension_numbers<[1], [0], [0], [1], [0, 0, 1, 1], [], []>, transpose_lhs_hint = false} : vector<128x128xbf16>, vector<128x256xbf16>, vector<128x256xf32> -> vector<128x256xf32>
    %add3A_926 = arith.addf %add3A_919, %dot_general3A_925 : vector<128x256xf32>
    %reduce_sum3A_927 = arith.constant dense<0.000000e+00> : vector<128xf32>
    %reduce_sum3A_928 = vector.multi_reduction <add>, %add3A_926, %reduce_sum3A_927 [1] : vector<128x256xf32> to vector<128xf32>
    %broadcast_in_dim3A_929 = vector.shape_cast %reduce_sum3A_928 : vector<128xf32> to vector<128x1xf32>
    %mul3A_930 = arith.mulf %add3A_926, %add3A_926 : vector<128x256xf32>
    %reduce_sum3A_931 = arith.constant dense<0.000000e+00> : vector<128xf32>
    %reduce_sum3A_932 = vector.multi_reduction <add>, %mul3A_930, %reduce_sum3A_931 [1] : vector<128x256xf32> to vector<128xf32>
    %broadcast_in_dim3A_933 = vector.shape_cast %reduce_sum3A_932 : vector<128xf32> to vector<128x1xf32>
    %concatenate3A_934 = tpu.concatenate %broadcast_in_dim3A_929, %broadcast_in_dim3A_933 in 1 : vector<128x1xf32>, vector<128x1xf32> -> vector<128x2xf32>
    %div3A_935 = arith.constant 2.560000e+02 : f32
    %div3A_936 = vector.broadcast %div3A_935 : f32 to vector<128x2xf32>
    %div3A_937 = arith.divf %concatenate3A_934, %div3A_936 : vector<128x2xf32>
    %dot_general3A_938 = arith.constant dense<0.000000e+00> : vector<128x2xf32>
    %dot_general3A_939 = tpu.matmul %get3A_1, %div3A_937, %dot_general3A_938 {dimension_numbers = #tpu.dot_dimension_numbers<[1], [0], [0], [1], [0, 0, 1, 1], [], []>, precision = #tpu.contract_precision<fp32>, transpose_lhs_hint = false} : vector<128x128xf32>, vector<128x2xf32>, vector<128x2xf32> -> vector<128x2xf32>
    %slice3A_940 = vector.extract_strided_slice %dot_general3A_939 {offsets = [0, 0], sizes = [128, 1], strides = [1, 1]} : vector<128x2xf32> to vector<128x1xf32>
    %slice3A_941 = vector.extract_strided_slice %dot_general3A_939 {offsets = [0, 1], sizes = [128, 1], strides = [1, 1]} : vector<128x2xf32> to vector<128x1xf32>
    %mul3A_942 = arith.mulf %slice3A_940, %slice3A_940 : vector<128x1xf32>
    %sub3A_943 = arith.subf %slice3A_941, %mul3A_942 : vector<128x1xf32>
    %add3A_944 = arith.constant 9.99999974E-6 : f32
    %add3A_945 = vector.broadcast %add3A_944 : f32 to vector<128x1xf32>
    %add3A_946 = arith.addf %sub3A_943, %add3A_945 : vector<128x1xf32>
    %sqrt3A_947 = math.sqrt %add3A_946 : vector<128x1xf32>
    %div3A_948 = arith.constant 1.000000e+00 : f32
    %div3A_949 = vector.broadcast %div3A_948 : f32 to vector<128x1xf32>
    %div3A_950 = arith.divf %div3A_949, %sqrt3A_947 : vector<128x1xf32>
    %sub3A_951 = vector.broadcast %slice3A_940 : vector<128x1xf32> to vector<128x256xf32>
    %sub3A_952 = arith.subf %add3A_926, %sub3A_951 : vector<128x256xf32>
    %mul3A_953 = vector.broadcast %div3A_950 : vector<128x1xf32> to vector<128x256xf32>
    %mul3A_954 = arith.mulf %sub3A_952, %mul3A_953 : vector<128x256xf32>
    %mul3A_955 = vector.broadcast %get3A_890 : vector<128x1xf32> to vector<128x256xf32>
    %mul3A_956 = arith.mulf %mul3A_954, %mul3A_955 : vector<128x256xf32>
    %add3A_957 = vector.broadcast %get3A_893 : vector<128x1xf32> to vector<128x256xf32>
    %add3A_958 = arith.addf %mul3A_956, %add3A_957 : vector<128x256xf32>
    %max3A_959 = arith.constant 0.000000e+00 : f32
    %max3A_960 = vector.broadcast %max3A_959 : f32 to vector<128x256xf32>
    %max3A_961 = arith.maximumf %add3A_958, %max3A_960 : vector<128x256xf32>
    %broadcast_in_dim3A_962 = arith.constant 0.000000e+00 : f32
    %broadcast_in_dim3A_963 = vector.broadcast %broadcast_in_dim3A_962 : f32 to vector<128x1xf32>
    %concatenate3A_964 = tpu.concatenate %broadcast_in_dim3A_963, %max3A_961, %broadcast_in_dim3A_963 in 1 : vector<128x1xf32>, vector<128x256xf32>, vector<128x1xf32> -> vector<128x258xf32>
    %slice3A_965 = vector.extract_strided_slice %get3A_897 {offsets = [0, 0, 0], sizes = [1, 128, 128], strides = [1, 1, 1]} : vector<3x128x128xbf16> to vector<1x128x128xbf16>
    %squeeze3A_966 = vector.shape_cast %slice3A_965 : vector<1x128x128xbf16> to vector<128x128xbf16>
    %slice3A_967 = vector.extract_strided_slice %concatenate3A_964 {offsets = [0, 0], sizes = [128, 256], strides = [1, 1]} : vector<128x258xf32> to vector<128x256xf32>
    %convert_element_type3A_968 = arith.truncf %slice3A_967 : vector<128x256xf32> to vector<128x256xbf16>
    %dot_general3A_969 = arith.constant dense<0.000000e+00> : vector<128x256xf32>
    %dot_general3A_970 = tpu.matmul %squeeze3A_966, %convert_element_type3A_968, %dot_general3A_969 {dimension_numbers = #tpu.dot_dimension_numbers<[1], [0], [0], [1], [0, 0, 1, 1], [], []>, transpose_lhs_hint = false} : vector<128x128xbf16>, vector<128x256xbf16>, vector<128x256xf32> -> vector<128x256xf32>
    %slice3A_971 = vector.extract_strided_slice %get3A_897 {offsets = [1, 0, 0], sizes = [1, 128, 128], strides = [1, 1, 1]} : vector<3x128x128xbf16> to vector<1x128x128xbf16>
    %squeeze3A_972 = vector.shape_cast %slice3A_971 : vector<1x128x128xbf16> to vector<128x128xbf16>
    %slice3A_973 = vector.extract_strided_slice %concatenate3A_964 {offsets = [0, 1], sizes = [128, 256], strides = [1, 1]} : vector<128x258xf32> to vector<128x256xf32>
    %convert_element_type3A_974 = arith.truncf %slice3A_973 : vector<128x256xf32> to vector<128x256xbf16>
    %dot_general3A_975 = arith.constant dense<0.000000e+00> : vector<128x256xf32>
    %dot_general3A_976 = tpu.matmul %squeeze3A_972, %convert_element_type3A_974, %dot_general3A_975 {dimension_numbers = #tpu.dot_dimension_numbers<[1], [0], [0], [1], [0, 0, 1, 1], [], []>, transpose_lhs_hint = false} : vector<128x128xbf16>, vector<128x256xbf16>, vector<128x256xf32> -> vector<128x256xf32>
    %add3A_977 = arith.addf %dot_general3A_970, %dot_general3A_976 : vector<128x256xf32>
    %slice3A_978 = vector.extract_strided_slice %get3A_897 {offsets = [2, 0, 0], sizes = [1, 128, 128], strides = [1, 1, 1]} : vector<3x128x128xbf16> to vector<1x128x128xbf16>
    %squeeze3A_979 = vector.shape_cast %slice3A_978 : vector<1x128x128xbf16> to vector<128x128xbf16>
    %slice3A_980 = vector.extract_strided_slice %concatenate3A_964 {offsets = [0, 2], sizes = [128, 256], strides = [1, 1]} : vector<128x258xf32> to vector<128x256xf32>
    %convert_element_type3A_981 = arith.truncf %slice3A_980 : vector<128x256xf32> to vector<128x256xbf16>
    %dot_general3A_982 = arith.constant dense<0.000000e+00> : vector<128x256xf32>
    %dot_general3A_983 = tpu.matmul %squeeze3A_979, %convert_element_type3A_981, %dot_general3A_982 {dimension_numbers = #tpu.dot_dimension_numbers<[1], [0], [0], [1], [0, 0, 1, 1], [], []>, transpose_lhs_hint = false} : vector<128x128xbf16>, vector<128x256xbf16>, vector<128x256xf32> -> vector<128x256xf32>
    %add3A_984 = arith.addf %add3A_977, %dot_general3A_983 : vector<128x256xf32>
    %reduce_sum3A_985 = arith.constant dense<0.000000e+00> : vector<128xf32>
    %reduce_sum3A_986 = vector.multi_reduction <add>, %add3A_984, %reduce_sum3A_985 [1] : vector<128x256xf32> to vector<128xf32>
    %broadcast_in_dim3A_987 = vector.shape_cast %reduce_sum3A_986 : vector<128xf32> to vector<128x1xf32>
    %mul3A_988 = arith.mulf %add3A_984, %add3A_984 : vector<128x256xf32>
    %reduce_sum3A_989 = arith.constant dense<0.000000e+00> : vector<128xf32>
    %reduce_sum3A_990 = vector.multi_reduction <add>, %mul3A_988, %reduce_sum3A_989 [1] : vector<128x256xf32> to vector<128xf32>
    %broadcast_in_dim3A_991 = vector.shape_cast %reduce_sum3A_990 : vector<128xf32> to vector<128x1xf32>
    %concatenate3A_992 = tpu.concatenate %broadcast_in_dim3A_987, %broadcast_in_dim3A_991 in 1 : vector<128x1xf32>, vector<128x1xf32> -> vector<128x2xf32>
    %div3A_993 = arith.constant 2.560000e+02 : f32
    %div3A_994 = vector.broadcast %div3A_993 : f32 to vector<128x2xf32>
    %div3A_995 = arith.divf %concatenate3A_992, %div3A_994 : vector<128x2xf32>
    %dot_general3A_996 = arith.constant dense<0.000000e+00> : vector<128x2xf32>
    %dot_general3A_997 = tpu.matmul %get3A_1, %div3A_995, %dot_general3A_996 {dimension_numbers = #tpu.dot_dimension_numbers<[1], [0], [0], [1], [0, 0, 1, 1], [], []>, precision = #tpu.contract_precision<fp32>, transpose_lhs_hint = false} : vector<128x128xf32>, vector<128x2xf32>, vector<128x2xf32> -> vector<128x2xf32>
    %slice3A_998 = vector.extract_strided_slice %dot_general3A_997 {offsets = [0, 0], sizes = [128, 1], strides = [1, 1]} : vector<128x2xf32> to vector<128x1xf32>
    %slice3A_999 = vector.extract_strided_slice %dot_general3A_997 {offsets = [0, 1], sizes = [128, 1], strides = [1, 1]} : vector<128x2xf32> to vector<128x1xf32>
    %mul3A_1000 = arith.mulf %slice3A_998, %slice3A_998 : vector<128x1xf32>
    %sub3A_1001 = arith.subf %slice3A_999, %mul3A_1000 : vector<128x1xf32>
    %add3A_1002 = arith.constant 9.99999974E-6 : f32
    %add3A_1003 = vector.broadcast %add3A_1002 : f32 to vector<128x1xf32>
    %add3A_1004 = arith.addf %sub3A_1001, %add3A_1003 : vector<128x1xf32>
    %sqrt3A_1005 = math.sqrt %add3A_1004 : vector<128x1xf32>
    %div3A_1006 = arith.constant 1.000000e+00 : f32
    %div3A_1007 = vector.broadcast %div3A_1006 : f32 to vector<128x1xf32>
    %div3A_1008 = arith.divf %div3A_1007, %sqrt3A_1005 : vector<128x1xf32>
    %sub3A_1009 = vector.broadcast %slice3A_998 : vector<128x1xf32> to vector<128x256xf32>
    %sub3A_1010 = arith.subf %add3A_984, %sub3A_1009 : vector<128x256xf32>
    %mul3A_1011 = vector.broadcast %div3A_1008 : vector<128x1xf32> to vector<128x256xf32>
    %mul3A_1012 = arith.mulf %sub3A_1010, %mul3A_1011 : vector<128x256xf32>
    %mul3A_1013 = vector.broadcast %get3A_900 : vector<128x1xf32> to vector<128x256xf32>
    %mul3A_1014 = arith.mulf %mul3A_1012, %mul3A_1013 : vector<128x256xf32>
    %add3A_1015 = vector.broadcast %get3A_903 : vector<128x1xf32> to vector<128x256xf32>
    %add3A_1016 = arith.addf %mul3A_1014, %add3A_1015 : vector<128x256xf32>
    %add3A_1017 = arith.addf %dot_general3A_883, %add3A_1016 : vector<128x256xf32>
    %max3A_1018 = arith.constant 0.000000e+00 : f32
    %max3A_1019 = vector.broadcast %max3A_1018 : f32 to vector<128x256xf32>
    %max3A_1020 = arith.maximumf %add3A_1017, %max3A_1019 : vector<128x256xf32>
    %get3A_1021 = arith.constant 0 : index
    %get3A_1022 = arith.constant 0 : index
    %get3A_1023 = vector.load %arg15[%get3A_1021, %get3A_1022] : memref<256x512xf32, #tpu.memory_space<vmem>>, vector<256x512xf32>
    %dot_general3A_1024 = arith.constant dense<0.000000e+00> : vector<128x512xf32>
    %dot_general3A_1025 = tpu.matmul %max3A_1020, %get3A_1023, %dot_general3A_1024 {dimension_numbers = #tpu.dot_dimension_numbers<[1], [0], [0], [1], [0, 0, 1, 1], [], []>, precision = #tpu.contract_precision<fp32>, transpose_lhs_hint = false} : vector<128x256xf32>, vector<256x512xf32>, vector<128x512xf32> -> vector<128x512xf32>
    %get3A_1026 = arith.constant 0 : index
    %get3A_1027 = arith.constant 0 : index
    %get3A_1028 = arith.constant 0 : index
    %get3A_1029 = vector.load %arg5[%get3A_1026, %get3A_1027, %get3A_1028] : memref<3x128x128xbf16, #tpu.memory_space<vmem>>, vector<3x128x128xbf16>
    %get3A_1030 = arith.constant 0 : index
    %get3A_1031 = arith.constant 0 : index
    %get3A_1032 = vector.load %arg6[%get3A_1030, %get3A_1031] : memref<128x1xf32, #tpu.memory_space<vmem>>, vector<128x1xf32>
    %get3A_1033 = arith.constant 0 : index
    %get3A_1034 = arith.constant 0 : index
    %get3A_1035 = vector.load %arg7[%get3A_1033, %get3A_1034] : memref<128x1xf32, #tpu.memory_space<vmem>>, vector<128x1xf32>
    %get3A_1036 = arith.constant 0 : index
    %get3A_1037 = arith.constant 0 : index
    %get3A_1038 = arith.constant 0 : index
    %get3A_1039 = vector.load %arg8[%get3A_1036, %get3A_1037, %get3A_1038] : memref<3x128x128xbf16, #tpu.memory_space<vmem>>, vector<3x128x128xbf16>
    %get3A_1040 = arith.constant 0 : index
    %get3A_1041 = arith.constant 0 : index
    %get3A_1042 = vector.load %arg9[%get3A_1040, %get3A_1041] : memref<128x1xf32, #tpu.memory_space<vmem>>, vector<128x1xf32>
    %get3A_1043 = arith.constant 0 : index
    %get3A_1044 = arith.constant 0 : index
    %get3A_1045 = vector.load %arg10[%get3A_1043, %get3A_1044] : memref<128x1xf32, #tpu.memory_space<vmem>>, vector<128x1xf32>
    %broadcast_in_dim3A_1046 = arith.constant 0.000000e+00 : f32
    %broadcast_in_dim3A_1047 = vector.broadcast %broadcast_in_dim3A_1046 : f32 to vector<128x1xf32>
    %concatenate3A_1048 = tpu.concatenate %broadcast_in_dim3A_1047, %dot_general3A_1025, %broadcast_in_dim3A_1047 in 1 : vector<128x1xf32>, vector<128x512xf32>, vector<128x1xf32> -> vector<128x514xf32>
    %slice3A_1049 = vector.extract_strided_slice %get3A_1029 {offsets = [0, 0, 0], sizes = [1, 128, 128], strides = [1, 1, 1]} : vector<3x128x128xbf16> to vector<1x128x128xbf16>
    %squeeze3A_1050 = vector.shape_cast %slice3A_1049 : vector<1x128x128xbf16> to vector<128x128xbf16>
    %slice3A_1051 = vector.extract_strided_slice %concatenate3A_1048 {offsets = [0, 0], sizes = [128, 512], strides = [1, 1]} : vector<128x514xf32> to vector<128x512xf32>
    %convert_element_type3A_1052 = arith.truncf %slice3A_1051 : vector<128x512xf32> to vector<128x512xbf16>
    %dot_general3A_1053 = arith.constant dense<0.000000e+00> : vector<128x512xf32>
    %dot_general3A_1054 = tpu.matmul %squeeze3A_1050, %convert_element_type3A_1052, %dot_general3A_1053 {dimension_numbers = #tpu.dot_dimension_numbers<[1], [0], [0], [1], [0, 0, 1, 1], [], []>, transpose_lhs_hint = false} : vector<128x128xbf16>, vector<128x512xbf16>, vector<128x512xf32> -> vector<128x512xf32>
    %slice3A_1055 = vector.extract_strided_slice %get3A_1029 {offsets = [1, 0, 0], sizes = [1, 128, 128], strides = [1, 1, 1]} : vector<3x128x128xbf16> to vector<1x128x128xbf16>
    %squeeze3A_1056 = vector.shape_cast %slice3A_1055 : vector<1x128x128xbf16> to vector<128x128xbf16>
    %slice3A_1057 = vector.extract_strided_slice %concatenate3A_1048 {offsets = [0, 1], sizes = [128, 512], strides = [1, 1]} : vector<128x514xf32> to vector<128x512xf32>
    %convert_element_type3A_1058 = arith.truncf %slice3A_1057 : vector<128x512xf32> to vector<128x512xbf16>
    %dot_general3A_1059 = arith.constant dense<0.000000e+00> : vector<128x512xf32>
    %dot_general3A_1060 = tpu.matmul %squeeze3A_1056, %convert_element_type3A_1058, %dot_general3A_1059 {dimension_numbers = #tpu.dot_dimension_numbers<[1], [0], [0], [1], [0, 0, 1, 1], [], []>, transpose_lhs_hint = false} : vector<128x128xbf16>, vector<128x512xbf16>, vector<128x512xf32> -> vector<128x512xf32>
    %add3A_1061 = arith.addf %dot_general3A_1054, %dot_general3A_1060 : vector<128x512xf32>
    %slice3A_1062 = vector.extract_strided_slice %get3A_1029 {offsets = [2, 0, 0], sizes = [1, 128, 128], strides = [1, 1, 1]} : vector<3x128x128xbf16> to vector<1x128x128xbf16>
    %squeeze3A_1063 = vector.shape_cast %slice3A_1062 : vector<1x128x128xbf16> to vector<128x128xbf16>
    %slice3A_1064 = vector.extract_strided_slice %concatenate3A_1048 {offsets = [0, 2], sizes = [128, 512], strides = [1, 1]} : vector<128x514xf32> to vector<128x512xf32>
    %convert_element_type3A_1065 = arith.truncf %slice3A_1064 : vector<128x512xf32> to vector<128x512xbf16>
    %dot_general3A_1066 = arith.constant dense<0.000000e+00> : vector<128x512xf32>
    %dot_general3A_1067 = tpu.matmul %squeeze3A_1063, %convert_element_type3A_1065, %dot_general3A_1066 {dimension_numbers = #tpu.dot_dimension_numbers<[1], [0], [0], [1], [0, 0, 1, 1], [], []>, transpose_lhs_hint = false} : vector<128x128xbf16>, vector<128x512xbf16>, vector<128x512xf32> -> vector<128x512xf32>
    %add3A_1068 = arith.addf %add3A_1061, %dot_general3A_1067 : vector<128x512xf32>
    %reduce_sum3A_1069 = arith.constant dense<0.000000e+00> : vector<128xf32>
    %reduce_sum3A_1070 = vector.multi_reduction <add>, %add3A_1068, %reduce_sum3A_1069 [1] : vector<128x512xf32> to vector<128xf32>
    %broadcast_in_dim3A_1071 = vector.shape_cast %reduce_sum3A_1070 : vector<128xf32> to vector<128x1xf32>
    %mul3A_1072 = arith.mulf %add3A_1068, %add3A_1068 : vector<128x512xf32>
    %reduce_sum3A_1073 = arith.constant dense<0.000000e+00> : vector<128xf32>
    %reduce_sum3A_1074 = vector.multi_reduction <add>, %mul3A_1072, %reduce_sum3A_1073 [1] : vector<128x512xf32> to vector<128xf32>
    %broadcast_in_dim3A_1075 = vector.shape_cast %reduce_sum3A_1074 : vector<128xf32> to vector<128x1xf32>
    %concatenate3A_1076 = tpu.concatenate %broadcast_in_dim3A_1071, %broadcast_in_dim3A_1075 in 1 : vector<128x1xf32>, vector<128x1xf32> -> vector<128x2xf32>
    %div3A_1077 = arith.constant 5.120000e+02 : f32
    %div3A_1078 = vector.broadcast %div3A_1077 : f32 to vector<128x2xf32>
    %div3A_1079 = arith.divf %concatenate3A_1076, %div3A_1078 : vector<128x2xf32>
    %dot_general3A_1080 = arith.constant dense<0.000000e+00> : vector<128x2xf32>
    %dot_general3A_1081 = tpu.matmul %get3A_1, %div3A_1079, %dot_general3A_1080 {dimension_numbers = #tpu.dot_dimension_numbers<[1], [0], [0], [1], [0, 0, 1, 1], [], []>, precision = #tpu.contract_precision<fp32>, transpose_lhs_hint = false} : vector<128x128xf32>, vector<128x2xf32>, vector<128x2xf32> -> vector<128x2xf32>
    %slice3A_1082 = vector.extract_strided_slice %dot_general3A_1081 {offsets = [0, 0], sizes = [128, 1], strides = [1, 1]} : vector<128x2xf32> to vector<128x1xf32>
    %slice3A_1083 = vector.extract_strided_slice %dot_general3A_1081 {offsets = [0, 1], sizes = [128, 1], strides = [1, 1]} : vector<128x2xf32> to vector<128x1xf32>
    %mul3A_1084 = arith.mulf %slice3A_1082, %slice3A_1082 : vector<128x1xf32>
    %sub3A_1085 = arith.subf %slice3A_1083, %mul3A_1084 : vector<128x1xf32>
    %add3A_1086 = arith.constant 9.99999974E-6 : f32
    %add3A_1087 = vector.broadcast %add3A_1086 : f32 to vector<128x1xf32>
    %add3A_1088 = arith.addf %sub3A_1085, %add3A_1087 : vector<128x1xf32>
    %sqrt3A_1089 = math.sqrt %add3A_1088 : vector<128x1xf32>
    %div3A_1090 = arith.constant 1.000000e+00 : f32
    %div3A_1091 = vector.broadcast %div3A_1090 : f32 to vector<128x1xf32>
    %div3A_1092 = arith.divf %div3A_1091, %sqrt3A_1089 : vector<128x1xf32>
    %sub3A_1093 = vector.broadcast %slice3A_1082 : vector<128x1xf32> to vector<128x512xf32>
    %sub3A_1094 = arith.subf %add3A_1068, %sub3A_1093 : vector<128x512xf32>
    %mul3A_1095 = vector.broadcast %div3A_1092 : vector<128x1xf32> to vector<128x512xf32>
    %mul3A_1096 = arith.mulf %sub3A_1094, %mul3A_1095 : vector<128x512xf32>
    %mul3A_1097 = vector.broadcast %get3A_1032 : vector<128x1xf32> to vector<128x512xf32>
    %mul3A_1098 = arith.mulf %mul3A_1096, %mul3A_1097 : vector<128x512xf32>
    %add3A_1099 = vector.broadcast %get3A_1035 : vector<128x1xf32> to vector<128x512xf32>
    %add3A_1100 = arith.addf %mul3A_1098, %add3A_1099 : vector<128x512xf32>
    %max3A_1101 = arith.constant 0.000000e+00 : f32
    %max3A_1102 = vector.broadcast %max3A_1101 : f32 to vector<128x512xf32>
    %max3A_1103 = arith.maximumf %add3A_1100, %max3A_1102 : vector<128x512xf32>
    %broadcast_in_dim3A_1104 = arith.constant 0.000000e+00 : f32
    %broadcast_in_dim3A_1105 = vector.broadcast %broadcast_in_dim3A_1104 : f32 to vector<128x1xf32>
    %concatenate3A_1106 = tpu.concatenate %broadcast_in_dim3A_1105, %max3A_1103, %broadcast_in_dim3A_1105 in 1 : vector<128x1xf32>, vector<128x512xf32>, vector<128x1xf32> -> vector<128x514xf32>
    %slice3A_1107 = vector.extract_strided_slice %get3A_1039 {offsets = [0, 0, 0], sizes = [1, 128, 128], strides = [1, 1, 1]} : vector<3x128x128xbf16> to vector<1x128x128xbf16>
    %squeeze3A_1108 = vector.shape_cast %slice3A_1107 : vector<1x128x128xbf16> to vector<128x128xbf16>
    %slice3A_1109 = vector.extract_strided_slice %concatenate3A_1106 {offsets = [0, 0], sizes = [128, 512], strides = [1, 1]} : vector<128x514xf32> to vector<128x512xf32>
    %convert_element_type3A_1110 = arith.truncf %slice3A_1109 : vector<128x512xf32> to vector<128x512xbf16>
    %dot_general3A_1111 = arith.constant dense<0.000000e+00> : vector<128x512xf32>
    %dot_general3A_1112 = tpu.matmul %squeeze3A_1108, %convert_element_type3A_1110, %dot_general3A_1111 {dimension_numbers = #tpu.dot_dimension_numbers<[1], [0], [0], [1], [0, 0, 1, 1], [], []>, transpose_lhs_hint = false} : vector<128x128xbf16>, vector<128x512xbf16>, vector<128x512xf32> -> vector<128x512xf32>
    %slice3A_1113 = vector.extract_strided_slice %get3A_1039 {offsets = [1, 0, 0], sizes = [1, 128, 128], strides = [1, 1, 1]} : vector<3x128x128xbf16> to vector<1x128x128xbf16>
    %squeeze3A_1114 = vector.shape_cast %slice3A_1113 : vector<1x128x128xbf16> to vector<128x128xbf16>
    %slice3A_1115 = vector.extract_strided_slice %concatenate3A_1106 {offsets = [0, 1], sizes = [128, 512], strides = [1, 1]} : vector<128x514xf32> to vector<128x512xf32>
    %convert_element_type3A_1116 = arith.truncf %slice3A_1115 : vector<128x512xf32> to vector<128x512xbf16>
    %dot_general3A_1117 = arith.constant dense<0.000000e+00> : vector<128x512xf32>
    %dot_general3A_1118 = tpu.matmul %squeeze3A_1114, %convert_element_type3A_1116, %dot_general3A_1117 {dimension_numbers = #tpu.dot_dimension_numbers<[1], [0], [0], [1], [0, 0, 1, 1], [], []>, transpose_lhs_hint = false} : vector<128x128xbf16>, vector<128x512xbf16>, vector<128x512xf32> -> vector<128x512xf32>
    %add3A_1119 = arith.addf %dot_general3A_1112, %dot_general3A_1118 : vector<128x512xf32>
    %slice3A_1120 = vector.extract_strided_slice %get3A_1039 {offsets = [2, 0, 0], sizes = [1, 128, 128], strides = [1, 1, 1]} : vector<3x128x128xbf16> to vector<1x128x128xbf16>
    %squeeze3A_1121 = vector.shape_cast %slice3A_1120 : vector<1x128x128xbf16> to vector<128x128xbf16>
    %slice3A_1122 = vector.extract_strided_slice %concatenate3A_1106 {offsets = [0, 2], sizes = [128, 512], strides = [1, 1]} : vector<128x514xf32> to vector<128x512xf32>
    %convert_element_type3A_1123 = arith.truncf %slice3A_1122 : vector<128x512xf32> to vector<128x512xbf16>
    %dot_general3A_1124 = arith.constant dense<0.000000e+00> : vector<128x512xf32>
    %dot_general3A_1125 = tpu.matmul %squeeze3A_1121, %convert_element_type3A_1123, %dot_general3A_1124 {dimension_numbers = #tpu.dot_dimension_numbers<[1], [0], [0], [1], [0, 0, 1, 1], [], []>, transpose_lhs_hint = false} : vector<128x128xbf16>, vector<128x512xbf16>, vector<128x512xf32> -> vector<128x512xf32>
    %add3A_1126 = arith.addf %add3A_1119, %dot_general3A_1125 : vector<128x512xf32>
    %reduce_sum3A_1127 = arith.constant dense<0.000000e+00> : vector<128xf32>
    %reduce_sum3A_1128 = vector.multi_reduction <add>, %add3A_1126, %reduce_sum3A_1127 [1] : vector<128x512xf32> to vector<128xf32>
    %broadcast_in_dim3A_1129 = vector.shape_cast %reduce_sum3A_1128 : vector<128xf32> to vector<128x1xf32>
    %mul3A_1130 = arith.mulf %add3A_1126, %add3A_1126 : vector<128x512xf32>
    %reduce_sum3A_1131 = arith.constant dense<0.000000e+00> : vector<128xf32>
    %reduce_sum3A_1132 = vector.multi_reduction <add>, %mul3A_1130, %reduce_sum3A_1131 [1] : vector<128x512xf32> to vector<128xf32>
    %broadcast_in_dim3A_1133 = vector.shape_cast %reduce_sum3A_1132 : vector<128xf32> to vector<128x1xf32>
    %concatenate3A_1134 = tpu.concatenate %broadcast_in_dim3A_1129, %broadcast_in_dim3A_1133 in 1 : vector<128x1xf32>, vector<128x1xf32> -> vector<128x2xf32>
    %div3A_1135 = arith.constant 5.120000e+02 : f32
    %div3A_1136 = vector.broadcast %div3A_1135 : f32 to vector<128x2xf32>
    %div3A_1137 = arith.divf %concatenate3A_1134, %div3A_1136 : vector<128x2xf32>
    %dot_general3A_1138 = arith.constant dense<0.000000e+00> : vector<128x2xf32>
    %dot_general3A_1139 = tpu.matmul %get3A_1, %div3A_1137, %dot_general3A_1138 {dimension_numbers = #tpu.dot_dimension_numbers<[1], [0], [0], [1], [0, 0, 1, 1], [], []>, precision = #tpu.contract_precision<fp32>, transpose_lhs_hint = false} : vector<128x128xf32>, vector<128x2xf32>, vector<128x2xf32> -> vector<128x2xf32>
    %slice3A_1140 = vector.extract_strided_slice %dot_general3A_1139 {offsets = [0, 0], sizes = [128, 1], strides = [1, 1]} : vector<128x2xf32> to vector<128x1xf32>
    %slice3A_1141 = vector.extract_strided_slice %dot_general3A_1139 {offsets = [0, 1], sizes = [128, 1], strides = [1, 1]} : vector<128x2xf32> to vector<128x1xf32>
    %mul3A_1142 = arith.mulf %slice3A_1140, %slice3A_1140 : vector<128x1xf32>
    %sub3A_1143 = arith.subf %slice3A_1141, %mul3A_1142 : vector<128x1xf32>
    %add3A_1144 = arith.constant 9.99999974E-6 : f32
    %add3A_1145 = vector.broadcast %add3A_1144 : f32 to vector<128x1xf32>
    %add3A_1146 = arith.addf %sub3A_1143, %add3A_1145 : vector<128x1xf32>
    %sqrt3A_1147 = math.sqrt %add3A_1146 : vector<128x1xf32>
    %div3A_1148 = arith.constant 1.000000e+00 : f32
    %div3A_1149 = vector.broadcast %div3A_1148 : f32 to vector<128x1xf32>
    %div3A_1150 = arith.divf %div3A_1149, %sqrt3A_1147 : vector<128x1xf32>
    %sub3A_1151 = vector.broadcast %slice3A_1140 : vector<128x1xf32> to vector<128x512xf32>
    %sub3A_1152 = arith.subf %add3A_1126, %sub3A_1151 : vector<128x512xf32>
    %mul3A_1153 = vector.broadcast %div3A_1150 : vector<128x1xf32> to vector<128x512xf32>
    %mul3A_1154 = arith.mulf %sub3A_1152, %mul3A_1153 : vector<128x512xf32>
    %mul3A_1155 = vector.broadcast %get3A_1042 : vector<128x1xf32> to vector<128x512xf32>
    %mul3A_1156 = arith.mulf %mul3A_1154, %mul3A_1155 : vector<128x512xf32>
    %add3A_1157 = vector.broadcast %get3A_1045 : vector<128x1xf32> to vector<128x512xf32>
    %add3A_1158 = arith.addf %mul3A_1156, %add3A_1157 : vector<128x512xf32>
    %add3A_1159 = arith.addf %dot_general3A_1025, %add3A_1158 : vector<128x512xf32>
    %max3A_1160 = arith.constant 0.000000e+00 : f32
    %max3A_1161 = vector.broadcast %max3A_1160 : f32 to vector<128x512xf32>
    %max3A_1162 = arith.maximumf %add3A_1159, %max3A_1161 : vector<128x512xf32>
    %get3A_1163 = arith.constant 0 : index
    %get3A_1164 = arith.constant 0 : index
    %get3A_1165 = arith.constant 0 : index
    %get3A_1166 = vector.load %arg11[%get3A_1163, %get3A_1164, %get3A_1165] : memref<5x80x128xbf16, #tpu.memory_space<vmem>>, vector<5x80x128xbf16>
    %broadcast_in_dim3A_1167 = arith.constant 0.000000e+00 : f32
    %broadcast_in_dim3A_1168 = vector.broadcast %broadcast_in_dim3A_1167 : f32 to vector<128x2xf32>
    %concatenate3A_1169 = tpu.concatenate %broadcast_in_dim3A_1168, %max3A_1162, %broadcast_in_dim3A_1168 in 1 : vector<128x2xf32>, vector<128x512xf32>, vector<128x2xf32> -> vector<128x516xf32>
    %slice3A_1170 = vector.extract_strided_slice %get3A_1166 {offsets = [0, 0, 0], sizes = [1, 80, 128], strides = [1, 1, 1]} : vector<5x80x128xbf16> to vector<1x80x128xbf16>
    %squeeze3A_1171 = vector.shape_cast %slice3A_1170 : vector<1x80x128xbf16> to vector<80x128xbf16>
    %slice3A_1172 = vector.extract_strided_slice %concatenate3A_1169 {offsets = [0, 0], sizes = [128, 512], strides = [1, 1]} : vector<128x516xf32> to vector<128x512xf32>
    %convert_element_type3A_1173 = arith.truncf %slice3A_1172 : vector<128x512xf32> to vector<128x512xbf16>
    %dot_general3A_1174 = arith.constant dense<0.000000e+00> : vector<80x512xf32>
    %dot_general3A_1175 = tpu.matmul %squeeze3A_1171, %convert_element_type3A_1173, %dot_general3A_1174 {dimension_numbers = #tpu.dot_dimension_numbers<[1], [0], [0], [1], [0, 0, 1, 1], [], []>, transpose_lhs_hint = false} : vector<80x128xbf16>, vector<128x512xbf16>, vector<80x512xf32> -> vector<80x512xf32>
    %slice3A_1176 = vector.extract_strided_slice %get3A_1166 {offsets = [1, 0, 0], sizes = [1, 80, 128], strides = [1, 1, 1]} : vector<5x80x128xbf16> to vector<1x80x128xbf16>
    %squeeze3A_1177 = vector.shape_cast %slice3A_1176 : vector<1x80x128xbf16> to vector<80x128xbf16>
    %slice3A_1178 = vector.extract_strided_slice %concatenate3A_1169 {offsets = [0, 1], sizes = [128, 512], strides = [1, 1]} : vector<128x516xf32> to vector<128x512xf32>
    %convert_element_type3A_1179 = arith.truncf %slice3A_1178 : vector<128x512xf32> to vector<128x512xbf16>
    %dot_general3A_1180 = arith.constant dense<0.000000e+00> : vector<80x512xf32>
    %dot_general3A_1181 = tpu.matmul %squeeze3A_1177, %convert_element_type3A_1179, %dot_general3A_1180 {dimension_numbers = #tpu.dot_dimension_numbers<[1], [0], [0], [1], [0, 0, 1, 1], [], []>, transpose_lhs_hint = false} : vector<80x128xbf16>, vector<128x512xbf16>, vector<80x512xf32> -> vector<80x512xf32>
    %add3A_1182 = arith.addf %dot_general3A_1175, %dot_general3A_1181 : vector<80x512xf32>
    %slice3A_1183 = vector.extract_strided_slice %get3A_1166 {offsets = [2, 0, 0], sizes = [1, 80, 128], strides = [1, 1, 1]} : vector<5x80x128xbf16> to vector<1x80x128xbf16>
    %squeeze3A_1184 = vector.shape_cast %slice3A_1183 : vector<1x80x128xbf16> to vector<80x128xbf16>
    %slice3A_1185 = vector.extract_strided_slice %concatenate3A_1169 {offsets = [0, 2], sizes = [128, 512], strides = [1, 1]} : vector<128x516xf32> to vector<128x512xf32>
    %convert_element_type3A_1186 = arith.truncf %slice3A_1185 : vector<128x512xf32> to vector<128x512xbf16>
    %dot_general3A_1187 = arith.constant dense<0.000000e+00> : vector<80x512xf32>
    %dot_general3A_1188 = tpu.matmul %squeeze3A_1184, %convert_element_type3A_1186, %dot_general3A_1187 {dimension_numbers = #tpu.dot_dimension_numbers<[1], [0], [0], [1], [0, 0, 1, 1], [], []>, transpose_lhs_hint = false} : vector<80x128xbf16>, vector<128x512xbf16>, vector<80x512xf32> -> vector<80x512xf32>
    %add3A_1189 = arith.addf %add3A_1182, %dot_general3A_1188 : vector<80x512xf32>
    %slice3A_1190 = vector.extract_strided_slice %get3A_1166 {offsets = [3, 0, 0], sizes = [1, 80, 128], strides = [1, 1, 1]} : vector<5x80x128xbf16> to vector<1x80x128xbf16>
    %squeeze3A_1191 = vector.shape_cast %slice3A_1190 : vector<1x80x128xbf16> to vector<80x128xbf16>
    %slice3A_1192 = vector.extract_strided_slice %concatenate3A_1169 {offsets = [0, 3], sizes = [128, 512], strides = [1, 1]} : vector<128x516xf32> to vector<128x512xf32>
    %convert_element_type3A_1193 = arith.truncf %slice3A_1192 : vector<128x512xf32> to vector<128x512xbf16>
    %dot_general3A_1194 = arith.constant dense<0.000000e+00> : vector<80x512xf32>
    %dot_general3A_1195 = tpu.matmul %squeeze3A_1191, %convert_element_type3A_1193, %dot_general3A_1194 {dimension_numbers = #tpu.dot_dimension_numbers<[1], [0], [0], [1], [0, 0, 1, 1], [], []>, transpose_lhs_hint = false} : vector<80x128xbf16>, vector<128x512xbf16>, vector<80x512xf32> -> vector<80x512xf32>
    %add3A_1196 = arith.addf %add3A_1189, %dot_general3A_1195 : vector<80x512xf32>
    %slice3A_1197 = vector.extract_strided_slice %get3A_1166 {offsets = [4, 0, 0], sizes = [1, 80, 128], strides = [1, 1, 1]} : vector<5x80x128xbf16> to vector<1x80x128xbf16>
    %squeeze3A_1198 = vector.shape_cast %slice3A_1197 : vector<1x80x128xbf16> to vector<80x128xbf16>
    %slice3A_1199 = vector.extract_strided_slice %concatenate3A_1169 {offsets = [0, 4], sizes = [128, 512], strides = [1, 1]} : vector<128x516xf32> to vector<128x512xf32>
    %convert_element_type3A_1200 = arith.truncf %slice3A_1199 : vector<128x512xf32> to vector<128x512xbf16>
    %dot_general3A_1201 = arith.constant dense<0.000000e+00> : vector<80x512xf32>
    %dot_general3A_1202 = tpu.matmul %squeeze3A_1198, %convert_element_type3A_1200, %dot_general3A_1201 {dimension_numbers = #tpu.dot_dimension_numbers<[1], [0], [0], [1], [0, 0, 1, 1], [], []>, transpose_lhs_hint = false} : vector<80x128xbf16>, vector<128x512xbf16>, vector<80x512xf32> -> vector<80x512xf32>
    %add3A_1203 = arith.addf %add3A_1196, %dot_general3A_1202 : vector<80x512xf32>
    %get3A_1204 = arith.constant 0 : index
    %get3A_1205 = arith.constant 0 : index
    %get3A_1206 = vector.load %arg12[%get3A_1204, %get3A_1205] : memref<80x1xf32, #tpu.memory_space<vmem>>, vector<80x1xf32>
    %add3A_1207 = vector.broadcast %get3A_1206 : vector<80x1xf32> to vector<80x512xf32>
    %add3A_1208 = arith.addf %add3A_1203, %add3A_1207 : vector<80x512xf32>
    %swap3A_1209 = arith.constant 2 : index
    %swap3A_1210 = arith.constant 0 : index
    %swap3A_1211 = arith.constant 0 : index
    %swap3A_1212 = vector.load %arg16[%swap3A_1209, %swap3A_1210, %swap3A_1211] : memref<8x80x512xf32, #tpu.memory_space<vmem>>, vector<1x80x512xf32>
    %swap3A_1213 = vector.shape_cast %swap3A_1212 : vector<1x80x512xf32> to vector<80x512xf32>
    %swap3A_1214 = vector.shape_cast %add3A_1208 : vector<80x512xf32> to vector<1x80x512xf32>
    tpu.vector_store %arg16[%swap3A_1209, %swap3A_1210, %swap3A_1211], %swap3A_1214 {strides = array<i32>} : memref<8x80x512xf32, #tpu.memory_space<vmem>>, vector<1x80x512xf32>,
    %get3A_1215 = arith.constant 3 : index
    %get3A_1216 = arith.constant 0 : index
    %get3A_1217 = arith.constant 0 : index
    %get3A_1218 = vector.load %arg1[%get3A_1215, %get3A_1216, %get3A_1217] : memref<8x64x128xf32, #tpu.memory_space<vmem>>, vector<1x64x128xf32>
    %get3A_1219 = vector.shape_cast %get3A_1218 : vector<1x64x128xf32> to vector<64x128xf32>
    %get3A_1220 = arith.constant 0 : index
    %get3A_1221 = arith.constant 0 : index
    %get3A_1222 = arith.constant 0 : index
    %get3A_1223 = vector.load %arg2[%get3A_1220, %get3A_1221, %get3A_1222] : memref<3x128x64xbf16, #tpu.memory_space<vmem>>, vector<3x128x64xbf16>
    %broadcast_in_dim3A_1224 = arith.constant 0.000000e+00 : f32
    %broadcast_in_dim3A_1225 = vector.broadcast %broadcast_in_dim3A_1224 : f32 to vector<64x1xf32>
    %concatenate3A_1226 = tpu.concatenate %broadcast_in_dim3A_1225, %get3A_1219, %broadcast_in_dim3A_1225 in 1 : vector<64x1xf32>, vector<64x128xf32>, vector<64x1xf32> -> vector<64x130xf32>
    %slice3A_1227 = vector.extract_strided_slice %get3A_1223 {offsets = [0, 0, 0], sizes = [1, 128, 64], strides = [1, 1, 1]} : vector<3x128x64xbf16> to vector<1x128x64xbf16>
    %squeeze3A_1228 = vector.shape_cast %slice3A_1227 : vector<1x128x64xbf16> to vector<128x64xbf16>
    %slice3A_1229 = vector.extract_strided_slice %concatenate3A_1226 {offsets = [0, 0], sizes = [64, 128], strides = [1, 1]} : vector<64x130xf32> to vector<64x128xf32>
    %convert_element_type3A_1230 = arith.truncf %slice3A_1229 : vector<64x128xf32> to vector<64x128xbf16>
    %dot_general3A_1231 = arith.constant dense<0.000000e+00> : vector<128x128xf32>
    %dot_general3A_1232 = tpu.matmul %squeeze3A_1228, %convert_element_type3A_1230, %dot_general3A_1231 {dimension_numbers = #tpu.dot_dimension_numbers<[1], [0], [0], [1], [0, 0, 1, 1], [], []>, transpose_lhs_hint = false} : vector<128x64xbf16>, vector<64x128xbf16>, vector<128x128xf32> -> vector<128x128xf32>
    %slice3A_1233 = vector.extract_strided_slice %get3A_1223 {offsets = [1, 0, 0], sizes = [1, 128, 64], strides = [1, 1, 1]} : vector<3x128x64xbf16> to vector<1x128x64xbf16>
    %squeeze3A_1234 = vector.shape_cast %slice3A_1233 : vector<1x128x64xbf16> to vector<128x64xbf16>
    %slice3A_1235 = vector.extract_strided_slice %concatenate3A_1226 {offsets = [0, 1], sizes = [64, 128], strides = [1, 1]} : vector<64x130xf32> to vector<64x128xf32>
    %convert_element_type3A_1236 = arith.truncf %slice3A_1235 : vector<64x128xf32> to vector<64x128xbf16>
    %dot_general3A_1237 = arith.constant dense<0.000000e+00> : vector<128x128xf32>
    %dot_general3A_1238 = tpu.matmul %squeeze3A_1234, %convert_element_type3A_1236, %dot_general3A_1237 {dimension_numbers = #tpu.dot_dimension_numbers<[1], [0], [0], [1], [0, 0, 1, 1], [], []>, transpose_lhs_hint = false} : vector<128x64xbf16>, vector<64x128xbf16>, vector<128x128xf32> -> vector<128x128xf32>
    %add3A_1239 = arith.addf %dot_general3A_1232, %dot_general3A_1238 : vector<128x128xf32>
    %slice3A_1240 = vector.extract_strided_slice %get3A_1223 {offsets = [2, 0, 0], sizes = [1, 128, 64], strides = [1, 1, 1]} : vector<3x128x64xbf16> to vector<1x128x64xbf16>
    %squeeze3A_1241 = vector.shape_cast %slice3A_1240 : vector<1x128x64xbf16> to vector<128x64xbf16>
    %slice3A_1242 = vector.extract_strided_slice %concatenate3A_1226 {offsets = [0, 2], sizes = [64, 128], strides = [1, 1]} : vector<64x130xf32> to vector<64x128xf32>
    %convert_element_type3A_1243 = arith.truncf %slice3A_1242 : vector<64x128xf32> to vector<64x128xbf16>
    %dot_general3A_1244 = arith.constant dense<0.000000e+00> : vector<128x128xf32>
    %dot_general3A_1245 = tpu.matmul %squeeze3A_1241, %convert_element_type3A_1243, %dot_general3A_1244 {dimension_numbers = #tpu.dot_dimension_numbers<[1], [0], [0], [1], [0, 0, 1, 1], [], []>, transpose_lhs_hint = false} : vector<128x64xbf16>, vector<64x128xbf16>, vector<128x128xf32> -> vector<128x128xf32>
    %add3A_1246 = arith.addf %add3A_1239, %dot_general3A_1245 : vector<128x128xf32>
    %get3A_1247 = arith.constant 0 : index
    %get3A_1248 = arith.constant 0 : index
    %get3A_1249 = vector.load %arg3[%get3A_1247, %get3A_1248] : memref<128x1xf32, #tpu.memory_space<vmem>>, vector<128x1xf32>
    %get3A_1250 = arith.constant 0 : index
    %get3A_1251 = arith.constant 0 : index
    %get3A_1252 = vector.load %arg4[%get3A_1250, %get3A_1251] : memref<128x1xf32, #tpu.memory_space<vmem>>, vector<128x1xf32>
    %reduce_sum3A_1253 = arith.constant dense<0.000000e+00> : vector<128xf32>
    %reduce_sum3A_1254 = vector.multi_reduction <add>, %add3A_1246, %reduce_sum3A_1253 [1] : vector<128x128xf32> to vector<128xf32>
    %broadcast_in_dim3A_1255 = vector.shape_cast %reduce_sum3A_1254 : vector<128xf32> to vector<128x1xf32>
    %mul3A_1256 = arith.mulf %add3A_1246, %add3A_1246 : vector<128x128xf32>
    %reduce_sum3A_1257 = arith.constant dense<0.000000e+00> : vector<128xf32>
    %reduce_sum3A_1258 = vector.multi_reduction <add>, %mul3A_1256, %reduce_sum3A_1257 [1] : vector<128x128xf32> to vector<128xf32>
    %broadcast_in_dim3A_1259 = vector.shape_cast %reduce_sum3A_1258 : vector<128xf32> to vector<128x1xf32>
    %concatenate3A_1260 = tpu.concatenate %broadcast_in_dim3A_1255, %broadcast_in_dim3A_1259 in 1 : vector<128x1xf32>, vector<128x1xf32> -> vector<128x2xf32>
    %div3A_1261 = arith.constant 1.280000e+02 : f32
    %div3A_1262 = vector.broadcast %div3A_1261 : f32 to vector<128x2xf32>
    %div3A_1263 = arith.divf %concatenate3A_1260, %div3A_1262 : vector<128x2xf32>
    %dot_general3A_1264 = arith.constant dense<0.000000e+00> : vector<128x2xf32>
    %dot_general3A_1265 = tpu.matmul %get3A_1, %div3A_1263, %dot_general3A_1264 {dimension_numbers = #tpu.dot_dimension_numbers<[1], [0], [0], [1], [0, 0, 1, 1], [], []>, precision = #tpu.contract_precision<fp32>, transpose_lhs_hint = false} : vector<128x128xf32>, vector<128x2xf32>, vector<128x2xf32> -> vector<128x2xf32>
    %slice3A_1266 = vector.extract_strided_slice %dot_general3A_1265 {offsets = [0, 0], sizes = [128, 1], strides = [1, 1]} : vector<128x2xf32> to vector<128x1xf32>
    %slice3A_1267 = vector.extract_strided_slice %dot_general3A_1265 {offsets = [0, 1], sizes = [128, 1], strides = [1, 1]} : vector<128x2xf32> to vector<128x1xf32>
    %mul3A_1268 = arith.mulf %slice3A_1266, %slice3A_1266 : vector<128x1xf32>
    %sub3A_1269 = arith.subf %slice3A_1267, %mul3A_1268 : vector<128x1xf32>
    %add3A_1270 = arith.constant 9.99999974E-6 : f32
    %add3A_1271 = vector.broadcast %add3A_1270 : f32 to vector<128x1xf32>
    %add3A_1272 = arith.addf %sub3A_1269, %add3A_1271 : vector<128x1xf32>
    %sqrt3A_1273 = math.sqrt %add3A_1272 : vector<128x1xf32>
    %div3A_1274 = arith.constant 1.000000e+00 : f32
    %div3A_1275 = vector.broadcast %div3A_1274 : f32 to vector<128x1xf32>
    %div3A_1276 = arith.divf %div3A_1275, %sqrt3A_1273 : vector<128x1xf32>
    %sub3A_1277 = vector.broadcast %slice3A_1266 : vector<128x1xf32> to vector<128x128xf32>
    %sub3A_1278 = arith.subf %add3A_1246, %sub3A_1277 : vector<128x128xf32>
    %mul3A_1279 = vector.broadcast %div3A_1276 : vector<128x1xf32> to vector<128x128xf32>
    %mul3A_1280 = arith.mulf %sub3A_1278, %mul3A_1279 : vector<128x128xf32>
    %mul3A_1281 = vector.broadcast %get3A_1249 : vector<128x1xf32> to vector<128x128xf32>
    %mul3A_1282 = arith.mulf %mul3A_1280, %mul3A_1281 : vector<128x128xf32>
    %add3A_1283 = vector.broadcast %get3A_1252 : vector<128x1xf32> to vector<128x128xf32>
    %add3A_1284 = arith.addf %mul3A_1282, %add3A_1283 : vector<128x128xf32>
    %max3A_1285 = arith.constant 0.000000e+00 : f32
    %max3A_1286 = vector.broadcast %max3A_1285 : f32 to vector<128x128xf32>
    %max3A_1287 = arith.maximumf %add3A_1284, %max3A_1286 : vector<128x128xf32>
    %get3A_1288 = arith.constant 0 : index
    %get3A_1289 = arith.constant 0 : index
    %get3A_1290 = vector.load %arg14[%get3A_1288, %get3A_1289] : memref<128x256xf32, #tpu.memory_space<vmem>>, vector<128x256xf32>
    %dot_general3A_1291 = arith.constant dense<0.000000e+00> : vector<128x256xf32>
    %dot_general3A_1292 = tpu.matmul %max3A_1287, %get3A_1290, %dot_general3A_1291 {dimension_numbers = #tpu.dot_dimension_numbers<[1], [0], [0], [1], [0, 0, 1, 1], [], []>, precision = #tpu.contract_precision<fp32>, transpose_lhs_hint = false} : vector<128x128xf32>, vector<128x256xf32>, vector<128x256xf32> -> vector<128x256xf32>
    %get3A_1293 = arith.constant 0 : index
    %get3A_1294 = arith.constant 0 : index
    %get3A_1295 = arith.constant 0 : index
    %get3A_1296 = vector.load %arg5[%get3A_1293, %get3A_1294, %get3A_1295] : memref<3x128x128xbf16, #tpu.memory_space<vmem>>, vector<3x128x128xbf16>
    %get3A_1297 = arith.constant 0 : index
    %get3A_1298 = arith.constant 0 : index
    %get3A_1299 = vector.load %arg6[%get3A_1297, %get3A_1298] : memref<128x1xf32, #tpu.memory_space<vmem>>, vector<128x1xf32>
    %get3A_1300 = arith.constant 0 : index
    %get3A_1301 = arith.constant 0 : index
    %get3A_1302 = vector.load %arg7[%get3A_1300, %get3A_1301] : memref<128x1xf32, #tpu.memory_space<vmem>>, vector<128x1xf32>
    %get3A_1303 = arith.constant 0 : index
    %get3A_1304 = arith.constant 0 : index
    %get3A_1305 = arith.constant 0 : index
    %get3A_1306 = vector.load %arg8[%get3A_1303, %get3A_1304, %get3A_1305] : memref<3x128x128xbf16, #tpu.memory_space<vmem>>, vector<3x128x128xbf16>
    %get3A_1307 = arith.constant 0 : index
    %get3A_1308 = arith.constant 0 : index
    %get3A_1309 = vector.load %arg9[%get3A_1307, %get3A_1308] : memref<128x1xf32, #tpu.memory_space<vmem>>, vector<128x1xf32>
    %get3A_1310 = arith.constant 0 : index
    %get3A_1311 = arith.constant 0 : index
    %get3A_1312 = vector.load %arg10[%get3A_1310, %get3A_1311] : memref<128x1xf32, #tpu.memory_space<vmem>>, vector<128x1xf32>
    %broadcast_in_dim3A_1313 = arith.constant 0.000000e+00 : f32
    %broadcast_in_dim3A_1314 = vector.broadcast %broadcast_in_dim3A_1313 : f32 to vector<128x1xf32>
    %concatenate3A_1315 = tpu.concatenate %broadcast_in_dim3A_1314, %dot_general3A_1292, %broadcast_in_dim3A_1314 in 1 : vector<128x1xf32>, vector<128x256xf32>, vector<128x1xf32> -> vector<128x258xf32>
    %slice3A_1316 = vector.extract_strided_slice %get3A_1296 {offsets = [0, 0, 0], sizes = [1, 128, 128], strides = [1, 1, 1]} : vector<3x128x128xbf16> to vector<1x128x128xbf16>
    %squeeze3A_1317 = vector.shape_cast %slice3A_1316 : vector<1x128x128xbf16> to vector<128x128xbf16>
    %slice3A_1318 = vector.extract_strided_slice %concatenate3A_1315 {offsets = [0, 0], sizes = [128, 256], strides = [1, 1]} : vector<128x258xf32> to vector<128x256xf32>
    %convert_element_type3A_1319 = arith.truncf %slice3A_1318 : vector<128x256xf32> to vector<128x256xbf16>
    %dot_general3A_1320 = arith.constant dense<0.000000e+00> : vector<128x256xf32>
    %dot_general3A_1321 = tpu.matmul %squeeze3A_1317, %convert_element_type3A_1319, %dot_general3A_1320 {dimension_numbers = #tpu.dot_dimension_numbers<[1], [0], [0], [1], [0, 0, 1, 1], [], []>, transpose_lhs_hint = false} : vector<128x128xbf16>, vector<128x256xbf16>, vector<128x256xf32> -> vector<128x256xf32>
    %slice3A_1322 = vector.extract_strided_slice %get3A_1296 {offsets = [1, 0, 0], sizes = [1, 128, 128], strides = [1, 1, 1]} : vector<3x128x128xbf16> to vector<1x128x128xbf16>
    %squeeze3A_1323 = vector.shape_cast %slice3A_1322 : vector<1x128x128xbf16> to vector<128x128xbf16>
    %slice3A_1324 = vector.extract_strided_slice %concatenate3A_1315 {offsets = [0, 1], sizes = [128, 256], strides = [1, 1]} : vector<128x258xf32> to vector<128x256xf32>
    %convert_element_type3A_1325 = arith.truncf %slice3A_1324 : vector<128x256xf32> to vector<128x256xbf16>
    %dot_general3A_1326 = arith.constant dense<0.000000e+00> : vector<128x256xf32>
    %dot_general3A_1327 = tpu.matmul %squeeze3A_1323, %convert_element_type3A_1325, %dot_general3A_1326 {dimension_numbers = #tpu.dot_dimension_numbers<[1], [0], [0], [1], [0, 0, 1, 1], [], []>, transpose_lhs_hint = false} : vector<128x128xbf16>, vector<128x256xbf16>, vector<128x256xf32> -> vector<128x256xf32>
    %add3A_1328 = arith.addf %dot_general3A_1321, %dot_general3A_1327 : vector<128x256xf32>
    %slice3A_1329 = vector.extract_strided_slice %get3A_1296 {offsets = [2, 0, 0], sizes = [1, 128, 128], strides = [1, 1, 1]} : vector<3x128x128xbf16> to vector<1x128x128xbf16>
    %squeeze3A_1330 = vector.shape_cast %slice3A_1329 : vector<1x128x128xbf16> to vector<128x128xbf16>
    %slice3A_1331 = vector.extract_strided_slice %concatenate3A_1315 {offsets = [0, 2], sizes = [128, 256], strides = [1, 1]} : vector<128x258xf32> to vector<128x256xf32>
    %convert_element_type3A_1332 = arith.truncf %slice3A_1331 : vector<128x256xf32> to vector<128x256xbf16>
    %dot_general3A_1333 = arith.constant dense<0.000000e+00> : vector<128x256xf32>
    %dot_general3A_1334 = tpu.matmul %squeeze3A_1330, %convert_element_type3A_1332, %dot_general3A_1333 {dimension_numbers = #tpu.dot_dimension_numbers<[1], [0], [0], [1], [0, 0, 1, 1], [], []>, transpose_lhs_hint = false} : vector<128x128xbf16>, vector<128x256xbf16>, vector<128x256xf32> -> vector<128x256xf32>
    %add3A_1335 = arith.addf %add3A_1328, %dot_general3A_1334 : vector<128x256xf32>
    %reduce_sum3A_1336 = arith.constant dense<0.000000e+00> : vector<128xf32>
    %reduce_sum3A_1337 = vector.multi_reduction <add>, %add3A_1335, %reduce_sum3A_1336 [1] : vector<128x256xf32> to vector<128xf32>
    %broadcast_in_dim3A_1338 = vector.shape_cast %reduce_sum3A_1337 : vector<128xf32> to vector<128x1xf32>
    %mul3A_1339 = arith.mulf %add3A_1335, %add3A_1335 : vector<128x256xf32>
    %reduce_sum3A_1340 = arith.constant dense<0.000000e+00> : vector<128xf32>
    %reduce_sum3A_1341 = vector.multi_reduction <add>, %mul3A_1339, %reduce_sum3A_1340 [1] : vector<128x256xf32> to vector<128xf32>
    %broadcast_in_dim3A_1342 = vector.shape_cast %reduce_sum3A_1341 : vector<128xf32> to vector<128x1xf32>
    %concatenate3A_1343 = tpu.concatenate %broadcast_in_dim3A_1338, %broadcast_in_dim3A_1342 in 1 : vector<128x1xf32>, vector<128x1xf32> -> vector<128x2xf32>
    %div3A_1344 = arith.constant 2.560000e+02 : f32
    %div3A_1345 = vector.broadcast %div3A_1344 : f32 to vector<128x2xf32>
    %div3A_1346 = arith.divf %concatenate3A_1343, %div3A_1345 : vector<128x2xf32>
    %dot_general3A_1347 = arith.constant dense<0.000000e+00> : vector<128x2xf32>
    %dot_general3A_1348 = tpu.matmul %get3A_1, %div3A_1346, %dot_general3A_1347 {dimension_numbers = #tpu.dot_dimension_numbers<[1], [0], [0], [1], [0, 0, 1, 1], [], []>, precision = #tpu.contract_precision<fp32>, transpose_lhs_hint = false} : vector<128x128xf32>, vector<128x2xf32>, vector<128x2xf32> -> vector<128x2xf32>
    %slice3A_1349 = vector.extract_strided_slice %dot_general3A_1348 {offsets = [0, 0], sizes = [128, 1], strides = [1, 1]} : vector<128x2xf32> to vector<128x1xf32>
    %slice3A_1350 = vector.extract_strided_slice %dot_general3A_1348 {offsets = [0, 1], sizes = [128, 1], strides = [1, 1]} : vector<128x2xf32> to vector<128x1xf32>
    %mul3A_1351 = arith.mulf %slice3A_1349, %slice3A_1349 : vector<128x1xf32>
    %sub3A_1352 = arith.subf %slice3A_1350, %mul3A_1351 : vector<128x1xf32>
    %add3A_1353 = arith.constant 9.99999974E-6 : f32
    %add3A_1354 = vector.broadcast %add3A_1353 : f32 to vector<128x1xf32>
    %add3A_1355 = arith.addf %sub3A_1352, %add3A_1354 : vector<128x1xf32>
    %sqrt3A_1356 = math.sqrt %add3A_1355 : vector<128x1xf32>
    %div3A_1357 = arith.constant 1.000000e+00 : f32
    %div3A_1358 = vector.broadcast %div3A_1357 : f32 to vector<128x1xf32>
    %div3A_1359 = arith.divf %div3A_1358, %sqrt3A_1356 : vector<128x1xf32>
    %sub3A_1360 = vector.broadcast %slice3A_1349 : vector<128x1xf32> to vector<128x256xf32>
    %sub3A_1361 = arith.subf %add3A_1335, %sub3A_1360 : vector<128x256xf32>
    %mul3A_1362 = vector.broadcast %div3A_1359 : vector<128x1xf32> to vector<128x256xf32>
    %mul3A_1363 = arith.mulf %sub3A_1361, %mul3A_1362 : vector<128x256xf32>
    %mul3A_1364 = vector.broadcast %get3A_1299 : vector<128x1xf32> to vector<128x256xf32>
    %mul3A_1365 = arith.mulf %mul3A_1363, %mul3A_1364 : vector<128x256xf32>
    %add3A_1366 = vector.broadcast %get3A_1302 : vector<128x1xf32> to vector<128x256xf32>
    %add3A_1367 = arith.addf %mul3A_1365, %add3A_1366 : vector<128x256xf32>
    %max3A_1368 = arith.constant 0.000000e+00 : f32
    %max3A_1369 = vector.broadcast %max3A_1368 : f32 to vector<128x256xf32>
    %max3A_1370 = arith.maximumf %add3A_1367, %max3A_1369 : vector<128x256xf32>
    %broadcast_in_dim3A_1371 = arith.constant 0.000000e+00 : f32
    %broadcast_in_dim3A_1372 = vector.broadcast %broadcast_in_dim3A_1371 : f32 to vector<128x1xf32>
    %concatenate3A_1373 = tpu.concatenate %broadcast_in_dim3A_1372, %max3A_1370, %broadcast_in_dim3A_1372 in 1 : vector<128x1xf32>, vector<128x256xf32>, vector<128x1xf32> -> vector<128x258xf32>
    %slice3A_1374 = vector.extract_strided_slice %get3A_1306 {offsets = [0, 0, 0], sizes = [1, 128, 128], strides = [1, 1, 1]} : vector<3x128x128xbf16> to vector<1x128x128xbf16>
    %squeeze3A_1375 = vector.shape_cast %slice3A_1374 : vector<1x128x128xbf16> to vector<128x128xbf16>
    %slice3A_1376 = vector.extract_strided_slice %concatenate3A_1373 {offsets = [0, 0], sizes = [128, 256], strides = [1, 1]} : vector<128x258xf32> to vector<128x256xf32>
    %convert_element_type3A_1377 = arith.truncf %slice3A_1376 : vector<128x256xf32> to vector<128x256xbf16>
    %dot_general3A_1378 = arith.constant dense<0.000000e+00> : vector<128x256xf32>
    %dot_general3A_1379 = tpu.matmul %squeeze3A_1375, %convert_element_type3A_1377, %dot_general3A_1378 {dimension_numbers = #tpu.dot_dimension_numbers<[1], [0], [0], [1], [0, 0, 1, 1], [], []>, transpose_lhs_hint = false} : vector<128x128xbf16>, vector<128x256xbf16>, vector<128x256xf32> -> vector<128x256xf32>
    %slice3A_1380 = vector.extract_strided_slice %get3A_1306 {offsets = [1, 0, 0], sizes = [1, 128, 128], strides = [1, 1, 1]} : vector<3x128x128xbf16> to vector<1x128x128xbf16>
    %squeeze3A_1381 = vector.shape_cast %slice3A_1380 : vector<1x128x128xbf16> to vector<128x128xbf16>
    %slice3A_1382 = vector.extract_strided_slice %concatenate3A_1373 {offsets = [0, 1], sizes = [128, 256], strides = [1, 1]} : vector<128x258xf32> to vector<128x256xf32>
    %convert_element_type3A_1383 = arith.truncf %slice3A_1382 : vector<128x256xf32> to vector<128x256xbf16>
    %dot_general3A_1384 = arith.constant dense<0.000000e+00> : vector<128x256xf32>
    %dot_general3A_1385 = tpu.matmul %squeeze3A_1381, %convert_element_type3A_1383, %dot_general3A_1384 {dimension_numbers = #tpu.dot_dimension_numbers<[1], [0], [0], [1], [0, 0, 1, 1], [], []>, transpose_lhs_hint = false} : vector<128x128xbf16>, vector<128x256xbf16>, vector<128x256xf32> -> vector<128x256xf32>
    %add3A_1386 = arith.addf %dot_general3A_1379, %dot_general3A_1385 : vector<128x256xf32>
    %slice3A_1387 = vector.extract_strided_slice %get3A_1306 {offsets = [2, 0, 0], sizes = [1, 128, 128], strides = [1, 1, 1]} : vector<3x128x128xbf16> to vector<1x128x128xbf16>
    %squeeze3A_1388 = vector.shape_cast %slice3A_1387 : vector<1x128x128xbf16> to vector<128x128xbf16>
    %slice3A_1389 = vector.extract_strided_slice %concatenate3A_1373 {offsets = [0, 2], sizes = [128, 256], strides = [1, 1]} : vector<128x258xf32> to vector<128x256xf32>
    %convert_element_type3A_1390 = arith.truncf %slice3A_1389 : vector<128x256xf32> to vector<128x256xbf16>
    %dot_general3A_1391 = arith.constant dense<0.000000e+00> : vector<128x256xf32>
    %dot_general3A_1392 = tpu.matmul %squeeze3A_1388, %convert_element_type3A_1390, %dot_general3A_1391 {dimension_numbers = #tpu.dot_dimension_numbers<[1], [0], [0], [1], [0, 0, 1, 1], [], []>, transpose_lhs_hint = false} : vector<128x128xbf16>, vector<128x256xbf16>, vector<128x256xf32> -> vector<128x256xf32>
    %add3A_1393 = arith.addf %add3A_1386, %dot_general3A_1392 : vector<128x256xf32>
    %reduce_sum3A_1394 = arith.constant dense<0.000000e+00> : vector<128xf32>
    %reduce_sum3A_1395 = vector.multi_reduction <add>, %add3A_1393, %reduce_sum3A_1394 [1] : vector<128x256xf32> to vector<128xf32>
    %broadcast_in_dim3A_1396 = vector.shape_cast %reduce_sum3A_1395 : vector<128xf32> to vector<128x1xf32>
    %mul3A_1397 = arith.mulf %add3A_1393, %add3A_1393 : vector<128x256xf32>
    %reduce_sum3A_1398 = arith.constant dense<0.000000e+00> : vector<128xf32>
    %reduce_sum3A_1399 = vector.multi_reduction <add>, %mul3A_1397, %reduce_sum3A_1398 [1] : vector<128x256xf32> to vector<128xf32>
    %broadcast_in_dim3A_1400 = vector.shape_cast %reduce_sum3A_1399 : vector<128xf32> to vector<128x1xf32>
    %concatenate3A_1401 = tpu.concatenate %broadcast_in_dim3A_1396, %broadcast_in_dim3A_1400 in 1 : vector<128x1xf32>, vector<128x1xf32> -> vector<128x2xf32>
    %div3A_1402 = arith.constant 2.560000e+02 : f32
    %div3A_1403 = vector.broadcast %div3A_1402 : f32 to vector<128x2xf32>
    %div3A_1404 = arith.divf %concatenate3A_1401, %div3A_1403 : vector<128x2xf32>
    %dot_general3A_1405 = arith.constant dense<0.000000e+00> : vector<128x2xf32>
    %dot_general3A_1406 = tpu.matmul %get3A_1, %div3A_1404, %dot_general3A_1405 {dimension_numbers = #tpu.dot_dimension_numbers<[1], [0], [0], [1], [0, 0, 1, 1], [], []>, precision = #tpu.contract_precision<fp32>, transpose_lhs_hint = false} : vector<128x128xf32>, vector<128x2xf32>, vector<128x2xf32> -> vector<128x2xf32>
    %slice3A_1407 = vector.extract_strided_slice %dot_general3A_1406 {offsets = [0, 0], sizes = [128, 1], strides = [1, 1]} : vector<128x2xf32> to vector<128x1xf32>
    %slice3A_1408 = vector.extract_strided_slice %dot_general3A_1406 {offsets = [0, 1], sizes = [128, 1], strides = [1, 1]} : vector<128x2xf32> to vector<128x1xf32>
    %mul3A_1409 = arith.mulf %slice3A_1407, %slice3A_1407 : vector<128x1xf32>
    %sub3A_1410 = arith.subf %slice3A_1408, %mul3A_1409 : vector<128x1xf32>
    %add3A_1411 = arith.constant 9.99999974E-6 : f32
    %add3A_1412 = vector.broadcast %add3A_1411 : f32 to vector<128x1xf32>
    %add3A_1413 = arith.addf %sub3A_1410, %add3A_1412 : vector<128x1xf32>
    %sqrt3A_1414 = math.sqrt %add3A_1413 : vector<128x1xf32>
    %div3A_1415 = arith.constant 1.000000e+00 : f32
    %div3A_1416 = vector.broadcast %div3A_1415 : f32 to vector<128x1xf32>
    %div3A_1417 = arith.divf %div3A_1416, %sqrt3A_1414 : vector<128x1xf32>
    %sub3A_1418 = vector.broadcast %slice3A_1407 : vector<128x1xf32> to vector<128x256xf32>
    %sub3A_1419 = arith.subf %add3A_1393, %sub3A_1418 : vector<128x256xf32>
    %mul3A_1420 = vector.broadcast %div3A_1417 : vector<128x1xf32> to vector<128x256xf32>
    %mul3A_1421 = arith.mulf %sub3A_1419, %mul3A_1420 : vector<128x256xf32>
    %mul3A_1422 = vector.broadcast %get3A_1309 : vector<128x1xf32> to vector<128x256xf32>
    %mul3A_1423 = arith.mulf %mul3A_1421, %mul3A_1422 : vector<128x256xf32>
    %add3A_1424 = vector.broadcast %get3A_1312 : vector<128x1xf32> to vector<128x256xf32>
    %add3A_1425 = arith.addf %mul3A_1423, %add3A_1424 : vector<128x256xf32>
    %add3A_1426 = arith.addf %dot_general3A_1292, %add3A_1425 : vector<128x256xf32>
    %max3A_1427 = arith.constant 0.000000e+00 : f32
    %max3A_1428 = vector.broadcast %max3A_1427 : f32 to vector<128x256xf32>
    %max3A_1429 = arith.maximumf %add3A_1426, %max3A_1428 : vector<128x256xf32>
    %get3A_1430 = arith.constant 0 : index
    %get3A_1431 = arith.constant 0 : index
    %get3A_1432 = vector.load %arg15[%get3A_1430, %get3A_1431] : memref<256x512xf32, #tpu.memory_space<vmem>>, vector<256x512xf32>
    %dot_general3A_1433 = arith.constant dense<0.000000e+00> : vector<128x512xf32>
    %dot_general3A_1434 = tpu.matmul %max3A_1429, %get3A_1432, %dot_general3A_1433 {dimension_numbers = #tpu.dot_dimension_numbers<[1], [0], [0], [1], [0, 0, 1, 1], [], []>, precision = #tpu.contract_precision<fp32>, transpose_lhs_hint = false} : vector<128x256xf32>, vector<256x512xf32>, vector<128x512xf32> -> vector<128x512xf32>
    %get3A_1435 = arith.constant 0 : index
    %get3A_1436 = arith.constant 0 : index
    %get3A_1437 = arith.constant 0 : index
    %get3A_1438 = vector.load %arg5[%get3A_1435, %get3A_1436, %get3A_1437] : memref<3x128x128xbf16, #tpu.memory_space<vmem>>, vector<3x128x128xbf16>
    %get3A_1439 = arith.constant 0 : index
    %get3A_1440 = arith.constant 0 : index
    %get3A_1441 = vector.load %arg6[%get3A_1439, %get3A_1440] : memref<128x1xf32, #tpu.memory_space<vmem>>, vector<128x1xf32>
    %get3A_1442 = arith.constant 0 : index
    %get3A_1443 = arith.constant 0 : index
    %get3A_1444 = vector.load %arg7[%get3A_1442, %get3A_1443] : memref<128x1xf32, #tpu.memory_space<vmem>>, vector<128x1xf32>
    %get3A_1445 = arith.constant 0 : index
    %get3A_1446 = arith.constant 0 : index
    %get3A_1447 = arith.constant 0 : index
    %get3A_1448 = vector.load %arg8[%get3A_1445, %get3A_1446, %get3A_1447] : memref<3x128x128xbf16, #tpu.memory_space<vmem>>, vector<3x128x128xbf16>
    %get3A_1449 = arith.constant 0 : index
    %get3A_1450 = arith.constant 0 : index
    %get3A_1451 = vector.load %arg9[%get3A_1449, %get3A_1450] : memref<128x1xf32, #tpu.memory_space<vmem>>, vector<128x1xf32>
    %get3A_1452 = arith.constant 0 : index
    %get3A_1453 = arith.constant 0 : index
    %get3A_1454 = vector.load %arg10[%get3A_1452, %get3A_1453] : memref<128x1xf32, #tpu.memory_space<vmem>>, vector<128x1xf32>
    %broadcast_in_dim3A_1455 = arith.constant 0.000000e+00 : f32
    %broadcast_in_dim3A_1456 = vector.broadcast %broadcast_in_dim3A_1455 : f32 to vector<128x1xf32>
    %concatenate3A_1457 = tpu.concatenate %broadcast_in_dim3A_1456, %dot_general3A_1434, %broadcast_in_dim3A_1456 in 1 : vector<128x1xf32>, vector<128x512xf32>, vector<128x1xf32> -> vector<128x514xf32>
    %slice3A_1458 = vector.extract_strided_slice %get3A_1438 {offsets = [0, 0, 0], sizes = [1, 128, 128], strides = [1, 1, 1]} : vector<3x128x128xbf16> to vector<1x128x128xbf16>
    %squeeze3A_1459 = vector.shape_cast %slice3A_1458 : vector<1x128x128xbf16> to vector<128x128xbf16>
    %slice3A_1460 = vector.extract_strided_slice %concatenate3A_1457 {offsets = [0, 0], sizes = [128, 512], strides = [1, 1]} : vector<128x514xf32> to vector<128x512xf32>
    %convert_element_type3A_1461 = arith.truncf %slice3A_1460 : vector<128x512xf32> to vector<128x512xbf16>
    %dot_general3A_1462 = arith.constant dense<0.000000e+00> : vector<128x512xf32>
    %dot_general3A_1463 = tpu.matmul %squeeze3A_1459, %convert_element_type3A_1461, %dot_general3A_1462 {dimension_numbers = #tpu.dot_dimension_numbers<[1], [0], [0], [1], [0, 0, 1, 1], [], []>, transpose_lhs_hint = false} : vector<128x128xbf16>, vector<128x512xbf16>, vector<128x512xf32> -> vector<128x512xf32>
    %slice3A_1464 = vector.extract_strided_slice %get3A_1438 {offsets = [1, 0, 0], sizes = [1, 128, 128], strides = [1, 1, 1]} : vector<3x128x128xbf16> to vector<1x128x128xbf16>
    %squeeze3A_1465 = vector.shape_cast %slice3A_1464 : vector<1x128x128xbf16> to vector<128x128xbf16>
    %slice3A_1466 = vector.extract_strided_slice %concatenate3A_1457 {offsets = [0, 1], sizes = [128, 512], strides = [1, 1]} : vector<128x514xf32> to vector<128x512xf32>
    %convert_element_type3A_1467 = arith.truncf %slice3A_1466 : vector<128x512xf32> to vector<128x512xbf16>
    %dot_general3A_1468 = arith.constant dense<0.000000e+00> : vector<128x512xf32>
    %dot_general3A_1469 = tpu.matmul %squeeze3A_1465, %convert_element_type3A_1467, %dot_general3A_1468 {dimension_numbers = #tpu.dot_dimension_numbers<[1], [0], [0], [1], [0, 0, 1, 1], [], []>, transpose_lhs_hint = false} : vector<128x128xbf16>, vector<128x512xbf16>, vector<128x512xf32> -> vector<128x512xf32>
    %add3A_1470 = arith.addf %dot_general3A_1463, %dot_general3A_1469 : vector<128x512xf32>
    %slice3A_1471 = vector.extract_strided_slice %get3A_1438 {offsets = [2, 0, 0], sizes = [1, 128, 128], strides = [1, 1, 1]} : vector<3x128x128xbf16> to vector<1x128x128xbf16>
    %squeeze3A_1472 = vector.shape_cast %slice3A_1471 : vector<1x128x128xbf16> to vector<128x128xbf16>
    %slice3A_1473 = vector.extract_strided_slice %concatenate3A_1457 {offsets = [0, 2], sizes = [128, 512], strides = [1, 1]} : vector<128x514xf32> to vector<128x512xf32>
    %convert_element_type3A_1474 = arith.truncf %slice3A_1473 : vector<128x512xf32> to vector<128x512xbf16>
    %dot_general3A_1475 = arith.constant dense<0.000000e+00> : vector<128x512xf32>
    %dot_general3A_1476 = tpu.matmul %squeeze3A_1472, %convert_element_type3A_1474, %dot_general3A_1475 {dimension_numbers = #tpu.dot_dimension_numbers<[1], [0], [0], [1], [0, 0, 1, 1], [], []>, transpose_lhs_hint = false} : vector<128x128xbf16>, vector<128x512xbf16>, vector<128x512xf32> -> vector<128x512xf32>
    %add3A_1477 = arith.addf %add3A_1470, %dot_general3A_1476 : vector<128x512xf32>
    %reduce_sum3A_1478 = arith.constant dense<0.000000e+00> : vector<128xf32>
    %reduce_sum3A_1479 = vector.multi_reduction <add>, %add3A_1477, %reduce_sum3A_1478 [1] : vector<128x512xf32> to vector<128xf32>
    %broadcast_in_dim3A_1480 = vector.shape_cast %reduce_sum3A_1479 : vector<128xf32> to vector<128x1xf32>
    %mul3A_1481 = arith.mulf %add3A_1477, %add3A_1477 : vector<128x512xf32>
    %reduce_sum3A_1482 = arith.constant dense<0.000000e+00> : vector<128xf32>
    %reduce_sum3A_1483 = vector.multi_reduction <add>, %mul3A_1481, %reduce_sum3A_1482 [1] : vector<128x512xf32> to vector<128xf32>
    %broadcast_in_dim3A_1484 = vector.shape_cast %reduce_sum3A_1483 : vector<128xf32> to vector<128x1xf32>
    %concatenate3A_1485 = tpu.concatenate %broadcast_in_dim3A_1480, %broadcast_in_dim3A_1484 in 1 : vector<128x1xf32>, vector<128x1xf32> -> vector<128x2xf32>
    %div3A_1486 = arith.constant 5.120000e+02 : f32
    %div3A_1487 = vector.broadcast %div3A_1486 : f32 to vector<128x2xf32>
    %div3A_1488 = arith.divf %concatenate3A_1485, %div3A_1487 : vector<128x2xf32>
    %dot_general3A_1489 = arith.constant dense<0.000000e+00> : vector<128x2xf32>
    %dot_general3A_1490 = tpu.matmul %get3A_1, %div3A_1488, %dot_general3A_1489 {dimension_numbers = #tpu.dot_dimension_numbers<[1], [0], [0], [1], [0, 0, 1, 1], [], []>, precision = #tpu.contract_precision<fp32>, transpose_lhs_hint = false} : vector<128x128xf32>, vector<128x2xf32>, vector<128x2xf32> -> vector<128x2xf32>
    %slice3A_1491 = vector.extract_strided_slice %dot_general3A_1490 {offsets = [0, 0], sizes = [128, 1], strides = [1, 1]} : vector<128x2xf32> to vector<128x1xf32>
    %slice3A_1492 = vector.extract_strided_slice %dot_general3A_1490 {offsets = [0, 1], sizes = [128, 1], strides = [1, 1]} : vector<128x2xf32> to vector<128x1xf32>
    %mul3A_1493 = arith.mulf %slice3A_1491, %slice3A_1491 : vector<128x1xf32>
    %sub3A_1494 = arith.subf %slice3A_1492, %mul3A_1493 : vector<128x1xf32>
    %add3A_1495 = arith.constant 9.99999974E-6 : f32
    %add3A_1496 = vector.broadcast %add3A_1495 : f32 to vector<128x1xf32>
    %add3A_1497 = arith.addf %sub3A_1494, %add3A_1496 : vector<128x1xf32>
    %sqrt3A_1498 = math.sqrt %add3A_1497 : vector<128x1xf32>
    %div3A_1499 = arith.constant 1.000000e+00 : f32
    %div3A_1500 = vector.broadcast %div3A_1499 : f32 to vector<128x1xf32>
    %div3A_1501 = arith.divf %div3A_1500, %sqrt3A_1498 : vector<128x1xf32>
    %sub3A_1502 = vector.broadcast %slice3A_1491 : vector<128x1xf32> to vector<128x512xf32>
    %sub3A_1503 = arith.subf %add3A_1477, %sub3A_1502 : vector<128x512xf32>
    %mul3A_1504 = vector.broadcast %div3A_1501 : vector<128x1xf32> to vector<128x512xf32>
    %mul3A_1505 = arith.mulf %sub3A_1503, %mul3A_1504 : vector<128x512xf32>
    %mul3A_1506 = vector.broadcast %get3A_1441 : vector<128x1xf32> to vector<128x512xf32>
    %mul3A_1507 = arith.mulf %mul3A_1505, %mul3A_1506 : vector<128x512xf32>
    %add3A_1508 = vector.broadcast %get3A_1444 : vector<128x1xf32> to vector<128x512xf32>
    %add3A_1509 = arith.addf %mul3A_1507, %add3A_1508 : vector<128x512xf32>
    %max3A_1510 = arith.constant 0.000000e+00 : f32
    %max3A_1511 = vector.broadcast %max3A_1510 : f32 to vector<128x512xf32>
    %max3A_1512 = arith.maximumf %add3A_1509, %max3A_1511 : vector<128x512xf32>
    %broadcast_in_dim3A_1513 = arith.constant 0.000000e+00 : f32
    %broadcast_in_dim3A_1514 = vector.broadcast %broadcast_in_dim3A_1513 : f32 to vector<128x1xf32>
    %concatenate3A_1515 = tpu.concatenate %broadcast_in_dim3A_1514, %max3A_1512, %broadcast_in_dim3A_1514 in 1 : vector<128x1xf32>, vector<128x512xf32>, vector<128x1xf32> -> vector<128x514xf32>
    %slice3A_1516 = vector.extract_strided_slice %get3A_1448 {offsets = [0, 0, 0], sizes = [1, 128, 128], strides = [1, 1, 1]} : vector<3x128x128xbf16> to vector<1x128x128xbf16>
    %squeeze3A_1517 = vector.shape_cast %slice3A_1516 : vector<1x128x128xbf16> to vector<128x128xbf16>
    %slice3A_1518 = vector.extract_strided_slice %concatenate3A_1515 {offsets = [0, 0], sizes = [128, 512], strides = [1, 1]} : vector<128x514xf32> to vector<128x512xf32>
    %convert_element_type3A_1519 = arith.truncf %slice3A_1518 : vector<128x512xf32> to vector<128x512xbf16>
    %dot_general3A_1520 = arith.constant dense<0.000000e+00> : vector<128x512xf32>
    %dot_general3A_1521 = tpu.matmul %squeeze3A_1517, %convert_element_type3A_1519, %dot_general3A_1520 {dimension_numbers = #tpu.dot_dimension_numbers<[1], [0], [0], [1], [0, 0, 1, 1], [], []>, transpose_lhs_hint = false} : vector<128x128xbf16>, vector<128x512xbf16>, vector<128x512xf32> -> vector<128x512xf32>
    %slice3A_1522 = vector.extract_strided_slice %get3A_1448 {offsets = [1, 0, 0], sizes = [1, 128, 128], strides = [1, 1, 1]} : vector<3x128x128xbf16> to vector<1x128x128xbf16>
    %squeeze3A_1523 = vector.shape_cast %slice3A_1522 : vector<1x128x128xbf16> to vector<128x128xbf16>
    %slice3A_1524 = vector.extract_strided_slice %concatenate3A_1515 {offsets = [0, 1], sizes = [128, 512], strides = [1, 1]} : vector<128x514xf32> to vector<128x512xf32>
    %convert_element_type3A_1525 = arith.truncf %slice3A_1524 : vector<128x512xf32> to vector<128x512xbf16>
    %dot_general3A_1526 = arith.constant dense<0.000000e+00> : vector<128x512xf32>
    %dot_general3A_1527 = tpu.matmul %squeeze3A_1523, %convert_element_type3A_1525, %dot_general3A_1526 {dimension_numbers = #tpu.dot_dimension_numbers<[1], [0], [0], [1], [0, 0, 1, 1], [], []>, transpose_lhs_hint = false} : vector<128x128xbf16>, vector<128x512xbf16>, vector<128x512xf32> -> vector<128x512xf32>
    %add3A_1528 = arith.addf %dot_general3A_1521, %dot_general3A_1527 : vector<128x512xf32>
    %slice3A_1529 = vector.extract_strided_slice %get3A_1448 {offsets = [2, 0, 0], sizes = [1, 128, 128], strides = [1, 1, 1]} : vector<3x128x128xbf16> to vector<1x128x128xbf16>
    %squeeze3A_1530 = vector.shape_cast %slice3A_1529 : vector<1x128x128xbf16> to vector<128x128xbf16>
    %slice3A_1531 = vector.extract_strided_slice %concatenate3A_1515 {offsets = [0, 2], sizes = [128, 512], strides = [1, 1]} : vector<128x514xf32> to vector<128x512xf32>
    %convert_element_type3A_1532 = arith.truncf %slice3A_1531 : vector<128x512xf32> to vector<128x512xbf16>
    %dot_general3A_1533 = arith.constant dense<0.000000e+00> : vector<128x512xf32>
    %dot_general3A_1534 = tpu.matmul %squeeze3A_1530, %convert_element_type3A_1532, %dot_general3A_1533 {dimension_numbers = #tpu.dot_dimension_numbers<[1], [0], [0], [1], [0, 0, 1, 1], [], []>, transpose_lhs_hint = false} : vector<128x128xbf16>, vector<128x512xbf16>, vector<128x512xf32> -> vector<128x512xf32>
    %add3A_1535 = arith.addf %add3A_1528, %dot_general3A_1534 : vector<128x512xf32>
    %reduce_sum3A_1536 = arith.constant dense<0.000000e+00> : vector<128xf32>
    %reduce_sum3A_1537 = vector.multi_reduction <add>, %add3A_1535, %reduce_sum3A_1536 [1] : vector<128x512xf32> to vector<128xf32>
    %broadcast_in_dim3A_1538 = vector.shape_cast %reduce_sum3A_1537 : vector<128xf32> to vector<128x1xf32>
    %mul3A_1539 = arith.mulf %add3A_1535, %add3A_1535 : vector<128x512xf32>
    %reduce_sum3A_1540 = arith.constant dense<0.000000e+00> : vector<128xf32>
    %reduce_sum3A_1541 = vector.multi_reduction <add>, %mul3A_1539, %reduce_sum3A_1540 [1] : vector<128x512xf32> to vector<128xf32>
    %broadcast_in_dim3A_1542 = vector.shape_cast %reduce_sum3A_1541 : vector<128xf32> to vector<128x1xf32>
    %concatenate3A_1543 = tpu.concatenate %broadcast_in_dim3A_1538, %broadcast_in_dim3A_1542 in 1 : vector<128x1xf32>, vector<128x1xf32> -> vector<128x2xf32>
    %div3A_1544 = arith.constant 5.120000e+02 : f32
    %div3A_1545 = vector.broadcast %div3A_1544 : f32 to vector<128x2xf32>
    %div3A_1546 = arith.divf %concatenate3A_1543, %div3A_1545 : vector<128x2xf32>
    %dot_general3A_1547 = arith.constant dense<0.000000e+00> : vector<128x2xf32>
    %dot_general3A_1548 = tpu.matmul %get3A_1, %div3A_1546, %dot_general3A_1547 {dimension_numbers = #tpu.dot_dimension_numbers<[1], [0], [0], [1], [0, 0, 1, 1], [], []>, precision = #tpu.contract_precision<fp32>, transpose_lhs_hint = false} : vector<128x128xf32>, vector<128x2xf32>, vector<128x2xf32> -> vector<128x2xf32>
    %slice3A_1549 = vector.extract_strided_slice %dot_general3A_1548 {offsets = [0, 0], sizes = [128, 1], strides = [1, 1]} : vector<128x2xf32> to vector<128x1xf32>
    %slice3A_1550 = vector.extract_strided_slice %dot_general3A_1548 {offsets = [0, 1], sizes = [128, 1], strides = [1, 1]} : vector<128x2xf32> to vector<128x1xf32>
    %mul3A_1551 = arith.mulf %slice3A_1549, %slice3A_1549 : vector<128x1xf32>
    %sub3A_1552 = arith.subf %slice3A_1550, %mul3A_1551 : vector<128x1xf32>
    %add3A_1553 = arith.constant 9.99999974E-6 : f32
    %add3A_1554 = vector.broadcast %add3A_1553 : f32 to vector<128x1xf32>
    %add3A_1555 = arith.addf %sub3A_1552, %add3A_1554 : vector<128x1xf32>
    %sqrt3A_1556 = math.sqrt %add3A_1555 : vector<128x1xf32>
    %div3A_1557 = arith.constant 1.000000e+00 : f32
    %div3A_1558 = vector.broadcast %div3A_1557 : f32 to vector<128x1xf32>
    %div3A_1559 = arith.divf %div3A_1558, %sqrt3A_1556 : vector<128x1xf32>
    %sub3A_1560 = vector.broadcast %slice3A_1549 : vector<128x1xf32> to vector<128x512xf32>
    %sub3A_1561 = arith.subf %add3A_1535, %sub3A_1560 : vector<128x512xf32>
    %mul3A_1562 = vector.broadcast %div3A_1559 : vector<128x1xf32> to vector<128x512xf32>
    %mul3A_1563 = arith.mulf %sub3A_1561, %mul3A_1562 : vector<128x512xf32>
    %mul3A_1564 = vector.broadcast %get3A_1451 : vector<128x1xf32> to vector<128x512xf32>
    %mul3A_1565 = arith.mulf %mul3A_1563, %mul3A_1564 : vector<128x512xf32>
    %add3A_1566 = vector.broadcast %get3A_1454 : vector<128x1xf32> to vector<128x512xf32>
    %add3A_1567 = arith.addf %mul3A_1565, %add3A_1566 : vector<128x512xf32>
    %add3A_1568 = arith.addf %dot_general3A_1434, %add3A_1567 : vector<128x512xf32>
    %max3A_1569 = arith.constant 0.000000e+00 : f32
    %max3A_1570 = vector.broadcast %max3A_1569 : f32 to vector<128x512xf32>
    %max3A_1571 = arith.maximumf %add3A_1568, %max3A_1570 : vector<128x512xf32>
    %get3A_1572 = arith.constant 0 : index
    %get3A_1573 = arith.constant 0 : index
    %get3A_1574 = arith.constant 0 : index
    %get3A_1575 = vector.load %arg11[%get3A_1572, %get3A_1573, %get3A_1574] : memref<5x80x128xbf16, #tpu.memory_space<vmem>>, vector<5x80x128xbf16>
    %broadcast_in_dim3A_1576 = arith.constant 0.000000e+00 : f32
    %broadcast_in_dim3A_1577 = vector.broadcast %broadcast_in_dim3A_1576 : f32 to vector<128x2xf32>
    %concatenate3A_1578 = tpu.concatenate %broadcast_in_dim3A_1577, %max3A_1571, %broadcast_in_dim3A_1577 in 1 : vector<128x2xf32>, vector<128x512xf32>, vector<128x2xf32> -> vector<128x516xf32>
    %slice3A_1579 = vector.extract_strided_slice %get3A_1575 {offsets = [0, 0, 0], sizes = [1, 80, 128], strides = [1, 1, 1]} : vector<5x80x128xbf16> to vector<1x80x128xbf16>
    %squeeze3A_1580 = vector.shape_cast %slice3A_1579 : vector<1x80x128xbf16> to vector<80x128xbf16>
    %slice3A_1581 = vector.extract_strided_slice %concatenate3A_1578 {offsets = [0, 0], sizes = [128, 512], strides = [1, 1]} : vector<128x516xf32> to vector<128x512xf32>
    %convert_element_type3A_1582 = arith.truncf %slice3A_1581 : vector<128x512xf32> to vector<128x512xbf16>
    %dot_general3A_1583 = arith.constant dense<0.000000e+00> : vector<80x512xf32>
    %dot_general3A_1584 = tpu.matmul %squeeze3A_1580, %convert_element_type3A_1582, %dot_general3A_1583 {dimension_numbers = #tpu.dot_dimension_numbers<[1], [0], [0], [1], [0, 0, 1, 1], [], []>, transpose_lhs_hint = false} : vector<80x128xbf16>, vector<128x512xbf16>, vector<80x512xf32> -> vector<80x512xf32>
    %slice3A_1585 = vector.extract_strided_slice %get3A_1575 {offsets = [1, 0, 0], sizes = [1, 80, 128], strides = [1, 1, 1]} : vector<5x80x128xbf16> to vector<1x80x128xbf16>
    %squeeze3A_1586 = vector.shape_cast %slice3A_1585 : vector<1x80x128xbf16> to vector<80x128xbf16>
    %slice3A_1587 = vector.extract_strided_slice %concatenate3A_1578 {offsets = [0, 1], sizes = [128, 512], strides = [1, 1]} : vector<128x516xf32> to vector<128x512xf32>
    %convert_element_type3A_1588 = arith.truncf %slice3A_1587 : vector<128x512xf32> to vector<128x512xbf16>
    %dot_general3A_1589 = arith.constant dense<0.000000e+00> : vector<80x512xf32>
    %dot_general3A_1590 = tpu.matmul %squeeze3A_1586, %convert_element_type3A_1588, %dot_general3A_1589 {dimension_numbers = #tpu.dot_dimension_numbers<[1], [0], [0], [1], [0, 0, 1, 1], [], []>, transpose_lhs_hint = false} : vector<80x128xbf16>, vector<128x512xbf16>, vector<80x512xf32> -> vector<80x512xf32>
    %add3A_1591 = arith.addf %dot_general3A_1584, %dot_general3A_1590 : vector<80x512xf32>
    %slice3A_1592 = vector.extract_strided_slice %get3A_1575 {offsets = [2, 0, 0], sizes = [1, 80, 128], strides = [1, 1, 1]} : vector<5x80x128xbf16> to vector<1x80x128xbf16>
    %squeeze3A_1593 = vector.shape_cast %slice3A_1592 : vector<1x80x128xbf16> to vector<80x128xbf16>
    %slice3A_1594 = vector.extract_strided_slice %concatenate3A_1578 {offsets = [0, 2], sizes = [128, 512], strides = [1, 1]} : vector<128x516xf32> to vector<128x512xf32>
    %convert_element_type3A_1595 = arith.truncf %slice3A_1594 : vector<128x512xf32> to vector<128x512xbf16>
    %dot_general3A_1596 = arith.constant dense<0.000000e+00> : vector<80x512xf32>
    %dot_general3A_1597 = tpu.matmul %squeeze3A_1593, %convert_element_type3A_1595, %dot_general3A_1596 {dimension_numbers = #tpu.dot_dimension_numbers<[1], [0], [0], [1], [0, 0, 1, 1], [], []>, transpose_lhs_hint = false} : vector<80x128xbf16>, vector<128x512xbf16>, vector<80x512xf32> -> vector<80x512xf32>
    %add3A_1598 = arith.addf %add3A_1591, %dot_general3A_1597 : vector<80x512xf32>
    %slice3A_1599 = vector.extract_strided_slice %get3A_1575 {offsets = [3, 0, 0], sizes = [1, 80, 128], strides = [1, 1, 1]} : vector<5x80x128xbf16> to vector<1x80x128xbf16>
    %squeeze3A_1600 = vector.shape_cast %slice3A_1599 : vector<1x80x128xbf16> to vector<80x128xbf16>
    %slice3A_1601 = vector.extract_strided_slice %concatenate3A_1578 {offsets = [0, 3], sizes = [128, 512], strides = [1, 1]} : vector<128x516xf32> to vector<128x512xf32>
    %convert_element_type3A_1602 = arith.truncf %slice3A_1601 : vector<128x512xf32> to vector<128x512xbf16>
    %dot_general3A_1603 = arith.constant dense<0.000000e+00> : vector<80x512xf32>
    %dot_general3A_1604 = tpu.matmul %squeeze3A_1600, %convert_element_type3A_1602, %dot_general3A_1603 {dimension_numbers = #tpu.dot_dimension_numbers<[1], [0], [0], [1], [0, 0, 1, 1], [], []>, transpose_lhs_hint = false} : vector<80x128xbf16>, vector<128x512xbf16>, vector<80x512xf32> -> vector<80x512xf32>
    %add3A_1605 = arith.addf %add3A_1598, %dot_general3A_1604 : vector<80x512xf32>
    %slice3A_1606 = vector.extract_strided_slice %get3A_1575 {offsets = [4, 0, 0], sizes = [1, 80, 128], strides = [1, 1, 1]} : vector<5x80x128xbf16> to vector<1x80x128xbf16>
    %squeeze3A_1607 = vector.shape_cast %slice3A_1606 : vector<1x80x128xbf16> to vector<80x128xbf16>
    %slice3A_1608 = vector.extract_strided_slice %concatenate3A_1578 {offsets = [0, 4], sizes = [128, 512], strides = [1, 1]} : vector<128x516xf32> to vector<128x512xf32>
    %convert_element_type3A_1609 = arith.truncf %slice3A_1608 : vector<128x512xf32> to vector<128x512xbf16>
    %dot_general3A_1610 = arith.constant dense<0.000000e+00> : vector<80x512xf32>
    %dot_general3A_1611 = tpu.matmul %squeeze3A_1607, %convert_element_type3A_1609, %dot_general3A_1610 {dimension_numbers = #tpu.dot_dimension_numbers<[1], [0], [0], [1], [0, 0, 1, 1], [], []>, transpose_lhs_hint = false} : vector<80x128xbf16>, vector<128x512xbf16>, vector<80x512xf32> -> vector<80x512xf32>
    %add3A_1612 = arith.addf %add3A_1605, %dot_general3A_1611 : vector<80x512xf32>
    %get3A_1613 = arith.constant 0 : index
    %get3A_1614 = arith.constant 0 : index
    %get3A_1615 = vector.load %arg12[%get3A_1613, %get3A_1614] : memref<80x1xf32, #tpu.memory_space<vmem>>, vector<80x1xf32>
    %add3A_1616 = vector.broadcast %get3A_1615 : vector<80x1xf32> to vector<80x512xf32>
    %add3A_1617 = arith.addf %add3A_1612, %add3A_1616 : vector<80x512xf32>
    %swap3A_1618 = arith.constant 3 : index
    %swap3A_1619 = arith.constant 0 : index
    %swap3A_1620 = arith.constant 0 : index
    %swap3A_1621 = vector.load %arg16[%swap3A_1618, %swap3A_1619, %swap3A_1620] : memref<8x80x512xf32, #tpu.memory_space<vmem>>, vector<1x80x512xf32>
    %swap3A_1622 = vector.shape_cast %swap3A_1621 : vector<1x80x512xf32> to vector<80x512xf32>
    %swap3A_1623 = vector.shape_cast %add3A_1617 : vector<80x512xf32> to vector<1x80x512xf32>
    tpu.vector_store %arg16[%swap3A_1618, %swap3A_1619, %swap3A_1620], %swap3A_1623 {strides = array<i32>} : memref<8x80x512xf32, #tpu.memory_space<vmem>>, vector<1x80x512xf32>,
    %get3A_1624 = arith.constant 4 : index
    %get3A_1625 = arith.constant 0 : index
    %get3A_1626 = arith.constant 0 : index
    %get3A_1627 = vector.load %arg1[%get3A_1624, %get3A_1625, %get3A_1626] : memref<8x64x128xf32, #tpu.memory_space<vmem>>, vector<1x64x128xf32>
    %get3A_1628 = vector.shape_cast %get3A_1627 : vector<1x64x128xf32> to vector<64x128xf32>
    %get3A_1629 = arith.constant 0 : index
    %get3A_1630 = arith.constant 0 : index
    %get3A_1631 = arith.constant 0 : index
    %get3A_1632 = vector.load %arg2[%get3A_1629, %get3A_1630, %get3A_1631] : memref<3x128x64xbf16, #tpu.memory_space<vmem>>, vector<3x128x64xbf16>
    %broadcast_in_dim3A_1633 = arith.constant 0.000000e+00 : f32
    %broadcast_in_dim3A_1634 = vector.broadcast %broadcast_in_dim3A_1633 : f32 to vector<64x1xf32>
    %concatenate3A_1635 = tpu.concatenate %broadcast_in_dim3A_1634, %get3A_1628, %broadcast_in_dim3A_1634 in 1 : vector<64x1xf32>, vector<64x128xf32>, vector<64x1xf32> -> vector<64x130xf32>
    %slice3A_1636 = vector.extract_strided_slice %get3A_1632 {offsets = [0, 0, 0], sizes = [1, 128, 64], strides = [1, 1, 1]} : vector<3x128x64xbf16> to vector<1x128x64xbf16>
    %squeeze3A_1637 = vector.shape_cast %slice3A_1636 : vector<1x128x64xbf16> to vector<128x64xbf16>
    %slice3A_1638 = vector.extract_strided_slice %concatenate3A_1635 {offsets = [0, 0], sizes = [64, 128], strides = [1, 1]} : vector<64x130xf32> to vector<64x128xf32>
    %convert_element_type3A_1639 = arith.truncf %slice3A_1638 : vector<64x128xf32> to vector<64x128xbf16>
    %dot_general3A_1640 = arith.constant dense<0.000000e+00> : vector<128x128xf32>
    %dot_general3A_1641 = tpu.matmul %squeeze3A_1637, %convert_element_type3A_1639, %dot_general3A_1640 {dimension_numbers = #tpu.dot_dimension_numbers<[1], [0], [0], [1], [0, 0, 1, 1], [], []>, transpose_lhs_hint = false} : vector<128x64xbf16>, vector<64x128xbf16>, vector<128x128xf32> -> vector<128x128xf32>
    %slice3A_1642 = vector.extract_strided_slice %get3A_1632 {offsets = [1, 0, 0], sizes = [1, 128, 64], strides = [1, 1, 1]} : vector<3x128x64xbf16> to vector<1x128x64xbf16>
    %squeeze3A_1643 = vector.shape_cast %slice3A_1642 : vector<1x128x64xbf16> to vector<128x64xbf16>
    %slice3A_1644 = vector.extract_strided_slice %concatenate3A_1635 {offsets = [0, 1], sizes = [64, 128], strides = [1, 1]} : vector<64x130xf32> to vector<64x128xf32>
    %convert_element_type3A_1645 = arith.truncf %slice3A_1644 : vector<64x128xf32> to vector<64x128xbf16>
    %dot_general3A_1646 = arith.constant dense<0.000000e+00> : vector<128x128xf32>
    %dot_general3A_1647 = tpu.matmul %squeeze3A_1643, %convert_element_type3A_1645, %dot_general3A_1646 {dimension_numbers = #tpu.dot_dimension_numbers<[1], [0], [0], [1], [0, 0, 1, 1], [], []>, transpose_lhs_hint = false} : vector<128x64xbf16>, vector<64x128xbf16>, vector<128x128xf32> -> vector<128x128xf32>
    %add3A_1648 = arith.addf %dot_general3A_1641, %dot_general3A_1647 : vector<128x128xf32>
    %slice3A_1649 = vector.extract_strided_slice %get3A_1632 {offsets = [2, 0, 0], sizes = [1, 128, 64], strides = [1, 1, 1]} : vector<3x128x64xbf16> to vector<1x128x64xbf16>
    %squeeze3A_1650 = vector.shape_cast %slice3A_1649 : vector<1x128x64xbf16> to vector<128x64xbf16>
    %slice3A_1651 = vector.extract_strided_slice %concatenate3A_1635 {offsets = [0, 2], sizes = [64, 128], strides = [1, 1]} : vector<64x130xf32> to vector<64x128xf32>
    %convert_element_type3A_1652 = arith.truncf %slice3A_1651 : vector<64x128xf32> to vector<64x128xbf16>
    %dot_general3A_1653 = arith.constant dense<0.000000e+00> : vector<128x128xf32>
    %dot_general3A_1654 = tpu.matmul %squeeze3A_1650, %convert_element_type3A_1652, %dot_general3A_1653 {dimension_numbers = #tpu.dot_dimension_numbers<[1], [0], [0], [1], [0, 0, 1, 1], [], []>, transpose_lhs_hint = false} : vector<128x64xbf16>, vector<64x128xbf16>, vector<128x128xf32> -> vector<128x128xf32>
    %add3A_1655 = arith.addf %add3A_1648, %dot_general3A_1654 : vector<128x128xf32>
    %get3A_1656 = arith.constant 0 : index
    %get3A_1657 = arith.constant 0 : index
    %get3A_1658 = vector.load %arg3[%get3A_1656, %get3A_1657] : memref<128x1xf32, #tpu.memory_space<vmem>>, vector<128x1xf32>
    %get3A_1659 = arith.constant 0 : index
    %get3A_1660 = arith.constant 0 : index
    %get3A_1661 = vector.load %arg4[%get3A_1659, %get3A_1660] : memref<128x1xf32, #tpu.memory_space<vmem>>, vector<128x1xf32>
    %reduce_sum3A_1662 = arith.constant dense<0.000000e+00> : vector<128xf32>
    %reduce_sum3A_1663 = vector.multi_reduction <add>, %add3A_1655, %reduce_sum3A_1662 [1] : vector<128x128xf32> to vector<128xf32>
    %broadcast_in_dim3A_1664 = vector.shape_cast %reduce_sum3A_1663 : vector<128xf32> to vector<128x1xf32>
    %mul3A_1665 = arith.mulf %add3A_1655, %add3A_1655 : vector<128x128xf32>
    %reduce_sum3A_1666 = arith.constant dense<0.000000e+00> : vector<128xf32>
    %reduce_sum3A_1667 = vector.multi_reduction <add>, %mul3A_1665, %reduce_sum3A_1666 [1] : vector<128x128xf32> to vector<128xf32>
    %broadcast_in_dim3A_1668 = vector.shape_cast %reduce_sum3A_1667 : vector<128xf32> to vector<128x1xf32>
    %concatenate3A_1669 = tpu.concatenate %broadcast_in_dim3A_1664, %broadcast_in_dim3A_1668 in 1 : vector<128x1xf32>, vector<128x1xf32> -> vector<128x2xf32>
    %div3A_1670 = arith.constant 1.280000e+02 : f32
    %div3A_1671 = vector.broadcast %div3A_1670 : f32 to vector<128x2xf32>
    %div3A_1672 = arith.divf %concatenate3A_1669, %div3A_1671 : vector<128x2xf32>
    %dot_general3A_1673 = arith.constant dense<0.000000e+00> : vector<128x2xf32>
    %dot_general3A_1674 = tpu.matmul %get3A_1, %div3A_1672, %dot_general3A_1673 {dimension_numbers = #tpu.dot_dimension_numbers<[1], [0], [0], [1], [0, 0, 1, 1], [], []>, precision = #tpu.contract_precision<fp32>, transpose_lhs_hint = false} : vector<128x128xf32>, vector<128x2xf32>, vector<128x2xf32> -> vector<128x2xf32>
    %slice3A_1675 = vector.extract_strided_slice %dot_general3A_1674 {offsets = [0, 0], sizes = [128, 1], strides = [1, 1]} : vector<128x2xf32> to vector<128x1xf32>
    %slice3A_1676 = vector.extract_strided_slice %dot_general3A_1674 {offsets = [0, 1], sizes = [128, 1], strides = [1, 1]} : vector<128x2xf32> to vector<128x1xf32>
    %mul3A_1677 = arith.mulf %slice3A_1675, %slice3A_1675 : vector<128x1xf32>
    %sub3A_1678 = arith.subf %slice3A_1676, %mul3A_1677 : vector<128x1xf32>
    %add3A_1679 = arith.constant 9.99999974E-6 : f32
    %add3A_1680 = vector.broadcast %add3A_1679 : f32 to vector<128x1xf32>
    %add3A_1681 = arith.addf %sub3A_1678, %add3A_1680 : vector<128x1xf32>
    %sqrt3A_1682 = math.sqrt %add3A_1681 : vector<128x1xf32>
    %div3A_1683 = arith.constant 1.000000e+00 : f32
    %div3A_1684 = vector.broadcast %div3A_1683 : f32 to vector<128x1xf32>
    %div3A_1685 = arith.divf %div3A_1684, %sqrt3A_1682 : vector<128x1xf32>
    %sub3A_1686 = vector.broadcast %slice3A_1675 : vector<128x1xf32> to vector<128x128xf32>
    %sub3A_1687 = arith.subf %add3A_1655, %sub3A_1686 : vector<128x128xf32>
    %mul3A_1688 = vector.broadcast %div3A_1685 : vector<128x1xf32> to vector<128x128xf32>
    %mul3A_1689 = arith.mulf %sub3A_1687, %mul3A_1688 : vector<128x128xf32>
    %mul3A_1690 = vector.broadcast %get3A_1658 : vector<128x1xf32> to vector<128x128xf32>
    %mul3A_1691 = arith.mulf %mul3A_1689, %mul3A_1690 : vector<128x128xf32>
    %add3A_1692 = vector.broadcast %get3A_1661 : vector<128x1xf32> to vector<128x128xf32>
    %add3A_1693 = arith.addf %mul3A_1691, %add3A_1692 : vector<128x128xf32>
    %max3A_1694 = arith.constant 0.000000e+00 : f32
    %max3A_1695 = vector.broadcast %max3A_1694 : f32 to vector<128x128xf32>
    %max3A_1696 = arith.maximumf %add3A_1693, %max3A_1695 : vector<128x128xf32>
    %get3A_1697 = arith.constant 0 : index
    %get3A_1698 = arith.constant 0 : index
    %get3A_1699 = vector.load %arg14[%get3A_1697, %get3A_1698] : memref<128x256xf32, #tpu.memory_space<vmem>>, vector<128x256xf32>
    %dot_general3A_1700 = arith.constant dense<0.000000e+00> : vector<128x256xf32>
    %dot_general3A_1701 = tpu.matmul %max3A_1696, %get3A_1699, %dot_general3A_1700 {dimension_numbers = #tpu.dot_dimension_numbers<[1], [0], [0], [1], [0, 0, 1, 1], [], []>, precision = #tpu.contract_precision<fp32>, transpose_lhs_hint = false} : vector<128x128xf32>, vector<128x256xf32>, vector<128x256xf32> -> vector<128x256xf32>
    %get3A_1702 = arith.constant 0 : index
    %get3A_1703 = arith.constant 0 : index
    %get3A_1704 = arith.constant 0 : index
    %get3A_1705 = vector.load %arg5[%get3A_1702, %get3A_1703, %get3A_1704] : memref<3x128x128xbf16, #tpu.memory_space<vmem>>, vector<3x128x128xbf16>
    %get3A_1706 = arith.constant 0 : index
    %get3A_1707 = arith.constant 0 : index
    %get3A_1708 = vector.load %arg6[%get3A_1706, %get3A_1707] : memref<128x1xf32, #tpu.memory_space<vmem>>, vector<128x1xf32>
    %get3A_1709 = arith.constant 0 : index
    %get3A_1710 = arith.constant 0 : index
    %get3A_1711 = vector.load %arg7[%get3A_1709, %get3A_1710] : memref<128x1xf32, #tpu.memory_space<vmem>>, vector<128x1xf32>
    %get3A_1712 = arith.constant 0 : index
    %get3A_1713 = arith.constant 0 : index
    %get3A_1714 = arith.constant 0 : index
    %get3A_1715 = vector.load %arg8[%get3A_1712, %get3A_1713, %get3A_1714] : memref<3x128x128xbf16, #tpu.memory_space<vmem>>, vector<3x128x128xbf16>
    %get3A_1716 = arith.constant 0 : index
    %get3A_1717 = arith.constant 0 : index
    %get3A_1718 = vector.load %arg9[%get3A_1716, %get3A_1717] : memref<128x1xf32, #tpu.memory_space<vmem>>, vector<128x1xf32>
    %get3A_1719 = arith.constant 0 : index
    %get3A_1720 = arith.constant 0 : index
    %get3A_1721 = vector.load %arg10[%get3A_1719, %get3A_1720] : memref<128x1xf32, #tpu.memory_space<vmem>>, vector<128x1xf32>
    %broadcast_in_dim3A_1722 = arith.constant 0.000000e+00 : f32
    %broadcast_in_dim3A_1723 = vector.broadcast %broadcast_in_dim3A_1722 : f32 to vector<128x1xf32>
    %concatenate3A_1724 = tpu.concatenate %broadcast_in_dim3A_1723, %dot_general3A_1701, %broadcast_in_dim3A_1723 in 1 : vector<128x1xf32>, vector<128x256xf32>, vector<128x1xf32> -> vector<128x258xf32>
    %slice3A_1725 = vector.extract_strided_slice %get3A_1705 {offsets = [0, 0, 0], sizes = [1, 128, 128], strides = [1, 1, 1]} : vector<3x128x128xbf16> to vector<1x128x128xbf16>
    %squeeze3A_1726 = vector.shape_cast %slice3A_1725 : vector<1x128x128xbf16> to vector<128x128xbf16>
    %slice3A_1727 = vector.extract_strided_slice %concatenate3A_1724 {offsets = [0, 0], sizes = [128, 256], strides = [1, 1]} : vector<128x258xf32> to vector<128x256xf32>
    %convert_element_type3A_1728 = arith.truncf %slice3A_1727 : vector<128x256xf32> to vector<128x256xbf16>
    %dot_general3A_1729 = arith.constant dense<0.000000e+00> : vector<128x256xf32>
    %dot_general3A_1730 = tpu.matmul %squeeze3A_1726, %convert_element_type3A_1728, %dot_general3A_1729 {dimension_numbers = #tpu.dot_dimension_numbers<[1], [0], [0], [1], [0, 0, 1, 1], [], []>, transpose_lhs_hint = false} : vector<128x128xbf16>, vector<128x256xbf16>, vector<128x256xf32> -> vector<128x256xf32>
    %slice3A_1731 = vector.extract_strided_slice %get3A_1705 {offsets = [1, 0, 0], sizes = [1, 128, 128], strides = [1, 1, 1]} : vector<3x128x128xbf16> to vector<1x128x128xbf16>
    %squeeze3A_1732 = vector.shape_cast %slice3A_1731 : vector<1x128x128xbf16> to vector<128x128xbf16>
    %slice3A_1733 = vector.extract_strided_slice %concatenate3A_1724 {offsets = [0, 1], sizes = [128, 256], strides = [1, 1]} : vector<128x258xf32> to vector<128x256xf32>
    %convert_element_type3A_1734 = arith.truncf %slice3A_1733 : vector<128x256xf32> to vector<128x256xbf16>
    %dot_general3A_1735 = arith.constant dense<0.000000e+00> : vector<128x256xf32>
    %dot_general3A_1736 = tpu.matmul %squeeze3A_1732, %convert_element_type3A_1734, %dot_general3A_1735 {dimension_numbers = #tpu.dot_dimension_numbers<[1], [0], [0], [1], [0, 0, 1, 1], [], []>, transpose_lhs_hint = false} : vector<128x128xbf16>, vector<128x256xbf16>, vector<128x256xf32> -> vector<128x256xf32>
    %add3A_1737 = arith.addf %dot_general3A_1730, %dot_general3A_1736 : vector<128x256xf32>
    %slice3A_1738 = vector.extract_strided_slice %get3A_1705 {offsets = [2, 0, 0], sizes = [1, 128, 128], strides = [1, 1, 1]} : vector<3x128x128xbf16> to vector<1x128x128xbf16>
    %squeeze3A_1739 = vector.shape_cast %slice3A_1738 : vector<1x128x128xbf16> to vector<128x128xbf16>
    %slice3A_1740 = vector.extract_strided_slice %concatenate3A_1724 {offsets = [0, 2], sizes = [128, 256], strides = [1, 1]} : vector<128x258xf32> to vector<128x256xf32>
    %convert_element_type3A_1741 = arith.truncf %slice3A_1740 : vector<128x256xf32> to vector<128x256xbf16>
    %dot_general3A_1742 = arith.constant dense<0.000000e+00> : vector<128x256xf32>
    %dot_general3A_1743 = tpu.matmul %squeeze3A_1739, %convert_element_type3A_1741, %dot_general3A_1742 {dimension_numbers = #tpu.dot_dimension_numbers<[1], [0], [0], [1], [0, 0, 1, 1], [], []>, transpose_lhs_hint = false} : vector<128x128xbf16>, vector<128x256xbf16>, vector<128x256xf32> -> vector<128x256xf32>
    %add3A_1744 = arith.addf %add3A_1737, %dot_general3A_1743 : vector<128x256xf32>
    %reduce_sum3A_1745 = arith.constant dense<0.000000e+00> : vector<128xf32>
    %reduce_sum3A_1746 = vector.multi_reduction <add>, %add3A_1744, %reduce_sum3A_1745 [1] : vector<128x256xf32> to vector<128xf32>
    %broadcast_in_dim3A_1747 = vector.shape_cast %reduce_sum3A_1746 : vector<128xf32> to vector<128x1xf32>
    %mul3A_1748 = arith.mulf %add3A_1744, %add3A_1744 : vector<128x256xf32>
    %reduce_sum3A_1749 = arith.constant dense<0.000000e+00> : vector<128xf32>
    %reduce_sum3A_1750 = vector.multi_reduction <add>, %mul3A_1748, %reduce_sum3A_1749 [1] : vector<128x256xf32> to vector<128xf32>
    %broadcast_in_dim3A_1751 = vector.shape_cast %reduce_sum3A_1750 : vector<128xf32> to vector<128x1xf32>
    %concatenate3A_1752 = tpu.concatenate %broadcast_in_dim3A_1747, %broadcast_in_dim3A_1751 in 1 : vector<128x1xf32>, vector<128x1xf32> -> vector<128x2xf32>
    %div3A_1753 = arith.constant 2.560000e+02 : f32
    %div3A_1754 = vector.broadcast %div3A_1753 : f32 to vector<128x2xf32>
    %div3A_1755 = arith.divf %concatenate3A_1752, %div3A_1754 : vector<128x2xf32>
    %dot_general3A_1756 = arith.constant dense<0.000000e+00> : vector<128x2xf32>
    %dot_general3A_1757 = tpu.matmul %get3A_1, %div3A_1755, %dot_general3A_1756 {dimension_numbers = #tpu.dot_dimension_numbers<[1], [0], [0], [1], [0, 0, 1, 1], [], []>, precision = #tpu.contract_precision<fp32>, transpose_lhs_hint = false} : vector<128x128xf32>, vector<128x2xf32>, vector<128x2xf32> -> vector<128x2xf32>
    %slice3A_1758 = vector.extract_strided_slice %dot_general3A_1757 {offsets = [0, 0], sizes = [128, 1], strides = [1, 1]} : vector<128x2xf32> to vector<128x1xf32>
    %slice3A_1759 = vector.extract_strided_slice %dot_general3A_1757 {offsets = [0, 1], sizes = [128, 1], strides = [1, 1]} : vector<128x2xf32> to vector<128x1xf32>
    %mul3A_1760 = arith.mulf %slice3A_1758, %slice3A_1758 : vector<128x1xf32>
    %sub3A_1761 = arith.subf %slice3A_1759, %mul3A_1760 : vector<128x1xf32>
    %add3A_1762 = arith.constant 9.99999974E-6 : f32
    %add3A_1763 = vector.broadcast %add3A_1762 : f32 to vector<128x1xf32>
    %add3A_1764 = arith.addf %sub3A_1761, %add3A_1763 : vector<128x1xf32>
    %sqrt3A_1765 = math.sqrt %add3A_1764 : vector<128x1xf32>
    %div3A_1766 = arith.constant 1.000000e+00 : f32
    %div3A_1767 = vector.broadcast %div3A_1766 : f32 to vector<128x1xf32>
    %div3A_1768 = arith.divf %div3A_1767, %sqrt3A_1765 : vector<128x1xf32>
    %sub3A_1769 = vector.broadcast %slice3A_1758 : vector<128x1xf32> to vector<128x256xf32>
    %sub3A_1770 = arith.subf %add3A_1744, %sub3A_1769 : vector<128x256xf32>
    %mul3A_1771 = vector.broadcast %div3A_1768 : vector<128x1xf32> to vector<128x256xf32>
    %mul3A_1772 = arith.mulf %sub3A_1770, %mul3A_1771 : vector<128x256xf32>
    %mul3A_1773 = vector.broadcast %get3A_1708 : vector<128x1xf32> to vector<128x256xf32>
    %mul3A_1774 = arith.mulf %mul3A_1772, %mul3A_1773 : vector<128x256xf32>
    %add3A_1775 = vector.broadcast %get3A_1711 : vector<128x1xf32> to vector<128x256xf32>
    %add3A_1776 = arith.addf %mul3A_1774, %add3A_1775 : vector<128x256xf32>
    %max3A_1777 = arith.constant 0.000000e+00 : f32
    %max3A_1778 = vector.broadcast %max3A_1777 : f32 to vector<128x256xf32>
    %max3A_1779 = arith.maximumf %add3A_1776, %max3A_1778 : vector<128x256xf32>
    %broadcast_in_dim3A_1780 = arith.constant 0.000000e+00 : f32
    %broadcast_in_dim3A_1781 = vector.broadcast %broadcast_in_dim3A_1780 : f32 to vector<128x1xf32>
    %concatenate3A_1782 = tpu.concatenate %broadcast_in_dim3A_1781, %max3A_1779, %broadcast_in_dim3A_1781 in 1 : vector<128x1xf32>, vector<128x256xf32>, vector<128x1xf32> -> vector<128x258xf32>
    %slice3A_1783 = vector.extract_strided_slice %get3A_1715 {offsets = [0, 0, 0], sizes = [1, 128, 128], strides = [1, 1, 1]} : vector<3x128x128xbf16> to vector<1x128x128xbf16>
    %squeeze3A_1784 = vector.shape_cast %slice3A_1783 : vector<1x128x128xbf16> to vector<128x128xbf16>
    %slice3A_1785 = vector.extract_strided_slice %concatenate3A_1782 {offsets = [0, 0], sizes = [128, 256], strides = [1, 1]} : vector<128x258xf32> to vector<128x256xf32>
    %convert_element_type3A_1786 = arith.truncf %slice3A_1785 : vector<128x256xf32> to vector<128x256xbf16>
    %dot_general3A_1787 = arith.constant dense<0.000000e+00> : vector<128x256xf32>
    %dot_general3A_1788 = tpu.matmul %squeeze3A_1784, %convert_element_type3A_1786, %dot_general3A_1787 {dimension_numbers = #tpu.dot_dimension_numbers<[1], [0], [0], [1], [0, 0, 1, 1], [], []>, transpose_lhs_hint = false} : vector<128x128xbf16>, vector<128x256xbf16>, vector<128x256xf32> -> vector<128x256xf32>
    %slice3A_1789 = vector.extract_strided_slice %get3A_1715 {offsets = [1, 0, 0], sizes = [1, 128, 128], strides = [1, 1, 1]} : vector<3x128x128xbf16> to vector<1x128x128xbf16>
    %squeeze3A_1790 = vector.shape_cast %slice3A_1789 : vector<1x128x128xbf16> to vector<128x128xbf16>
    %slice3A_1791 = vector.extract_strided_slice %concatenate3A_1782 {offsets = [0, 1], sizes = [128, 256], strides = [1, 1]} : vector<128x258xf32> to vector<128x256xf32>
    %convert_element_type3A_1792 = arith.truncf %slice3A_1791 : vector<128x256xf32> to vector<128x256xbf16>
    %dot_general3A_1793 = arith.constant dense<0.000000e+00> : vector<128x256xf32>
    %dot_general3A_1794 = tpu.matmul %squeeze3A_1790, %convert_element_type3A_1792, %dot_general3A_1793 {dimension_numbers = #tpu.dot_dimension_numbers<[1], [0], [0], [1], [0, 0, 1, 1], [], []>, transpose_lhs_hint = false} : vector<128x128xbf16>, vector<128x256xbf16>, vector<128x256xf32> -> vector<128x256xf32>
    %add3A_1795 = arith.addf %dot_general3A_1788, %dot_general3A_1794 : vector<128x256xf32>
    %slice3A_1796 = vector.extract_strided_slice %get3A_1715 {offsets = [2, 0, 0], sizes = [1, 128, 128], strides = [1, 1, 1]} : vector<3x128x128xbf16> to vector<1x128x128xbf16>
    %squeeze3A_1797 = vector.shape_cast %slice3A_1796 : vector<1x128x128xbf16> to vector<128x128xbf16>
    %slice3A_1798 = vector.extract_strided_slice %concatenate3A_1782 {offsets = [0, 2], sizes = [128, 256], strides = [1, 1]} : vector<128x258xf32> to vector<128x256xf32>
    %convert_element_type3A_1799 = arith.truncf %slice3A_1798 : vector<128x256xf32> to vector<128x256xbf16>
    %dot_general3A_1800 = arith.constant dense<0.000000e+00> : vector<128x256xf32>
    %dot_general3A_1801 = tpu.matmul %squeeze3A_1797, %convert_element_type3A_1799, %dot_general3A_1800 {dimension_numbers = #tpu.dot_dimension_numbers<[1], [0], [0], [1], [0, 0, 1, 1], [], []>, transpose_lhs_hint = false} : vector<128x128xbf16>, vector<128x256xbf16>, vector<128x256xf32> -> vector<128x256xf32>
    %add3A_1802 = arith.addf %add3A_1795, %dot_general3A_1801 : vector<128x256xf32>
    %reduce_sum3A_1803 = arith.constant dense<0.000000e+00> : vector<128xf32>
    %reduce_sum3A_1804 = vector.multi_reduction <add>, %add3A_1802, %reduce_sum3A_1803 [1] : vector<128x256xf32> to vector<128xf32>
    %broadcast_in_dim3A_1805 = vector.shape_cast %reduce_sum3A_1804 : vector<128xf32> to vector<128x1xf32>
    %mul3A_1806 = arith.mulf %add3A_1802, %add3A_1802 : vector<128x256xf32>
    %reduce_sum3A_1807 = arith.constant dense<0.000000e+00> : vector<128xf32>
    %reduce_sum3A_1808 = vector.multi_reduction <add>, %mul3A_1806, %reduce_sum3A_1807 [1] : vector<128x256xf32> to vector<128xf32>
    %broadcast_in_dim3A_1809 = vector.shape_cast %reduce_sum3A_1808 : vector<128xf32> to vector<128x1xf32>
    %concatenate3A_1810 = tpu.concatenate %broadcast_in_dim3A_1805, %broadcast_in_dim3A_1809 in 1 : vector<128x1xf32>, vector<128x1xf32> -> vector<128x2xf32>
    %div3A_1811 = arith.constant 2.560000e+02 : f32
    %div3A_1812 = vector.broadcast %div3A_1811 : f32 to vector<128x2xf32>
    %div3A_1813 = arith.divf %concatenate3A_1810, %div3A_1812 : vector<128x2xf32>
    %dot_general3A_1814 = arith.constant dense<0.000000e+00> : vector<128x2xf32>
    %dot_general3A_1815 = tpu.matmul %get3A_1, %div3A_1813, %dot_general3A_1814 {dimension_numbers = #tpu.dot_dimension_numbers<[1], [0], [0], [1], [0, 0, 1, 1], [], []>, precision = #tpu.contract_precision<fp32>, transpose_lhs_hint = false} : vector<128x128xf32>, vector<128x2xf32>, vector<128x2xf32> -> vector<128x2xf32>
    %slice3A_1816 = vector.extract_strided_slice %dot_general3A_1815 {offsets = [0, 0], sizes = [128, 1], strides = [1, 1]} : vector<128x2xf32> to vector<128x1xf32>
    %slice3A_1817 = vector.extract_strided_slice %dot_general3A_1815 {offsets = [0, 1], sizes = [128, 1], strides = [1, 1]} : vector<128x2xf32> to vector<128x1xf32>
    %mul3A_1818 = arith.mulf %slice3A_1816, %slice3A_1816 : vector<128x1xf32>
    %sub3A_1819 = arith.subf %slice3A_1817, %mul3A_1818 : vector<128x1xf32>
    %add3A_1820 = arith.constant 9.99999974E-6 : f32
    %add3A_1821 = vector.broadcast %add3A_1820 : f32 to vector<128x1xf32>
    %add3A_1822 = arith.addf %sub3A_1819, %add3A_1821 : vector<128x1xf32>
    %sqrt3A_1823 = math.sqrt %add3A_1822 : vector<128x1xf32>
    %div3A_1824 = arith.constant 1.000000e+00 : f32
    %div3A_1825 = vector.broadcast %div3A_1824 : f32 to vector<128x1xf32>
    %div3A_1826 = arith.divf %div3A_1825, %sqrt3A_1823 : vector<128x1xf32>
    %sub3A_1827 = vector.broadcast %slice3A_1816 : vector<128x1xf32> to vector<128x256xf32>
    %sub3A_1828 = arith.subf %add3A_1802, %sub3A_1827 : vector<128x256xf32>
    %mul3A_1829 = vector.broadcast %div3A_1826 : vector<128x1xf32> to vector<128x256xf32>
    %mul3A_1830 = arith.mulf %sub3A_1828, %mul3A_1829 : vector<128x256xf32>
    %mul3A_1831 = vector.broadcast %get3A_1718 : vector<128x1xf32> to vector<128x256xf32>
    %mul3A_1832 = arith.mulf %mul3A_1830, %mul3A_1831 : vector<128x256xf32>
    %add3A_1833 = vector.broadcast %get3A_1721 : vector<128x1xf32> to vector<128x256xf32>
    %add3A_1834 = arith.addf %mul3A_1832, %add3A_1833 : vector<128x256xf32>
    %add3A_1835 = arith.addf %dot_general3A_1701, %add3A_1834 : vector<128x256xf32>
    %max3A_1836 = arith.constant 0.000000e+00 : f32
    %max3A_1837 = vector.broadcast %max3A_1836 : f32 to vector<128x256xf32>
    %max3A_1838 = arith.maximumf %add3A_1835, %max3A_1837 : vector<128x256xf32>
    %get3A_1839 = arith.constant 0 : index
    %get3A_1840 = arith.constant 0 : index
    %get3A_1841 = vector.load %arg15[%get3A_1839, %get3A_1840] : memref<256x512xf32, #tpu.memory_space<vmem>>, vector<256x512xf32>
    %dot_general3A_1842 = arith.constant dense<0.000000e+00> : vector<128x512xf32>
    %dot_general3A_1843 = tpu.matmul %max3A_1838, %get3A_1841, %dot_general3A_1842 {dimension_numbers = #tpu.dot_dimension_numbers<[1], [0], [0], [1], [0, 0, 1, 1], [], []>, precision = #tpu.contract_precision<fp32>, transpose_lhs_hint = false} : vector<128x256xf32>, vector<256x512xf32>, vector<128x512xf32> -> vector<128x512xf32>
    %get3A_1844 = arith.constant 0 : index
    %get3A_1845 = arith.constant 0 : index
    %get3A_1846 = arith.constant 0 : index
    %get3A_1847 = vector.load %arg5[%get3A_1844, %get3A_1845, %get3A_1846] : memref<3x128x128xbf16, #tpu.memory_space<vmem>>, vector<3x128x128xbf16>
    %get3A_1848 = arith.constant 0 : index
    %get3A_1849 = arith.constant 0 : index
    %get3A_1850 = vector.load %arg6[%get3A_1848, %get3A_1849] : memref<128x1xf32, #tpu.memory_space<vmem>>, vector<128x1xf32>
    %get3A_1851 = arith.constant 0 : index
    %get3A_1852 = arith.constant 0 : index
    %get3A_1853 = vector.load %arg7[%get3A_1851, %get3A_1852] : memref<128x1xf32, #tpu.memory_space<vmem>>, vector<128x1xf32>
    %get3A_1854 = arith.constant 0 : index
    %get3A_1855 = arith.constant 0 : index
    %get3A_1856 = arith.constant 0 : index
    %get3A_1857 = vector.load %arg8[%get3A_1854, %get3A_1855, %get3A_1856] : memref<3x128x128xbf16, #tpu.memory_space<vmem>>, vector<3x128x128xbf16>
    %get3A_1858 = arith.constant 0 : index
    %get3A_1859 = arith.constant 0 : index
    %get3A_1860 = vector.load %arg9[%get3A_1858, %get3A_1859] : memref<128x1xf32, #tpu.memory_space<vmem>>, vector<128x1xf32>
    %get3A_1861 = arith.constant 0 : index
    %get3A_1862 = arith.constant 0 : index
    %get3A_1863 = vector.load %arg10[%get3A_1861, %get3A_1862] : memref<128x1xf32, #tpu.memory_space<vmem>>, vector<128x1xf32>
    %broadcast_in_dim3A_1864 = arith.constant 0.000000e+00 : f32
    %broadcast_in_dim3A_1865 = vector.broadcast %broadcast_in_dim3A_1864 : f32 to vector<128x1xf32>
    %concatenate3A_1866 = tpu.concatenate %broadcast_in_dim3A_1865, %dot_general3A_1843, %broadcast_in_dim3A_1865 in 1 : vector<128x1xf32>, vector<128x512xf32>, vector<128x1xf32> -> vector<128x514xf32>
    %slice3A_1867 = vector.extract_strided_slice %get3A_1847 {offsets = [0, 0, 0], sizes = [1, 128, 128], strides = [1, 1, 1]} : vector<3x128x128xbf16> to vector<1x128x128xbf16>
    %squeeze3A_1868 = vector.shape_cast %slice3A_1867 : vector<1x128x128xbf16> to vector<128x128xbf16>
    %slice3A_1869 = vector.extract_strided_slice %concatenate3A_1866 {offsets = [0, 0], sizes = [128, 512], strides = [1, 1]} : vector<128x514xf32> to vector<128x512xf32>
    %convert_element_type3A_1870 = arith.truncf %slice3A_1869 : vector<128x512xf32> to vector<128x512xbf16>
    %dot_general3A_1871 = arith.constant dense<0.000000e+00> : vector<128x512xf32>
    %dot_general3A_1872 = tpu.matmul %squeeze3A_1868, %convert_element_type3A_1870, %dot_general3A_1871 {dimension_numbers = #tpu.dot_dimension_numbers<[1], [0], [0], [1], [0, 0, 1, 1], [], []>, transpose_lhs_hint = false} : vector<128x128xbf16>, vector<128x512xbf16>, vector<128x512xf32> -> vector<128x512xf32>
    %slice3A_1873 = vector.extract_strided_slice %get3A_1847 {offsets = [1, 0, 0], sizes = [1, 128, 128], strides = [1, 1, 1]} : vector<3x128x128xbf16> to vector<1x128x128xbf16>
    %squeeze3A_1874 = vector.shape_cast %slice3A_1873 : vector<1x128x128xbf16> to vector<128x128xbf16>
    %slice3A_1875 = vector.extract_strided_slice %concatenate3A_1866 {offsets = [0, 1], sizes = [128, 512], strides = [1, 1]} : vector<128x514xf32> to vector<128x512xf32>
    %convert_element_type3A_1876 = arith.truncf %slice3A_1875 : vector<128x512xf32> to vector<128x512xbf16>
    %dot_general3A_1877 = arith.constant dense<0.000000e+00> : vector<128x512xf32>
    %dot_general3A_1878 = tpu.matmul %squeeze3A_1874, %convert_element_type3A_1876, %dot_general3A_1877 {dimension_numbers = #tpu.dot_dimension_numbers<[1], [0], [0], [1], [0, 0, 1, 1], [], []>, transpose_lhs_hint = false} : vector<128x128xbf16>, vector<128x512xbf16>, vector<128x512xf32> -> vector<128x512xf32>
    %add3A_1879 = arith.addf %dot_general3A_1872, %dot_general3A_1878 : vector<128x512xf32>
    %slice3A_1880 = vector.extract_strided_slice %get3A_1847 {offsets = [2, 0, 0], sizes = [1, 128, 128], strides = [1, 1, 1]} : vector<3x128x128xbf16> to vector<1x128x128xbf16>
    %squeeze3A_1881 = vector.shape_cast %slice3A_1880 : vector<1x128x128xbf16> to vector<128x128xbf16>
    %slice3A_1882 = vector.extract_strided_slice %concatenate3A_1866 {offsets = [0, 2], sizes = [128, 512], strides = [1, 1]} : vector<128x514xf32> to vector<128x512xf32>
    %convert_element_type3A_1883 = arith.truncf %slice3A_1882 : vector<128x512xf32> to vector<128x512xbf16>
    %dot_general3A_1884 = arith.constant dense<0.000000e+00> : vector<128x512xf32>
    %dot_general3A_1885 = tpu.matmul %squeeze3A_1881, %convert_element_type3A_1883, %dot_general3A_1884 {dimension_numbers = #tpu.dot_dimension_numbers<[1], [0], [0], [1], [0, 0, 1, 1], [], []>, transpose_lhs_hint = false} : vector<128x128xbf16>, vector<128x512xbf16>, vector<128x512xf32> -> vector<128x512xf32>
    %add3A_1886 = arith.addf %add3A_1879, %dot_general3A_1885 : vector<128x512xf32>
    %reduce_sum3A_1887 = arith.constant dense<0.000000e+00> : vector<128xf32>
    %reduce_sum3A_1888 = vector.multi_reduction <add>, %add3A_1886, %reduce_sum3A_1887 [1] : vector<128x512xf32> to vector<128xf32>
    %broadcast_in_dim3A_1889 = vector.shape_cast %reduce_sum3A_1888 : vector<128xf32> to vector<128x1xf32>
    %mul3A_1890 = arith.mulf %add3A_1886, %add3A_1886 : vector<128x512xf32>
    %reduce_sum3A_1891 = arith.constant dense<0.000000e+00> : vector<128xf32>
    %reduce_sum3A_1892 = vector.multi_reduction <add>, %mul3A_1890, %reduce_sum3A_1891 [1] : vector<128x512xf32> to vector<128xf32>
    %broadcast_in_dim3A_1893 = vector.shape_cast %reduce_sum3A_1892 : vector<128xf32> to vector<128x1xf32>
    %concatenate3A_1894 = tpu.concatenate %broadcast_in_dim3A_1889, %broadcast_in_dim3A_1893 in 1 : vector<128x1xf32>, vector<128x1xf32> -> vector<128x2xf32>
    %div3A_1895 = arith.constant 5.120000e+02 : f32
    %div3A_1896 = vector.broadcast %div3A_1895 : f32 to vector<128x2xf32>
    %div3A_1897 = arith.divf %concatenate3A_1894, %div3A_1896 : vector<128x2xf32>
    %dot_general3A_1898 = arith.constant dense<0.000000e+00> : vector<128x2xf32>
    %dot_general3A_1899 = tpu.matmul %get3A_1, %div3A_1897, %dot_general3A_1898 {dimension_numbers = #tpu.dot_dimension_numbers<[1], [0], [0], [1], [0, 0, 1, 1], [], []>, precision = #tpu.contract_precision<fp32>, transpose_lhs_hint = false} : vector<128x128xf32>, vector<128x2xf32>, vector<128x2xf32> -> vector<128x2xf32>
    %slice3A_1900 = vector.extract_strided_slice %dot_general3A_1899 {offsets = [0, 0], sizes = [128, 1], strides = [1, 1]} : vector<128x2xf32> to vector<128x1xf32>
    %slice3A_1901 = vector.extract_strided_slice %dot_general3A_1899 {offsets = [0, 1], sizes = [128, 1], strides = [1, 1]} : vector<128x2xf32> to vector<128x1xf32>
    %mul3A_1902 = arith.mulf %slice3A_1900, %slice3A_1900 : vector<128x1xf32>
    %sub3A_1903 = arith.subf %slice3A_1901, %mul3A_1902 : vector<128x1xf32>
    %add3A_1904 = arith.constant 9.99999974E-6 : f32
    %add3A_1905 = vector.broadcast %add3A_1904 : f32 to vector<128x1xf32>
    %add3A_1906 = arith.addf %sub3A_1903, %add3A_1905 : vector<128x1xf32>
    %sqrt3A_1907 = math.sqrt %add3A_1906 : vector<128x1xf32>
    %div3A_1908 = arith.constant 1.000000e+00 : f32
    %div3A_1909 = vector.broadcast %div3A_1908 : f32 to vector<128x1xf32>
    %div3A_1910 = arith.divf %div3A_1909, %sqrt3A_1907 : vector<128x1xf32>
    %sub3A_1911 = vector.broadcast %slice3A_1900 : vector<128x1xf32> to vector<128x512xf32>
    %sub3A_1912 = arith.subf %add3A_1886, %sub3A_1911 : vector<128x512xf32>
    %mul3A_1913 = vector.broadcast %div3A_1910 : vector<128x1xf32> to vector<128x512xf32>
    %mul3A_1914 = arith.mulf %sub3A_1912, %mul3A_1913 : vector<128x512xf32>
    %mul3A_1915 = vector.broadcast %get3A_1850 : vector<128x1xf32> to vector<128x512xf32>
    %mul3A_1916 = arith.mulf %mul3A_1914, %mul3A_1915 : vector<128x512xf32>
    %add3A_1917 = vector.broadcast %get3A_1853 : vector<128x1xf32> to vector<128x512xf32>
    %add3A_1918 = arith.addf %mul3A_1916, %add3A_1917 : vector<128x512xf32>
    %max3A_1919 = arith.constant 0.000000e+00 : f32
    %max3A_1920 = vector.broadcast %max3A_1919 : f32 to vector<128x512xf32>
    %max3A_1921 = arith.maximumf %add3A_1918, %max3A_1920 : vector<128x512xf32>
    %broadcast_in_dim3A_1922 = arith.constant 0.000000e+00 : f32
    %broadcast_in_dim3A_1923 = vector.broadcast %broadcast_in_dim3A_1922 : f32 to vector<128x1xf32>
    %concatenate3A_1924 = tpu.concatenate %broadcast_in_dim3A_1923, %max3A_1921, %broadcast_in_dim3A_1923 in 1 : vector<128x1xf32>, vector<128x512xf32>, vector<128x1xf32> -> vector<128x514xf32>
    %slice3A_1925 = vector.extract_strided_slice %get3A_1857 {offsets = [0, 0, 0], sizes = [1, 128, 128], strides = [1, 1, 1]} : vector<3x128x128xbf16> to vector<1x128x128xbf16>
    %squeeze3A_1926 = vector.shape_cast %slice3A_1925 : vector<1x128x128xbf16> to vector<128x128xbf16>
    %slice3A_1927 = vector.extract_strided_slice %concatenate3A_1924 {offsets = [0, 0], sizes = [128, 512], strides = [1, 1]} : vector<128x514xf32> to vector<128x512xf32>
    %convert_element_type3A_1928 = arith.truncf %slice3A_1927 : vector<128x512xf32> to vector<128x512xbf16>
    %dot_general3A_1929 = arith.constant dense<0.000000e+00> : vector<128x512xf32>
    %dot_general3A_1930 = tpu.matmul %squeeze3A_1926, %convert_element_type3A_1928, %dot_general3A_1929 {dimension_numbers = #tpu.dot_dimension_numbers<[1], [0], [0], [1], [0, 0, 1, 1], [], []>, transpose_lhs_hint = false} : vector<128x128xbf16>, vector<128x512xbf16>, vector<128x512xf32> -> vector<128x512xf32>
    %slice3A_1931 = vector.extract_strided_slice %get3A_1857 {offsets = [1, 0, 0], sizes = [1, 128, 128], strides = [1, 1, 1]} : vector<3x128x128xbf16> to vector<1x128x128xbf16>
    %squeeze3A_1932 = vector.shape_cast %slice3A_1931 : vector<1x128x128xbf16> to vector<128x128xbf16>
    %slice3A_1933 = vector.extract_strided_slice %concatenate3A_1924 {offsets = [0, 1], sizes = [128, 512], strides = [1, 1]} : vector<128x514xf32> to vector<128x512xf32>
    %convert_element_type3A_1934 = arith.truncf %slice3A_1933 : vector<128x512xf32> to vector<128x512xbf16>
    %dot_general3A_1935 = arith.constant dense<0.000000e+00> : vector<128x512xf32>
    %dot_general3A_1936 = tpu.matmul %squeeze3A_1932, %convert_element_type3A_1934, %dot_general3A_1935 {dimension_numbers = #tpu.dot_dimension_numbers<[1], [0], [0], [1], [0, 0, 1, 1], [], []>, transpose_lhs_hint = false} : vector<128x128xbf16>, vector<128x512xbf16>, vector<128x512xf32> -> vector<128x512xf32>
    %add3A_1937 = arith.addf %dot_general3A_1930, %dot_general3A_1936 : vector<128x512xf32>
    %slice3A_1938 = vector.extract_strided_slice %get3A_1857 {offsets = [2, 0, 0], sizes = [1, 128, 128], strides = [1, 1, 1]} : vector<3x128x128xbf16> to vector<1x128x128xbf16>
    %squeeze3A_1939 = vector.shape_cast %slice3A_1938 : vector<1x128x128xbf16> to vector<128x128xbf16>
    %slice3A_1940 = vector.extract_strided_slice %concatenate3A_1924 {offsets = [0, 2], sizes = [128, 512], strides = [1, 1]} : vector<128x514xf32> to vector<128x512xf32>
    %convert_element_type3A_1941 = arith.truncf %slice3A_1940 : vector<128x512xf32> to vector<128x512xbf16>
    %dot_general3A_1942 = arith.constant dense<0.000000e+00> : vector<128x512xf32>
    %dot_general3A_1943 = tpu.matmul %squeeze3A_1939, %convert_element_type3A_1941, %dot_general3A_1942 {dimension_numbers = #tpu.dot_dimension_numbers<[1], [0], [0], [1], [0, 0, 1, 1], [], []>, transpose_lhs_hint = false} : vector<128x128xbf16>, vector<128x512xbf16>, vector<128x512xf32> -> vector<128x512xf32>
    %add3A_1944 = arith.addf %add3A_1937, %dot_general3A_1943 : vector<128x512xf32>
    %reduce_sum3A_1945 = arith.constant dense<0.000000e+00> : vector<128xf32>
    %reduce_sum3A_1946 = vector.multi_reduction <add>, %add3A_1944, %reduce_sum3A_1945 [1] : vector<128x512xf32> to vector<128xf32>
    %broadcast_in_dim3A_1947 = vector.shape_cast %reduce_sum3A_1946 : vector<128xf32> to vector<128x1xf32>
    %mul3A_1948 = arith.mulf %add3A_1944, %add3A_1944 : vector<128x512xf32>
    %reduce_sum3A_1949 = arith.constant dense<0.000000e+00> : vector<128xf32>
    %reduce_sum3A_1950 = vector.multi_reduction <add>, %mul3A_1948, %reduce_sum3A_1949 [1] : vector<128x512xf32> to vector<128xf32>
    %broadcast_in_dim3A_1951 = vector.shape_cast %reduce_sum3A_1950 : vector<128xf32> to vector<128x1xf32>
    %concatenate3A_1952 = tpu.concatenate %broadcast_in_dim3A_1947, %broadcast_in_dim3A_1951 in 1 : vector<128x1xf32>, vector<128x1xf32> -> vector<128x2xf32>
    %div3A_1953 = arith.constant 5.120000e+02 : f32
    %div3A_1954 = vector.broadcast %div3A_1953 : f32 to vector<128x2xf32>
    %div3A_1955 = arith.divf %concatenate3A_1952, %div3A_1954 : vector<128x2xf32>
    %dot_general3A_1956 = arith.constant dense<0.000000e+00> : vector<128x2xf32>
    %dot_general3A_1957 = tpu.matmul %get3A_1, %div3A_1955, %dot_general3A_1956 {dimension_numbers = #tpu.dot_dimension_numbers<[1], [0], [0], [1], [0, 0, 1, 1], [], []>, precision = #tpu.contract_precision<fp32>, transpose_lhs_hint = false} : vector<128x128xf32>, vector<128x2xf32>, vector<128x2xf32> -> vector<128x2xf32>
    %slice3A_1958 = vector.extract_strided_slice %dot_general3A_1957 {offsets = [0, 0], sizes = [128, 1], strides = [1, 1]} : vector<128x2xf32> to vector<128x1xf32>
    %slice3A_1959 = vector.extract_strided_slice %dot_general3A_1957 {offsets = [0, 1], sizes = [128, 1], strides = [1, 1]} : vector<128x2xf32> to vector<128x1xf32>
    %mul3A_1960 = arith.mulf %slice3A_1958, %slice3A_1958 : vector<128x1xf32>
    %sub3A_1961 = arith.subf %slice3A_1959, %mul3A_1960 : vector<128x1xf32>
    %add3A_1962 = arith.constant 9.99999974E-6 : f32
    %add3A_1963 = vector.broadcast %add3A_1962 : f32 to vector<128x1xf32>
    %add3A_1964 = arith.addf %sub3A_1961, %add3A_1963 : vector<128x1xf32>
    %sqrt3A_1965 = math.sqrt %add3A_1964 : vector<128x1xf32>
    %div3A_1966 = arith.constant 1.000000e+00 : f32
    %div3A_1967 = vector.broadcast %div3A_1966 : f32 to vector<128x1xf32>
    %div3A_1968 = arith.divf %div3A_1967, %sqrt3A_1965 : vector<128x1xf32>
    %sub3A_1969 = vector.broadcast %slice3A_1958 : vector<128x1xf32> to vector<128x512xf32>
    %sub3A_1970 = arith.subf %add3A_1944, %sub3A_1969 : vector<128x512xf32>
    %mul3A_1971 = vector.broadcast %div3A_1968 : vector<128x1xf32> to vector<128x512xf32>
    %mul3A_1972 = arith.mulf %sub3A_1970, %mul3A_1971 : vector<128x512xf32>
    %mul3A_1973 = vector.broadcast %get3A_1860 : vector<128x1xf32> to vector<128x512xf32>
    %mul3A_1974 = arith.mulf %mul3A_1972, %mul3A_1973 : vector<128x512xf32>
    %add3A_1975 = vector.broadcast %get3A_1863 : vector<128x1xf32> to vector<128x512xf32>
    %add3A_1976 = arith.addf %mul3A_1974, %add3A_1975 : vector<128x512xf32>
    %add3A_1977 = arith.addf %dot_general3A_1843, %add3A_1976 : vector<128x512xf32>
    %max3A_1978 = arith.constant 0.000000e+00 : f32
    %max3A_1979 = vector.broadcast %max3A_1978 : f32 to vector<128x512xf32>
    %max3A_1980 = arith.maximumf %add3A_1977, %max3A_1979 : vector<128x512xf32>
    %get3A_1981 = arith.constant 0 : index
    %get3A_1982 = arith.constant 0 : index
    %get3A_1983 = arith.constant 0 : index
    %get3A_1984 = vector.load %arg11[%get3A_1981, %get3A_1982, %get3A_1983] : memref<5x80x128xbf16, #tpu.memory_space<vmem>>, vector<5x80x128xbf16>
    %broadcast_in_dim3A_1985 = arith.constant 0.000000e+00 : f32
    %broadcast_in_dim3A_1986 = vector.broadcast %broadcast_in_dim3A_1985 : f32 to vector<128x2xf32>
    %concatenate3A_1987 = tpu.concatenate %broadcast_in_dim3A_1986, %max3A_1980, %broadcast_in_dim3A_1986 in 1 : vector<128x2xf32>, vector<128x512xf32>, vector<128x2xf32> -> vector<128x516xf32>
    %slice3A_1988 = vector.extract_strided_slice %get3A_1984 {offsets = [0, 0, 0], sizes = [1, 80, 128], strides = [1, 1, 1]} : vector<5x80x128xbf16> to vector<1x80x128xbf16>
    %squeeze3A_1989 = vector.shape_cast %slice3A_1988 : vector<1x80x128xbf16> to vector<80x128xbf16>
    %slice3A_1990 = vector.extract_strided_slice %concatenate3A_1987 {offsets = [0, 0], sizes = [128, 512], strides = [1, 1]} : vector<128x516xf32> to vector<128x512xf32>
    %convert_element_type3A_1991 = arith.truncf %slice3A_1990 : vector<128x512xf32> to vector<128x512xbf16>
    %dot_general3A_1992 = arith.constant dense<0.000000e+00> : vector<80x512xf32>
    %dot_general3A_1993 = tpu.matmul %squeeze3A_1989, %convert_element_type3A_1991, %dot_general3A_1992 {dimension_numbers = #tpu.dot_dimension_numbers<[1], [0], [0], [1], [0, 0, 1, 1], [], []>, transpose_lhs_hint = false} : vector<80x128xbf16>, vector<128x512xbf16>, vector<80x512xf32> -> vector<80x512xf32>
    %slice3A_1994 = vector.extract_strided_slice %get3A_1984 {offsets = [1, 0, 0], sizes = [1, 80, 128], strides = [1, 1, 1]} : vector<5x80x128xbf16> to vector<1x80x128xbf16>
    %squeeze3A_1995 = vector.shape_cast %slice3A_1994 : vector<1x80x128xbf16> to vector<80x128xbf16>
    %slice3A_1996 = vector.extract_strided_slice %concatenate3A_1987 {offsets = [0, 1], sizes = [128, 512], strides = [1, 1]} : vector<128x516xf32> to vector<128x512xf32>
    %convert_element_type3A_1997 = arith.truncf %slice3A_1996 : vector<128x512xf32> to vector<128x512xbf16>
    %dot_general3A_1998 = arith.constant dense<0.000000e+00> : vector<80x512xf32>
    %dot_general3A_1999 = tpu.matmul %squeeze3A_1995, %convert_element_type3A_1997, %dot_general3A_1998 {dimension_numbers = #tpu.dot_dimension_numbers<[1], [0], [0], [1], [0, 0, 1, 1], [], []>, transpose_lhs_hint = false} : vector<80x128xbf16>, vector<128x512xbf16>, vector<80x512xf32> -> vector<80x512xf32>
    %add3A_2000 = arith.addf %dot_general3A_1993, %dot_general3A_1999 : vector<80x512xf32>
    %slice3A_2001 = vector.extract_strided_slice %get3A_1984 {offsets = [2, 0, 0], sizes = [1, 80, 128], strides = [1, 1, 1]} : vector<5x80x128xbf16> to vector<1x80x128xbf16>
    %squeeze3A_2002 = vector.shape_cast %slice3A_2001 : vector<1x80x128xbf16> to vector<80x128xbf16>
    %slice3A_2003 = vector.extract_strided_slice %concatenate3A_1987 {offsets = [0, 2], sizes = [128, 512], strides = [1, 1]} : vector<128x516xf32> to vector<128x512xf32>
    %convert_element_type3A_2004 = arith.truncf %slice3A_2003 : vector<128x512xf32> to vector<128x512xbf16>
    %dot_general3A_2005 = arith.constant dense<0.000000e+00> : vector<80x512xf32>
    %dot_general3A_2006 = tpu.matmul %squeeze3A_2002, %convert_element_type3A_2004, %dot_general3A_2005 {dimension_numbers = #tpu.dot_dimension_numbers<[1], [0], [0], [1], [0, 0, 1, 1], [], []>, transpose_lhs_hint = false} : vector<80x128xbf16>, vector<128x512xbf16>, vector<80x512xf32> -> vector<80x512xf32>
    %add3A_2007 = arith.addf %add3A_2000, %dot_general3A_2006 : vector<80x512xf32>
    %slice3A_2008 = vector.extract_strided_slice %get3A_1984 {offsets = [3, 0, 0], sizes = [1, 80, 128], strides = [1, 1, 1]} : vector<5x80x128xbf16> to vector<1x80x128xbf16>
    %squeeze3A_2009 = vector.shape_cast %slice3A_2008 : vector<1x80x128xbf16> to vector<80x128xbf16>
    %slice3A_2010 = vector.extract_strided_slice %concatenate3A_1987 {offsets = [0, 3], sizes = [128, 512], strides = [1, 1]} : vector<128x516xf32> to vector<128x512xf32>
    %convert_element_type3A_2011 = arith.truncf %slice3A_2010 : vector<128x512xf32> to vector<128x512xbf16>
    %dot_general3A_2012 = arith.constant dense<0.000000e+00> : vector<80x512xf32>
    %dot_general3A_2013 = tpu.matmul %squeeze3A_2009, %convert_element_type3A_2011, %dot_general3A_2012 {dimension_numbers = #tpu.dot_dimension_numbers<[1], [0], [0], [1], [0, 0, 1, 1], [], []>, transpose_lhs_hint = false} : vector<80x128xbf16>, vector<128x512xbf16>, vector<80x512xf32> -> vector<80x512xf32>
    %add3A_2014 = arith.addf %add3A_2007, %dot_general3A_2013 : vector<80x512xf32>
    %slice3A_2015 = vector.extract_strided_slice %get3A_1984 {offsets = [4, 0, 0], sizes = [1, 80, 128], strides = [1, 1, 1]} : vector<5x80x128xbf16> to vector<1x80x128xbf16>
    %squeeze3A_2016 = vector.shape_cast %slice3A_2015 : vector<1x80x128xbf16> to vector<80x128xbf16>
    %slice3A_2017 = vector.extract_strided_slice %concatenate3A_1987 {offsets = [0, 4], sizes = [128, 512], strides = [1, 1]} : vector<128x516xf32> to vector<128x512xf32>
    %convert_element_type3A_2018 = arith.truncf %slice3A_2017 : vector<128x512xf32> to vector<128x512xbf16>
    %dot_general3A_2019 = arith.constant dense<0.000000e+00> : vector<80x512xf32>
    %dot_general3A_2020 = tpu.matmul %squeeze3A_2016, %convert_element_type3A_2018, %dot_general3A_2019 {dimension_numbers = #tpu.dot_dimension_numbers<[1], [0], [0], [1], [0, 0, 1, 1], [], []>, transpose_lhs_hint = false} : vector<80x128xbf16>, vector<128x512xbf16>, vector<80x512xf32> -> vector<80x512xf32>
    %add3A_2021 = arith.addf %add3A_2014, %dot_general3A_2020 : vector<80x512xf32>
    %get3A_2022 = arith.constant 0 : index
    %get3A_2023 = arith.constant 0 : index
    %get3A_2024 = vector.load %arg12[%get3A_2022, %get3A_2023] : memref<80x1xf32, #tpu.memory_space<vmem>>, vector<80x1xf32>
    %add3A_2025 = vector.broadcast %get3A_2024 : vector<80x1xf32> to vector<80x512xf32>
    %add3A_2026 = arith.addf %add3A_2021, %add3A_2025 : vector<80x512xf32>
    %swap3A_2027 = arith.constant 4 : index
    %swap3A_2028 = arith.constant 0 : index
    %swap3A_2029 = arith.constant 0 : index
    %swap3A_2030 = vector.load %arg16[%swap3A_2027, %swap3A_2028, %swap3A_2029] : memref<8x80x512xf32, #tpu.memory_space<vmem>>, vector<1x80x512xf32>
    %swap3A_2031 = vector.shape_cast %swap3A_2030 : vector<1x80x512xf32> to vector<80x512xf32>
    %swap3A_2032 = vector.shape_cast %add3A_2026 : vector<80x512xf32> to vector<1x80x512xf32>
    tpu.vector_store %arg16[%swap3A_2027, %swap3A_2028, %swap3A_2029], %swap3A_2032 {strides = array<i32>} : memref<8x80x512xf32, #tpu.memory_space<vmem>>, vector<1x80x512xf32>,
    %get3A_2033 = arith.constant 5 : index
    %get3A_2034 = arith.constant 0 : index
    %get3A_2035 = arith.constant 0 : index
    %get3A_2036 = vector.load %arg1[%get3A_2033, %get3A_2034, %get3A_2035] : memref<8x64x128xf32, #tpu.memory_space<vmem>>, vector<1x64x128xf32>
    %get3A_2037 = vector.shape_cast %get3A_2036 : vector<1x64x128xf32> to vector<64x128xf32>
    %get3A_2038 = arith.constant 0 : index
    %get3A_2039 = arith.constant 0 : index
    %get3A_2040 = arith.constant 0 : index
    %get3A_2041 = vector.load %arg2[%get3A_2038, %get3A_2039, %get3A_2040] : memref<3x128x64xbf16, #tpu.memory_space<vmem>>, vector<3x128x64xbf16>
    %broadcast_in_dim3A_2042 = arith.constant 0.000000e+00 : f32
    %broadcast_in_dim3A_2043 = vector.broadcast %broadcast_in_dim3A_2042 : f32 to vector<64x1xf32>
    %concatenate3A_2044 = tpu.concatenate %broadcast_in_dim3A_2043, %get3A_2037, %broadcast_in_dim3A_2043 in 1 : vector<64x1xf32>, vector<64x128xf32>, vector<64x1xf32> -> vector<64x130xf32>
    %slice3A_2045 = vector.extract_strided_slice %get3A_2041 {offsets = [0, 0, 0], sizes = [1, 128, 64], strides = [1, 1, 1]} : vector<3x128x64xbf16> to vector<1x128x64xbf16>
    %squeeze3A_2046 = vector.shape_cast %slice3A_2045 : vector<1x128x64xbf16> to vector<128x64xbf16>
    %slice3A_2047 = vector.extract_strided_slice %concatenate3A_2044 {offsets = [0, 0], sizes = [64, 128], strides = [1, 1]} : vector<64x130xf32> to vector<64x128xf32>
    %convert_element_type3A_2048 = arith.truncf %slice3A_2047 : vector<64x128xf32> to vector<64x128xbf16>
    %dot_general3A_2049 = arith.constant dense<0.000000e+00> : vector<128x128xf32>
    %dot_general3A_2050 = tpu.matmul %squeeze3A_2046, %convert_element_type3A_2048, %dot_general3A_2049 {dimension_numbers = #tpu.dot_dimension_numbers<[1], [0], [0], [1], [0, 0, 1, 1], [], []>, transpose_lhs_hint = false} : vector<128x64xbf16>, vector<64x128xbf16>, vector<128x128xf32> -> vector<128x128xf32>
    %slice3A_2051 = vector.extract_strided_slice %get3A_2041 {offsets = [1, 0, 0], sizes = [1, 128, 64], strides = [1, 1, 1]} : vector<3x128x64xbf16> to vector<1x128x64xbf16>
    %squeeze3A_2052 = vector.shape_cast %slice3A_2051 : vector<1x128x64xbf16> to vector<128x64xbf16>
    %slice3A_2053 = vector.extract_strided_slice %concatenate3A_2044 {offsets = [0, 1], sizes = [64, 128], strides = [1, 1]} : vector<64x130xf32> to vector<64x128xf32>
    %convert_element_type3A_2054 = arith.truncf %slice3A_2053 : vector<64x128xf32> to vector<64x128xbf16>
    %dot_general3A_2055 = arith.constant dense<0.000000e+00> : vector<128x128xf32>
    %dot_general3A_2056 = tpu.matmul %squeeze3A_2052, %convert_element_type3A_2054, %dot_general3A_2055 {dimension_numbers = #tpu.dot_dimension_numbers<[1], [0], [0], [1], [0, 0, 1, 1], [], []>, transpose_lhs_hint = false} : vector<128x64xbf16>, vector<64x128xbf16>, vector<128x128xf32> -> vector<128x128xf32>
    %add3A_2057 = arith.addf %dot_general3A_2050, %dot_general3A_2056 : vector<128x128xf32>
    %slice3A_2058 = vector.extract_strided_slice %get3A_2041 {offsets = [2, 0, 0], sizes = [1, 128, 64], strides = [1, 1, 1]} : vector<3x128x64xbf16> to vector<1x128x64xbf16>
    %squeeze3A_2059 = vector.shape_cast %slice3A_2058 : vector<1x128x64xbf16> to vector<128x64xbf16>
    %slice3A_2060 = vector.extract_strided_slice %concatenate3A_2044 {offsets = [0, 2], sizes = [64, 128], strides = [1, 1]} : vector<64x130xf32> to vector<64x128xf32>
    %convert_element_type3A_2061 = arith.truncf %slice3A_2060 : vector<64x128xf32> to vector<64x128xbf16>
    %dot_general3A_2062 = arith.constant dense<0.000000e+00> : vector<128x128xf32>
    %dot_general3A_2063 = tpu.matmul %squeeze3A_2059, %convert_element_type3A_2061, %dot_general3A_2062 {dimension_numbers = #tpu.dot_dimension_numbers<[1], [0], [0], [1], [0, 0, 1, 1], [], []>, transpose_lhs_hint = false} : vector<128x64xbf16>, vector<64x128xbf16>, vector<128x128xf32> -> vector<128x128xf32>
    %add3A_2064 = arith.addf %add3A_2057, %dot_general3A_2063 : vector<128x128xf32>
    %get3A_2065 = arith.constant 0 : index
    %get3A_2066 = arith.constant 0 : index
    %get3A_2067 = vector.load %arg3[%get3A_2065, %get3A_2066] : memref<128x1xf32, #tpu.memory_space<vmem>>, vector<128x1xf32>
    %get3A_2068 = arith.constant 0 : index
    %get3A_2069 = arith.constant 0 : index
    %get3A_2070 = vector.load %arg4[%get3A_2068, %get3A_2069] : memref<128x1xf32, #tpu.memory_space<vmem>>, vector<128x1xf32>
    %reduce_sum3A_2071 = arith.constant dense<0.000000e+00> : vector<128xf32>
    %reduce_sum3A_2072 = vector.multi_reduction <add>, %add3A_2064, %reduce_sum3A_2071 [1] : vector<128x128xf32> to vector<128xf32>
    %broadcast_in_dim3A_2073 = vector.shape_cast %reduce_sum3A_2072 : vector<128xf32> to vector<128x1xf32>
    %mul3A_2074 = arith.mulf %add3A_2064, %add3A_2064 : vector<128x128xf32>
    %reduce_sum3A_2075 = arith.constant dense<0.000000e+00> : vector<128xf32>
    %reduce_sum3A_2076 = vector.multi_reduction <add>, %mul3A_2074, %reduce_sum3A_2075 [1] : vector<128x128xf32> to vector<128xf32>
    %broadcast_in_dim3A_2077 = vector.shape_cast %reduce_sum3A_2076 : vector<128xf32> to vector<128x1xf32>
    %concatenate3A_2078 = tpu.concatenate %broadcast_in_dim3A_2073, %broadcast_in_dim3A_2077 in 1 : vector<128x1xf32>, vector<128x1xf32> -> vector<128x2xf32>
    %div3A_2079 = arith.constant 1.280000e+02 : f32
    %div3A_2080 = vector.broadcast %div3A_2079 : f32 to vector<128x2xf32>
    %div3A_2081 = arith.divf %concatenate3A_2078, %div3A_2080 : vector<128x2xf32>
    %dot_general3A_2082 = arith.constant dense<0.000000e+00> : vector<128x2xf32>
    %dot_general3A_2083 = tpu.matmul %get3A_1, %div3A_2081, %dot_general3A_2082 {dimension_numbers = #tpu.dot_dimension_numbers<[1], [0], [0], [1], [0, 0, 1, 1], [], []>, precision = #tpu.contract_precision<fp32>, transpose_lhs_hint = false} : vector<128x128xf32>, vector<128x2xf32>, vector<128x2xf32> -> vector<128x2xf32>
    %slice3A_2084 = vector.extract_strided_slice %dot_general3A_2083 {offsets = [0, 0], sizes = [128, 1], strides = [1, 1]} : vector<128x2xf32> to vector<128x1xf32>
    %slice3A_2085 = vector.extract_strided_slice %dot_general3A_2083 {offsets = [0, 1], sizes = [128, 1], strides = [1, 1]} : vector<128x2xf32> to vector<128x1xf32>
    %mul3A_2086 = arith.mulf %slice3A_2084, %slice3A_2084 : vector<128x1xf32>
    %sub3A_2087 = arith.subf %slice3A_2085, %mul3A_2086 : vector<128x1xf32>
    %add3A_2088 = arith.constant 9.99999974E-6 : f32
    %add3A_2089 = vector.broadcast %add3A_2088 : f32 to vector<128x1xf32>
    %add3A_2090 = arith.addf %sub3A_2087, %add3A_2089 : vector<128x1xf32>
    %sqrt3A_2091 = math.sqrt %add3A_2090 : vector<128x1xf32>
    %div3A_2092 = arith.constant 1.000000e+00 : f32
    %div3A_2093 = vector.broadcast %div3A_2092 : f32 to vector<128x1xf32>
    %div3A_2094 = arith.divf %div3A_2093, %sqrt3A_2091 : vector<128x1xf32>
    %sub3A_2095 = vector.broadcast %slice3A_2084 : vector<128x1xf32> to vector<128x128xf32>
    %sub3A_2096 = arith.subf %add3A_2064, %sub3A_2095 : vector<128x128xf32>
    %mul3A_2097 = vector.broadcast %div3A_2094 : vector<128x1xf32> to vector<128x128xf32>
    %mul3A_2098 = arith.mulf %sub3A_2096, %mul3A_2097 : vector<128x128xf32>
    %mul3A_2099 = vector.broadcast %get3A_2067 : vector<128x1xf32> to vector<128x128xf32>
    %mul3A_2100 = arith.mulf %mul3A_2098, %mul3A_2099 : vector<128x128xf32>
    %add3A_2101 = vector.broadcast %get3A_2070 : vector<128x1xf32> to vector<128x128xf32>
    %add3A_2102 = arith.addf %mul3A_2100, %add3A_2101 : vector<128x128xf32>
    %max3A_2103 = arith.constant 0.000000e+00 : f32
    %max3A_2104 = vector.broadcast %max3A_2103 : f32 to vector<128x128xf32>
    %max3A_2105 = arith.maximumf %add3A_2102, %max3A_2104 : vector<128x128xf32>
    %get3A_2106 = arith.constant 0 : index
    %get3A_2107 = arith.constant 0 : index
    %get3A_2108 = vector.load %arg14[%get3A_2106, %get3A_2107] : memref<128x256xf32, #tpu.memory_space<vmem>>, vector<128x256xf32>
    %dot_general3A_2109 = arith.constant dense<0.000000e+00> : vector<128x256xf32>
    %dot_general3A_2110 = tpu.matmul %max3A_2105, %get3A_2108, %dot_general3A_2109 {dimension_numbers = #tpu.dot_dimension_numbers<[1], [0], [0], [1], [0, 0, 1, 1], [], []>, precision = #tpu.contract_precision<fp32>, transpose_lhs_hint = false} : vector<128x128xf32>, vector<128x256xf32>, vector<128x256xf32> -> vector<128x256xf32>
    %get3A_2111 = arith.constant 0 : index
    %get3A_2112 = arith.constant 0 : index
    %get3A_2113 = arith.constant 0 : index
    %get3A_2114 = vector.load %arg5[%get3A_2111, %get3A_2112, %get3A_2113] : memref<3x128x128xbf16, #tpu.memory_space<vmem>>, vector<3x128x128xbf16>
    %get3A_2115 = arith.constant 0 : index
    %get3A_2116 = arith.constant 0 : index
    %get3A_2117 = vector.load %arg6[%get3A_2115, %get3A_2116] : memref<128x1xf32, #tpu.memory_space<vmem>>, vector<128x1xf32>
    %get3A_2118 = arith.constant 0 : index
    %get3A_2119 = arith.constant 0 : index
    %get3A_2120 = vector.load %arg7[%get3A_2118, %get3A_2119] : memref<128x1xf32, #tpu.memory_space<vmem>>, vector<128x1xf32>
    %get3A_2121 = arith.constant 0 : index
    %get3A_2122 = arith.constant 0 : index
    %get3A_2123 = arith.constant 0 : index
    %get3A_2124 = vector.load %arg8[%get3A_2121, %get3A_2122, %get3A_2123] : memref<3x128x128xbf16, #tpu.memory_space<vmem>>, vector<3x128x128xbf16>
    %get3A_2125 = arith.constant 0 : index
    %get3A_2126 = arith.constant 0 : index
    %get3A_2127 = vector.load %arg9[%get3A_2125, %get3A_2126] : memref<128x1xf32, #tpu.memory_space<vmem>>, vector<128x1xf32>
    %get3A_2128 = arith.constant 0 : index
    %get3A_2129 = arith.constant 0 : index
    %get3A_2130 = vector.load %arg10[%get3A_2128, %get3A_2129] : memref<128x1xf32, #tpu.memory_space<vmem>>, vector<128x1xf32>
    %broadcast_in_dim3A_2131 = arith.constant 0.000000e+00 : f32
    %broadcast_in_dim3A_2132 = vector.broadcast %broadcast_in_dim3A_2131 : f32 to vector<128x1xf32>
    %concatenate3A_2133 = tpu.concatenate %broadcast_in_dim3A_2132, %dot_general3A_2110, %broadcast_in_dim3A_2132 in 1 : vector<128x1xf32>, vector<128x256xf32>, vector<128x1xf32> -> vector<128x258xf32>
    %slice3A_2134 = vector.extract_strided_slice %get3A_2114 {offsets = [0, 0, 0], sizes = [1, 128, 128], strides = [1, 1, 1]} : vector<3x128x128xbf16> to vector<1x128x128xbf16>
    %squeeze3A_2135 = vector.shape_cast %slice3A_2134 : vector<1x128x128xbf16> to vector<128x128xbf16>
    %slice3A_2136 = vector.extract_strided_slice %concatenate3A_2133 {offsets = [0, 0], sizes = [128, 256], strides = [1, 1]} : vector<128x258xf32> to vector<128x256xf32>
    %convert_element_type3A_2137 = arith.truncf %slice3A_2136 : vector<128x256xf32> to vector<128x256xbf16>
    %dot_general3A_2138 = arith.constant dense<0.000000e+00> : vector<128x256xf32>
    %dot_general3A_2139 = tpu.matmul %squeeze3A_2135, %convert_element_type3A_2137, %dot_general3A_2138 {dimension_numbers = #tpu.dot_dimension_numbers<[1], [0], [0], [1], [0, 0, 1, 1], [], []>, transpose_lhs_hint = false} : vector<128x128xbf16>, vector<128x256xbf16>, vector<128x256xf32> -> vector<128x256xf32>
    %slice3A_2140 = vector.extract_strided_slice %get3A_2114 {offsets = [1, 0, 0], sizes = [1, 128, 128], strides = [1, 1, 1]} : vector<3x128x128xbf16> to vector<1x128x128xbf16>
    %squeeze3A_2141 = vector.shape_cast %slice3A_2140 : vector<1x128x128xbf16> to vector<128x128xbf16>
    %slice3A_2142 = vector.extract_strided_slice %concatenate3A_2133 {offsets = [0, 1], sizes = [128, 256], strides = [1, 1]} : vector<128x258xf32> to vector<128x256xf32>
    %convert_element_type3A_2143 = arith.truncf %slice3A_2142 : vector<128x256xf32> to vector<128x256xbf16>
    %dot_general3A_2144 = arith.constant dense<0.000000e+00> : vector<128x256xf32>
    %dot_general3A_2145 = tpu.matmul %squeeze3A_2141, %convert_element_type3A_2143, %dot_general3A_2144 {dimension_numbers = #tpu.dot_dimension_numbers<[1], [0], [0], [1], [0, 0, 1, 1], [], []>, transpose_lhs_hint = false} : vector<128x128xbf16>, vector<128x256xbf16>, vector<128x256xf32> -> vector<128x256xf32>
    %add3A_2146 = arith.addf %dot_general3A_2139, %dot_general3A_2145 : vector<128x256xf32>
    %slice3A_2147 = vector.extract_strided_slice %get3A_2114 {offsets = [2, 0, 0], sizes = [1, 128, 128], strides = [1, 1, 1]} : vector<3x128x128xbf16> to vector<1x128x128xbf16>
    %squeeze3A_2148 = vector.shape_cast %slice3A_2147 : vector<1x128x128xbf16> to vector<128x128xbf16>
    %slice3A_2149 = vector.extract_strided_slice %concatenate3A_2133 {offsets = [0, 2], sizes = [128, 256], strides = [1, 1]} : vector<128x258xf32> to vector<128x256xf32>
    %convert_element_type3A_2150 = arith.truncf %slice3A_2149 : vector<128x256xf32> to vector<128x256xbf16>
    %dot_general3A_2151 = arith.constant dense<0.000000e+00> : vector<128x256xf32>
    %dot_general3A_2152 = tpu.matmul %squeeze3A_2148, %convert_element_type3A_2150, %dot_general3A_2151 {dimension_numbers = #tpu.dot_dimension_numbers<[1], [0], [0], [1], [0, 0, 1, 1], [], []>, transpose_lhs_hint = false} : vector<128x128xbf16>, vector<128x256xbf16>, vector<128x256xf32> -> vector<128x256xf32>
    %add3A_2153 = arith.addf %add3A_2146, %dot_general3A_2152 : vector<128x256xf32>
    %reduce_sum3A_2154 = arith.constant dense<0.000000e+00> : vector<128xf32>
    %reduce_sum3A_2155 = vector.multi_reduction <add>, %add3A_2153, %reduce_sum3A_2154 [1] : vector<128x256xf32> to vector<128xf32>
    %broadcast_in_dim3A_2156 = vector.shape_cast %reduce_sum3A_2155 : vector<128xf32> to vector<128x1xf32>
    %mul3A_2157 = arith.mulf %add3A_2153, %add3A_2153 : vector<128x256xf32>
    %reduce_sum3A_2158 = arith.constant dense<0.000000e+00> : vector<128xf32>
    %reduce_sum3A_2159 = vector.multi_reduction <add>, %mul3A_2157, %reduce_sum3A_2158 [1] : vector<128x256xf32> to vector<128xf32>
    %broadcast_in_dim3A_2160 = vector.shape_cast %reduce_sum3A_2159 : vector<128xf32> to vector<128x1xf32>
    %concatenate3A_2161 = tpu.concatenate %broadcast_in_dim3A_2156, %broadcast_in_dim3A_2160 in 1 : vector<128x1xf32>, vector<128x1xf32> -> vector<128x2xf32>
    %div3A_2162 = arith.constant 2.560000e+02 : f32
    %div3A_2163 = vector.broadcast %div3A_2162 : f32 to vector<128x2xf32>
    %div3A_2164 = arith.divf %concatenate3A_2161, %div3A_2163 : vector<128x2xf32>
    %dot_general3A_2165 = arith.constant dense<0.000000e+00> : vector<128x2xf32>
    %dot_general3A_2166 = tpu.matmul %get3A_1, %div3A_2164, %dot_general3A_2165 {dimension_numbers = #tpu.dot_dimension_numbers<[1], [0], [0], [1], [0, 0, 1, 1], [], []>, precision = #tpu.contract_precision<fp32>, transpose_lhs_hint = false} : vector<128x128xf32>, vector<128x2xf32>, vector<128x2xf32> -> vector<128x2xf32>
    %slice3A_2167 = vector.extract_strided_slice %dot_general3A_2166 {offsets = [0, 0], sizes = [128, 1], strides = [1, 1]} : vector<128x2xf32> to vector<128x1xf32>
    %slice3A_2168 = vector.extract_strided_slice %dot_general3A_2166 {offsets = [0, 1], sizes = [128, 1], strides = [1, 1]} : vector<128x2xf32> to vector<128x1xf32>
    %mul3A_2169 = arith.mulf %slice3A_2167, %slice3A_2167 : vector<128x1xf32>
    %sub3A_2170 = arith.subf %slice3A_2168, %mul3A_2169 : vector<128x1xf32>
    %add3A_2171 = arith.constant 9.99999974E-6 : f32
    %add3A_2172 = vector.broadcast %add3A_2171 : f32 to vector<128x1xf32>
    %add3A_2173 = arith.addf %sub3A_2170, %add3A_2172 : vector<128x1xf32>
    %sqrt3A_2174 = math.sqrt %add3A_2173 : vector<128x1xf32>
    %div3A_2175 = arith.constant 1.000000e+00 : f32
    %div3A_2176 = vector.broadcast %div3A_2175 : f32 to vector<128x1xf32>
    %div3A_2177 = arith.divf %div3A_2176, %sqrt3A_2174 : vector<128x1xf32>
    %sub3A_2178 = vector.broadcast %slice3A_2167 : vector<128x1xf32> to vector<128x256xf32>
    %sub3A_2179 = arith.subf %add3A_2153, %sub3A_2178 : vector<128x256xf32>
    %mul3A_2180 = vector.broadcast %div3A_2177 : vector<128x1xf32> to vector<128x256xf32>
    %mul3A_2181 = arith.mulf %sub3A_2179, %mul3A_2180 : vector<128x256xf32>
    %mul3A_2182 = vector.broadcast %get3A_2117 : vector<128x1xf32> to vector<128x256xf32>
    %mul3A_2183 = arith.mulf %mul3A_2181, %mul3A_2182 : vector<128x256xf32>
    %add3A_2184 = vector.broadcast %get3A_2120 : vector<128x1xf32> to vector<128x256xf32>
    %add3A_2185 = arith.addf %mul3A_2183, %add3A_2184 : vector<128x256xf32>
    %max3A_2186 = arith.constant 0.000000e+00 : f32
    %max3A_2187 = vector.broadcast %max3A_2186 : f32 to vector<128x256xf32>
    %max3A_2188 = arith.maximumf %add3A_2185, %max3A_2187 : vector<128x256xf32>
    %broadcast_in_dim3A_2189 = arith.constant 0.000000e+00 : f32
    %broadcast_in_dim3A_2190 = vector.broadcast %broadcast_in_dim3A_2189 : f32 to vector<128x1xf32>
    %concatenate3A_2191 = tpu.concatenate %broadcast_in_dim3A_2190, %max3A_2188, %broadcast_in_dim3A_2190 in 1 : vector<128x1xf32>, vector<128x256xf32>, vector<128x1xf32> -> vector<128x258xf32>
    %slice3A_2192 = vector.extract_strided_slice %get3A_2124 {offsets = [0, 0, 0], sizes = [1, 128, 128], strides = [1, 1, 1]} : vector<3x128x128xbf16> to vector<1x128x128xbf16>
    %squeeze3A_2193 = vector.shape_cast %slice3A_2192 : vector<1x128x128xbf16> to vector<128x128xbf16>
    %slice3A_2194 = vector.extract_strided_slice %concatenate3A_2191 {offsets = [0, 0], sizes = [128, 256], strides = [1, 1]} : vector<128x258xf32> to vector<128x256xf32>
    %convert_element_type3A_2195 = arith.truncf %slice3A_2194 : vector<128x256xf32> to vector<128x256xbf16>
    %dot_general3A_2196 = arith.constant dense<0.000000e+00> : vector<128x256xf32>
    %dot_general3A_2197 = tpu.matmul %squeeze3A_2193, %convert_element_type3A_2195, %dot_general3A_2196 {dimension_numbers = #tpu.dot_dimension_numbers<[1], [0], [0], [1], [0, 0, 1, 1], [], []>, transpose_lhs_hint = false} : vector<128x128xbf16>, vector<128x256xbf16>, vector<128x256xf32> -> vector<128x256xf32>
    %slice3A_2198 = vector.extract_strided_slice %get3A_2124 {offsets = [1, 0, 0], sizes = [1, 128, 128], strides = [1, 1, 1]} : vector<3x128x128xbf16> to vector<1x128x128xbf16>
    %squeeze3A_2199 = vector.shape_cast %slice3A_2198 : vector<1x128x128xbf16> to vector<128x128xbf16>
    %slice3A_2200 = vector.extract_strided_slice %concatenate3A_2191 {offsets = [0, 1], sizes = [128, 256], strides = [1, 1]} : vector<128x258xf32> to vector<128x256xf32>
    %convert_element_type3A_2201 = arith.truncf %slice3A_2200 : vector<128x256xf32> to vector<128x256xbf16>
    %dot_general3A_2202 = arith.constant dense<0.000000e+00> : vector<128x256xf32>
    %dot_general3A_2203 = tpu.matmul %squeeze3A_2199, %convert_element_type3A_2201, %dot_general3A_2202 {dimension_numbers = #tpu.dot_dimension_numbers<[1], [0], [0], [1], [0, 0, 1, 1], [], []>, transpose_lhs_hint = false} : vector<128x128xbf16>, vector<128x256xbf16>, vector<128x256xf32> -> vector<128x256xf32>
    %add3A_2204 = arith.addf %dot_general3A_2197, %dot_general3A_2203 : vector<128x256xf32>
    %slice3A_2205 = vector.extract_strided_slice %get3A_2124 {offsets = [2, 0, 0], sizes = [1, 128, 128], strides = [1, 1, 1]} : vector<3x128x128xbf16> to vector<1x128x128xbf16>
    %squeeze3A_2206 = vector.shape_cast %slice3A_2205 : vector<1x128x128xbf16> to vector<128x128xbf16>
    %slice3A_2207 = vector.extract_strided_slice %concatenate3A_2191 {offsets = [0, 2], sizes = [128, 256], strides = [1, 1]} : vector<128x258xf32> to vector<128x256xf32>
    %convert_element_type3A_2208 = arith.truncf %slice3A_2207 : vector<128x256xf32> to vector<128x256xbf16>
    %dot_general3A_2209 = arith.constant dense<0.000000e+00> : vector<128x256xf32>
    %dot_general3A_2210 = tpu.matmul %squeeze3A_2206, %convert_element_type3A_2208, %dot_general3A_2209 {dimension_numbers = #tpu.dot_dimension_numbers<[1], [0], [0], [1], [0, 0, 1, 1], [], []>, transpose_lhs_hint = false} : vector<128x128xbf16>, vector<128x256xbf16>, vector<128x256xf32> -> vector<128x256xf32>
    %add3A_2211 = arith.addf %add3A_2204, %dot_general3A_2210 : vector<128x256xf32>
    %reduce_sum3A_2212 = arith.constant dense<0.000000e+00> : vector<128xf32>
    %reduce_sum3A_2213 = vector.multi_reduction <add>, %add3A_2211, %reduce_sum3A_2212 [1] : vector<128x256xf32> to vector<128xf32>
    %broadcast_in_dim3A_2214 = vector.shape_cast %reduce_sum3A_2213 : vector<128xf32> to vector<128x1xf32>
    %mul3A_2215 = arith.mulf %add3A_2211, %add3A_2211 : vector<128x256xf32>
    %reduce_sum3A_2216 = arith.constant dense<0.000000e+00> : vector<128xf32>
    %reduce_sum3A_2217 = vector.multi_reduction <add>, %mul3A_2215, %reduce_sum3A_2216 [1] : vector<128x256xf32> to vector<128xf32>
    %broadcast_in_dim3A_2218 = vector.shape_cast %reduce_sum3A_2217 : vector<128xf32> to vector<128x1xf32>
    %concatenate3A_2219 = tpu.concatenate %broadcast_in_dim3A_2214, %broadcast_in_dim3A_2218 in 1 : vector<128x1xf32>, vector<128x1xf32> -> vector<128x2xf32>
    %div3A_2220 = arith.constant 2.560000e+02 : f32
    %div3A_2221 = vector.broadcast %div3A_2220 : f32 to vector<128x2xf32>
    %div3A_2222 = arith.divf %concatenate3A_2219, %div3A_2221 : vector<128x2xf32>
    %dot_general3A_2223 = arith.constant dense<0.000000e+00> : vector<128x2xf32>
    %dot_general3A_2224 = tpu.matmul %get3A_1, %div3A_2222, %dot_general3A_2223 {dimension_numbers = #tpu.dot_dimension_numbers<[1], [0], [0], [1], [0, 0, 1, 1], [], []>, precision = #tpu.contract_precision<fp32>, transpose_lhs_hint = false} : vector<128x128xf32>, vector<128x2xf32>, vector<128x2xf32> -> vector<128x2xf32>
    %slice3A_2225 = vector.extract_strided_slice %dot_general3A_2224 {offsets = [0, 0], sizes = [128, 1], strides = [1, 1]} : vector<128x2xf32> to vector<128x1xf32>
    %slice3A_2226 = vector.extract_strided_slice %dot_general3A_2224 {offsets = [0, 1], sizes = [128, 1], strides = [1, 1]} : vector<128x2xf32> to vector<128x1xf32>
    %mul3A_2227 = arith.mulf %slice3A_2225, %slice3A_2225 : vector<128x1xf32>
    %sub3A_2228 = arith.subf %slice3A_2226, %mul3A_2227 : vector<128x1xf32>
    %add3A_2229 = arith.constant 9.99999974E-6 : f32
    %add3A_2230 = vector.broadcast %add3A_2229 : f32 to vector<128x1xf32>
    %add3A_2231 = arith.addf %sub3A_2228, %add3A_2230 : vector<128x1xf32>
    %sqrt3A_2232 = math.sqrt %add3A_2231 : vector<128x1xf32>
    %div3A_2233 = arith.constant 1.000000e+00 : f32
    %div3A_2234 = vector.broadcast %div3A_2233 : f32 to vector<128x1xf32>
    %div3A_2235 = arith.divf %div3A_2234, %sqrt3A_2232 : vector<128x1xf32>
    %sub3A_2236 = vector.broadcast %slice3A_2225 : vector<128x1xf32> to vector<128x256xf32>
    %sub3A_2237 = arith.subf %add3A_2211, %sub3A_2236 : vector<128x256xf32>
    %mul3A_2238 = vector.broadcast %div3A_2235 : vector<128x1xf32> to vector<128x256xf32>
    %mul3A_2239 = arith.mulf %sub3A_2237, %mul3A_2238 : vector<128x256xf32>
    %mul3A_2240 = vector.broadcast %get3A_2127 : vector<128x1xf32> to vector<128x256xf32>
    %mul3A_2241 = arith.mulf %mul3A_2239, %mul3A_2240 : vector<128x256xf32>
    %add3A_2242 = vector.broadcast %get3A_2130 : vector<128x1xf32> to vector<128x256xf32>
    %add3A_2243 = arith.addf %mul3A_2241, %add3A_2242 : vector<128x256xf32>
    %add3A_2244 = arith.addf %dot_general3A_2110, %add3A_2243 : vector<128x256xf32>
    %max3A_2245 = arith.constant 0.000000e+00 : f32
    %max3A_2246 = vector.broadcast %max3A_2245 : f32 to vector<128x256xf32>
    %max3A_2247 = arith.maximumf %add3A_2244, %max3A_2246 : vector<128x256xf32>
    %get3A_2248 = arith.constant 0 : index
    %get3A_2249 = arith.constant 0 : index
    %get3A_2250 = vector.load %arg15[%get3A_2248, %get3A_2249] : memref<256x512xf32, #tpu.memory_space<vmem>>, vector<256x512xf32>
    %dot_general3A_2251 = arith.constant dense<0.000000e+00> : vector<128x512xf32>
    %dot_general3A_2252 = tpu.matmul %max3A_2247, %get3A_2250, %dot_general3A_2251 {dimension_numbers = #tpu.dot_dimension_numbers<[1], [0], [0], [1], [0, 0, 1, 1], [], []>, precision = #tpu.contract_precision<fp32>, transpose_lhs_hint = false} : vector<128x256xf32>, vector<256x512xf32>, vector<128x512xf32> -> vector<128x512xf32>
    %get3A_2253 = arith.constant 0 : index
    %get3A_2254 = arith.constant 0 : index
    %get3A_2255 = arith.constant 0 : index
    %get3A_2256 = vector.load %arg5[%get3A_2253, %get3A_2254, %get3A_2255] : memref<3x128x128xbf16, #tpu.memory_space<vmem>>, vector<3x128x128xbf16>
    %get3A_2257 = arith.constant 0 : index
    %get3A_2258 = arith.constant 0 : index
    %get3A_2259 = vector.load %arg6[%get3A_2257, %get3A_2258] : memref<128x1xf32, #tpu.memory_space<vmem>>, vector<128x1xf32>
    %get3A_2260 = arith.constant 0 : index
    %get3A_2261 = arith.constant 0 : index
    %get3A_2262 = vector.load %arg7[%get3A_2260, %get3A_2261] : memref<128x1xf32, #tpu.memory_space<vmem>>, vector<128x1xf32>
    %get3A_2263 = arith.constant 0 : index
    %get3A_2264 = arith.constant 0 : index
    %get3A_2265 = arith.constant 0 : index
    %get3A_2266 = vector.load %arg8[%get3A_2263, %get3A_2264, %get3A_2265] : memref<3x128x128xbf16, #tpu.memory_space<vmem>>, vector<3x128x128xbf16>
    %get3A_2267 = arith.constant 0 : index
    %get3A_2268 = arith.constant 0 : index
    %get3A_2269 = vector.load %arg9[%get3A_2267, %get3A_2268] : memref<128x1xf32, #tpu.memory_space<vmem>>, vector<128x1xf32>
    %get3A_2270 = arith.constant 0 : index
    %get3A_2271 = arith.constant 0 : index
    %get3A_2272 = vector.load %arg10[%get3A_2270, %get3A_2271] : memref<128x1xf32, #tpu.memory_space<vmem>>, vector<128x1xf32>
    %broadcast_in_dim3A_2273 = arith.constant 0.000000e+00 : f32
    %broadcast_in_dim3A_2274 = vector.broadcast %broadcast_in_dim3A_2273 : f32 to vector<128x1xf32>
    %concatenate3A_2275 = tpu.concatenate %broadcast_in_dim3A_2274, %dot_general3A_2252, %broadcast_in_dim3A_2274 in 1 : vector<128x1xf32>, vector<128x512xf32>, vector<128x1xf32> -> vector<128x514xf32>
    %slice3A_2276 = vector.extract_strided_slice %get3A_2256 {offsets = [0, 0, 0], sizes = [1, 128, 128], strides = [1, 1, 1]} : vector<3x128x128xbf16> to vector<1x128x128xbf16>
    %squeeze3A_2277 = vector.shape_cast %slice3A_2276 : vector<1x128x128xbf16> to vector<128x128xbf16>
    %slice3A_2278 = vector.extract_strided_slice %concatenate3A_2275 {offsets = [0, 0], sizes = [128, 512], strides = [1, 1]} : vector<128x514xf32> to vector<128x512xf32>
    %convert_element_type3A_2279 = arith.truncf %slice3A_2278 : vector<128x512xf32> to vector<128x512xbf16>
    %dot_general3A_2280 = arith.constant dense<0.000000e+00> : vector<128x512xf32>
    %dot_general3A_2281 = tpu.matmul %squeeze3A_2277, %convert_element_type3A_2279, %dot_general3A_2280 {dimension_numbers = #tpu.dot_dimension_numbers<[1], [0], [0], [1], [0, 0, 1, 1], [], []>, transpose_lhs_hint = false} : vector<128x128xbf16>, vector<128x512xbf16>, vector<128x512xf32> -> vector<128x512xf32>
    %slice3A_2282 = vector.extract_strided_slice %get3A_2256 {offsets = [1, 0, 0], sizes = [1, 128, 128], strides = [1, 1, 1]} : vector<3x128x128xbf16> to vector<1x128x128xbf16>
    %squeeze3A_2283 = vector.shape_cast %slice3A_2282 : vector<1x128x128xbf16> to vector<128x128xbf16>
    %slice3A_2284 = vector.extract_strided_slice %concatenate3A_2275 {offsets = [0, 1], sizes = [128, 512], strides = [1, 1]} : vector<128x514xf32> to vector<128x512xf32>
    %convert_element_type3A_2285 = arith.truncf %slice3A_2284 : vector<128x512xf32> to vector<128x512xbf16>
    %dot_general3A_2286 = arith.constant dense<0.000000e+00> : vector<128x512xf32>
    %dot_general3A_2287 = tpu.matmul %squeeze3A_2283, %convert_element_type3A_2285, %dot_general3A_2286 {dimension_numbers = #tpu.dot_dimension_numbers<[1], [0], [0], [1], [0, 0, 1, 1], [], []>, transpose_lhs_hint = false} : vector<128x128xbf16>, vector<128x512xbf16>, vector<128x512xf32> -> vector<128x512xf32>
    %add3A_2288 = arith.addf %dot_general3A_2281, %dot_general3A_2287 : vector<128x512xf32>
    %slice3A_2289 = vector.extract_strided_slice %get3A_2256 {offsets = [2, 0, 0], sizes = [1, 128, 128], strides = [1, 1, 1]} : vector<3x128x128xbf16> to vector<1x128x128xbf16>
    %squeeze3A_2290 = vector.shape_cast %slice3A_2289 : vector<1x128x128xbf16> to vector<128x128xbf16>
    %slice3A_2291 = vector.extract_strided_slice %concatenate3A_2275 {offsets = [0, 2], sizes = [128, 512], strides = [1, 1]} : vector<128x514xf32> to vector<128x512xf32>
    %convert_element_type3A_2292 = arith.truncf %slice3A_2291 : vector<128x512xf32> to vector<128x512xbf16>
    %dot_general3A_2293 = arith.constant dense<0.000000e+00> : vector<128x512xf32>
    %dot_general3A_2294 = tpu.matmul %squeeze3A_2290, %convert_element_type3A_2292, %dot_general3A_2293 {dimension_numbers = #tpu.dot_dimension_numbers<[1], [0], [0], [1], [0, 0, 1, 1], [], []>, transpose_lhs_hint = false} : vector<128x128xbf16>, vector<128x512xbf16>, vector<128x512xf32> -> vector<128x512xf32>
    %add3A_2295 = arith.addf %add3A_2288, %dot_general3A_2294 : vector<128x512xf32>
    %reduce_sum3A_2296 = arith.constant dense<0.000000e+00> : vector<128xf32>
    %reduce_sum3A_2297 = vector.multi_reduction <add>, %add3A_2295, %reduce_sum3A_2296 [1] : vector<128x512xf32> to vector<128xf32>
    %broadcast_in_dim3A_2298 = vector.shape_cast %reduce_sum3A_2297 : vector<128xf32> to vector<128x1xf32>
    %mul3A_2299 = arith.mulf %add3A_2295, %add3A_2295 : vector<128x512xf32>
    %reduce_sum3A_2300 = arith.constant dense<0.000000e+00> : vector<128xf32>
    %reduce_sum3A_2301 = vector.multi_reduction <add>, %mul3A_2299, %reduce_sum3A_2300 [1] : vector<128x512xf32> to vector<128xf32>
    %broadcast_in_dim3A_2302 = vector.shape_cast %reduce_sum3A_2301 : vector<128xf32> to vector<128x1xf32>
    %concatenate3A_2303 = tpu.concatenate %broadcast_in_dim3A_2298, %broadcast_in_dim3A_2302 in 1 : vector<128x1xf32>, vector<128x1xf32> -> vector<128x2xf32>
    %div3A_2304 = arith.constant 5.120000e+02 : f32
    %div3A_2305 = vector.broadcast %div3A_2304 : f32 to vector<128x2xf32>
    %div3A_2306 = arith.divf %concatenate3A_2303, %div3A_2305 : vector<128x2xf32>
    %dot_general3A_2307 = arith.constant dense<0.000000e+00> : vector<128x2xf32>
    %dot_general3A_2308 = tpu.matmul %get3A_1, %div3A_2306, %dot_general3A_2307 {dimension_numbers = #tpu.dot_dimension_numbers<[1], [0], [0], [1], [0, 0, 1, 1], [], []>, precision = #tpu.contract_precision<fp32>, transpose_lhs_hint = false} : vector<128x128xf32>, vector<128x2xf32>, vector<128x2xf32> -> vector<128x2xf32>
    %slice3A_2309 = vector.extract_strided_slice %dot_general3A_2308 {offsets = [0, 0], sizes = [128, 1], strides = [1, 1]} : vector<128x2xf32> to vector<128x1xf32>
    %slice3A_2310 = vector.extract_strided_slice %dot_general3A_2308 {offsets = [0, 1], sizes = [128, 1], strides = [1, 1]} : vector<128x2xf32> to vector<128x1xf32>
    %mul3A_2311 = arith.mulf %slice3A_2309, %slice3A_2309 : vector<128x1xf32>
    %sub3A_2312 = arith.subf %slice3A_2310, %mul3A_2311 : vector<128x1xf32>
    %add3A_2313 = arith.constant 9.99999974E-6 : f32
    %add3A_2314 = vector.broadcast %add3A_2313 : f32 to vector<128x1xf32>
    %add3A_2315 = arith.addf %sub3A_2312, %add3A_2314 : vector<128x1xf32>
    %sqrt3A_2316 = math.sqrt %add3A_2315 : vector<128x1xf32>
    %div3A_2317 = arith.constant 1.000000e+00 : f32
    %div3A_2318 = vector.broadcast %div3A_2317 : f32 to vector<128x1xf32>
    %div3A_2319 = arith.divf %div3A_2318, %sqrt3A_2316 : vector<128x1xf32>
    %sub3A_2320 = vector.broadcast %slice3A_2309 : vector<128x1xf32> to vector<128x512xf32>
    %sub3A_2321 = arith.subf %add3A_2295, %sub3A_2320 : vector<128x512xf32>
    %mul3A_2322 = vector.broadcast %div3A_2319 : vector<128x1xf32> to vector<128x512xf32>
    %mul3A_2323 = arith.mulf %sub3A_2321, %mul3A_2322 : vector<128x512xf32>
    %mul3A_2324 = vector.broadcast %get3A_2259 : vector<128x1xf32> to vector<128x512xf32>
    %mul3A_2325 = arith.mulf %mul3A_2323, %mul3A_2324 : vector<128x512xf32>
    %add3A_2326 = vector.broadcast %get3A_2262 : vector<128x1xf32> to vector<128x512xf32>
    %add3A_2327 = arith.addf %mul3A_2325, %add3A_2326 : vector<128x512xf32>
    %max3A_2328 = arith.constant 0.000000e+00 : f32
    %max3A_2329 = vector.broadcast %max3A_2328 : f32 to vector<128x512xf32>
    %max3A_2330 = arith.maximumf %add3A_2327, %max3A_2329 : vector<128x512xf32>
    %broadcast_in_dim3A_2331 = arith.constant 0.000000e+00 : f32
    %broadcast_in_dim3A_2332 = vector.broadcast %broadcast_in_dim3A_2331 : f32 to vector<128x1xf32>
    %concatenate3A_2333 = tpu.concatenate %broadcast_in_dim3A_2332, %max3A_2330, %broadcast_in_dim3A_2332 in 1 : vector<128x1xf32>, vector<128x512xf32>, vector<128x1xf32> -> vector<128x514xf32>
    %slice3A_2334 = vector.extract_strided_slice %get3A_2266 {offsets = [0, 0, 0], sizes = [1, 128, 128], strides = [1, 1, 1]} : vector<3x128x128xbf16> to vector<1x128x128xbf16>
    %squeeze3A_2335 = vector.shape_cast %slice3A_2334 : vector<1x128x128xbf16> to vector<128x128xbf16>
    %slice3A_2336 = vector.extract_strided_slice %concatenate3A_2333 {offsets = [0, 0], sizes = [128, 512], strides = [1, 1]} : vector<128x514xf32> to vector<128x512xf32>
    %convert_element_type3A_2337 = arith.truncf %slice3A_2336 : vector<128x512xf32> to vector<128x512xbf16>
    %dot_general3A_2338 = arith.constant dense<0.000000e+00> : vector<128x512xf32>
    %dot_general3A_2339 = tpu.matmul %squeeze3A_2335, %convert_element_type3A_2337, %dot_general3A_2338 {dimension_numbers = #tpu.dot_dimension_numbers<[1], [0], [0], [1], [0, 0, 1, 1], [], []>, transpose_lhs_hint = false} : vector<128x128xbf16>, vector<128x512xbf16>, vector<128x512xf32> -> vector<128x512xf32>
    %slice3A_2340 = vector.extract_strided_slice %get3A_2266 {offsets = [1, 0, 0], sizes = [1, 128, 128], strides = [1, 1, 1]} : vector<3x128x128xbf16> to vector<1x128x128xbf16>
    %squeeze3A_2341 = vector.shape_cast %slice3A_2340 : vector<1x128x128xbf16> to vector<128x128xbf16>
    %slice3A_2342 = vector.extract_strided_slice %concatenate3A_2333 {offsets = [0, 1], sizes = [128, 512], strides = [1, 1]} : vector<128x514xf32> to vector<128x512xf32>
    %convert_element_type3A_2343 = arith.truncf %slice3A_2342 : vector<128x512xf32> to vector<128x512xbf16>
    %dot_general3A_2344 = arith.constant dense<0.000000e+00> : vector<128x512xf32>
    %dot_general3A_2345 = tpu.matmul %squeeze3A_2341, %convert_element_type3A_2343, %dot_general3A_2344 {dimension_numbers = #tpu.dot_dimension_numbers<[1], [0], [0], [1], [0, 0, 1, 1], [], []>, transpose_lhs_hint = false} : vector<128x128xbf16>, vector<128x512xbf16>, vector<128x512xf32> -> vector<128x512xf32>
    %add3A_2346 = arith.addf %dot_general3A_2339, %dot_general3A_2345 : vector<128x512xf32>
    %slice3A_2347 = vector.extract_strided_slice %get3A_2266 {offsets = [2, 0, 0], sizes = [1, 128, 128], strides = [1, 1, 1]} : vector<3x128x128xbf16> to vector<1x128x128xbf16>
    %squeeze3A_2348 = vector.shape_cast %slice3A_2347 : vector<1x128x128xbf16> to vector<128x128xbf16>
    %slice3A_2349 = vector.extract_strided_slice %concatenate3A_2333 {offsets = [0, 2], sizes = [128, 512], strides = [1, 1]} : vector<128x514xf32> to vector<128x512xf32>
    %convert_element_type3A_2350 = arith.truncf %slice3A_2349 : vector<128x512xf32> to vector<128x512xbf16>
    %dot_general3A_2351 = arith.constant dense<0.000000e+00> : vector<128x512xf32>
    %dot_general3A_2352 = tpu.matmul %squeeze3A_2348, %convert_element_type3A_2350, %dot_general3A_2351 {dimension_numbers = #tpu.dot_dimension_numbers<[1], [0], [0], [1], [0, 0, 1, 1], [], []>, transpose_lhs_hint = false} : vector<128x128xbf16>, vector<128x512xbf16>, vector<128x512xf32> -> vector<128x512xf32>
    %add3A_2353 = arith.addf %add3A_2346, %dot_general3A_2352 : vector<128x512xf32>
    %reduce_sum3A_2354 = arith.constant dense<0.000000e+00> : vector<128xf32>
    %reduce_sum3A_2355 = vector.multi_reduction <add>, %add3A_2353, %reduce_sum3A_2354 [1] : vector<128x512xf32> to vector<128xf32>
    %broadcast_in_dim3A_2356 = vector.shape_cast %reduce_sum3A_2355 : vector<128xf32> to vector<128x1xf32>
    %mul3A_2357 = arith.mulf %add3A_2353, %add3A_2353 : vector<128x512xf32>
    %reduce_sum3A_2358 = arith.constant dense<0.000000e+00> : vector<128xf32>
    %reduce_sum3A_2359 = vector.multi_reduction <add>, %mul3A_2357, %reduce_sum3A_2358 [1] : vector<128x512xf32> to vector<128xf32>
    %broadcast_in_dim3A_2360 = vector.shape_cast %reduce_sum3A_2359 : vector<128xf32> to vector<128x1xf32>
    %concatenate3A_2361 = tpu.concatenate %broadcast_in_dim3A_2356, %broadcast_in_dim3A_2360 in 1 : vector<128x1xf32>, vector<128x1xf32> -> vector<128x2xf32>
    %div3A_2362 = arith.constant 5.120000e+02 : f32
    %div3A_2363 = vector.broadcast %div3A_2362 : f32 to vector<128x2xf32>
    %div3A_2364 = arith.divf %concatenate3A_2361, %div3A_2363 : vector<128x2xf32>
    %dot_general3A_2365 = arith.constant dense<0.000000e+00> : vector<128x2xf32>
    %dot_general3A_2366 = tpu.matmul %get3A_1, %div3A_2364, %dot_general3A_2365 {dimension_numbers = #tpu.dot_dimension_numbers<[1], [0], [0], [1], [0, 0, 1, 1], [], []>, precision = #tpu.contract_precision<fp32>, transpose_lhs_hint = false} : vector<128x128xf32>, vector<128x2xf32>, vector<128x2xf32> -> vector<128x2xf32>
    %slice3A_2367 = vector.extract_strided_slice %dot_general3A_2366 {offsets = [0, 0], sizes = [128, 1], strides = [1, 1]} : vector<128x2xf32> to vector<128x1xf32>
    %slice3A_2368 = vector.extract_strided_slice %dot_general3A_2366 {offsets = [0, 1], sizes = [128, 1], strides = [1, 1]} : vector<128x2xf32> to vector<128x1xf32>
    %mul3A_2369 = arith.mulf %slice3A_2367, %slice3A_2367 : vector<128x1xf32>
    %sub3A_2370 = arith.subf %slice3A_2368, %mul3A_2369 : vector<128x1xf32>
    %add3A_2371 = arith.constant 9.99999974E-6 : f32
    %add3A_2372 = vector.broadcast %add3A_2371 : f32 to vector<128x1xf32>
    %add3A_2373 = arith.addf %sub3A_2370, %add3A_2372 : vector<128x1xf32>
    %sqrt3A_2374 = math.sqrt %add3A_2373 : vector<128x1xf32>
    %div3A_2375 = arith.constant 1.000000e+00 : f32
    %div3A_2376 = vector.broadcast %div3A_2375 : f32 to vector<128x1xf32>
    %div3A_2377 = arith.divf %div3A_2376, %sqrt3A_2374 : vector<128x1xf32>
    %sub3A_2378 = vector.broadcast %slice3A_2367 : vector<128x1xf32> to vector<128x512xf32>
    %sub3A_2379 = arith.subf %add3A_2353, %sub3A_2378 : vector<128x512xf32>
    %mul3A_2380 = vector.broadcast %div3A_2377 : vector<128x1xf32> to vector<128x512xf32>
    %mul3A_2381 = arith.mulf %sub3A_2379, %mul3A_2380 : vector<128x512xf32>
    %mul3A_2382 = vector.broadcast %get3A_2269 : vector<128x1xf32> to vector<128x512xf32>
    %mul3A_2383 = arith.mulf %mul3A_2381, %mul3A_2382 : vector<128x512xf32>
    %add3A_2384 = vector.broadcast %get3A_2272 : vector<128x1xf32> to vector<128x512xf32>
    %add3A_2385 = arith.addf %mul3A_2383, %add3A_2384 : vector<128x512xf32>
    %add3A_2386 = arith.addf %dot_general3A_2252, %add3A_2385 : vector<128x512xf32>
    %max3A_2387 = arith.constant 0.000000e+00 : f32
    %max3A_2388 = vector.broadcast %max3A_2387 : f32 to vector<128x512xf32>
    %max3A_2389 = arith.maximumf %add3A_2386, %max3A_2388 : vector<128x512xf32>
    %get3A_2390 = arith.constant 0 : index
    %get3A_2391 = arith.constant 0 : index
    %get3A_2392 = arith.constant 0 : index
    %get3A_2393 = vector.load %arg11[%get3A_2390, %get3A_2391, %get3A_2392] : memref<5x80x128xbf16, #tpu.memory_space<vmem>>, vector<5x80x128xbf16>
    %broadcast_in_dim3A_2394 = arith.constant 0.000000e+00 : f32
    %broadcast_in_dim3A_2395 = vector.broadcast %broadcast_in_dim3A_2394 : f32 to vector<128x2xf32>
    %concatenate3A_2396 = tpu.concatenate %broadcast_in_dim3A_2395, %max3A_2389, %broadcast_in_dim3A_2395 in 1 : vector<128x2xf32>, vector<128x512xf32>, vector<128x2xf32> -> vector<128x516xf32>
    %slice3A_2397 = vector.extract_strided_slice %get3A_2393 {offsets = [0, 0, 0], sizes = [1, 80, 128], strides = [1, 1, 1]} : vector<5x80x128xbf16> to vector<1x80x128xbf16>
    %squeeze3A_2398 = vector.shape_cast %slice3A_2397 : vector<1x80x128xbf16> to vector<80x128xbf16>
    %slice3A_2399 = vector.extract_strided_slice %concatenate3A_2396 {offsets = [0, 0], sizes = [128, 512], strides = [1, 1]} : vector<128x516xf32> to vector<128x512xf32>
    %convert_element_type3A_2400 = arith.truncf %slice3A_2399 : vector<128x512xf32> to vector<128x512xbf16>
    %dot_general3A_2401 = arith.constant dense<0.000000e+00> : vector<80x512xf32>
    %dot_general3A_2402 = tpu.matmul %squeeze3A_2398, %convert_element_type3A_2400, %dot_general3A_2401 {dimension_numbers = #tpu.dot_dimension_numbers<[1], [0], [0], [1], [0, 0, 1, 1], [], []>, transpose_lhs_hint = false} : vector<80x128xbf16>, vector<128x512xbf16>, vector<80x512xf32> -> vector<80x512xf32>
    %slice3A_2403 = vector.extract_strided_slice %get3A_2393 {offsets = [1, 0, 0], sizes = [1, 80, 128], strides = [1, 1, 1]} : vector<5x80x128xbf16> to vector<1x80x128xbf16>
    %squeeze3A_2404 = vector.shape_cast %slice3A_2403 : vector<1x80x128xbf16> to vector<80x128xbf16>
    %slice3A_2405 = vector.extract_strided_slice %concatenate3A_2396 {offsets = [0, 1], sizes = [128, 512], strides = [1, 1]} : vector<128x516xf32> to vector<128x512xf32>
    %convert_element_type3A_2406 = arith.truncf %slice3A_2405 : vector<128x512xf32> to vector<128x512xbf16>
    %dot_general3A_2407 = arith.constant dense<0.000000e+00> : vector<80x512xf32>
    %dot_general3A_2408 = tpu.matmul %squeeze3A_2404, %convert_element_type3A_2406, %dot_general3A_2407 {dimension_numbers = #tpu.dot_dimension_numbers<[1], [0], [0], [1], [0, 0, 1, 1], [], []>, transpose_lhs_hint = false} : vector<80x128xbf16>, vector<128x512xbf16>, vector<80x512xf32> -> vector<80x512xf32>
    %add3A_2409 = arith.addf %dot_general3A_2402, %dot_general3A_2408 : vector<80x512xf32>
    %slice3A_2410 = vector.extract_strided_slice %get3A_2393 {offsets = [2, 0, 0], sizes = [1, 80, 128], strides = [1, 1, 1]} : vector<5x80x128xbf16> to vector<1x80x128xbf16>
    %squeeze3A_2411 = vector.shape_cast %slice3A_2410 : vector<1x80x128xbf16> to vector<80x128xbf16>
    %slice3A_2412 = vector.extract_strided_slice %concatenate3A_2396 {offsets = [0, 2], sizes = [128, 512], strides = [1, 1]} : vector<128x516xf32> to vector<128x512xf32>
    %convert_element_type3A_2413 = arith.truncf %slice3A_2412 : vector<128x512xf32> to vector<128x512xbf16>
    %dot_general3A_2414 = arith.constant dense<0.000000e+00> : vector<80x512xf32>
    %dot_general3A_2415 = tpu.matmul %squeeze3A_2411, %convert_element_type3A_2413, %dot_general3A_2414 {dimension_numbers = #tpu.dot_dimension_numbers<[1], [0], [0], [1], [0, 0, 1, 1], [], []>, transpose_lhs_hint = false} : vector<80x128xbf16>, vector<128x512xbf16>, vector<80x512xf32> -> vector<80x512xf32>
    %add3A_2416 = arith.addf %add3A_2409, %dot_general3A_2415 : vector<80x512xf32>
    %slice3A_2417 = vector.extract_strided_slice %get3A_2393 {offsets = [3, 0, 0], sizes = [1, 80, 128], strides = [1, 1, 1]} : vector<5x80x128xbf16> to vector<1x80x128xbf16>
    %squeeze3A_2418 = vector.shape_cast %slice3A_2417 : vector<1x80x128xbf16> to vector<80x128xbf16>
    %slice3A_2419 = vector.extract_strided_slice %concatenate3A_2396 {offsets = [0, 3], sizes = [128, 512], strides = [1, 1]} : vector<128x516xf32> to vector<128x512xf32>
    %convert_element_type3A_2420 = arith.truncf %slice3A_2419 : vector<128x512xf32> to vector<128x512xbf16>
    %dot_general3A_2421 = arith.constant dense<0.000000e+00> : vector<80x512xf32>
    %dot_general3A_2422 = tpu.matmul %squeeze3A_2418, %convert_element_type3A_2420, %dot_general3A_2421 {dimension_numbers = #tpu.dot_dimension_numbers<[1], [0], [0], [1], [0, 0, 1, 1], [], []>, transpose_lhs_hint = false} : vector<80x128xbf16>, vector<128x512xbf16>, vector<80x512xf32> -> vector<80x512xf32>
    %add3A_2423 = arith.addf %add3A_2416, %dot_general3A_2422 : vector<80x512xf32>
    %slice3A_2424 = vector.extract_strided_slice %get3A_2393 {offsets = [4, 0, 0], sizes = [1, 80, 128], strides = [1, 1, 1]} : vector<5x80x128xbf16> to vector<1x80x128xbf16>
    %squeeze3A_2425 = vector.shape_cast %slice3A_2424 : vector<1x80x128xbf16> to vector<80x128xbf16>
    %slice3A_2426 = vector.extract_strided_slice %concatenate3A_2396 {offsets = [0, 4], sizes = [128, 512], strides = [1, 1]} : vector<128x516xf32> to vector<128x512xf32>
    %convert_element_type3A_2427 = arith.truncf %slice3A_2426 : vector<128x512xf32> to vector<128x512xbf16>
    %dot_general3A_2428 = arith.constant dense<0.000000e+00> : vector<80x512xf32>
    %dot_general3A_2429 = tpu.matmul %squeeze3A_2425, %convert_element_type3A_2427, %dot_general3A_2428 {dimension_numbers = #tpu.dot_dimension_numbers<[1], [0], [0], [1], [0, 0, 1, 1], [], []>, transpose_lhs_hint = false} : vector<80x128xbf16>, vector<128x512xbf16>, vector<80x512xf32> -> vector<80x512xf32>
    %add3A_2430 = arith.addf %add3A_2423, %dot_general3A_2429 : vector<80x512xf32>
    %get3A_2431 = arith.constant 0 : index
    %get3A_2432 = arith.constant 0 : index
    %get3A_2433 = vector.load %arg12[%get3A_2431, %get3A_2432] : memref<80x1xf32, #tpu.memory_space<vmem>>, vector<80x1xf32>
    %add3A_2434 = vector.broadcast %get3A_2433 : vector<80x1xf32> to vector<80x512xf32>
    %add3A_2435 = arith.addf %add3A_2430, %add3A_2434 : vector<80x512xf32>
    %swap3A_2436 = arith.constant 5 : index
    %swap3A_2437 = arith.constant 0 : index
    %swap3A_2438 = arith.constant 0 : index
    %swap3A_2439 = vector.load %arg16[%swap3A_2436, %swap3A_2437, %swap3A_2438] : memref<8x80x512xf32, #tpu.memory_space<vmem>>, vector<1x80x512xf32>
    %swap3A_2440 = vector.shape_cast %swap3A_2439 : vector<1x80x512xf32> to vector<80x512xf32>
    %swap3A_2441 = vector.shape_cast %add3A_2435 : vector<80x512xf32> to vector<1x80x512xf32>
    tpu.vector_store %arg16[%swap3A_2436, %swap3A_2437, %swap3A_2438], %swap3A_2441 {strides = array<i32>} : memref<8x80x512xf32, #tpu.memory_space<vmem>>, vector<1x80x512xf32>,
    %get3A_2442 = arith.constant 6 : index
    %get3A_2443 = arith.constant 0 : index
    %get3A_2444 = arith.constant 0 : index
    %get3A_2445 = vector.load %arg1[%get3A_2442, %get3A_2443, %get3A_2444] : memref<8x64x128xf32, #tpu.memory_space<vmem>>, vector<1x64x128xf32>
    %get3A_2446 = vector.shape_cast %get3A_2445 : vector<1x64x128xf32> to vector<64x128xf32>
    %get3A_2447 = arith.constant 0 : index
    %get3A_2448 = arith.constant 0 : index
    %get3A_2449 = arith.constant 0 : index
    %get3A_2450 = vector.load %arg2[%get3A_2447, %get3A_2448, %get3A_2449] : memref<3x128x64xbf16, #tpu.memory_space<vmem>>, vector<3x128x64xbf16>
    %broadcast_in_dim3A_2451 = arith.constant 0.000000e+00 : f32
    %broadcast_in_dim3A_2452 = vector.broadcast %broadcast_in_dim3A_2451 : f32 to vector<64x1xf32>
    %concatenate3A_2453 = tpu.concatenate %broadcast_in_dim3A_2452, %get3A_2446, %broadcast_in_dim3A_2452 in 1 : vector<64x1xf32>, vector<64x128xf32>, vector<64x1xf32> -> vector<64x130xf32>
    %slice3A_2454 = vector.extract_strided_slice %get3A_2450 {offsets = [0, 0, 0], sizes = [1, 128, 64], strides = [1, 1, 1]} : vector<3x128x64xbf16> to vector<1x128x64xbf16>
    %squeeze3A_2455 = vector.shape_cast %slice3A_2454 : vector<1x128x64xbf16> to vector<128x64xbf16>
    %slice3A_2456 = vector.extract_strided_slice %concatenate3A_2453 {offsets = [0, 0], sizes = [64, 128], strides = [1, 1]} : vector<64x130xf32> to vector<64x128xf32>
    %convert_element_type3A_2457 = arith.truncf %slice3A_2456 : vector<64x128xf32> to vector<64x128xbf16>
    %dot_general3A_2458 = arith.constant dense<0.000000e+00> : vector<128x128xf32>
    %dot_general3A_2459 = tpu.matmul %squeeze3A_2455, %convert_element_type3A_2457, %dot_general3A_2458 {dimension_numbers = #tpu.dot_dimension_numbers<[1], [0], [0], [1], [0, 0, 1, 1], [], []>, transpose_lhs_hint = false} : vector<128x64xbf16>, vector<64x128xbf16>, vector<128x128xf32> -> vector<128x128xf32>
    %slice3A_2460 = vector.extract_strided_slice %get3A_2450 {offsets = [1, 0, 0], sizes = [1, 128, 64], strides = [1, 1, 1]} : vector<3x128x64xbf16> to vector<1x128x64xbf16>
    %squeeze3A_2461 = vector.shape_cast %slice3A_2460 : vector<1x128x64xbf16> to vector<128x64xbf16>
    %slice3A_2462 = vector.extract_strided_slice %concatenate3A_2453 {offsets = [0, 1], sizes = [64, 128], strides = [1, 1]} : vector<64x130xf32> to vector<64x128xf32>
    %convert_element_type3A_2463 = arith.truncf %slice3A_2462 : vector<64x128xf32> to vector<64x128xbf16>
    %dot_general3A_2464 = arith.constant dense<0.000000e+00> : vector<128x128xf32>
    %dot_general3A_2465 = tpu.matmul %squeeze3A_2461, %convert_element_type3A_2463, %dot_general3A_2464 {dimension_numbers = #tpu.dot_dimension_numbers<[1], [0], [0], [1], [0, 0, 1, 1], [], []>, transpose_lhs_hint = false} : vector<128x64xbf16>, vector<64x128xbf16>, vector<128x128xf32> -> vector<128x128xf32>
    %add3A_2466 = arith.addf %dot_general3A_2459, %dot_general3A_2465 : vector<128x128xf32>
    %slice3A_2467 = vector.extract_strided_slice %get3A_2450 {offsets = [2, 0, 0], sizes = [1, 128, 64], strides = [1, 1, 1]} : vector<3x128x64xbf16> to vector<1x128x64xbf16>
    %squeeze3A_2468 = vector.shape_cast %slice3A_2467 : vector<1x128x64xbf16> to vector<128x64xbf16>
    %slice3A_2469 = vector.extract_strided_slice %concatenate3A_2453 {offsets = [0, 2], sizes = [64, 128], strides = [1, 1]} : vector<64x130xf32> to vector<64x128xf32>
    %convert_element_type3A_2470 = arith.truncf %slice3A_2469 : vector<64x128xf32> to vector<64x128xbf16>
    %dot_general3A_2471 = arith.constant dense<0.000000e+00> : vector<128x128xf32>
    %dot_general3A_2472 = tpu.matmul %squeeze3A_2468, %convert_element_type3A_2470, %dot_general3A_2471 {dimension_numbers = #tpu.dot_dimension_numbers<[1], [0], [0], [1], [0, 0, 1, 1], [], []>, transpose_lhs_hint = false} : vector<128x64xbf16>, vector<64x128xbf16>, vector<128x128xf32> -> vector<128x128xf32>
    %add3A_2473 = arith.addf %add3A_2466, %dot_general3A_2472 : vector<128x128xf32>
    %get3A_2474 = arith.constant 0 : index
    %get3A_2475 = arith.constant 0 : index
    %get3A_2476 = vector.load %arg3[%get3A_2474, %get3A_2475] : memref<128x1xf32, #tpu.memory_space<vmem>>, vector<128x1xf32>
    %get3A_2477 = arith.constant 0 : index
    %get3A_2478 = arith.constant 0 : index
    %get3A_2479 = vector.load %arg4[%get3A_2477, %get3A_2478] : memref<128x1xf32, #tpu.memory_space<vmem>>, vector<128x1xf32>
    %reduce_sum3A_2480 = arith.constant dense<0.000000e+00> : vector<128xf32>
    %reduce_sum3A_2481 = vector.multi_reduction <add>, %add3A_2473, %reduce_sum3A_2480 [1] : vector<128x128xf32> to vector<128xf32>
    %broadcast_in_dim3A_2482 = vector.shape_cast %reduce_sum3A_2481 : vector<128xf32> to vector<128x1xf32>
    %mul3A_2483 = arith.mulf %add3A_2473, %add3A_2473 : vector<128x128xf32>
    %reduce_sum3A_2484 = arith.constant dense<0.000000e+00> : vector<128xf32>
    %reduce_sum3A_2485 = vector.multi_reduction <add>, %mul3A_2483, %reduce_sum3A_2484 [1] : vector<128x128xf32> to vector<128xf32>
    %broadcast_in_dim3A_2486 = vector.shape_cast %reduce_sum3A_2485 : vector<128xf32> to vector<128x1xf32>
    %concatenate3A_2487 = tpu.concatenate %broadcast_in_dim3A_2482, %broadcast_in_dim3A_2486 in 1 : vector<128x1xf32>, vector<128x1xf32> -> vector<128x2xf32>
    %div3A_2488 = arith.constant 1.280000e+02 : f32
    %div3A_2489 = vector.broadcast %div3A_2488 : f32 to vector<128x2xf32>
    %div3A_2490 = arith.divf %concatenate3A_2487, %div3A_2489 : vector<128x2xf32>
    %dot_general3A_2491 = arith.constant dense<0.000000e+00> : vector<128x2xf32>
    %dot_general3A_2492 = tpu.matmul %get3A_1, %div3A_2490, %dot_general3A_2491 {dimension_numbers = #tpu.dot_dimension_numbers<[1], [0], [0], [1], [0, 0, 1, 1], [], []>, precision = #tpu.contract_precision<fp32>, transpose_lhs_hint = false} : vector<128x128xf32>, vector<128x2xf32>, vector<128x2xf32> -> vector<128x2xf32>
    %slice3A_2493 = vector.extract_strided_slice %dot_general3A_2492 {offsets = [0, 0], sizes = [128, 1], strides = [1, 1]} : vector<128x2xf32> to vector<128x1xf32>
    %slice3A_2494 = vector.extract_strided_slice %dot_general3A_2492 {offsets = [0, 1], sizes = [128, 1], strides = [1, 1]} : vector<128x2xf32> to vector<128x1xf32>
    %mul3A_2495 = arith.mulf %slice3A_2493, %slice3A_2493 : vector<128x1xf32>
    %sub3A_2496 = arith.subf %slice3A_2494, %mul3A_2495 : vector<128x1xf32>
    %add3A_2497 = arith.constant 9.99999974E-6 : f32
    %add3A_2498 = vector.broadcast %add3A_2497 : f32 to vector<128x1xf32>
    %add3A_2499 = arith.addf %sub3A_2496, %add3A_2498 : vector<128x1xf32>
    %sqrt3A_2500 = math.sqrt %add3A_2499 : vector<128x1xf32>
    %div3A_2501 = arith.constant 1.000000e+00 : f32
    %div3A_2502 = vector.broadcast %div3A_2501 : f32 to vector<128x1xf32>
    %div3A_2503 = arith.divf %div3A_2502, %sqrt3A_2500 : vector<128x1xf32>
    %sub3A_2504 = vector.broadcast %slice3A_2493 : vector<128x1xf32> to vector<128x128xf32>
    %sub3A_2505 = arith.subf %add3A_2473, %sub3A_2504 : vector<128x128xf32>
    %mul3A_2506 = vector.broadcast %div3A_2503 : vector<128x1xf32> to vector<128x128xf32>
    %mul3A_2507 = arith.mulf %sub3A_2505, %mul3A_2506 : vector<128x128xf32>
    %mul3A_2508 = vector.broadcast %get3A_2476 : vector<128x1xf32> to vector<128x128xf32>
    %mul3A_2509 = arith.mulf %mul3A_2507, %mul3A_2508 : vector<128x128xf32>
    %add3A_2510 = vector.broadcast %get3A_2479 : vector<128x1xf32> to vector<128x128xf32>
    %add3A_2511 = arith.addf %mul3A_2509, %add3A_2510 : vector<128x128xf32>
    %max3A_2512 = arith.constant 0.000000e+00 : f32
    %max3A_2513 = vector.broadcast %max3A_2512 : f32 to vector<128x128xf32>
    %max3A_2514 = arith.maximumf %add3A_2511, %max3A_2513 : vector<128x128xf32>
    %get3A_2515 = arith.constant 0 : index
    %get3A_2516 = arith.constant 0 : index
    %get3A_2517 = vector.load %arg14[%get3A_2515, %get3A_2516] : memref<128x256xf32, #tpu.memory_space<vmem>>, vector<128x256xf32>
    %dot_general3A_2518 = arith.constant dense<0.000000e+00> : vector<128x256xf32>
    %dot_general3A_2519 = tpu.matmul %max3A_2514, %get3A_2517, %dot_general3A_2518 {dimension_numbers = #tpu.dot_dimension_numbers<[1], [0], [0], [1], [0, 0, 1, 1], [], []>, precision = #tpu.contract_precision<fp32>, transpose_lhs_hint = false} : vector<128x128xf32>, vector<128x256xf32>, vector<128x256xf32> -> vector<128x256xf32>
    %get3A_2520 = arith.constant 0 : index
    %get3A_2521 = arith.constant 0 : index
    %get3A_2522 = arith.constant 0 : index
    %get3A_2523 = vector.load %arg5[%get3A_2520, %get3A_2521, %get3A_2522] : memref<3x128x128xbf16, #tpu.memory_space<vmem>>, vector<3x128x128xbf16>
    %get3A_2524 = arith.constant 0 : index
    %get3A_2525 = arith.constant 0 : index
    %get3A_2526 = vector.load %arg6[%get3A_2524, %get3A_2525] : memref<128x1xf32, #tpu.memory_space<vmem>>, vector<128x1xf32>
    %get3A_2527 = arith.constant 0 : index
    %get3A_2528 = arith.constant 0 : index
    %get3A_2529 = vector.load %arg7[%get3A_2527, %get3A_2528] : memref<128x1xf32, #tpu.memory_space<vmem>>, vector<128x1xf32>
    %get3A_2530 = arith.constant 0 : index
    %get3A_2531 = arith.constant 0 : index
    %get3A_2532 = arith.constant 0 : index
    %get3A_2533 = vector.load %arg8[%get3A_2530, %get3A_2531, %get3A_2532] : memref<3x128x128xbf16, #tpu.memory_space<vmem>>, vector<3x128x128xbf16>
    %get3A_2534 = arith.constant 0 : index
    %get3A_2535 = arith.constant 0 : index
    %get3A_2536 = vector.load %arg9[%get3A_2534, %get3A_2535] : memref<128x1xf32, #tpu.memory_space<vmem>>, vector<128x1xf32>
    %get3A_2537 = arith.constant 0 : index
    %get3A_2538 = arith.constant 0 : index
    %get3A_2539 = vector.load %arg10[%get3A_2537, %get3A_2538] : memref<128x1xf32, #tpu.memory_space<vmem>>, vector<128x1xf32>
    %broadcast_in_dim3A_2540 = arith.constant 0.000000e+00 : f32
    %broadcast_in_dim3A_2541 = vector.broadcast %broadcast_in_dim3A_2540 : f32 to vector<128x1xf32>
    %concatenate3A_2542 = tpu.concatenate %broadcast_in_dim3A_2541, %dot_general3A_2519, %broadcast_in_dim3A_2541 in 1 : vector<128x1xf32>, vector<128x256xf32>, vector<128x1xf32> -> vector<128x258xf32>
    %slice3A_2543 = vector.extract_strided_slice %get3A_2523 {offsets = [0, 0, 0], sizes = [1, 128, 128], strides = [1, 1, 1]} : vector<3x128x128xbf16> to vector<1x128x128xbf16>
    %squeeze3A_2544 = vector.shape_cast %slice3A_2543 : vector<1x128x128xbf16> to vector<128x128xbf16>
    %slice3A_2545 = vector.extract_strided_slice %concatenate3A_2542 {offsets = [0, 0], sizes = [128, 256], strides = [1, 1]} : vector<128x258xf32> to vector<128x256xf32>
    %convert_element_type3A_2546 = arith.truncf %slice3A_2545 : vector<128x256xf32> to vector<128x256xbf16>
    %dot_general3A_2547 = arith.constant dense<0.000000e+00> : vector<128x256xf32>
    %dot_general3A_2548 = tpu.matmul %squeeze3A_2544, %convert_element_type3A_2546, %dot_general3A_2547 {dimension_numbers = #tpu.dot_dimension_numbers<[1], [0], [0], [1], [0, 0, 1, 1], [], []>, transpose_lhs_hint = false} : vector<128x128xbf16>, vector<128x256xbf16>, vector<128x256xf32> -> vector<128x256xf32>
    %slice3A_2549 = vector.extract_strided_slice %get3A_2523 {offsets = [1, 0, 0], sizes = [1, 128, 128], strides = [1, 1, 1]} : vector<3x128x128xbf16> to vector<1x128x128xbf16>
    %squeeze3A_2550 = vector.shape_cast %slice3A_2549 : vector<1x128x128xbf16> to vector<128x128xbf16>
    %slice3A_2551 = vector.extract_strided_slice %concatenate3A_2542 {offsets = [0, 1], sizes = [128, 256], strides = [1, 1]} : vector<128x258xf32> to vector<128x256xf32>
    %convert_element_type3A_2552 = arith.truncf %slice3A_2551 : vector<128x256xf32> to vector<128x256xbf16>
    %dot_general3A_2553 = arith.constant dense<0.000000e+00> : vector<128x256xf32>
    %dot_general3A_2554 = tpu.matmul %squeeze3A_2550, %convert_element_type3A_2552, %dot_general3A_2553 {dimension_numbers = #tpu.dot_dimension_numbers<[1], [0], [0], [1], [0, 0, 1, 1], [], []>, transpose_lhs_hint = false} : vector<128x128xbf16>, vector<128x256xbf16>, vector<128x256xf32> -> vector<128x256xf32>
    %add3A_2555 = arith.addf %dot_general3A_2548, %dot_general3A_2554 : vector<128x256xf32>
    %slice3A_2556 = vector.extract_strided_slice %get3A_2523 {offsets = [2, 0, 0], sizes = [1, 128, 128], strides = [1, 1, 1]} : vector<3x128x128xbf16> to vector<1x128x128xbf16>
    %squeeze3A_2557 = vector.shape_cast %slice3A_2556 : vector<1x128x128xbf16> to vector<128x128xbf16>
    %slice3A_2558 = vector.extract_strided_slice %concatenate3A_2542 {offsets = [0, 2], sizes = [128, 256], strides = [1, 1]} : vector<128x258xf32> to vector<128x256xf32>
    %convert_element_type3A_2559 = arith.truncf %slice3A_2558 : vector<128x256xf32> to vector<128x256xbf16>
    %dot_general3A_2560 = arith.constant dense<0.000000e+00> : vector<128x256xf32>
    %dot_general3A_2561 = tpu.matmul %squeeze3A_2557, %convert_element_type3A_2559, %dot_general3A_2560 {dimension_numbers = #tpu.dot_dimension_numbers<[1], [0], [0], [1], [0, 0, 1, 1], [], []>, transpose_lhs_hint = false} : vector<128x128xbf16>, vector<128x256xbf16>, vector<128x256xf32> -> vector<128x256xf32>
    %add3A_2562 = arith.addf %add3A_2555, %dot_general3A_2561 : vector<128x256xf32>
    %reduce_sum3A_2563 = arith.constant dense<0.000000e+00> : vector<128xf32>
    %reduce_sum3A_2564 = vector.multi_reduction <add>, %add3A_2562, %reduce_sum3A_2563 [1] : vector<128x256xf32> to vector<128xf32>
    %broadcast_in_dim3A_2565 = vector.shape_cast %reduce_sum3A_2564 : vector<128xf32> to vector<128x1xf32>
    %mul3A_2566 = arith.mulf %add3A_2562, %add3A_2562 : vector<128x256xf32>
    %reduce_sum3A_2567 = arith.constant dense<0.000000e+00> : vector<128xf32>
    %reduce_sum3A_2568 = vector.multi_reduction <add>, %mul3A_2566, %reduce_sum3A_2567 [1] : vector<128x256xf32> to vector<128xf32>
    %broadcast_in_dim3A_2569 = vector.shape_cast %reduce_sum3A_2568 : vector<128xf32> to vector<128x1xf32>
    %concatenate3A_2570 = tpu.concatenate %broadcast_in_dim3A_2565, %broadcast_in_dim3A_2569 in 1 : vector<128x1xf32>, vector<128x1xf32> -> vector<128x2xf32>
    %div3A_2571 = arith.constant 2.560000e+02 : f32
    %div3A_2572 = vector.broadcast %div3A_2571 : f32 to vector<128x2xf32>
    %div3A_2573 = arith.divf %concatenate3A_2570, %div3A_2572 : vector<128x2xf32>
    %dot_general3A_2574 = arith.constant dense<0.000000e+00> : vector<128x2xf32>
    %dot_general3A_2575 = tpu.matmul %get3A_1, %div3A_2573, %dot_general3A_2574 {dimension_numbers = #tpu.dot_dimension_numbers<[1], [0], [0], [1], [0, 0, 1, 1], [], []>, precision = #tpu.contract_precision<fp32>, transpose_lhs_hint = false} : vector<128x128xf32>, vector<128x2xf32>, vector<128x2xf32> -> vector<128x2xf32>
    %slice3A_2576 = vector.extract_strided_slice %dot_general3A_2575 {offsets = [0, 0], sizes = [128, 1], strides = [1, 1]} : vector<128x2xf32> to vector<128x1xf32>
    %slice3A_2577 = vector.extract_strided_slice %dot_general3A_2575 {offsets = [0, 1], sizes = [128, 1], strides = [1, 1]} : vector<128x2xf32> to vector<128x1xf32>
    %mul3A_2578 = arith.mulf %slice3A_2576, %slice3A_2576 : vector<128x1xf32>
    %sub3A_2579 = arith.subf %slice3A_2577, %mul3A_2578 : vector<128x1xf32>
    %add3A_2580 = arith.constant 9.99999974E-6 : f32
    %add3A_2581 = vector.broadcast %add3A_2580 : f32 to vector<128x1xf32>
    %add3A_2582 = arith.addf %sub3A_2579, %add3A_2581 : vector<128x1xf32>
    %sqrt3A_2583 = math.sqrt %add3A_2582 : vector<128x1xf32>
    %div3A_2584 = arith.constant 1.000000e+00 : f32
    %div3A_2585 = vector.broadcast %div3A_2584 : f32 to vector<128x1xf32>
    %div3A_2586 = arith.divf %div3A_2585, %sqrt3A_2583 : vector<128x1xf32>
    %sub3A_2587 = vector.broadcast %slice3A_2576 : vector<128x1xf32> to vector<128x256xf32>
    %sub3A_2588 = arith.subf %add3A_2562, %sub3A_2587 : vector<128x256xf32>
    %mul3A_2589 = vector.broadcast %div3A_2586 : vector<128x1xf32> to vector<128x256xf32>
    %mul3A_2590 = arith.mulf %sub3A_2588, %mul3A_2589 : vector<128x256xf32>
    %mul3A_2591 = vector.broadcast %get3A_2526 : vector<128x1xf32> to vector<128x256xf32>
    %mul3A_2592 = arith.mulf %mul3A_2590, %mul3A_2591 : vector<128x256xf32>
    %add3A_2593 = vector.broadcast %get3A_2529 : vector<128x1xf32> to vector<128x256xf32>
    %add3A_2594 = arith.addf %mul3A_2592, %add3A_2593 : vector<128x256xf32>
    %max3A_2595 = arith.constant 0.000000e+00 : f32
    %max3A_2596 = vector.broadcast %max3A_2595 : f32 to vector<128x256xf32>
    %max3A_2597 = arith.maximumf %add3A_2594, %max3A_2596 : vector<128x256xf32>
    %broadcast_in_dim3A_2598 = arith.constant 0.000000e+00 : f32
    %broadcast_in_dim3A_2599 = vector.broadcast %broadcast_in_dim3A_2598 : f32 to vector<128x1xf32>
    %concatenate3A_2600 = tpu.concatenate %broadcast_in_dim3A_2599, %max3A_2597, %broadcast_in_dim3A_2599 in 1 : vector<128x1xf32>, vector<128x256xf32>, vector<128x1xf32> -> vector<128x258xf32>
    %slice3A_2601 = vector.extract_strided_slice %get3A_2533 {offsets = [0, 0, 0], sizes = [1, 128, 128], strides = [1, 1, 1]} : vector<3x128x128xbf16> to vector<1x128x128xbf16>
    %squeeze3A_2602 = vector.shape_cast %slice3A_2601 : vector<1x128x128xbf16> to vector<128x128xbf16>
    %slice3A_2603 = vector.extract_strided_slice %concatenate3A_2600 {offsets = [0, 0], sizes = [128, 256], strides = [1, 1]} : vector<128x258xf32> to vector<128x256xf32>
    %convert_element_type3A_2604 = arith.truncf %slice3A_2603 : vector<128x256xf32> to vector<128x256xbf16>
    %dot_general3A_2605 = arith.constant dense<0.000000e+00> : vector<128x256xf32>
    %dot_general3A_2606 = tpu.matmul %squeeze3A_2602, %convert_element_type3A_2604, %dot_general3A_2605 {dimension_numbers = #tpu.dot_dimension_numbers<[1], [0], [0], [1], [0, 0, 1, 1], [], []>, transpose_lhs_hint = false} : vector<128x128xbf16>, vector<128x256xbf16>, vector<128x256xf32> -> vector<128x256xf32>
    %slice3A_2607 = vector.extract_strided_slice %get3A_2533 {offsets = [1, 0, 0], sizes = [1, 128, 128], strides = [1, 1, 1]} : vector<3x128x128xbf16> to vector<1x128x128xbf16>
    %squeeze3A_2608 = vector.shape_cast %slice3A_2607 : vector<1x128x128xbf16> to vector<128x128xbf16>
    %slice3A_2609 = vector.extract_strided_slice %concatenate3A_2600 {offsets = [0, 1], sizes = [128, 256], strides = [1, 1]} : vector<128x258xf32> to vector<128x256xf32>
    %convert_element_type3A_2610 = arith.truncf %slice3A_2609 : vector<128x256xf32> to vector<128x256xbf16>
    %dot_general3A_2611 = arith.constant dense<0.000000e+00> : vector<128x256xf32>
    %dot_general3A_2612 = tpu.matmul %squeeze3A_2608, %convert_element_type3A_2610, %dot_general3A_2611 {dimension_numbers = #tpu.dot_dimension_numbers<[1], [0], [0], [1], [0, 0, 1, 1], [], []>, transpose_lhs_hint = false} : vector<128x128xbf16>, vector<128x256xbf16>, vector<128x256xf32> -> vector<128x256xf32>
    %add3A_2613 = arith.addf %dot_general3A_2606, %dot_general3A_2612 : vector<128x256xf32>
    %slice3A_2614 = vector.extract_strided_slice %get3A_2533 {offsets = [2, 0, 0], sizes = [1, 128, 128], strides = [1, 1, 1]} : vector<3x128x128xbf16> to vector<1x128x128xbf16>
    %squeeze3A_2615 = vector.shape_cast %slice3A_2614 : vector<1x128x128xbf16> to vector<128x128xbf16>
    %slice3A_2616 = vector.extract_strided_slice %concatenate3A_2600 {offsets = [0, 2], sizes = [128, 256], strides = [1, 1]} : vector<128x258xf32> to vector<128x256xf32>
    %convert_element_type3A_2617 = arith.truncf %slice3A_2616 : vector<128x256xf32> to vector<128x256xbf16>
    %dot_general3A_2618 = arith.constant dense<0.000000e+00> : vector<128x256xf32>
    %dot_general3A_2619 = tpu.matmul %squeeze3A_2615, %convert_element_type3A_2617, %dot_general3A_2618 {dimension_numbers = #tpu.dot_dimension_numbers<[1], [0], [0], [1], [0, 0, 1, 1], [], []>, transpose_lhs_hint = false} : vector<128x128xbf16>, vector<128x256xbf16>, vector<128x256xf32> -> vector<128x256xf32>
    %add3A_2620 = arith.addf %add3A_2613, %dot_general3A_2619 : vector<128x256xf32>
    %reduce_sum3A_2621 = arith.constant dense<0.000000e+00> : vector<128xf32>
    %reduce_sum3A_2622 = vector.multi_reduction <add>, %add3A_2620, %reduce_sum3A_2621 [1] : vector<128x256xf32> to vector<128xf32>
    %broadcast_in_dim3A_2623 = vector.shape_cast %reduce_sum3A_2622 : vector<128xf32> to vector<128x1xf32>
    %mul3A_2624 = arith.mulf %add3A_2620, %add3A_2620 : vector<128x256xf32>
    %reduce_sum3A_2625 = arith.constant dense<0.000000e+00> : vector<128xf32>
    %reduce_sum3A_2626 = vector.multi_reduction <add>, %mul3A_2624, %reduce_sum3A_2625 [1] : vector<128x256xf32> to vector<128xf32>
    %broadcast_in_dim3A_2627 = vector.shape_cast %reduce_sum3A_2626 : vector<128xf32> to vector<128x1xf32>
    %concatenate3A_2628 = tpu.concatenate %broadcast_in_dim3A_2623, %broadcast_in_dim3A_2627 in 1 : vector<128x1xf32>, vector<128x1xf32> -> vector<128x2xf32>
    %div3A_2629 = arith.constant 2.560000e+02 : f32
    %div3A_2630 = vector.broadcast %div3A_2629 : f32 to vector<128x2xf32>
    %div3A_2631 = arith.divf %concatenate3A_2628, %div3A_2630 : vector<128x2xf32>
    %dot_general3A_2632 = arith.constant dense<0.000000e+00> : vector<128x2xf32>
    %dot_general3A_2633 = tpu.matmul %get3A_1, %div3A_2631, %dot_general3A_2632 {dimension_numbers = #tpu.dot_dimension_numbers<[1], [0], [0], [1], [0, 0, 1, 1], [], []>, precision = #tpu.contract_precision<fp32>, transpose_lhs_hint = false} : vector<128x128xf32>, vector<128x2xf32>, vector<128x2xf32> -> vector<128x2xf32>
    %slice3A_2634 = vector.extract_strided_slice %dot_general3A_2633 {offsets = [0, 0], sizes = [128, 1], strides = [1, 1]} : vector<128x2xf32> to vector<128x1xf32>
    %slice3A_2635 = vector.extract_strided_slice %dot_general3A_2633 {offsets = [0, 1], sizes = [128, 1], strides = [1, 1]} : vector<128x2xf32> to vector<128x1xf32>
    %mul3A_2636 = arith.mulf %slice3A_2634, %slice3A_2634 : vector<128x1xf32>
    %sub3A_2637 = arith.subf %slice3A_2635, %mul3A_2636 : vector<128x1xf32>
    %add3A_2638 = arith.constant 9.99999974E-6 : f32
    %add3A_2639 = vector.broadcast %add3A_2638 : f32 to vector<128x1xf32>
    %add3A_2640 = arith.addf %sub3A_2637, %add3A_2639 : vector<128x1xf32>
    %sqrt3A_2641 = math.sqrt %add3A_2640 : vector<128x1xf32>
    %div3A_2642 = arith.constant 1.000000e+00 : f32
    %div3A_2643 = vector.broadcast %div3A_2642 : f32 to vector<128x1xf32>
    %div3A_2644 = arith.divf %div3A_2643, %sqrt3A_2641 : vector<128x1xf32>
    %sub3A_2645 = vector.broadcast %slice3A_2634 : vector<128x1xf32> to vector<128x256xf32>
    %sub3A_2646 = arith.subf %add3A_2620, %sub3A_2645 : vector<128x256xf32>
    %mul3A_2647 = vector.broadcast %div3A_2644 : vector<128x1xf32> to vector<128x256xf32>
    %mul3A_2648 = arith.mulf %sub3A_2646, %mul3A_2647 : vector<128x256xf32>
    %mul3A_2649 = vector.broadcast %get3A_2536 : vector<128x1xf32> to vector<128x256xf32>
    %mul3A_2650 = arith.mulf %mul3A_2648, %mul3A_2649 : vector<128x256xf32>
    %add3A_2651 = vector.broadcast %get3A_2539 : vector<128x1xf32> to vector<128x256xf32>
    %add3A_2652 = arith.addf %mul3A_2650, %add3A_2651 : vector<128x256xf32>
    %add3A_2653 = arith.addf %dot_general3A_2519, %add3A_2652 : vector<128x256xf32>
    %max3A_2654 = arith.constant 0.000000e+00 : f32
    %max3A_2655 = vector.broadcast %max3A_2654 : f32 to vector<128x256xf32>
    %max3A_2656 = arith.maximumf %add3A_2653, %max3A_2655 : vector<128x256xf32>
    %get3A_2657 = arith.constant 0 : index
    %get3A_2658 = arith.constant 0 : index
    %get3A_2659 = vector.load %arg15[%get3A_2657, %get3A_2658] : memref<256x512xf32, #tpu.memory_space<vmem>>, vector<256x512xf32>
    %dot_general3A_2660 = arith.constant dense<0.000000e+00> : vector<128x512xf32>
    %dot_general3A_2661 = tpu.matmul %max3A_2656, %get3A_2659, %dot_general3A_2660 {dimension_numbers = #tpu.dot_dimension_numbers<[1], [0], [0], [1], [0, 0, 1, 1], [], []>, precision = #tpu.contract_precision<fp32>, transpose_lhs_hint = false} : vector<128x256xf32>, vector<256x512xf32>, vector<128x512xf32> -> vector<128x512xf32>
    %get3A_2662 = arith.constant 0 : index
    %get3A_2663 = arith.constant 0 : index
    %get3A_2664 = arith.constant 0 : index
    %get3A_2665 = vector.load %arg5[%get3A_2662, %get3A_2663, %get3A_2664] : memref<3x128x128xbf16, #tpu.memory_space<vmem>>, vector<3x128x128xbf16>
    %get3A_2666 = arith.constant 0 : index
    %get3A_2667 = arith.constant 0 : index
    %get3A_2668 = vector.load %arg6[%get3A_2666, %get3A_2667] : memref<128x1xf32, #tpu.memory_space<vmem>>, vector<128x1xf32>
    %get3A_2669 = arith.constant 0 : index
    %get3A_2670 = arith.constant 0 : index
    %get3A_2671 = vector.load %arg7[%get3A_2669, %get3A_2670] : memref<128x1xf32, #tpu.memory_space<vmem>>, vector<128x1xf32>
    %get3A_2672 = arith.constant 0 : index
    %get3A_2673 = arith.constant 0 : index
    %get3A_2674 = arith.constant 0 : index
    %get3A_2675 = vector.load %arg8[%get3A_2672, %get3A_2673, %get3A_2674] : memref<3x128x128xbf16, #tpu.memory_space<vmem>>, vector<3x128x128xbf16>
    %get3A_2676 = arith.constant 0 : index
    %get3A_2677 = arith.constant 0 : index
    %get3A_2678 = vector.load %arg9[%get3A_2676, %get3A_2677] : memref<128x1xf32, #tpu.memory_space<vmem>>, vector<128x1xf32>
    %get3A_2679 = arith.constant 0 : index
    %get3A_2680 = arith.constant 0 : index
    %get3A_2681 = vector.load %arg10[%get3A_2679, %get3A_2680] : memref<128x1xf32, #tpu.memory_space<vmem>>, vector<128x1xf32>
    %broadcast_in_dim3A_2682 = arith.constant 0.000000e+00 : f32
    %broadcast_in_dim3A_2683 = vector.broadcast %broadcast_in_dim3A_2682 : f32 to vector<128x1xf32>
    %concatenate3A_2684 = tpu.concatenate %broadcast_in_dim3A_2683, %dot_general3A_2661, %broadcast_in_dim3A_2683 in 1 : vector<128x1xf32>, vector<128x512xf32>, vector<128x1xf32> -> vector<128x514xf32>
    %slice3A_2685 = vector.extract_strided_slice %get3A_2665 {offsets = [0, 0, 0], sizes = [1, 128, 128], strides = [1, 1, 1]} : vector<3x128x128xbf16> to vector<1x128x128xbf16>
    %squeeze3A_2686 = vector.shape_cast %slice3A_2685 : vector<1x128x128xbf16> to vector<128x128xbf16>
    %slice3A_2687 = vector.extract_strided_slice %concatenate3A_2684 {offsets = [0, 0], sizes = [128, 512], strides = [1, 1]} : vector<128x514xf32> to vector<128x512xf32>
    %convert_element_type3A_2688 = arith.truncf %slice3A_2687 : vector<128x512xf32> to vector<128x512xbf16>
    %dot_general3A_2689 = arith.constant dense<0.000000e+00> : vector<128x512xf32>
    %dot_general3A_2690 = tpu.matmul %squeeze3A_2686, %convert_element_type3A_2688, %dot_general3A_2689 {dimension_numbers = #tpu.dot_dimension_numbers<[1], [0], [0], [1], [0, 0, 1, 1], [], []>, transpose_lhs_hint = false} : vector<128x128xbf16>, vector<128x512xbf16>, vector<128x512xf32> -> vector<128x512xf32>
    %slice3A_2691 = vector.extract_strided_slice %get3A_2665 {offsets = [1, 0, 0], sizes = [1, 128, 128], strides = [1, 1, 1]} : vector<3x128x128xbf16> to vector<1x128x128xbf16>
    %squeeze3A_2692 = vector.shape_cast %slice3A_2691 : vector<1x128x128xbf16> to vector<128x128xbf16>
    %slice3A_2693 = vector.extract_strided_slice %concatenate3A_2684 {offsets = [0, 1], sizes = [128, 512], strides = [1, 1]} : vector<128x514xf32> to vector<128x512xf32>
    %convert_element_type3A_2694 = arith.truncf %slice3A_2693 : vector<128x512xf32> to vector<128x512xbf16>
    %dot_general3A_2695 = arith.constant dense<0.000000e+00> : vector<128x512xf32>
    %dot_general3A_2696 = tpu.matmul %squeeze3A_2692, %convert_element_type3A_2694, %dot_general3A_2695 {dimension_numbers = #tpu.dot_dimension_numbers<[1], [0], [0], [1], [0, 0, 1, 1], [], []>, transpose_lhs_hint = false} : vector<128x128xbf16>, vector<128x512xbf16>, vector<128x512xf32> -> vector<128x512xf32>
    %add3A_2697 = arith.addf %dot_general3A_2690, %dot_general3A_2696 : vector<128x512xf32>
    %slice3A_2698 = vector.extract_strided_slice %get3A_2665 {offsets = [2, 0, 0], sizes = [1, 128, 128], strides = [1, 1, 1]} : vector<3x128x128xbf16> to vector<1x128x128xbf16>
    %squeeze3A_2699 = vector.shape_cast %slice3A_2698 : vector<1x128x128xbf16> to vector<128x128xbf16>
    %slice3A_2700 = vector.extract_strided_slice %concatenate3A_2684 {offsets = [0, 2], sizes = [128, 512], strides = [1, 1]} : vector<128x514xf32> to vector<128x512xf32>
    %convert_element_type3A_2701 = arith.truncf %slice3A_2700 : vector<128x512xf32> to vector<128x512xbf16>
    %dot_general3A_2702 = arith.constant dense<0.000000e+00> : vector<128x512xf32>
    %dot_general3A_2703 = tpu.matmul %squeeze3A_2699, %convert_element_type3A_2701, %dot_general3A_2702 {dimension_numbers = #tpu.dot_dimension_numbers<[1], [0], [0], [1], [0, 0, 1, 1], [], []>, transpose_lhs_hint = false} : vector<128x128xbf16>, vector<128x512xbf16>, vector<128x512xf32> -> vector<128x512xf32>
    %add3A_2704 = arith.addf %add3A_2697, %dot_general3A_2703 : vector<128x512xf32>
    %reduce_sum3A_2705 = arith.constant dense<0.000000e+00> : vector<128xf32>
    %reduce_sum3A_2706 = vector.multi_reduction <add>, %add3A_2704, %reduce_sum3A_2705 [1] : vector<128x512xf32> to vector<128xf32>
    %broadcast_in_dim3A_2707 = vector.shape_cast %reduce_sum3A_2706 : vector<128xf32> to vector<128x1xf32>
    %mul3A_2708 = arith.mulf %add3A_2704, %add3A_2704 : vector<128x512xf32>
    %reduce_sum3A_2709 = arith.constant dense<0.000000e+00> : vector<128xf32>
    %reduce_sum3A_2710 = vector.multi_reduction <add>, %mul3A_2708, %reduce_sum3A_2709 [1] : vector<128x512xf32> to vector<128xf32>
    %broadcast_in_dim3A_2711 = vector.shape_cast %reduce_sum3A_2710 : vector<128xf32> to vector<128x1xf32>
    %concatenate3A_2712 = tpu.concatenate %broadcast_in_dim3A_2707, %broadcast_in_dim3A_2711 in 1 : vector<128x1xf32>, vector<128x1xf32> -> vector<128x2xf32>
    %div3A_2713 = arith.constant 5.120000e+02 : f32
    %div3A_2714 = vector.broadcast %div3A_2713 : f32 to vector<128x2xf32>
    %div3A_2715 = arith.divf %concatenate3A_2712, %div3A_2714 : vector<128x2xf32>
    %dot_general3A_2716 = arith.constant dense<0.000000e+00> : vector<128x2xf32>
    %dot_general3A_2717 = tpu.matmul %get3A_1, %div3A_2715, %dot_general3A_2716 {dimension_numbers = #tpu.dot_dimension_numbers<[1], [0], [0], [1], [0, 0, 1, 1], [], []>, precision = #tpu.contract_precision<fp32>, transpose_lhs_hint = false} : vector<128x128xf32>, vector<128x2xf32>, vector<128x2xf32> -> vector<128x2xf32>
    %slice3A_2718 = vector.extract_strided_slice %dot_general3A_2717 {offsets = [0, 0], sizes = [128, 1], strides = [1, 1]} : vector<128x2xf32> to vector<128x1xf32>
    %slice3A_2719 = vector.extract_strided_slice %dot_general3A_2717 {offsets = [0, 1], sizes = [128, 1], strides = [1, 1]} : vector<128x2xf32> to vector<128x1xf32>
    %mul3A_2720 = arith.mulf %slice3A_2718, %slice3A_2718 : vector<128x1xf32>
    %sub3A_2721 = arith.subf %slice3A_2719, %mul3A_2720 : vector<128x1xf32>
    %add3A_2722 = arith.constant 9.99999974E-6 : f32
    %add3A_2723 = vector.broadcast %add3A_2722 : f32 to vector<128x1xf32>
    %add3A_2724 = arith.addf %sub3A_2721, %add3A_2723 : vector<128x1xf32>
    %sqrt3A_2725 = math.sqrt %add3A_2724 : vector<128x1xf32>
    %div3A_2726 = arith.constant 1.000000e+00 : f32
    %div3A_2727 = vector.broadcast %div3A_2726 : f32 to vector<128x1xf32>
    %div3A_2728 = arith.divf %div3A_2727, %sqrt3A_2725 : vector<128x1xf32>
    %sub3A_2729 = vector.broadcast %slice3A_2718 : vector<128x1xf32> to vector<128x512xf32>
    %sub3A_2730 = arith.subf %add3A_2704, %sub3A_2729 : vector<128x512xf32>
    %mul3A_2731 = vector.broadcast %div3A_2728 : vector<128x1xf32> to vector<128x512xf32>
    %mul3A_2732 = arith.mulf %sub3A_2730, %mul3A_2731 : vector<128x512xf32>
    %mul3A_2733 = vector.broadcast %get3A_2668 : vector<128x1xf32> to vector<128x512xf32>
    %mul3A_2734 = arith.mulf %mul3A_2732, %mul3A_2733 : vector<128x512xf32>
    %add3A_2735 = vector.broadcast %get3A_2671 : vector<128x1xf32> to vector<128x512xf32>
    %add3A_2736 = arith.addf %mul3A_2734, %add3A_2735 : vector<128x512xf32>
    %max3A_2737 = arith.constant 0.000000e+00 : f32
    %max3A_2738 = vector.broadcast %max3A_2737 : f32 to vector<128x512xf32>
    %max3A_2739 = arith.maximumf %add3A_2736, %max3A_2738 : vector<128x512xf32>
    %broadcast_in_dim3A_2740 = arith.constant 0.000000e+00 : f32
    %broadcast_in_dim3A_2741 = vector.broadcast %broadcast_in_dim3A_2740 : f32 to vector<128x1xf32>
    %concatenate3A_2742 = tpu.concatenate %broadcast_in_dim3A_2741, %max3A_2739, %broadcast_in_dim3A_2741 in 1 : vector<128x1xf32>, vector<128x512xf32>, vector<128x1xf32> -> vector<128x514xf32>
    %slice3A_2743 = vector.extract_strided_slice %get3A_2675 {offsets = [0, 0, 0], sizes = [1, 128, 128], strides = [1, 1, 1]} : vector<3x128x128xbf16> to vector<1x128x128xbf16>
    %squeeze3A_2744 = vector.shape_cast %slice3A_2743 : vector<1x128x128xbf16> to vector<128x128xbf16>
    %slice3A_2745 = vector.extract_strided_slice %concatenate3A_2742 {offsets = [0, 0], sizes = [128, 512], strides = [1, 1]} : vector<128x514xf32> to vector<128x512xf32>
    %convert_element_type3A_2746 = arith.truncf %slice3A_2745 : vector<128x512xf32> to vector<128x512xbf16>
    %dot_general3A_2747 = arith.constant dense<0.000000e+00> : vector<128x512xf32>
    %dot_general3A_2748 = tpu.matmul %squeeze3A_2744, %convert_element_type3A_2746, %dot_general3A_2747 {dimension_numbers = #tpu.dot_dimension_numbers<[1], [0], [0], [1], [0, 0, 1, 1], [], []>, transpose_lhs_hint = false} : vector<128x128xbf16>, vector<128x512xbf16>, vector<128x512xf32> -> vector<128x512xf32>
    %slice3A_2749 = vector.extract_strided_slice %get3A_2675 {offsets = [1, 0, 0], sizes = [1, 128, 128], strides = [1, 1, 1]} : vector<3x128x128xbf16> to vector<1x128x128xbf16>
    %squeeze3A_2750 = vector.shape_cast %slice3A_2749 : vector<1x128x128xbf16> to vector<128x128xbf16>
    %slice3A_2751 = vector.extract_strided_slice %concatenate3A_2742 {offsets = [0, 1], sizes = [128, 512], strides = [1, 1]} : vector<128x514xf32> to vector<128x512xf32>
    %convert_element_type3A_2752 = arith.truncf %slice3A_2751 : vector<128x512xf32> to vector<128x512xbf16>
    %dot_general3A_2753 = arith.constant dense<0.000000e+00> : vector<128x512xf32>
    %dot_general3A_2754 = tpu.matmul %squeeze3A_2750, %convert_element_type3A_2752, %dot_general3A_2753 {dimension_numbers = #tpu.dot_dimension_numbers<[1], [0], [0], [1], [0, 0, 1, 1], [], []>, transpose_lhs_hint = false} : vector<128x128xbf16>, vector<128x512xbf16>, vector<128x512xf32> -> vector<128x512xf32>
    %add3A_2755 = arith.addf %dot_general3A_2748, %dot_general3A_2754 : vector<128x512xf32>
    %slice3A_2756 = vector.extract_strided_slice %get3A_2675 {offsets = [2, 0, 0], sizes = [1, 128, 128], strides = [1, 1, 1]} : vector<3x128x128xbf16> to vector<1x128x128xbf16>
    %squeeze3A_2757 = vector.shape_cast %slice3A_2756 : vector<1x128x128xbf16> to vector<128x128xbf16>
    %slice3A_2758 = vector.extract_strided_slice %concatenate3A_2742 {offsets = [0, 2], sizes = [128, 512], strides = [1, 1]} : vector<128x514xf32> to vector<128x512xf32>
    %convert_element_type3A_2759 = arith.truncf %slice3A_2758 : vector<128x512xf32> to vector<128x512xbf16>
    %dot_general3A_2760 = arith.constant dense<0.000000e+00> : vector<128x512xf32>
    %dot_general3A_2761 = tpu.matmul %squeeze3A_2757, %convert_element_type3A_2759, %dot_general3A_2760 {dimension_numbers = #tpu.dot_dimension_numbers<[1], [0], [0], [1], [0, 0, 1, 1], [], []>, transpose_lhs_hint = false} : vector<128x128xbf16>, vector<128x512xbf16>, vector<128x512xf32> -> vector<128x512xf32>
    %add3A_2762 = arith.addf %add3A_2755, %dot_general3A_2761 : vector<128x512xf32>
    %reduce_sum3A_2763 = arith.constant dense<0.000000e+00> : vector<128xf32>
    %reduce_sum3A_2764 = vector.multi_reduction <add>, %add3A_2762, %reduce_sum3A_2763 [1] : vector<128x512xf32> to vector<128xf32>
    %broadcast_in_dim3A_2765 = vector.shape_cast %reduce_sum3A_2764 : vector<128xf32> to vector<128x1xf32>
    %mul3A_2766 = arith.mulf %add3A_2762, %add3A_2762 : vector<128x512xf32>
    %reduce_sum3A_2767 = arith.constant dense<0.000000e+00> : vector<128xf32>
    %reduce_sum3A_2768 = vector.multi_reduction <add>, %mul3A_2766, %reduce_sum3A_2767 [1] : vector<128x512xf32> to vector<128xf32>
    %broadcast_in_dim3A_2769 = vector.shape_cast %reduce_sum3A_2768 : vector<128xf32> to vector<128x1xf32>
    %concatenate3A_2770 = tpu.concatenate %broadcast_in_dim3A_2765, %broadcast_in_dim3A_2769 in 1 : vector<128x1xf32>, vector<128x1xf32> -> vector<128x2xf32>
    %div3A_2771 = arith.constant 5.120000e+02 : f32
    %div3A_2772 = vector.broadcast %div3A_2771 : f32 to vector<128x2xf32>
    %div3A_2773 = arith.divf %concatenate3A_2770, %div3A_2772 : vector<128x2xf32>
    %dot_general3A_2774 = arith.constant dense<0.000000e+00> : vector<128x2xf32>
    %dot_general3A_2775 = tpu.matmul %get3A_1, %div3A_2773, %dot_general3A_2774 {dimension_numbers = #tpu.dot_dimension_numbers<[1], [0], [0], [1], [0, 0, 1, 1], [], []>, precision = #tpu.contract_precision<fp32>, transpose_lhs_hint = false} : vector<128x128xf32>, vector<128x2xf32>, vector<128x2xf32> -> vector<128x2xf32>
    %slice3A_2776 = vector.extract_strided_slice %dot_general3A_2775 {offsets = [0, 0], sizes = [128, 1], strides = [1, 1]} : vector<128x2xf32> to vector<128x1xf32>
    %slice3A_2777 = vector.extract_strided_slice %dot_general3A_2775 {offsets = [0, 1], sizes = [128, 1], strides = [1, 1]} : vector<128x2xf32> to vector<128x1xf32>
    %mul3A_2778 = arith.mulf %slice3A_2776, %slice3A_2776 : vector<128x1xf32>
    %sub3A_2779 = arith.subf %slice3A_2777, %mul3A_2778 : vector<128x1xf32>
    %add3A_2780 = arith.constant 9.99999974E-6 : f32
    %add3A_2781 = vector.broadcast %add3A_2780 : f32 to vector<128x1xf32>
    %add3A_2782 = arith.addf %sub3A_2779, %add3A_2781 : vector<128x1xf32>
    %sqrt3A_2783 = math.sqrt %add3A_2782 : vector<128x1xf32>
    %div3A_2784 = arith.constant 1.000000e+00 : f32
    %div3A_2785 = vector.broadcast %div3A_2784 : f32 to vector<128x1xf32>
    %div3A_2786 = arith.divf %div3A_2785, %sqrt3A_2783 : vector<128x1xf32>
    %sub3A_2787 = vector.broadcast %slice3A_2776 : vector<128x1xf32> to vector<128x512xf32>
    %sub3A_2788 = arith.subf %add3A_2762, %sub3A_2787 : vector<128x512xf32>
    %mul3A_2789 = vector.broadcast %div3A_2786 : vector<128x1xf32> to vector<128x512xf32>
    %mul3A_2790 = arith.mulf %sub3A_2788, %mul3A_2789 : vector<128x512xf32>
    %mul3A_2791 = vector.broadcast %get3A_2678 : vector<128x1xf32> to vector<128x512xf32>
    %mul3A_2792 = arith.mulf %mul3A_2790, %mul3A_2791 : vector<128x512xf32>
    %add3A_2793 = vector.broadcast %get3A_2681 : vector<128x1xf32> to vector<128x512xf32>
    %add3A_2794 = arith.addf %mul3A_2792, %add3A_2793 : vector<128x512xf32>
    %add3A_2795 = arith.addf %dot_general3A_2661, %add3A_2794 : vector<128x512xf32>
    %max3A_2796 = arith.constant 0.000000e+00 : f32
    %max3A_2797 = vector.broadcast %max3A_2796 : f32 to vector<128x512xf32>
    %max3A_2798 = arith.maximumf %add3A_2795, %max3A_2797 : vector<128x512xf32>
    %get3A_2799 = arith.constant 0 : index
    %get3A_2800 = arith.constant 0 : index
    %get3A_2801 = arith.constant 0 : index
    %get3A_2802 = vector.load %arg11[%get3A_2799, %get3A_2800, %get3A_2801] : memref<5x80x128xbf16, #tpu.memory_space<vmem>>, vector<5x80x128xbf16>
    %broadcast_in_dim3A_2803 = arith.constant 0.000000e+00 : f32
    %broadcast_in_dim3A_2804 = vector.broadcast %broadcast_in_dim3A_2803 : f32 to vector<128x2xf32>
    %concatenate3A_2805 = tpu.concatenate %broadcast_in_dim3A_2804, %max3A_2798, %broadcast_in_dim3A_2804 in 1 : vector<128x2xf32>, vector<128x512xf32>, vector<128x2xf32> -> vector<128x516xf32>
    %slice3A_2806 = vector.extract_strided_slice %get3A_2802 {offsets = [0, 0, 0], sizes = [1, 80, 128], strides = [1, 1, 1]} : vector<5x80x128xbf16> to vector<1x80x128xbf16>
    %squeeze3A_2807 = vector.shape_cast %slice3A_2806 : vector<1x80x128xbf16> to vector<80x128xbf16>
    %slice3A_2808 = vector.extract_strided_slice %concatenate3A_2805 {offsets = [0, 0], sizes = [128, 512], strides = [1, 1]} : vector<128x516xf32> to vector<128x512xf32>
    %convert_element_type3A_2809 = arith.truncf %slice3A_2808 : vector<128x512xf32> to vector<128x512xbf16>
    %dot_general3A_2810 = arith.constant dense<0.000000e+00> : vector<80x512xf32>
    %dot_general3A_2811 = tpu.matmul %squeeze3A_2807, %convert_element_type3A_2809, %dot_general3A_2810 {dimension_numbers = #tpu.dot_dimension_numbers<[1], [0], [0], [1], [0, 0, 1, 1], [], []>, transpose_lhs_hint = false} : vector<80x128xbf16>, vector<128x512xbf16>, vector<80x512xf32> -> vector<80x512xf32>
    %slice3A_2812 = vector.extract_strided_slice %get3A_2802 {offsets = [1, 0, 0], sizes = [1, 80, 128], strides = [1, 1, 1]} : vector<5x80x128xbf16> to vector<1x80x128xbf16>
    %squeeze3A_2813 = vector.shape_cast %slice3A_2812 : vector<1x80x128xbf16> to vector<80x128xbf16>
    %slice3A_2814 = vector.extract_strided_slice %concatenate3A_2805 {offsets = [0, 1], sizes = [128, 512], strides = [1, 1]} : vector<128x516xf32> to vector<128x512xf32>
    %convert_element_type3A_2815 = arith.truncf %slice3A_2814 : vector<128x512xf32> to vector<128x512xbf16>
    %dot_general3A_2816 = arith.constant dense<0.000000e+00> : vector<80x512xf32>
    %dot_general3A_2817 = tpu.matmul %squeeze3A_2813, %convert_element_type3A_2815, %dot_general3A_2816 {dimension_numbers = #tpu.dot_dimension_numbers<[1], [0], [0], [1], [0, 0, 1, 1], [], []>, transpose_lhs_hint = false} : vector<80x128xbf16>, vector<128x512xbf16>, vector<80x512xf32> -> vector<80x512xf32>
    %add3A_2818 = arith.addf %dot_general3A_2811, %dot_general3A_2817 : vector<80x512xf32>
    %slice3A_2819 = vector.extract_strided_slice %get3A_2802 {offsets = [2, 0, 0], sizes = [1, 80, 128], strides = [1, 1, 1]} : vector<5x80x128xbf16> to vector<1x80x128xbf16>
    %squeeze3A_2820 = vector.shape_cast %slice3A_2819 : vector<1x80x128xbf16> to vector<80x128xbf16>
    %slice3A_2821 = vector.extract_strided_slice %concatenate3A_2805 {offsets = [0, 2], sizes = [128, 512], strides = [1, 1]} : vector<128x516xf32> to vector<128x512xf32>
    %convert_element_type3A_2822 = arith.truncf %slice3A_2821 : vector<128x512xf32> to vector<128x512xbf16>
    %dot_general3A_2823 = arith.constant dense<0.000000e+00> : vector<80x512xf32>
    %dot_general3A_2824 = tpu.matmul %squeeze3A_2820, %convert_element_type3A_2822, %dot_general3A_2823 {dimension_numbers = #tpu.dot_dimension_numbers<[1], [0], [0], [1], [0, 0, 1, 1], [], []>, transpose_lhs_hint = false} : vector<80x128xbf16>, vector<128x512xbf16>, vector<80x512xf32> -> vector<80x512xf32>
    %add3A_2825 = arith.addf %add3A_2818, %dot_general3A_2824 : vector<80x512xf32>
    %slice3A_2826 = vector.extract_strided_slice %get3A_2802 {offsets = [3, 0, 0], sizes = [1, 80, 128], strides = [1, 1, 1]} : vector<5x80x128xbf16> to vector<1x80x128xbf16>
    %squeeze3A_2827 = vector.shape_cast %slice3A_2826 : vector<1x80x128xbf16> to vector<80x128xbf16>
    %slice3A_2828 = vector.extract_strided_slice %concatenate3A_2805 {offsets = [0, 3], sizes = [128, 512], strides = [1, 1]} : vector<128x516xf32> to vector<128x512xf32>
    %convert_element_type3A_2829 = arith.truncf %slice3A_2828 : vector<128x512xf32> to vector<128x512xbf16>
    %dot_general3A_2830 = arith.constant dense<0.000000e+00> : vector<80x512xf32>
    %dot_general3A_2831 = tpu.matmul %squeeze3A_2827, %convert_element_type3A_2829, %dot_general3A_2830 {dimension_numbers = #tpu.dot_dimension_numbers<[1], [0], [0], [1], [0, 0, 1, 1], [], []>, transpose_lhs_hint = false} : vector<80x128xbf16>, vector<128x512xbf16>, vector<80x512xf32> -> vector<80x512xf32>
    %add3A_2832 = arith.addf %add3A_2825, %dot_general3A_2831 : vector<80x512xf32>
    %slice3A_2833 = vector.extract_strided_slice %get3A_2802 {offsets = [4, 0, 0], sizes = [1, 80, 128], strides = [1, 1, 1]} : vector<5x80x128xbf16> to vector<1x80x128xbf16>
    %squeeze3A_2834 = vector.shape_cast %slice3A_2833 : vector<1x80x128xbf16> to vector<80x128xbf16>
    %slice3A_2835 = vector.extract_strided_slice %concatenate3A_2805 {offsets = [0, 4], sizes = [128, 512], strides = [1, 1]} : vector<128x516xf32> to vector<128x512xf32>
    %convert_element_type3A_2836 = arith.truncf %slice3A_2835 : vector<128x512xf32> to vector<128x512xbf16>
    %dot_general3A_2837 = arith.constant dense<0.000000e+00> : vector<80x512xf32>
    %dot_general3A_2838 = tpu.matmul %squeeze3A_2834, %convert_element_type3A_2836, %dot_general3A_2837 {dimension_numbers = #tpu.dot_dimension_numbers<[1], [0], [0], [1], [0, 0, 1, 1], [], []>, transpose_lhs_hint = false} : vector<80x128xbf16>, vector<128x512xbf16>, vector<80x512xf32> -> vector<80x512xf32>
    %add3A_2839 = arith.addf %add3A_2832, %dot_general3A_2838 : vector<80x512xf32>
    %get3A_2840 = arith.constant 0 : index
    %get3A_2841 = arith.constant 0 : index
    %get3A_2842 = vector.load %arg12[%get3A_2840, %get3A_2841] : memref<80x1xf32, #tpu.memory_space<vmem>>, vector<80x1xf32>
    %add3A_2843 = vector.broadcast %get3A_2842 : vector<80x1xf32> to vector<80x512xf32>
    %add3A_2844 = arith.addf %add3A_2839, %add3A_2843 : vector<80x512xf32>
    %swap3A_2845 = arith.constant 6 : index
    %swap3A_2846 = arith.constant 0 : index
    %swap3A_2847 = arith.constant 0 : index
    %swap3A_2848 = vector.load %arg16[%swap3A_2845, %swap3A_2846, %swap3A_2847] : memref<8x80x512xf32, #tpu.memory_space<vmem>>, vector<1x80x512xf32>
    %swap3A_2849 = vector.shape_cast %swap3A_2848 : vector<1x80x512xf32> to vector<80x512xf32>
    %swap3A_2850 = vector.shape_cast %add3A_2844 : vector<80x512xf32> to vector<1x80x512xf32>
    tpu.vector_store %arg16[%swap3A_2845, %swap3A_2846, %swap3A_2847], %swap3A_2850 {strides = array<i32>} : memref<8x80x512xf32, #tpu.memory_space<vmem>>, vector<1x80x512xf32>,
    %get3A_2851 = arith.constant 7 : index
    %get3A_2852 = arith.constant 0 : index
    %get3A_2853 = arith.constant 0 : index
    %get3A_2854 = vector.load %arg1[%get3A_2851, %get3A_2852, %get3A_2853] : memref<8x64x128xf32, #tpu.memory_space<vmem>>, vector<1x64x128xf32>
    %get3A_2855 = vector.shape_cast %get3A_2854 : vector<1x64x128xf32> to vector<64x128xf32>
    %get3A_2856 = arith.constant 0 : index
    %get3A_2857 = arith.constant 0 : index
    %get3A_2858 = arith.constant 0 : index
    %get3A_2859 = vector.load %arg2[%get3A_2856, %get3A_2857, %get3A_2858] : memref<3x128x64xbf16, #tpu.memory_space<vmem>>, vector<3x128x64xbf16>
    %broadcast_in_dim3A_2860 = arith.constant 0.000000e+00 : f32
    %broadcast_in_dim3A_2861 = vector.broadcast %broadcast_in_dim3A_2860 : f32 to vector<64x1xf32>
    %concatenate3A_2862 = tpu.concatenate %broadcast_in_dim3A_2861, %get3A_2855, %broadcast_in_dim3A_2861 in 1 : vector<64x1xf32>, vector<64x128xf32>, vector<64x1xf32> -> vector<64x130xf32>
    %slice3A_2863 = vector.extract_strided_slice %get3A_2859 {offsets = [0, 0, 0], sizes = [1, 128, 64], strides = [1, 1, 1]} : vector<3x128x64xbf16> to vector<1x128x64xbf16>
    %squeeze3A_2864 = vector.shape_cast %slice3A_2863 : vector<1x128x64xbf16> to vector<128x64xbf16>
    %slice3A_2865 = vector.extract_strided_slice %concatenate3A_2862 {offsets = [0, 0], sizes = [64, 128], strides = [1, 1]} : vector<64x130xf32> to vector<64x128xf32>
    %convert_element_type3A_2866 = arith.truncf %slice3A_2865 : vector<64x128xf32> to vector<64x128xbf16>
    %dot_general3A_2867 = arith.constant dense<0.000000e+00> : vector<128x128xf32>
    %dot_general3A_2868 = tpu.matmul %squeeze3A_2864, %convert_element_type3A_2866, %dot_general3A_2867 {dimension_numbers = #tpu.dot_dimension_numbers<[1], [0], [0], [1], [0, 0, 1, 1], [], []>, transpose_lhs_hint = false} : vector<128x64xbf16>, vector<64x128xbf16>, vector<128x128xf32> -> vector<128x128xf32>
    %slice3A_2869 = vector.extract_strided_slice %get3A_2859 {offsets = [1, 0, 0], sizes = [1, 128, 64], strides = [1, 1, 1]} : vector<3x128x64xbf16> to vector<1x128x64xbf16>
    %squeeze3A_2870 = vector.shape_cast %slice3A_2869 : vector<1x128x64xbf16> to vector<128x64xbf16>
    %slice3A_2871 = vector.extract_strided_slice %concatenate3A_2862 {offsets = [0, 1], sizes = [64, 128], strides = [1, 1]} : vector<64x130xf32> to vector<64x128xf32>
    %convert_element_type3A_2872 = arith.truncf %slice3A_2871 : vector<64x128xf32> to vector<64x128xbf16>
    %dot_general3A_2873 = arith.constant dense<0.000000e+00> : vector<128x128xf32>
    %dot_general3A_2874 = tpu.matmul %squeeze3A_2870, %convert_element_type3A_2872, %dot_general3A_2873 {dimension_numbers = #tpu.dot_dimension_numbers<[1], [0], [0], [1], [0, 0, 1, 1], [], []>, transpose_lhs_hint = false} : vector<128x64xbf16>, vector<64x128xbf16>, vector<128x128xf32> -> vector<128x128xf32>
    %add3A_2875 = arith.addf %dot_general3A_2868, %dot_general3A_2874 : vector<128x128xf32>
    %slice3A_2876 = vector.extract_strided_slice %get3A_2859 {offsets = [2, 0, 0], sizes = [1, 128, 64], strides = [1, 1, 1]} : vector<3x128x64xbf16> to vector<1x128x64xbf16>
    %squeeze3A_2877 = vector.shape_cast %slice3A_2876 : vector<1x128x64xbf16> to vector<128x64xbf16>
    %slice3A_2878 = vector.extract_strided_slice %concatenate3A_2862 {offsets = [0, 2], sizes = [64, 128], strides = [1, 1]} : vector<64x130xf32> to vector<64x128xf32>
    %convert_element_type3A_2879 = arith.truncf %slice3A_2878 : vector<64x128xf32> to vector<64x128xbf16>
    %dot_general3A_2880 = arith.constant dense<0.000000e+00> : vector<128x128xf32>
    %dot_general3A_2881 = tpu.matmul %squeeze3A_2877, %convert_element_type3A_2879, %dot_general3A_2880 {dimension_numbers = #tpu.dot_dimension_numbers<[1], [0], [0], [1], [0, 0, 1, 1], [], []>, transpose_lhs_hint = false} : vector<128x64xbf16>, vector<64x128xbf16>, vector<128x128xf32> -> vector<128x128xf32>
    %add3A_2882 = arith.addf %add3A_2875, %dot_general3A_2881 : vector<128x128xf32>
    %get3A_2883 = arith.constant 0 : index
    %get3A_2884 = arith.constant 0 : index
    %get3A_2885 = vector.load %arg3[%get3A_2883, %get3A_2884] : memref<128x1xf32, #tpu.memory_space<vmem>>, vector<128x1xf32>
    %get3A_2886 = arith.constant 0 : index
    %get3A_2887 = arith.constant 0 : index
    %get3A_2888 = vector.load %arg4[%get3A_2886, %get3A_2887] : memref<128x1xf32, #tpu.memory_space<vmem>>, vector<128x1xf32>
    %reduce_sum3A_2889 = arith.constant dense<0.000000e+00> : vector<128xf32>
    %reduce_sum3A_2890 = vector.multi_reduction <add>, %add3A_2882, %reduce_sum3A_2889 [1] : vector<128x128xf32> to vector<128xf32>
    %broadcast_in_dim3A_2891 = vector.shape_cast %reduce_sum3A_2890 : vector<128xf32> to vector<128x1xf32>
    %mul3A_2892 = arith.mulf %add3A_2882, %add3A_2882 : vector<128x128xf32>
    %reduce_sum3A_2893 = arith.constant dense<0.000000e+00> : vector<128xf32>
    %reduce_sum3A_2894 = vector.multi_reduction <add>, %mul3A_2892, %reduce_sum3A_2893 [1] : vector<128x128xf32> to vector<128xf32>
    %broadcast_in_dim3A_2895 = vector.shape_cast %reduce_sum3A_2894 : vector<128xf32> to vector<128x1xf32>
    %concatenate3A_2896 = tpu.concatenate %broadcast_in_dim3A_2891, %broadcast_in_dim3A_2895 in 1 : vector<128x1xf32>, vector<128x1xf32> -> vector<128x2xf32>
    %div3A_2897 = arith.constant 1.280000e+02 : f32
    %div3A_2898 = vector.broadcast %div3A_2897 : f32 to vector<128x2xf32>
    %div3A_2899 = arith.divf %concatenate3A_2896, %div3A_2898 : vector<128x2xf32>
    %dot_general3A_2900 = arith.constant dense<0.000000e+00> : vector<128x2xf32>
    %dot_general3A_2901 = tpu.matmul %get3A_1, %div3A_2899, %dot_general3A_2900 {dimension_numbers = #tpu.dot_dimension_numbers<[1], [0], [0], [1], [0, 0, 1, 1], [], []>, precision = #tpu.contract_precision<fp32>, transpose_lhs_hint = false} : vector<128x128xf32>, vector<128x2xf32>, vector<128x2xf32> -> vector<128x2xf32>
    %slice3A_2902 = vector.extract_strided_slice %dot_general3A_2901 {offsets = [0, 0], sizes = [128, 1], strides = [1, 1]} : vector<128x2xf32> to vector<128x1xf32>
    %slice3A_2903 = vector.extract_strided_slice %dot_general3A_2901 {offsets = [0, 1], sizes = [128, 1], strides = [1, 1]} : vector<128x2xf32> to vector<128x1xf32>
    %mul3A_2904 = arith.mulf %slice3A_2902, %slice3A_2902 : vector<128x1xf32>
    %sub3A_2905 = arith.subf %slice3A_2903, %mul3A_2904 : vector<128x1xf32>
    %add3A_2906 = arith.constant 9.99999974E-6 : f32
    %add3A_2907 = vector.broadcast %add3A_2906 : f32 to vector<128x1xf32>
    %add3A_2908 = arith.addf %sub3A_2905, %add3A_2907 : vector<128x1xf32>
    %sqrt3A_2909 = math.sqrt %add3A_2908 : vector<128x1xf32>
    %div3A_2910 = arith.constant 1.000000e+00 : f32
    %div3A_2911 = vector.broadcast %div3A_2910 : f32 to vector<128x1xf32>
    %div3A_2912 = arith.divf %div3A_2911, %sqrt3A_2909 : vector<128x1xf32>
    %sub3A_2913 = vector.broadcast %slice3A_2902 : vector<128x1xf32> to vector<128x128xf32>
    %sub3A_2914 = arith.subf %add3A_2882, %sub3A_2913 : vector<128x128xf32>
    %mul3A_2915 = vector.broadcast %div3A_2912 : vector<128x1xf32> to vector<128x128xf32>
    %mul3A_2916 = arith.mulf %sub3A_2914, %mul3A_2915 : vector<128x128xf32>
    %mul3A_2917 = vector.broadcast %get3A_2885 : vector<128x1xf32> to vector<128x128xf32>
    %mul3A_2918 = arith.mulf %mul3A_2916, %mul3A_2917 : vector<128x128xf32>
    %add3A_2919 = vector.broadcast %get3A_2888 : vector<128x1xf32> to vector<128x128xf32>
    %add3A_2920 = arith.addf %mul3A_2918, %add3A_2919 : vector<128x128xf32>
    %max3A_2921 = arith.constant 0.000000e+00 : f32
    %max3A_2922 = vector.broadcast %max3A_2921 : f32 to vector<128x128xf32>
    %max3A_2923 = arith.maximumf %add3A_2920, %max3A_2922 : vector<128x128xf32>
    %get3A_2924 = arith.constant 0 : index
    %get3A_2925 = arith.constant 0 : index
    %get3A_2926 = vector.load %arg14[%get3A_2924, %get3A_2925] : memref<128x256xf32, #tpu.memory_space<vmem>>, vector<128x256xf32>
    %dot_general3A_2927 = arith.constant dense<0.000000e+00> : vector<128x256xf32>
    %dot_general3A_2928 = tpu.matmul %max3A_2923, %get3A_2926, %dot_general3A_2927 {dimension_numbers = #tpu.dot_dimension_numbers<[1], [0], [0], [1], [0, 0, 1, 1], [], []>, precision = #tpu.contract_precision<fp32>, transpose_lhs_hint = false} : vector<128x128xf32>, vector<128x256xf32>, vector<128x256xf32> -> vector<128x256xf32>
    %get3A_2929 = arith.constant 0 : index
    %get3A_2930 = arith.constant 0 : index
    %get3A_2931 = arith.constant 0 : index
    %get3A_2932 = vector.load %arg5[%get3A_2929, %get3A_2930, %get3A_2931] : memref<3x128x128xbf16, #tpu.memory_space<vmem>>, vector<3x128x128xbf16>
    %get3A_2933 = arith.constant 0 : index
    %get3A_2934 = arith.constant 0 : index
    %get3A_2935 = vector.load %arg6[%get3A_2933, %get3A_2934] : memref<128x1xf32, #tpu.memory_space<vmem>>, vector<128x1xf32>
    %get3A_2936 = arith.constant 0 : index
    %get3A_2937 = arith.constant 0 : index
    %get3A_2938 = vector.load %arg7[%get3A_2936, %get3A_2937] : memref<128x1xf32, #tpu.memory_space<vmem>>, vector<128x1xf32>
    %get3A_2939 = arith.constant 0 : index
    %get3A_2940 = arith.constant 0 : index
    %get3A_2941 = arith.constant 0 : index
    %get3A_2942 = vector.load %arg8[%get3A_2939, %get3A_2940, %get3A_2941] : memref<3x128x128xbf16, #tpu.memory_space<vmem>>, vector<3x128x128xbf16>
    %get3A_2943 = arith.constant 0 : index
    %get3A_2944 = arith.constant 0 : index
    %get3A_2945 = vector.load %arg9[%get3A_2943, %get3A_2944] : memref<128x1xf32, #tpu.memory_space<vmem>>, vector<128x1xf32>
    %get3A_2946 = arith.constant 0 : index
    %get3A_2947 = arith.constant 0 : index
    %get3A_2948 = vector.load %arg10[%get3A_2946, %get3A_2947] : memref<128x1xf32, #tpu.memory_space<vmem>>, vector<128x1xf32>
    %broadcast_in_dim3A_2949 = arith.constant 0.000000e+00 : f32
    %broadcast_in_dim3A_2950 = vector.broadcast %broadcast_in_dim3A_2949 : f32 to vector<128x1xf32>
    %concatenate3A_2951 = tpu.concatenate %broadcast_in_dim3A_2950, %dot_general3A_2928, %broadcast_in_dim3A_2950 in 1 : vector<128x1xf32>, vector<128x256xf32>, vector<128x1xf32> -> vector<128x258xf32>
    %slice3A_2952 = vector.extract_strided_slice %get3A_2932 {offsets = [0, 0, 0], sizes = [1, 128, 128], strides = [1, 1, 1]} : vector<3x128x128xbf16> to vector<1x128x128xbf16>
    %squeeze3A_2953 = vector.shape_cast %slice3A_2952 : vector<1x128x128xbf16> to vector<128x128xbf16>
    %slice3A_2954 = vector.extract_strided_slice %concatenate3A_2951 {offsets = [0, 0], sizes = [128, 256], strides = [1, 1]} : vector<128x258xf32> to vector<128x256xf32>
    %convert_element_type3A_2955 = arith.truncf %slice3A_2954 : vector<128x256xf32> to vector<128x256xbf16>
    %dot_general3A_2956 = arith.constant dense<0.000000e+00> : vector<128x256xf32>
    %dot_general3A_2957 = tpu.matmul %squeeze3A_2953, %convert_element_type3A_2955, %dot_general3A_2956 {dimension_numbers = #tpu.dot_dimension_numbers<[1], [0], [0], [1], [0, 0, 1, 1], [], []>, transpose_lhs_hint = false} : vector<128x128xbf16>, vector<128x256xbf16>, vector<128x256xf32> -> vector<128x256xf32>
    %slice3A_2958 = vector.extract_strided_slice %get3A_2932 {offsets = [1, 0, 0], sizes = [1, 128, 128], strides = [1, 1, 1]} : vector<3x128x128xbf16> to vector<1x128x128xbf16>
    %squeeze3A_2959 = vector.shape_cast %slice3A_2958 : vector<1x128x128xbf16> to vector<128x128xbf16>
    %slice3A_2960 = vector.extract_strided_slice %concatenate3A_2951 {offsets = [0, 1], sizes = [128, 256], strides = [1, 1]} : vector<128x258xf32> to vector<128x256xf32>
    %convert_element_type3A_2961 = arith.truncf %slice3A_2960 : vector<128x256xf32> to vector<128x256xbf16>
    %dot_general3A_2962 = arith.constant dense<0.000000e+00> : vector<128x256xf32>
    %dot_general3A_2963 = tpu.matmul %squeeze3A_2959, %convert_element_type3A_2961, %dot_general3A_2962 {dimension_numbers = #tpu.dot_dimension_numbers<[1], [0], [0], [1], [0, 0, 1, 1], [], []>, transpose_lhs_hint = false} : vector<128x128xbf16>, vector<128x256xbf16>, vector<128x256xf32> -> vector<128x256xf32>
    %add3A_2964 = arith.addf %dot_general3A_2957, %dot_general3A_2963 : vector<128x256xf32>
    %slice3A_2965 = vector.extract_strided_slice %get3A_2932 {offsets = [2, 0, 0], sizes = [1, 128, 128], strides = [1, 1, 1]} : vector<3x128x128xbf16> to vector<1x128x128xbf16>
    %squeeze3A_2966 = vector.shape_cast %slice3A_2965 : vector<1x128x128xbf16> to vector<128x128xbf16>
    %slice3A_2967 = vector.extract_strided_slice %concatenate3A_2951 {offsets = [0, 2], sizes = [128, 256], strides = [1, 1]} : vector<128x258xf32> to vector<128x256xf32>
    %convert_element_type3A_2968 = arith.truncf %slice3A_2967 : vector<128x256xf32> to vector<128x256xbf16>
    %dot_general3A_2969 = arith.constant dense<0.000000e+00> : vector<128x256xf32>
    %dot_general3A_2970 = tpu.matmul %squeeze3A_2966, %convert_element_type3A_2968, %dot_general3A_2969 {dimension_numbers = #tpu.dot_dimension_numbers<[1], [0], [0], [1], [0, 0, 1, 1], [], []>, transpose_lhs_hint = false} : vector<128x128xbf16>, vector<128x256xbf16>, vector<128x256xf32> -> vector<128x256xf32>
    %add3A_2971 = arith.addf %add3A_2964, %dot_general3A_2970 : vector<128x256xf32>
    %reduce_sum3A_2972 = arith.constant dense<0.000000e+00> : vector<128xf32>
    %reduce_sum3A_2973 = vector.multi_reduction <add>, %add3A_2971, %reduce_sum3A_2972 [1] : vector<128x256xf32> to vector<128xf32>
    %broadcast_in_dim3A_2974 = vector.shape_cast %reduce_sum3A_2973 : vector<128xf32> to vector<128x1xf32>
    %mul3A_2975 = arith.mulf %add3A_2971, %add3A_2971 : vector<128x256xf32>
    %reduce_sum3A_2976 = arith.constant dense<0.000000e+00> : vector<128xf32>
    %reduce_sum3A_2977 = vector.multi_reduction <add>, %mul3A_2975, %reduce_sum3A_2976 [1] : vector<128x256xf32> to vector<128xf32>
    %broadcast_in_dim3A_2978 = vector.shape_cast %reduce_sum3A_2977 : vector<128xf32> to vector<128x1xf32>
    %concatenate3A_2979 = tpu.concatenate %broadcast_in_dim3A_2974, %broadcast_in_dim3A_2978 in 1 : vector<128x1xf32>, vector<128x1xf32> -> vector<128x2xf32>
    %div3A_2980 = arith.constant 2.560000e+02 : f32
    %div3A_2981 = vector.broadcast %div3A_2980 : f32 to vector<128x2xf32>
    %div3A_2982 = arith.divf %concatenate3A_2979, %div3A_2981 : vector<128x2xf32>
    %dot_general3A_2983 = arith.constant dense<0.000000e+00> : vector<128x2xf32>
    %dot_general3A_2984 = tpu.matmul %get3A_1, %div3A_2982, %dot_general3A_2983 {dimension_numbers = #tpu.dot_dimension_numbers<[1], [0], [0], [1], [0, 0, 1, 1], [], []>, precision = #tpu.contract_precision<fp32>, transpose_lhs_hint = false} : vector<128x128xf32>, vector<128x2xf32>, vector<128x2xf32> -> vector<128x2xf32>
    %slice3A_2985 = vector.extract_strided_slice %dot_general3A_2984 {offsets = [0, 0], sizes = [128, 1], strides = [1, 1]} : vector<128x2xf32> to vector<128x1xf32>
    %slice3A_2986 = vector.extract_strided_slice %dot_general3A_2984 {offsets = [0, 1], sizes = [128, 1], strides = [1, 1]} : vector<128x2xf32> to vector<128x1xf32>
    %mul3A_2987 = arith.mulf %slice3A_2985, %slice3A_2985 : vector<128x1xf32>
    %sub3A_2988 = arith.subf %slice3A_2986, %mul3A_2987 : vector<128x1xf32>
    %add3A_2989 = arith.constant 9.99999974E-6 : f32
    %add3A_2990 = vector.broadcast %add3A_2989 : f32 to vector<128x1xf32>
    %add3A_2991 = arith.addf %sub3A_2988, %add3A_2990 : vector<128x1xf32>
    %sqrt3A_2992 = math.sqrt %add3A_2991 : vector<128x1xf32>
    %div3A_2993 = arith.constant 1.000000e+00 : f32
    %div3A_2994 = vector.broadcast %div3A_2993 : f32 to vector<128x1xf32>
    %div3A_2995 = arith.divf %div3A_2994, %sqrt3A_2992 : vector<128x1xf32>
    %sub3A_2996 = vector.broadcast %slice3A_2985 : vector<128x1xf32> to vector<128x256xf32>
    %sub3A_2997 = arith.subf %add3A_2971, %sub3A_2996 : vector<128x256xf32>
    %mul3A_2998 = vector.broadcast %div3A_2995 : vector<128x1xf32> to vector<128x256xf32>
    %mul3A_2999 = arith.mulf %sub3A_2997, %mul3A_2998 : vector<128x256xf32>
    %mul3A_3000 = vector.broadcast %get3A_2935 : vector<128x1xf32> to vector<128x256xf32>
    %mul3A_3001 = arith.mulf %mul3A_2999, %mul3A_3000 : vector<128x256xf32>
    %add3A_3002 = vector.broadcast %get3A_2938 : vector<128x1xf32> to vector<128x256xf32>
    %add3A_3003 = arith.addf %mul3A_3001, %add3A_3002 : vector<128x256xf32>
    %max3A_3004 = arith.constant 0.000000e+00 : f32
    %max3A_3005 = vector.broadcast %max3A_3004 : f32 to vector<128x256xf32>
    %max3A_3006 = arith.maximumf %add3A_3003, %max3A_3005 : vector<128x256xf32>
    %broadcast_in_dim3A_3007 = arith.constant 0.000000e+00 : f32
    %broadcast_in_dim3A_3008 = vector.broadcast %broadcast_in_dim3A_3007 : f32 to vector<128x1xf32>
    %concatenate3A_3009 = tpu.concatenate %broadcast_in_dim3A_3008, %max3A_3006, %broadcast_in_dim3A_3008 in 1 : vector<128x1xf32>, vector<128x256xf32>, vector<128x1xf32> -> vector<128x258xf32>
    %slice3A_3010 = vector.extract_strided_slice %get3A_2942 {offsets = [0, 0, 0], sizes = [1, 128, 128], strides = [1, 1, 1]} : vector<3x128x128xbf16> to vector<1x128x128xbf16>
    %squeeze3A_3011 = vector.shape_cast %slice3A_3010 : vector<1x128x128xbf16> to vector<128x128xbf16>
    %slice3A_3012 = vector.extract_strided_slice %concatenate3A_3009 {offsets = [0, 0], sizes = [128, 256], strides = [1, 1]} : vector<128x258xf32> to vector<128x256xf32>
    %convert_element_type3A_3013 = arith.truncf %slice3A_3012 : vector<128x256xf32> to vector<128x256xbf16>
    %dot_general3A_3014 = arith.constant dense<0.000000e+00> : vector<128x256xf32>
    %dot_general3A_3015 = tpu.matmul %squeeze3A_3011, %convert_element_type3A_3013, %dot_general3A_3014 {dimension_numbers = #tpu.dot_dimension_numbers<[1], [0], [0], [1], [0, 0, 1, 1], [], []>, transpose_lhs_hint = false} : vector<128x128xbf16>, vector<128x256xbf16>, vector<128x256xf32> -> vector<128x256xf32>
    %slice3A_3016 = vector.extract_strided_slice %get3A_2942 {offsets = [1, 0, 0], sizes = [1, 128, 128], strides = [1, 1, 1]} : vector<3x128x128xbf16> to vector<1x128x128xbf16>
    %squeeze3A_3017 = vector.shape_cast %slice3A_3016 : vector<1x128x128xbf16> to vector<128x128xbf16>
    %slice3A_3018 = vector.extract_strided_slice %concatenate3A_3009 {offsets = [0, 1], sizes = [128, 256], strides = [1, 1]} : vector<128x258xf32> to vector<128x256xf32>
    %convert_element_type3A_3019 = arith.truncf %slice3A_3018 : vector<128x256xf32> to vector<128x256xbf16>
    %dot_general3A_3020 = arith.constant dense<0.000000e+00> : vector<128x256xf32>
    %dot_general3A_3021 = tpu.matmul %squeeze3A_3017, %convert_element_type3A_3019, %dot_general3A_3020 {dimension_numbers = #tpu.dot_dimension_numbers<[1], [0], [0], [1], [0, 0, 1, 1], [], []>, transpose_lhs_hint = false} : vector<128x128xbf16>, vector<128x256xbf16>, vector<128x256xf32> -> vector<128x256xf32>
    %add3A_3022 = arith.addf %dot_general3A_3015, %dot_general3A_3021 : vector<128x256xf32>
    %slice3A_3023 = vector.extract_strided_slice %get3A_2942 {offsets = [2, 0, 0], sizes = [1, 128, 128], strides = [1, 1, 1]} : vector<3x128x128xbf16> to vector<1x128x128xbf16>
    %squeeze3A_3024 = vector.shape_cast %slice3A_3023 : vector<1x128x128xbf16> to vector<128x128xbf16>
    %slice3A_3025 = vector.extract_strided_slice %concatenate3A_3009 {offsets = [0, 2], sizes = [128, 256], strides = [1, 1]} : vector<128x258xf32> to vector<128x256xf32>
    %convert_element_type3A_3026 = arith.truncf %slice3A_3025 : vector<128x256xf32> to vector<128x256xbf16>
    %dot_general3A_3027 = arith.constant dense<0.000000e+00> : vector<128x256xf32>
    %dot_general3A_3028 = tpu.matmul %squeeze3A_3024, %convert_element_type3A_3026, %dot_general3A_3027 {dimension_numbers = #tpu.dot_dimension_numbers<[1], [0], [0], [1], [0, 0, 1, 1], [], []>, transpose_lhs_hint = false} : vector<128x128xbf16>, vector<128x256xbf16>, vector<128x256xf32> -> vector<128x256xf32>
    %add3A_3029 = arith.addf %add3A_3022, %dot_general3A_3028 : vector<128x256xf32>
    %reduce_sum3A_3030 = arith.constant dense<0.000000e+00> : vector<128xf32>
    %reduce_sum3A_3031 = vector.multi_reduction <add>, %add3A_3029, %reduce_sum3A_3030 [1] : vector<128x256xf32> to vector<128xf32>
    %broadcast_in_dim3A_3032 = vector.shape_cast %reduce_sum3A_3031 : vector<128xf32> to vector<128x1xf32>
    %mul3A_3033 = arith.mulf %add3A_3029, %add3A_3029 : vector<128x256xf32>
    %reduce_sum3A_3034 = arith.constant dense<0.000000e+00> : vector<128xf32>
    %reduce_sum3A_3035 = vector.multi_reduction <add>, %mul3A_3033, %reduce_sum3A_3034 [1] : vector<128x256xf32> to vector<128xf32>
    %broadcast_in_dim3A_3036 = vector.shape_cast %reduce_sum3A_3035 : vector<128xf32> to vector<128x1xf32>
    %concatenate3A_3037 = tpu.concatenate %broadcast_in_dim3A_3032, %broadcast_in_dim3A_3036 in 1 : vector<128x1xf32>, vector<128x1xf32> -> vector<128x2xf32>
    %div3A_3038 = arith.constant 2.560000e+02 : f32
    %div3A_3039 = vector.broadcast %div3A_3038 : f32 to vector<128x2xf32>
    %div3A_3040 = arith.divf %concatenate3A_3037, %div3A_3039 : vector<128x2xf32>
    %dot_general3A_3041 = arith.constant dense<0.000000e+00> : vector<128x2xf32>
    %dot_general3A_3042 = tpu.matmul %get3A_1, %div3A_3040, %dot_general3A_3041 {dimension_numbers = #tpu.dot_dimension_numbers<[1], [0], [0], [1], [0, 0, 1, 1], [], []>, precision = #tpu.contract_precision<fp32>, transpose_lhs_hint = false} : vector<128x128xf32>, vector<128x2xf32>, vector<128x2xf32> -> vector<128x2xf32>
    %slice3A_3043 = vector.extract_strided_slice %dot_general3A_3042 {offsets = [0, 0], sizes = [128, 1], strides = [1, 1]} : vector<128x2xf32> to vector<128x1xf32>
    %slice3A_3044 = vector.extract_strided_slice %dot_general3A_3042 {offsets = [0, 1], sizes = [128, 1], strides = [1, 1]} : vector<128x2xf32> to vector<128x1xf32>
    %mul3A_3045 = arith.mulf %slice3A_3043, %slice3A_3043 : vector<128x1xf32>
    %sub3A_3046 = arith.subf %slice3A_3044, %mul3A_3045 : vector<128x1xf32>
    %add3A_3047 = arith.constant 9.99999974E-6 : f32
    %add3A_3048 = vector.broadcast %add3A_3047 : f32 to vector<128x1xf32>
    %add3A_3049 = arith.addf %sub3A_3046, %add3A_3048 : vector<128x1xf32>
    %sqrt3A_3050 = math.sqrt %add3A_3049 : vector<128x1xf32>
    %div3A_3051 = arith.constant 1.000000e+00 : f32
    %div3A_3052 = vector.broadcast %div3A_3051 : f32 to vector<128x1xf32>
    %div3A_3053 = arith.divf %div3A_3052, %sqrt3A_3050 : vector<128x1xf32>
    %sub3A_3054 = vector.broadcast %slice3A_3043 : vector<128x1xf32> to vector<128x256xf32>
    %sub3A_3055 = arith.subf %add3A_3029, %sub3A_3054 : vector<128x256xf32>
    %mul3A_3056 = vector.broadcast %div3A_3053 : vector<128x1xf32> to vector<128x256xf32>
    %mul3A_3057 = arith.mulf %sub3A_3055, %mul3A_3056 : vector<128x256xf32>
    %mul3A_3058 = vector.broadcast %get3A_2945 : vector<128x1xf32> to vector<128x256xf32>
    %mul3A_3059 = arith.mulf %mul3A_3057, %mul3A_3058 : vector<128x256xf32>
    %add3A_3060 = vector.broadcast %get3A_2948 : vector<128x1xf32> to vector<128x256xf32>
    %add3A_3061 = arith.addf %mul3A_3059, %add3A_3060 : vector<128x256xf32>
    %add3A_3062 = arith.addf %dot_general3A_2928, %add3A_3061 : vector<128x256xf32>
    %max3A_3063 = arith.constant 0.000000e+00 : f32
    %max3A_3064 = vector.broadcast %max3A_3063 : f32 to vector<128x256xf32>
    %max3A_3065 = arith.maximumf %add3A_3062, %max3A_3064 : vector<128x256xf32>
    %get3A_3066 = arith.constant 0 : index
    %get3A_3067 = arith.constant 0 : index
    %get3A_3068 = vector.load %arg15[%get3A_3066, %get3A_3067] : memref<256x512xf32, #tpu.memory_space<vmem>>, vector<256x512xf32>
    %dot_general3A_3069 = arith.constant dense<0.000000e+00> : vector<128x512xf32>
    %dot_general3A_3070 = tpu.matmul %max3A_3065, %get3A_3068, %dot_general3A_3069 {dimension_numbers = #tpu.dot_dimension_numbers<[1], [0], [0], [1], [0, 0, 1, 1], [], []>, precision = #tpu.contract_precision<fp32>, transpose_lhs_hint = false} : vector<128x256xf32>, vector<256x512xf32>, vector<128x512xf32> -> vector<128x512xf32>
    %get3A_3071 = arith.constant 0 : index
    %get3A_3072 = arith.constant 0 : index
    %get3A_3073 = arith.constant 0 : index
    %get3A_3074 = vector.load %arg5[%get3A_3071, %get3A_3072, %get3A_3073] : memref<3x128x128xbf16, #tpu.memory_space<vmem>>, vector<3x128x128xbf16>
    %get3A_3075 = arith.constant 0 : index
    %get3A_3076 = arith.constant 0 : index
    %get3A_3077 = vector.load %arg6[%get3A_3075, %get3A_3076] : memref<128x1xf32, #tpu.memory_space<vmem>>, vector<128x1xf32>
    %get3A_3078 = arith.constant 0 : index
    %get3A_3079 = arith.constant 0 : index
    %get3A_3080 = vector.load %arg7[%get3A_3078, %get3A_3079] : memref<128x1xf32, #tpu.memory_space<vmem>>, vector<128x1xf32>
    %get3A_3081 = arith.constant 0 : index
    %get3A_3082 = arith.constant 0 : index
    %get3A_3083 = arith.constant 0 : index
    %get3A_3084 = vector.load %arg8[%get3A_3081, %get3A_3082, %get3A_3083] : memref<3x128x128xbf16, #tpu.memory_space<vmem>>, vector<3x128x128xbf16>
    %get3A_3085 = arith.constant 0 : index
    %get3A_3086 = arith.constant 0 : index
    %get3A_3087 = vector.load %arg9[%get3A_3085, %get3A_3086] : memref<128x1xf32, #tpu.memory_space<vmem>>, vector<128x1xf32>
    %get3A_3088 = arith.constant 0 : index
    %get3A_3089 = arith.constant 0 : index
    %get3A_3090 = vector.load %arg10[%get3A_3088, %get3A_3089] : memref<128x1xf32, #tpu.memory_space<vmem>>, vector<128x1xf32>
    %broadcast_in_dim3A_3091 = arith.constant 0.000000e+00 : f32
    %broadcast_in_dim3A_3092 = vector.broadcast %broadcast_in_dim3A_3091 : f32 to vector<128x1xf32>
    %concatenate3A_3093 = tpu.concatenate %broadcast_in_dim3A_3092, %dot_general3A_3070, %broadcast_in_dim3A_3092 in 1 : vector<128x1xf32>, vector<128x512xf32>, vector<128x1xf32> -> vector<128x514xf32>
    %slice3A_3094 = vector.extract_strided_slice %get3A_3074 {offsets = [0, 0, 0], sizes = [1, 128, 128], strides = [1, 1, 1]} : vector<3x128x128xbf16> to vector<1x128x128xbf16>
    %squeeze3A_3095 = vector.shape_cast %slice3A_3094 : vector<1x128x128xbf16> to vector<128x128xbf16>
    %slice3A_3096 = vector.extract_strided_slice %concatenate3A_3093 {offsets = [0, 0], sizes = [128, 512], strides = [1, 1]} : vector<128x514xf32> to vector<128x512xf32>
    %convert_element_type3A_3097 = arith.truncf %slice3A_3096 : vector<128x512xf32> to vector<128x512xbf16>
    %dot_general3A_3098 = arith.constant dense<0.000000e+00> : vector<128x512xf32>
    %dot_general3A_3099 = tpu.matmul %squeeze3A_3095, %convert_element_type3A_3097, %dot_general3A_3098 {dimension_numbers = #tpu.dot_dimension_numbers<[1], [0], [0], [1], [0, 0, 1, 1], [], []>, transpose_lhs_hint = false} : vector<128x128xbf16>, vector<128x512xbf16>, vector<128x512xf32> -> vector<128x512xf32>
    %slice3A_3100 = vector.extract_strided_slice %get3A_3074 {offsets = [1, 0, 0], sizes = [1, 128, 128], strides = [1, 1, 1]} : vector<3x128x128xbf16> to vector<1x128x128xbf16>
    %squeeze3A_3101 = vector.shape_cast %slice3A_3100 : vector<1x128x128xbf16> to vector<128x128xbf16>
    %slice3A_3102 = vector.extract_strided_slice %concatenate3A_3093 {offsets = [0, 1], sizes = [128, 512], strides = [1, 1]} : vector<128x514xf32> to vector<128x512xf32>
    %convert_element_type3A_3103 = arith.truncf %slice3A_3102 : vector<128x512xf32> to vector<128x512xbf16>
    %dot_general3A_3104 = arith.constant dense<0.000000e+00> : vector<128x512xf32>
    %dot_general3A_3105 = tpu.matmul %squeeze3A_3101, %convert_element_type3A_3103, %dot_general3A_3104 {dimension_numbers = #tpu.dot_dimension_numbers<[1], [0], [0], [1], [0, 0, 1, 1], [], []>, transpose_lhs_hint = false} : vector<128x128xbf16>, vector<128x512xbf16>, vector<128x512xf32> -> vector<128x512xf32>
    %add3A_3106 = arith.addf %dot_general3A_3099, %dot_general3A_3105 : vector<128x512xf32>
    %slice3A_3107 = vector.extract_strided_slice %get3A_3074 {offsets = [2, 0, 0], sizes = [1, 128, 128], strides = [1, 1, 1]} : vector<3x128x128xbf16> to vector<1x128x128xbf16>
    %squeeze3A_3108 = vector.shape_cast %slice3A_3107 : vector<1x128x128xbf16> to vector<128x128xbf16>
    %slice3A_3109 = vector.extract_strided_slice %concatenate3A_3093 {offsets = [0, 2], sizes = [128, 512], strides = [1, 1]} : vector<128x514xf32> to vector<128x512xf32>
    %convert_element_type3A_3110 = arith.truncf %slice3A_3109 : vector<128x512xf32> to vector<128x512xbf16>
    %dot_general3A_3111 = arith.constant dense<0.000000e+00> : vector<128x512xf32>
    %dot_general3A_3112 = tpu.matmul %squeeze3A_3108, %convert_element_type3A_3110, %dot_general3A_3111 {dimension_numbers = #tpu.dot_dimension_numbers<[1], [0], [0], [1], [0, 0, 1, 1], [], []>, transpose_lhs_hint = false} : vector<128x128xbf16>, vector<128x512xbf16>, vector<128x512xf32> -> vector<128x512xf32>
    %add3A_3113 = arith.addf %add3A_3106, %dot_general3A_3112 : vector<128x512xf32>
    %reduce_sum3A_3114 = arith.constant dense<0.000000e+00> : vector<128xf32>
    %reduce_sum3A_3115 = vector.multi_reduction <add>, %add3A_3113, %reduce_sum3A_3114 [1] : vector<128x512xf32> to vector<128xf32>
    %broadcast_in_dim3A_3116 = vector.shape_cast %reduce_sum3A_3115 : vector<128xf32> to vector<128x1xf32>
    %mul3A_3117 = arith.mulf %add3A_3113, %add3A_3113 : vector<128x512xf32>
    %reduce_sum3A_3118 = arith.constant dense<0.000000e+00> : vector<128xf32>
    %reduce_sum3A_3119 = vector.multi_reduction <add>, %mul3A_3117, %reduce_sum3A_3118 [1] : vector<128x512xf32> to vector<128xf32>
    %broadcast_in_dim3A_3120 = vector.shape_cast %reduce_sum3A_3119 : vector<128xf32> to vector<128x1xf32>
    %concatenate3A_3121 = tpu.concatenate %broadcast_in_dim3A_3116, %broadcast_in_dim3A_3120 in 1 : vector<128x1xf32>, vector<128x1xf32> -> vector<128x2xf32>
    %div3A_3122 = arith.constant 5.120000e+02 : f32
    %div3A_3123 = vector.broadcast %div3A_3122 : f32 to vector<128x2xf32>
    %div3A_3124 = arith.divf %concatenate3A_3121, %div3A_3123 : vector<128x2xf32>
    %dot_general3A_3125 = arith.constant dense<0.000000e+00> : vector<128x2xf32>
    %dot_general3A_3126 = tpu.matmul %get3A_1, %div3A_3124, %dot_general3A_3125 {dimension_numbers = #tpu.dot_dimension_numbers<[1], [0], [0], [1], [0, 0, 1, 1], [], []>, precision = #tpu.contract_precision<fp32>, transpose_lhs_hint = false} : vector<128x128xf32>, vector<128x2xf32>, vector<128x2xf32> -> vector<128x2xf32>
    %slice3A_3127 = vector.extract_strided_slice %dot_general3A_3126 {offsets = [0, 0], sizes = [128, 1], strides = [1, 1]} : vector<128x2xf32> to vector<128x1xf32>
    %slice3A_3128 = vector.extract_strided_slice %dot_general3A_3126 {offsets = [0, 1], sizes = [128, 1], strides = [1, 1]} : vector<128x2xf32> to vector<128x1xf32>
    %mul3A_3129 = arith.mulf %slice3A_3127, %slice3A_3127 : vector<128x1xf32>
    %sub3A_3130 = arith.subf %slice3A_3128, %mul3A_3129 : vector<128x1xf32>
    %add3A_3131 = arith.constant 9.99999974E-6 : f32
    %add3A_3132 = vector.broadcast %add3A_3131 : f32 to vector<128x1xf32>
    %add3A_3133 = arith.addf %sub3A_3130, %add3A_3132 : vector<128x1xf32>
    %sqrt3A_3134 = math.sqrt %add3A_3133 : vector<128x1xf32>
    %div3A_3135 = arith.constant 1.000000e+00 : f32
    %div3A_3136 = vector.broadcast %div3A_3135 : f32 to vector<128x1xf32>
    %div3A_3137 = arith.divf %div3A_3136, %sqrt3A_3134 : vector<128x1xf32>
    %sub3A_3138 = vector.broadcast %slice3A_3127 : vector<128x1xf32> to vector<128x512xf32>
    %sub3A_3139 = arith.subf %add3A_3113, %sub3A_3138 : vector<128x512xf32>
    %mul3A_3140 = vector.broadcast %div3A_3137 : vector<128x1xf32> to vector<128x512xf32>
    %mul3A_3141 = arith.mulf %sub3A_3139, %mul3A_3140 : vector<128x512xf32>
    %mul3A_3142 = vector.broadcast %get3A_3077 : vector<128x1xf32> to vector<128x512xf32>
    %mul3A_3143 = arith.mulf %mul3A_3141, %mul3A_3142 : vector<128x512xf32>
    %add3A_3144 = vector.broadcast %get3A_3080 : vector<128x1xf32> to vector<128x512xf32>
    %add3A_3145 = arith.addf %mul3A_3143, %add3A_3144 : vector<128x512xf32>
    %max3A_3146 = arith.constant 0.000000e+00 : f32
    %max3A_3147 = vector.broadcast %max3A_3146 : f32 to vector<128x512xf32>
    %max3A_3148 = arith.maximumf %add3A_3145, %max3A_3147 : vector<128x512xf32>
    %broadcast_in_dim3A_3149 = arith.constant 0.000000e+00 : f32
    %broadcast_in_dim3A_3150 = vector.broadcast %broadcast_in_dim3A_3149 : f32 to vector<128x1xf32>
    %concatenate3A_3151 = tpu.concatenate %broadcast_in_dim3A_3150, %max3A_3148, %broadcast_in_dim3A_3150 in 1 : vector<128x1xf32>, vector<128x512xf32>, vector<128x1xf32> -> vector<128x514xf32>
    %slice3A_3152 = vector.extract_strided_slice %get3A_3084 {offsets = [0, 0, 0], sizes = [1, 128, 128], strides = [1, 1, 1]} : vector<3x128x128xbf16> to vector<1x128x128xbf16>
    %squeeze3A_3153 = vector.shape_cast %slice3A_3152 : vector<1x128x128xbf16> to vector<128x128xbf16>
    %slice3A_3154 = vector.extract_strided_slice %concatenate3A_3151 {offsets = [0, 0], sizes = [128, 512], strides = [1, 1]} : vector<128x514xf32> to vector<128x512xf32>
    %convert_element_type3A_3155 = arith.truncf %slice3A_3154 : vector<128x512xf32> to vector<128x512xbf16>
    %dot_general3A_3156 = arith.constant dense<0.000000e+00> : vector<128x512xf32>
    %dot_general3A_3157 = tpu.matmul %squeeze3A_3153, %convert_element_type3A_3155, %dot_general3A_3156 {dimension_numbers = #tpu.dot_dimension_numbers<[1], [0], [0], [1], [0, 0, 1, 1], [], []>, transpose_lhs_hint = false} : vector<128x128xbf16>, vector<128x512xbf16>, vector<128x512xf32> -> vector<128x512xf32>
    %slice3A_3158 = vector.extract_strided_slice %get3A_3084 {offsets = [1, 0, 0], sizes = [1, 128, 128], strides = [1, 1, 1]} : vector<3x128x128xbf16> to vector<1x128x128xbf16>
    %squeeze3A_3159 = vector.shape_cast %slice3A_3158 : vector<1x128x128xbf16> to vector<128x128xbf16>
    %slice3A_3160 = vector.extract_strided_slice %concatenate3A_3151 {offsets = [0, 1], sizes = [128, 512], strides = [1, 1]} : vector<128x514xf32> to vector<128x512xf32>
    %convert_element_type3A_3161 = arith.truncf %slice3A_3160 : vector<128x512xf32> to vector<128x512xbf16>
    %dot_general3A_3162 = arith.constant dense<0.000000e+00> : vector<128x512xf32>
    %dot_general3A_3163 = tpu.matmul %squeeze3A_3159, %convert_element_type3A_3161, %dot_general3A_3162 {dimension_numbers = #tpu.dot_dimension_numbers<[1], [0], [0], [1], [0, 0, 1, 1], [], []>, transpose_lhs_hint = false} : vector<128x128xbf16>, vector<128x512xbf16>, vector<128x512xf32> -> vector<128x512xf32>
    %add3A_3164 = arith.addf %dot_general3A_3157, %dot_general3A_3163 : vector<128x512xf32>
    %slice3A_3165 = vector.extract_strided_slice %get3A_3084 {offsets = [2, 0, 0], sizes = [1, 128, 128], strides = [1, 1, 1]} : vector<3x128x128xbf16> to vector<1x128x128xbf16>
    %squeeze3A_3166 = vector.shape_cast %slice3A_3165 : vector<1x128x128xbf16> to vector<128x128xbf16>
    %slice3A_3167 = vector.extract_strided_slice %concatenate3A_3151 {offsets = [0, 2], sizes = [128, 512], strides = [1, 1]} : vector<128x514xf32> to vector<128x512xf32>
    %convert_element_type3A_3168 = arith.truncf %slice3A_3167 : vector<128x512xf32> to vector<128x512xbf16>
    %dot_general3A_3169 = arith.constant dense<0.000000e+00> : vector<128x512xf32>
    %dot_general3A_3170 = tpu.matmul %squeeze3A_3166, %convert_element_type3A_3168, %dot_general3A_3169 {dimension_numbers = #tpu.dot_dimension_numbers<[1], [0], [0], [1], [0, 0, 1, 1], [], []>, transpose_lhs_hint = false} : vector<128x128xbf16>, vector<128x512xbf16>, vector<128x512xf32> -> vector<128x512xf32>
    %add3A_3171 = arith.addf %add3A_3164, %dot_general3A_3170 : vector<128x512xf32>
    %reduce_sum3A_3172 = arith.constant dense<0.000000e+00> : vector<128xf32>
    %reduce_sum3A_3173 = vector.multi_reduction <add>, %add3A_3171, %reduce_sum3A_3172 [1] : vector<128x512xf32> to vector<128xf32>
    %broadcast_in_dim3A_3174 = vector.shape_cast %reduce_sum3A_3173 : vector<128xf32> to vector<128x1xf32>
    %mul3A_3175 = arith.mulf %add3A_3171, %add3A_3171 : vector<128x512xf32>
    %reduce_sum3A_3176 = arith.constant dense<0.000000e+00> : vector<128xf32>
    %reduce_sum3A_3177 = vector.multi_reduction <add>, %mul3A_3175, %reduce_sum3A_3176 [1] : vector<128x512xf32> to vector<128xf32>
    %broadcast_in_dim3A_3178 = vector.shape_cast %reduce_sum3A_3177 : vector<128xf32> to vector<128x1xf32>
    %concatenate3A_3179 = tpu.concatenate %broadcast_in_dim3A_3174, %broadcast_in_dim3A_3178 in 1 : vector<128x1xf32>, vector<128x1xf32> -> vector<128x2xf32>
    %div3A_3180 = arith.constant 5.120000e+02 : f32
    %div3A_3181 = vector.broadcast %div3A_3180 : f32 to vector<128x2xf32>
    %div3A_3182 = arith.divf %concatenate3A_3179, %div3A_3181 : vector<128x2xf32>
    %dot_general3A_3183 = arith.constant dense<0.000000e+00> : vector<128x2xf32>
    %dot_general3A_3184 = tpu.matmul %get3A_1, %div3A_3182, %dot_general3A_3183 {dimension_numbers = #tpu.dot_dimension_numbers<[1], [0], [0], [1], [0, 0, 1, 1], [], []>, precision = #tpu.contract_precision<fp32>, transpose_lhs_hint = false} : vector<128x128xf32>, vector<128x2xf32>, vector<128x2xf32> -> vector<128x2xf32>
    %slice3A_3185 = vector.extract_strided_slice %dot_general3A_3184 {offsets = [0, 0], sizes = [128, 1], strides = [1, 1]} : vector<128x2xf32> to vector<128x1xf32>
    %slice3A_3186 = vector.extract_strided_slice %dot_general3A_3184 {offsets = [0, 1], sizes = [128, 1], strides = [1, 1]} : vector<128x2xf32> to vector<128x1xf32>
    %mul3A_3187 = arith.mulf %slice3A_3185, %slice3A_3185 : vector<128x1xf32>
    %sub3A_3188 = arith.subf %slice3A_3186, %mul3A_3187 : vector<128x1xf32>
    %add3A_3189 = arith.constant 9.99999974E-6 : f32
    %add3A_3190 = vector.broadcast %add3A_3189 : f32 to vector<128x1xf32>
    %add3A_3191 = arith.addf %sub3A_3188, %add3A_3190 : vector<128x1xf32>
    %sqrt3A_3192 = math.sqrt %add3A_3191 : vector<128x1xf32>
    %div3A_3193 = arith.constant 1.000000e+00 : f32
    %div3A_3194 = vector.broadcast %div3A_3193 : f32 to vector<128x1xf32>
    %div3A_3195 = arith.divf %div3A_3194, %sqrt3A_3192 : vector<128x1xf32>
    %sub3A_3196 = vector.broadcast %slice3A_3185 : vector<128x1xf32> to vector<128x512xf32>
    %sub3A_3197 = arith.subf %add3A_3171, %sub3A_3196 : vector<128x512xf32>
    %mul3A_3198 = vector.broadcast %div3A_3195 : vector<128x1xf32> to vector<128x512xf32>
    %mul3A_3199 = arith.mulf %sub3A_3197, %mul3A_3198 : vector<128x512xf32>
    %mul3A_3200 = vector.broadcast %get3A_3087 : vector<128x1xf32> to vector<128x512xf32>
    %mul3A_3201 = arith.mulf %mul3A_3199, %mul3A_3200 : vector<128x512xf32>
    %add3A_3202 = vector.broadcast %get3A_3090 : vector<128x1xf32> to vector<128x512xf32>
    %add3A_3203 = arith.addf %mul3A_3201, %add3A_3202 : vector<128x512xf32>
    %add3A_3204 = arith.addf %dot_general3A_3070, %add3A_3203 : vector<128x512xf32>
    %max3A_3205 = arith.constant 0.000000e+00 : f32
    %max3A_3206 = vector.broadcast %max3A_3205 : f32 to vector<128x512xf32>
    %max3A_3207 = arith.maximumf %add3A_3204, %max3A_3206 : vector<128x512xf32>
    %get3A_3208 = arith.constant 0 : index
    %get3A_3209 = arith.constant 0 : index
    %get3A_3210 = arith.constant 0 : index
    %get3A_3211 = vector.load %arg11[%get3A_3208, %get3A_3209, %get3A_3210] : memref<5x80x128xbf16, #tpu.memory_space<vmem>>, vector<5x80x128xbf16>
    %broadcast_in_dim3A_3212 = arith.constant 0.000000e+00 : f32
    %broadcast_in_dim3A_3213 = vector.broadcast %broadcast_in_dim3A_3212 : f32 to vector<128x2xf32>
    %concatenate3A_3214 = tpu.concatenate %broadcast_in_dim3A_3213, %max3A_3207, %broadcast_in_dim3A_3213 in 1 : vector<128x2xf32>, vector<128x512xf32>, vector<128x2xf32> -> vector<128x516xf32>
    %slice3A_3215 = vector.extract_strided_slice %get3A_3211 {offsets = [0, 0, 0], sizes = [1, 80, 128], strides = [1, 1, 1]} : vector<5x80x128xbf16> to vector<1x80x128xbf16>
    %squeeze3A_3216 = vector.shape_cast %slice3A_3215 : vector<1x80x128xbf16> to vector<80x128xbf16>
    %slice3A_3217 = vector.extract_strided_slice %concatenate3A_3214 {offsets = [0, 0], sizes = [128, 512], strides = [1, 1]} : vector<128x516xf32> to vector<128x512xf32>
    %convert_element_type3A_3218 = arith.truncf %slice3A_3217 : vector<128x512xf32> to vector<128x512xbf16>
    %dot_general3A_3219 = arith.constant dense<0.000000e+00> : vector<80x512xf32>
    %dot_general3A_3220 = tpu.matmul %squeeze3A_3216, %convert_element_type3A_3218, %dot_general3A_3219 {dimension_numbers = #tpu.dot_dimension_numbers<[1], [0], [0], [1], [0, 0, 1, 1], [], []>, transpose_lhs_hint = false} : vector<80x128xbf16>, vector<128x512xbf16>, vector<80x512xf32> -> vector<80x512xf32>
    %slice3A_3221 = vector.extract_strided_slice %get3A_3211 {offsets = [1, 0, 0], sizes = [1, 80, 128], strides = [1, 1, 1]} : vector<5x80x128xbf16> to vector<1x80x128xbf16>
    %squeeze3A_3222 = vector.shape_cast %slice3A_3221 : vector<1x80x128xbf16> to vector<80x128xbf16>
    %slice3A_3223 = vector.extract_strided_slice %concatenate3A_3214 {offsets = [0, 1], sizes = [128, 512], strides = [1, 1]} : vector<128x516xf32> to vector<128x512xf32>
    %convert_element_type3A_3224 = arith.truncf %slice3A_3223 : vector<128x512xf32> to vector<128x512xbf16>
    %dot_general3A_3225 = arith.constant dense<0.000000e+00> : vector<80x512xf32>
    %dot_general3A_3226 = tpu.matmul %squeeze3A_3222, %convert_element_type3A_3224, %dot_general3A_3225 {dimension_numbers = #tpu.dot_dimension_numbers<[1], [0], [0], [1], [0, 0, 1, 1], [], []>, transpose_lhs_hint = false} : vector<80x128xbf16>, vector<128x512xbf16>, vector<80x512xf32> -> vector<80x512xf32>
    %add3A_3227 = arith.addf %dot_general3A_3220, %dot_general3A_3226 : vector<80x512xf32>
    %slice3A_3228 = vector.extract_strided_slice %get3A_3211 {offsets = [2, 0, 0], sizes = [1, 80, 128], strides = [1, 1, 1]} : vector<5x80x128xbf16> to vector<1x80x128xbf16>
    %squeeze3A_3229 = vector.shape_cast %slice3A_3228 : vector<1x80x128xbf16> to vector<80x128xbf16>
    %slice3A_3230 = vector.extract_strided_slice %concatenate3A_3214 {offsets = [0, 2], sizes = [128, 512], strides = [1, 1]} : vector<128x516xf32> to vector<128x512xf32>
    %convert_element_type3A_3231 = arith.truncf %slice3A_3230 : vector<128x512xf32> to vector<128x512xbf16>
    %dot_general3A_3232 = arith.constant dense<0.000000e+00> : vector<80x512xf32>
    %dot_general3A_3233 = tpu.matmul %squeeze3A_3229, %convert_element_type3A_3231, %dot_general3A_3232 {dimension_numbers = #tpu.dot_dimension_numbers<[1], [0], [0], [1], [0, 0, 1, 1], [], []>, transpose_lhs_hint = false} : vector<80x128xbf16>, vector<128x512xbf16>, vector<80x512xf32> -> vector<80x512xf32>
    %add3A_3234 = arith.addf %add3A_3227, %dot_general3A_3233 : vector<80x512xf32>
    %slice3A_3235 = vector.extract_strided_slice %get3A_3211 {offsets = [3, 0, 0], sizes = [1, 80, 128], strides = [1, 1, 1]} : vector<5x80x128xbf16> to vector<1x80x128xbf16>
    %squeeze3A_3236 = vector.shape_cast %slice3A_3235 : vector<1x80x128xbf16> to vector<80x128xbf16>
    %slice3A_3237 = vector.extract_strided_slice %concatenate3A_3214 {offsets = [0, 3], sizes = [128, 512], strides = [1, 1]} : vector<128x516xf32> to vector<128x512xf32>
    %convert_element_type3A_3238 = arith.truncf %slice3A_3237 : vector<128x512xf32> to vector<128x512xbf16>
    %dot_general3A_3239 = arith.constant dense<0.000000e+00> : vector<80x512xf32>
    %dot_general3A_3240 = tpu.matmul %squeeze3A_3236, %convert_element_type3A_3238, %dot_general3A_3239 {dimension_numbers = #tpu.dot_dimension_numbers<[1], [0], [0], [1], [0, 0, 1, 1], [], []>, transpose_lhs_hint = false} : vector<80x128xbf16>, vector<128x512xbf16>, vector<80x512xf32> -> vector<80x512xf32>
    %add3A_3241 = arith.addf %add3A_3234, %dot_general3A_3240 : vector<80x512xf32>
    %slice3A_3242 = vector.extract_strided_slice %get3A_3211 {offsets = [4, 0, 0], sizes = [1, 80, 128], strides = [1, 1, 1]} : vector<5x80x128xbf16> to vector<1x80x128xbf16>
    %squeeze3A_3243 = vector.shape_cast %slice3A_3242 : vector<1x80x128xbf16> to vector<80x128xbf16>
    %slice3A_3244 = vector.extract_strided_slice %concatenate3A_3214 {offsets = [0, 4], sizes = [128, 512], strides = [1, 1]} : vector<128x516xf32> to vector<128x512xf32>
    %convert_element_type3A_3245 = arith.truncf %slice3A_3244 : vector<128x512xf32> to vector<128x512xbf16>
    %dot_general3A_3246 = arith.constant dense<0.000000e+00> : vector<80x512xf32>
    %dot_general3A_3247 = tpu.matmul %squeeze3A_3243, %convert_element_type3A_3245, %dot_general3A_3246 {dimension_numbers = #tpu.dot_dimension_numbers<[1], [0], [0], [1], [0, 0, 1, 1], [], []>, transpose_lhs_hint = false} : vector<80x128xbf16>, vector<128x512xbf16>, vector<80x512xf32> -> vector<80x512xf32>
    %add3A_3248 = arith.addf %add3A_3241, %dot_general3A_3247 : vector<80x512xf32>
    %get3A_3249 = arith.constant 0 : index
    %get3A_3250 = arith.constant 0 : index
    %get3A_3251 = vector.load %arg12[%get3A_3249, %get3A_3250] : memref<80x1xf32, #tpu.memory_space<vmem>>, vector<80x1xf32>
    %add3A_3252 = vector.broadcast %get3A_3251 : vector<80x1xf32> to vector<80x512xf32>
    %add3A_3253 = arith.addf %add3A_3248, %add3A_3252 : vector<80x512xf32>
    %swap3A_3254 = arith.constant 7 : index
    %swap3A_3255 = arith.constant 0 : index
    %swap3A_3256 = arith.constant 0 : index
    %swap3A_3257 = vector.load %arg16[%swap3A_3254, %swap3A_3255, %swap3A_3256] : memref<8x80x512xf32, #tpu.memory_space<vmem>>, vector<1x80x512xf32>
    %swap3A_3258 = vector.shape_cast %swap3A_3257 : vector<1x80x512xf32> to vector<80x512xf32>
    %swap3A_3259 = vector.shape_cast %add3A_3253 : vector<80x512xf32> to vector<1x80x512xf32>
    tpu.vector_store %arg16[%swap3A_3254, %swap3A_3255, %swap3A_3256], %swap3A_3259 {strides = array<i32>} : memref<8x80x512xf32, #tpu.memory_space<vmem>>, vector<1x80x512xf32>,
    return
  }
  func.func @transform_0(%arg0: i32) -> (i32, i32, i32) {
    %c0_i32 = arith.constant 0 : i32
    %c0_i32_0 = arith.constant 0 : i32
    %c0_i32_1 = arith.constant 0 : i32
    return %arg0, %c0_i32, %c0_i32_0 : i32, i32, i32
  }
  func.func @transform_1(%arg0: i32) -> (i32, i32, i32) {
    %c0_i32 = arith.constant 0 : i32
    %c0_i32_0 = arith.constant 0 : i32
    %c0_i32_1 = arith.constant 0 : i32
    %c0_i32_2 = arith.constant 0 : i32
    return %c0_i32, %c0_i32_0, %c0_i32_1 : i32, i32, i32
  }
  func.func @transform_2(%arg0: i32) -> (i32, i32) {
    %c0_i32 = arith.constant 0 : i32
    %c0_i32_0 = arith.constant 0 : i32
    %c0_i32_1 = arith.constant 0 : i32
    return %c0_i32, %c0_i32_0 : i32, i32
  }
  func.func @transform_3(%arg0: i32) -> (i32, i32) {
    %c0_i32 = arith.constant 0 : i32
    %c0_i32_0 = arith.constant 0 : i32
    %c0_i32_1 = arith.constant 0 : i32
    return %c0_i32, %c0_i32_0 : i32, i32
  }
  func.func @transform_4(%arg0: i32) -> (i32, i32, i32) {
    %c0_i32 = arith.constant 0 : i32
    %c0_i32_0 = arith.constant 0 : i32
    %c0_i32_1 = arith.constant 0 : i32
    %c0_i32_2 = arith.constant 0 : i32
    return %c0_i32, %c0_i32_0, %c0_i32_1 : i32, i32, i32
  }
  func.func @transform_5(%arg0: i32) -> (i32, i32) {
    %c0_i32 = arith.constant 0 : i32
    %c0_i32_0 = arith.constant 0 : i32
    %c0_i32_1 = arith.constant 0 : i32
    return %c0_i32, %c0_i32_0 : i32, i32
  }
  func.func @transform_6(%arg0: i32) -> (i32, i32) {
    %c0_i32 = arith.constant 0 : i32
    %c0_i32_0 = arith.constant 0 : i32
    %c0_i32_1 = arith.constant 0 : i32
    return %c0_i32, %c0_i32_0 : i32, i32
  }
  func.func @transform_7(%arg0: i32) -> (i32, i32, i32) {
    %c0_i32 = arith.constant 0 : i32
    %c0_i32_0 = arith.constant 0 : i32
    %c0_i32_1 = arith.constant 0 : i32
    %c0_i32_2 = arith.constant 0 : i32
    return %c0_i32, %c0_i32_0, %c0_i32_1 : i32, i32, i32
  }
  func.func @transform_8(%arg0: i32) -> (i32, i32) {
    %c0_i32 = arith.constant 0 : i32
    %c0_i32_0 = arith.constant 0 : i32
    %c0_i32_1 = arith.constant 0 : i32
    return %c0_i32, %c0_i32_0 : i32, i32
  }
  func.func @transform_9(%arg0: i32) -> (i32, i32) {
    %c0_i32 = arith.constant 0 : i32
    %c0_i32_0 = arith.constant 0 : i32
    %c0_i32_1 = arith.constant 0 : i32
    return %c0_i32, %c0_i32_0 : i32, i32
  }
  func.func @transform_10(%arg0: i32) -> (i32, i32, i32) {
    %c0_i32 = arith.constant 0 : i32
    %c0_i32_0 = arith.constant 0 : i32
    %c0_i32_1 = arith.constant 0 : i32
    %c0_i32_2 = arith.constant 0 : i32
    return %c0_i32, %c0_i32_0, %c0_i32_1 : i32, i32, i32
  }
  func.func @transform_11(%arg0: i32) -> (i32, i32) {
    %c0_i32 = arith.constant 0 : i32
    %c0_i32_0 = arith.constant 0 : i32
    %c0_i32_1 = arith.constant 0 : i32
    return %c0_i32, %c0_i32_0 : i32, i32
  }
  func.func @transform_12(%arg0: i32) -> (i32, i32) {
    %c0_i32 = arith.constant 0 : i32
    %c0_i32_0 = arith.constant 0 : i32
    %c0_i32_1 = arith.constant 0 : i32
    return %c0_i32, %c0_i32_0 : i32, i32
  }
  func.func @transform_13(%arg0: i32) -> (i32, i32) {
    %c0_i32 = arith.constant 0 : i32
    %c0_i32_0 = arith.constant 0 : i32
    %c0_i32_1 = arith.constant 0 : i32
    return %c0_i32, %c0_i32_0 : i32, i32
  }
  func.func @transform_14(%arg0: i32) -> (i32, i32) {
    %c0_i32 = arith.constant 0 : i32
    %c0_i32_0 = arith.constant 0 : i32
    %c0_i32_1 = arith.constant 0 : i32
    return %c0_i32, %c0_i32_0 : i32, i32
  }
  func.func @transform_15(%arg0: i32) -> (i32, i32, i32) {
    %c0_i32 = arith.constant 0 : i32
    %c0_i32_0 = arith.constant 0 : i32
    %c0_i32_1 = arith.constant 0 : i32
    return %arg0, %c0_i32, %c0_i32_0 : i32, i32, i32
  }
}

</mosaic_0001>

<sc_bundles>
// kernel: kernel.5.cloned.1.call-start
scs
__scs_entry_jumppad:
0x0: {  	(pc) =	sbr.rel $0x88, $3  }
0x1: {  	(tag) =	ssettag $0x0;
	lr =	simm.s32 $0x1  }
0x2: {  	[smem:$0x3F83] =	sst lr;
	_ =	strace $0xD0000000  }
0x3: {  	_ = 	snop  }
0x4: {  	_ = 	snop  }
0x5: {  	_ = 	snop  }
0x6: {  	_ = 	snop  }
0x7: {  	_ = 	snop  }
__scs_overlays_trampoline_lowered:
0x8: {  	[smem:$0x3F92] =	sst s0  }
0x9: {  	[smem:$0x3F93] =	sst s1  }
0xa: {  	[smem:$0x3F94] =	sst s2  }
0xb: {  	[smem:$0x3F95] =	sst s3  }
0xc: {  	[smem:$0x3F96] =	sst s4  }
0xd: {  	[smem:$0x3F97] =	sst s5  }
0xe: {  	[smem:$0x3F98] =	sst s6  }
0xf: {  	[smem:$0x3F99] =	sst s7  }
0x10: {  	[smem:$0x3F9A] =	sst s8  }
0x11: {  	[smem:$0x3F9B] =	sst s9;
	s0 =	simm.s32 @!p0 $0x0  }
0x12: {  	s1 =	sld [smem:$0x3F81];
	s0 =	simm.s32 @p0 $0x1  }
0x13: {  	[smem:$0x3F9C] =	sst s0;
	s0 =	simm.s32 @!p1 $0x0  }
0x14: {  	s2 =	sld [smem:$0x3F80];
	s0 =	simm.s32 @p1 $0x1  }
0x15: {  	[smem:$0x3F9D] =	sst s0;
	s0 =	simm.s32 @!p2 $0x0  }
0x16: {  	s3 =	sld [smem:$0x3FDB];
	s0 =	simm.s32 @p2 $0x1  }
0x17: {  	s4 =	simm.s32 $0x1BF5;
	[smem:$0x3F9F] =	sst s0  }
0x18: {  	s0 =	sld [smem:$0x3F82];
	_ =	swait.ge [sflag:s4], $0x0  }
0x19: {  	s7 =	sld [smem:$0x3F83]  }
0x1a: {  	s8 =	sadd.s32 $0xFFFFE003, lr  }
0x1b: {  	s9 =	sadd.s32 $0xFFFFFEF7, lr;
	s5 =	simm.s32 $0xFFFFFFFF;
	p2 =	slt.u32 s8, $0xFFFFF086  }
0x1c: {  	p1 =	slt.u32 s9, $0xF7A;
	s5 =	simm.s32 @!p2 $0x0  }
0x1d: {  	s5 =	simm.s32 @p1 $0x1;
	p0 =	seq.s32 s7, s2  }
0x1e: {  	s7 =	smul.u32 @!p0 $0xF7A, s2;
	p2 =	seq.s32 @!p0 s5, $0x0  }
0x1f: {  	s9 =	smul.u32 $0xF7A, s1;
	s8 =	simm.s32 @!p0 $0x1BF5;
	p2 =	por !p2, p0  }
0x20: {  	[sflag:s8] =	ssyncset.s32 @!p0 $0xFFFFF086;
	s6 =	sadd.s32 @!p0 s3, s7;
	s7 =	simm.s32 @!p0 $0x108  }
0x21: {  	s3 =	sadd.s32 s3, s9;
	s6 =	sadd.s32 @!p0 $0x88, s6;
	s7 =	simm.s32 @p2 $0x1082  }
0x22: {  	[simem:s7], [sflag:s8] =	dma.local @!p0 [hbm:s6], $0xF7A  }
0x23: {  	s9 =	sor.u32 $0xD0000000, s2;
	s6 =	simm.s32 $0x108;
	_ =	swait.ge @!p0 [sflag:s8], $0x0  }
0x24: {  	s3 =	sadd.s32 $0x88, s3;
	s6 =	simm.s32 @!p1 $0x1082;
	[sflag:s4] =	ssyncset.s32 $0xFFFFF086  }
0x25: {  	[simem:s6], [sflag:s4] =	dma.local [hbm:s3], $0xF7A  }
0x26: {  	[smem:$0x3F83] =	sst s1;
	(tag) =	ssettag s2;
	_ =	strace s9  }
0x27: {  	s1 =	sld [smem:$0x3F93]  }
0x28: {  	s2 =	sld [smem:$0x3F94]  }
0x29: {  	s4 =	sld [smem:$0x3F96]  }
0x2a: {  	p0 =	seq.s32 s5, $0x0;
	s5 =	sld [smem:$0x3F97]  }
0x2b: {  	s6 =	sld [smem:$0x3F98]  }
0x2c: {  	s7 =	sld [smem:$0x3F99]  }
0x2d: {  	s3 =	simm.s32 $0x108;
	s8 =	sld [smem:$0x3F9A]  }
0x2e: {  	s3 =	simm.s32 @!p0 $0x1082;
	s9 =	sld [smem:$0x3F9B]  }
0x2f: {  	lr =	sadd.s32 s0, s3;
	s0 =	sld [smem:$0x3F92]  }
0x30: {  	s3 =	sld [smem:$0x3F95]  }
0x31: {  	[smem:$0x3F9E] =	sst s10  }
0x32: {  	s10 =	sld [smem:$0x3F9C];
	_ =	sdelay $0x3  }
0x33: {  	p0 =	seq.s32 s10, $0x1;
	s10 =	sld [smem:$0x3F9E];
	_ =	sdelay $0x3  }
0x34: {  	[smem:$0x3F9E] =	sst s10  }
0x35: {  	s10 =	sld [smem:$0x3F9D];
	_ =	sdelay $0x3  }
0x36: {  	p1 =	seq.s32 s10, $0x1;
	s10 =	sld [smem:$0x3F9E];
	_ =	sdelay $0x3  }
0x37: {  	[smem:$0x3F9E] =	sst s10  }
0x38: {  	s10 =	sld [smem:$0x3F9F]  }
0x39: {  	_ = 	snop;
	(pc) =	sbr.ind lr, $3  }
0x3a: {  	_ = 	snop  }
0x3b: {  	_ = 	snop  }
0x3c: {  	p2 =	seq.s32 s10, $0x1;
	s10 =	sld [smem:$0x3F9E]  }
0x3d: {  	_ =	shalt  }
0x3e: {  	_ =	shalt  }
0x3f: {  	_ =	shalt  }
0x40: {  	_ =	shalt  }
0x41: {  	_ =	shalt  }
0x42: {  	_ =	shalt  }
0x43: {  	_ =	shalt  }
0x44: {  	_ =	shalt  }
0x45: {  	_ =	shalt  }
0x46: {  	_ =	shalt  }
0x47: {  	_ =	shalt  }
0x48: {  	_ =	shalt  }
0x49: {  	_ =	shalt  }
0x4a: {  	_ =	shalt  }
0x4b: {  	_ =	shalt  }
0x4c: {  	_ =	shalt  }
0x4d: {  	_ =	shalt  }
0x4e: {  	_ =	shalt  }
0x4f: {  	_ =	shalt  }
0x50: {  	_ =	shalt  }
0x51: {  	_ =	shalt  }
0x52: {  	_ =	shalt  }
0x53: {  	_ =	shalt  }
0x54: {  	_ =	shalt  }
0x55: {  	_ =	shalt  }
0x56: {  	_ =	shalt  }
0x57: {  	_ =	shalt  }
0x58: {  	_ =	shalt  }
0x59: {  	_ =	shalt  }
0x5a: {  	_ =	shalt  }
0x5b: {  	_ =	shalt  }
0x5c: {  	_ =	shalt  }
0x5d: {  	_ =	shalt  }
0x5e: {  	_ =	shalt  }
0x5f: {  	_ =	shalt  }
0x60: {  	_ =	shalt  }
0x61: {  	_ =	shalt  }
0x62: {  	_ =	shalt  }
0x63: {  	_ =	shalt  }
0x64: {  	_ =	shalt  }
0x65: {  	_ =	shalt  }
0x66: {  	_ =	shalt  }
0x67: {  	_ =	shalt  }
0x68: {  	_ =	shalt  }
0x69: {  	_ =	shalt  }
0x6a: {  	_ =	shalt  }
0x6b: {  	_ =	shalt  }
0x6c: {  	_ =	shalt  }
0x6d: {  	_ =	shalt  }
0x6e: {  	_ =	shalt  }
0x6f: {  	_ =	shalt  }
0x70: {  	_ =	shalt  }
0x71: {  	_ =	shalt  }
0x72: {  	_ =	shalt  }
0x73: {  	_ =	shalt  }
0x74: {  	_ =	shalt  }
0x75: {  	_ =	shalt  }
0x76: {  	_ =	shalt  }
0x77: {  	_ =	shalt  }
0x78: {  	_ =	shalt  }
0x79: {  	_ =	shalt  }
0x7a: {  	_ =	shalt  }
0x7b: {  	_ =	shalt  }
0x7c: {  	_ =	shalt  }
0x7d: {  	_ =	shalt  }
0x7e: {  	_ =	shalt  }
0x7f: {  	_ =	shalt  }
0x80: {  	_ =	shalt  }
0x81: {  	_ =	shalt  }
0x82: {  	_ =	shalt  }
0x83: {  	_ =	shalt  }
0x84: {  	_ =	shalt  }
0x85: {  	_ =	shalt  }
0x86: {  	_ =	shalt  }
0x87: {  	_ =	shalt  }
.Lfunc_end0:
.L_simem_size_0:
called_computation_lowered:
.L_overlay_start_0:
0x88: {  	s2 =	sld [smem:$0x3FD9]  }
0x89: {  	s3 =	sld [smem:$0x3FFE];
	_ =	sdelay $0x1  }
0x8a: {  	s1 =	srdreg.scid  }
0x8b: {  	s0 =	sand.u32 $0x1, s1  }
0x8c: {  	s14 =	sshll.u32 s0, $0xA;
	s2 =	sadd.s32 s3, s2  }
0x8d: {  	s2 =	sadd.s32 s2, s14  }
0x8e: {  	[smem:$0x3FAA] =	sst s2  }
0x8f: {  	_ = 	snop  }
0x90: {  	s2 =	sld [smem:$0x3FD0];
	_ =	sdelay $0x2  }
0x91: {  	s15 =	simm.s32 $0xA;
	s4 =	simm.s32 $0x10  }
0x92: {  	[smem:s4], [sflag:s15] =	dma.local [hbm:s2], $0x1  }
0x93: {  	_ =	swait.eq [sflag:s15], $0x1  }
0x94: {  	[sflag:s15] =	ssyncset.done $0x0  }
0x95: {  	[sflag:s15] =	ssyncadd.s32 $0xFFFFFFFF  }
0x96: {  	s16 =	sld [smem:$0x10];
	(tm) =	ssettm $0x1  }
0x97: {  	s17 =	sld [smem:$0x3FFB];
	_ =	sdelay $0x3  }
0x98: {  	_ =	strace s17  }
0x99: {  	s3 =	sld [smem:$0x3FFC];
	_ =	sdelay $0x3  }
0x9a: {  	_ =	strace s3  }
0x9b: {  	s3 =	sld [smem:$0x3FFD];
	_ =	sdelay $0x3  }
0x9c: {  	_ =	strace s3  }
0x9d: {  	_ =	strace $0x8FFFFFFF  }
0x9e: {  	s18 =	sld [smem:$0x3FDB];
	_ =	sdelay $0x1  }
0x9f: {  	s19 =	simm.s32 $_scs_section_size  }
0xa0: {  	s5 =	simm.s32 $_size__tile_overlayer_lowered;
	s6 =	simm.s32 $_tile_overlayer_lowered  }
0xa1: {  	s22 =	simm.s32 $0x1BFF;
	s21 =	sshll.u32 s6, $0x1;
	s3 =	sadd.s32 s19, s18  }
0xa2: {  	s7 =	simm.s32 $0x0;
	s20 =	sshll.u32 s5, $0x1;
	s5 =	sadd.s32 s21, s3  }
0xa3: {  	[timem:s7], [sflag:s22] =	dma.local [hbm:s5], s20  }
0xa4: {  	_ =	swait.ge [sflag:s22], s20  }
0xa5: {  	s4 =	ssub.s32 $0x0, s20;
	[sflag:s22] =	ssyncset.done $0x0  }
0xa6: {  	[sflag:s22] =	ssyncadd.s32 s4;
	_ =	sdelay $0x1  }
0xa7: {  	s23 =	simm.s32 $0x1B8B  }
0xa8: {  	_ =	swait.ge [sflag:s23], $0x1  }
0xa9: {  	[sflag:s23] =	ssyncset.done $0x0  }
0xaa: {  	s25 =	simm.s32 $0x1B8E;
	s24 =	sld [smem:$0x3FFE];
	[sflag:s23] =	ssyncadd.s32 $0xFFFFFFFF  }
0xab: {  	s26 =	simm.s32 $execute0_lowered;
	[smem:$0x3FD2] =	sst s25  }
0xac: {  	s5 =	sshll.u32 s26, $0x1;
	_ =	strace $0x80000046;
	[dreg:$0x1] =	wrdreg $0xFFFFFFFF  }
0xad: {  	s28 =	simm.s32 $_size_execute0_lowered;
	s3 =	sadd.s32 s3, s5;
	[dreg:$0x0] =	wrdreg $0x0  }
0xae: {  	s5 =	sshll.u32 s28, $0x1;
	[dreg:$0x2] =	wrdreg s3  }
0xaf: {  	[dreg:$0x3] =	wrdreg s5  }
0xb0: {  	[dreg:$0x4] =	wrdreg $0xC0  }
0xb1: {  	_ =	task [dreg:s7], $0x5FFFF  }
0xb2: {  	[dreg:$0x1] =	wrdreg $0xFFFFFFFF  }
0xb3: {  	[dreg:$0x0] =	wrdreg $0x60  }
0xb4: {  	[dreg:$0x2] =	wrdreg s24  }
0xb5: {  	[dreg:$0x3] =	wrdreg s16  }
0xb6: {  	[dreg:$0x4] =	wrdreg $0x9  }
0xb7: {  	_ =	task.clear_ibuf [dreg:s7], $0x5FFFF;
	_ =	strace $0x90000046  }
0xb8: {  	s29 =	simm.s32 $0x9;
	_ =	strace $0x80000048  }
0xb9: {  	_ =	swait.ge [sflag:s29], $0x1  }
0xba: {  	[sflag:s29] =	ssyncadd.s32 $0xFFFFFFFF  }
0xbb: {  	_ =	strace $0x90000048  }
0xbc: {  	_ =	sfence  }
0xbd: {  	s30 =	sld [smem:$0x0];
	_ =	sdelay $0x2  }
0xbe: {  	s31 =	sshll.u32 s1, $0xD;
	s1 =	sshrl.u32 s1, $0x2  }
0xbf: {  	s3 =	sand.u32 $0x4000, s31;
	s1 =	sadd.s32 s1, s30  }
0xc0: {  	s0 =	sor.u32 s3, s0;
	s1 =	sshll.u32 s1, $0x11  }
0xc1: {  	s0 =	sor.u32 s1, s0  }
0xc2: {  	s0 =	sadd.s32 $0x8F2B, s0  }
0xc3: {  	[sflag:s0] =	ssyncadd.remote.s32 $0x1  }
0xc4: {  	_ =	sfence.sel $0xFFFF  }
0xc5: {  	[dreg:$0x0] =	wrdreg $0xFFFFFFFF;
	(pc) =	sbr.abs _section_cstart, $3  }
0xc6: {  	[dreg:$0x1] =	wrdreg $0xFFFFFFFF  }
0xc7: {  	_ =	task.clear_ibuf [dreg:s7], $0x2FFFF;
	_ =	strace $0x9FFFFFFF  }
0xc8: {  	(tm) =	ssettm $0x7FFFFFFF  }
0xc9: {  	_ =	shalt  }
tec
execute0_lowered:
.L_overlay_start_1:
0x0: {  	(tag) =	ssettag $0x1  }
0x1: {  	s1 =	srdreg.scid  }
0x2: {  	s0 =	stileid.u32;
	s6 =	sand.u32 $0x1, s1  }
0x3: {  	s2 =	rddreg [dreg:$0x0];
	s30 =	sshll.u32 s0, $0x7;
	s3 =	sshll.u32 s6, $0x6  }
0x4: {  	s9 =	rddreg [dreg:$0x1];
	s10 =	sor.u32 s3, s30  }
0x5: {  	s1 =	rddreg [dreg:$0x2];
	s3 =	simm.s32 $0x0;
	s4 =	sshrl.u32 s10, $0x3  }
0x6: {  	s11 =	ssub.s32 $0x2, s6;
	[smem:$0x7FF] =	sst s3;
	s4 =	sadd.s32 s4, s2  }
0x7: {  	_ =	strace $0x80000047;
	s5 =	sadd.s32 $0x20000, s4;
	s4 =	simm.s32 $0x2  }
0x8: {  	[tilespmem:s3], [sflag:$0x2] =	stream.linear.gather [hbm4b:s5+s3], $0x40, $0x38;
	[tilespmem:$0x2080] =	vst v63  }
0x9: {  	s7 =	simm.s32 $0x80;
	s12 =	sshrl.u32 s11, $0x1;
	_ =	swait.ge [sflag:s4], $0x40  }
0xa: {  	s8 =	simm.s32 $0x1;
	s11 =	ssub.s32 s11, s12;
	[sflag:s4] =	ssyncset.done $0x0  }
0xb: {  	s6 =	simm.s32 $0x40;
	s31 =	smax.u32 s11, $0x1;
	[sflag:s4] =	ssyncadd.s32 $0xFFFFFFC0  }
0xc: {  	[tilespmem:s7], [sflag:$0x1] =	stream.indirect.gather [hbm4b:s2+s6], $0x80, s3, s6, $0xb8;
	[tilespmem:$0x2080] =	vst v63  }
0xd: {  	p0 =	sne.s32 s31, $0x1;
	_ =	swait.ge [sflag:s8], $0x2000  }
.Ltmp0:
0xe: {  	s10 =	sshll.u32 s10, $0x4;
	[sflag:s8] =	ssyncset.done $0x0;
	(pc) =	sbr.rel @!p0 .LBB2_2-.Ltmp0, $4  }
0xf: {  	s9 =	sadd.s32 s9, s10;
	[sflag:s8] =	ssyncadd.s32 $0xFFFFE000  }
0x10: {  	[hbm4b:s9+s3] =	stream.linear.scatter [tilespmem:s7], [sflag:$0x2], $0x2000, $0x38;
	[tilespmem:$0x2080] =	vst v63  }
0x11: {  	_ =	swait.ge [sflag:s4], $0x2000  }
0x12: {  	s10 =	sadd.s32 $0xFFFFFFFF, s31;
	[sflag:s4] =	ssyncset.done $0x0  }
.LBB2_1:
0x13: {  	p0 =	sne.s32 s10, $0x1;
	s10 =	sadd.s32 $0xFFFFFFFF, s10;
	[sflag:s4] =	ssyncadd.s32 $0xFFFFE000  }
0x14: {  	[tilespmem:s3], [sflag:$0x2] =	stream.linear.gather [hbm4b:s5+s3], $0x40, $0x38;
	[tilespmem:$0x2080] =	vst v63  }
0x15: {  	_ =	swait.ge [sflag:s4], $0x40  }
0x16: {  	[sflag:s4] =	ssyncset.done $0x0  }
0x17: {  	[sflag:s4] =	ssyncadd.s32 $0xFFFFFFC0  }
0x18: {  	[tilespmem:s7], [sflag:$0x1] =	stream.indirect.gather [hbm4b:s2+s6], $0x80, s3, s6, $0xb8;
	[tilespmem:$0x2080] =	vst v63  }
0x19: {  	_ =	swait.ge [sflag:s8], $0x2000  }
.Ltmp1:
0x1a: {  	[sflag:s8] =	ssyncset.done $0x0;
	(pc) =	sbr.rel @p0 .LBB2_1-.Ltmp1, $4  }
0x1b: {  	[sflag:s8] =	ssyncadd.s32 $0xFFFFE000  }
0x1c: {  	[hbm4b:s9+s3] =	stream.linear.scatter [tilespmem:s7], [sflag:$0x2], $0x2000, $0x38;
	[tilespmem:$0x2080] =	vst v63  }
0x1d: {  	_ =	swait.ge [sflag:s4], $0x2000  }
0x1e: {  	[sflag:s4] =	ssyncset.done $0x0  }
.LBB2_2:
0x1f: {  	[sflag:s4] =	ssyncadd.s32 $0xFFFFE000  }
0x20: {  	_ =	sfence.sel $0x180000  }
0x21: {  	[bflag:$0x0] =	sbarrier.arrive $0xFFFF  }
0x22: {  	p0 =	sne.s32 s0, $0x0;
	_ =	strace $0x90000047  }
0x23: {  	s0 =	sadd.s32 @!p0 $0x100000, s1;
	[bflag:$0x2] =	sbarrier.arrive $0xFFFF  }
0x24: {  	[sflag:s0] =	ssyncadd.tile.s32 @!p0 $0x1;
	_ =	shalt  }
.Lfunc_end2:
_tile_overlayer_lowered:
.L_overlay_start_2:
0x25: {  	(tag) =	ssettag $0x2  }
0x26: {  	s0 =	rddreg [dreg:$0x0];
	s2 =	stileid.u32  }
0x27: {  	s1 =	rddreg [dreg:$0x1];
	p0 =	sne.s32 s2, $0x0  }
0x28: {  	s3 =	rddreg [dreg:$0x2];
	[bflag:$0x3] =	sbarrier.arrive $0xFFFF;
	s2 =	simm.s32 @!p0 $0x1C02  }
0x29: {  	[timem:s3], [sflag:s2] =	dma.local @!p0 [hbm:s0], s1  }
0x2a: {  	s0 =	simm.s32 @!p0 $0x2  }
0x2b: {  	_ =	swait.ge @!p0 [sflag:s0], s1  }
0x2c: {  	s1 =	ssub.s32 @!p0 $0x0, s1;
	[sflag:s0] =	ssyncset.done @!p0 $0x0  }
0x2d: {  	[sflag:s0] =	ssyncadd.s32 @!p0 s1  }
0x2e: {  	[bflag:$0x3] =	sbarrier.arrive $0xFFFF  }
0x2f: {  	_ =	shalt  }

</sc_bundles>
